<compile_context>
chip_gen: v7x
topology: tpu7x:2x2x1
jax: 0.10.2.dev20260603
libtpu: 0.0.44.dev20260713+nightly
codegen_flags: <defaults>
</compile_context>

<pallas_src>
import functools
import math

import jax
import jax.numpy as jnp
from jax import lax
from jax.experimental import pallas as pl
from jax.experimental.pallas import tpu as pltpu
from jax.experimental.pallas import tpu_sc as plsc

D_MODEL = 64
SCALE = math.sqrt(D_MODEL)

NC = 2
NS = 16
NW = NC * NS

LANES = 128
NBUF = 4


def _sc_embed(xt, lut, n_t, n_c):
    tasks = n_t * n_c
    tpw = tasks // NW
    mesh = plsc.VectorSubcoreMesh(core_axis_name="c", subcore_axis_name="s")

    @functools.partial(
        pl.kernel,
        mesh=mesh,
        out_type=jax.ShapeDtypeStruct((n_t, 8, n_c, 8, LANES), jnp.float32),
        scratch_types=[
            pltpu.VMEM((tpw, LANES), jnp.int32),
            pltpu.VMEM((2 * NBUF, LANES, D_MODEL), jnp.float32),
            pltpu.VMEM((NBUF, 8, 8, LANES + 1), jnp.float32),
            pltpu.SemaphoreType.DMA((2 * NBUF,)),
            pltpu.SemaphoreType.DMA((NBUF,)),
        ],
        compiler_params=pltpu.CompilerParams(
            use_tc_tiling_on_sc=False, needs_layout_passes=False
        ),
    )
    def k(xt_hbm, lut_hbm, out_hbm, idx_all, inbuf, tilebuf, gsem, ssem):
        wid = lax.axis_index("s") * NC + lax.axis_index("c")
        k0 = wid * tpw

        pltpu.sync_copy(xt_hbm.at[pl.ds(k0, tpw)], idx_all)

        def fire_gather(kk, b):
            pltpu.async_copy(lut_hbm.at[idx_all.at[kk]], inbuf.at[b], gsem.at[b])

        def wait_gather(kk, b):
            pltpu.make_async_copy(
                lut_hbm.at[idx_all.at[kk]], inbuf.at[b], gsem.at[b]
            ).wait()

        def fire_store(kk, b):
            tau = k0 + kk
            t = tau // n_c
            c = tau % n_c
            pltpu.async_copy(
                tilebuf.at[b, :, :, pl.ds(0, LANES)],
                out_hbm.at[t, :, c],
                ssem.at[b],
            )

        def wait_store(kk, b):
            tau = k0 + kk
            t = tau // n_c
            c = tau % n_c
            pltpu.make_async_copy(
                tilebuf.at[b, :, :, pl.ds(0, LANES)],
                out_hbm.at[t, :, c],
                ssem.at[b],
            ).wait()

        dios = [lax.iota(jnp.int32, 16) + 16 * g for g in range(D_MODEL // 16)]
        rvecs = [lax.shift_right_logical(d, 3) for d in dios]
        svecs = [lax.bitwise_and(d, 7) for d in dios]
        zeros16 = jnp.zeros((16,), jnp.int32)

        for b in range(NBUF):
            fire_gather(b, b)

        def outer(jbase, carry):
            for b in range(2 * NBUF):
                j = jbase + b
                ts = b % NBUF
                wait_gather(j, b)

                @pl.when(j >= 1)
                def _():
                    fire_store(j - 1, (b + NBUF - 1) % NBUF)

                @pl.when(j >= NBUF)
                def _():
                    wait_store(j - NBUF, ts)

                @plsc.parallel_loop(0, LANES, unroll=4)
                def tr(row):
                    rowv = zeros16 + row
                    for q in range(D_MODEL // 16):
                        v = inbuf[b, row, pl.ds(16 * q, 16)] * SCALE
                        plsc.store_scatter(
                            tilebuf.at[ts], [rvecs[q], svecs[q], rowv], v
                        )

                @pl.when(j + NBUF < tpw)
                def _():
                    fire_gather(j + NBUF, (b + NBUF) % (2 * NBUF))
            return carry

        lax.fori_loop(0, tpw // (2 * NBUF), lambda i, c: outer(i * 2 * NBUF, c), 0)

        fire_store(tpw - 1, (tpw - 1) % NBUF)
        for s in range(NBUF):
            wait_store(tpw - NBUF + s, (tpw - NBUF + s) % NBUF)

    return k(xt, lut)


def kernel(x, lut):
    n_b, n_t = x.shape
    n_c = n_b // LANES
    xt = jnp.transpose(x).reshape(n_t * n_c, LANES).astype(jnp.int32)
    out_p = _sc_embed(xt, lut, n_t, n_c)
    return out_p.transpose(2, 4, 0, 1, 3).reshape(n_b, n_t, D_MODEL)

# --- scband reference (transcript-rebuilt; emitter-appended) ---
"""Pipeline reference for scband-embeddings-16587163697832 (READ-ONLY COPY).

The authoritative reference and input builder live on the scoring server;
editing this copy changes nothing except your own understanding.
"""

import jax, jax.numpy as jnp
import numpy as np
import math

VOCAB = 1000000
D_MODEL = 64

def setup_inputs(seed: int = 0) -> dict:
    key = jax.random.key(seed)
    k1, k2 = jax.random.split(key)
    x = jax.random.randint(k1, (4096, 200), 0, VOCAB, dtype=jnp.int64 if jax.config.jax_enable_x64 else jnp.int32)
    lut = jax.random.normal(k2, (VOCAB, D_MODEL), dtype=jnp.float32)
    return {"x": x, "lut": lut}

def reference(x, lut):
    # Embeddings.forward: self.lut(x) * sqrt(d_model)
    emb = jnp.take(lut, x, axis=0)
    return emb * math.sqrt(D_MODEL)

if __name__ == "__main__":
    import jax
    _d = setup_inputs()
    print(jax.jit(kernel)(*tuple(_d.values())))

</pallas_src>

<mosaic_0001>
#map = affine_map<(d0, d1) -> (0, 0)>
#map1 = affine_map<(d0, d1) -> (0, 0, 0, 0, 0)>
module attributes {stable_mosaic.version = 14 : i64} {
  func.func @k(%arg0: i32, %arg1: i32, %arg2: memref<6400x128xi32, #tpu.memory_space<hbm>>, %arg3: memref<1000000x64xf32, #tpu.memory_space<hbm>>, %arg4: memref<200x8x32x8x128xf32, #tpu.memory_space<hbm>>, %arg5: memref<200x128xi32, #tpu.memory_space<vmem>>, %arg6: memref<8x128x64xf32, #tpu.memory_space<vmem>>, %arg7: memref<4x8x8x129xf32, #tpu.memory_space<vmem>>, %arg8: memref<8x!tpu.dma_semaphore, #tpu.memory_space<semaphore_mem>>, %arg9: memref<4x!tpu.dma_semaphore, #tpu.memory_space<semaphore_mem>>) attributes {dimension_semantics = [#tpu.dimension_semantics<core_parallel>, #tpu.dimension_semantics<subcore_parallel>], iteration_bounds = array<i64: 2, 16>, scalar_prefetch = 0 : i64, scratch_operands = 5 : i64, tpu.core_type = #tpu.core_type<sc_vector_subcore>, window_params = [{transform_indices = #map}, {transform_indices = #map}, {transform_indices = #map1}]} {
    %mul3A = arith.constant 2 : i32
    %mul3A_0 = arith.muli %arg1, %mul3A : i32
    %add3A = arith.addi %mul3A_0, %arg0 : i32
    %mul3A_1 = arith.constant 200 : i32
    %mul3A_2 = arith.muli %add3A, %mul3A_1 : i32
    "tpu.region"() ({
      %run_scoped3A = tpu.sem_alloc : memref<!tpu.dma_semaphore, #tpu.memory_space<semaphore_mem>>
      %dma_start3A_425 = arith.constant 0 : i32
      %dma_start3A_426 = tpu.memref_slice %arg2[%mul3A_2, %dma_start3A_425] : memref<6400x128xi32, #tpu.memory_space<hbm>> -> memref<200x128xi32, #tpu.memory_space<hbm>>
      %dma_start3A_427 = arith.constant 0 : i32
      %dma_start3A_428 = tpu.memref_slice %arg2[%mul3A_2, %dma_start3A_427] : memref<6400x128xi32, #tpu.memory_space<hbm>> -> memref<200x128xi32, #tpu.memory_space<hbm>>
      tpu.enqueue_dma source(%dma_start3A_428 : memref<200x128xi32, #tpu.memory_space<hbm>>) target(%arg5 : memref<200x128xi32, #tpu.memory_space<vmem>>) target_semaphore(%run_scoped3A : memref<!tpu.dma_semaphore, #tpu.memory_space<semaphore_mem>>)
      %dma_wait3A_429 = arith.constant 0 : i32
      %dma_wait3A_430 = tpu.memref_slice %arg2[%mul3A_2, %dma_wait3A_429] : memref<6400x128xi32, #tpu.memory_space<hbm>> -> memref<200x128xi32, #tpu.memory_space<hbm>>
      %dma_wait3A_431 = arith.constant 0 : i32
      %dma_wait3A_432 = tpu.memref_slice %arg2[%mul3A_2, %dma_wait3A_431] : memref<6400x128xi32, #tpu.memory_space<hbm>> -> memref<200x128xi32, #tpu.memory_space<hbm>>
      tpu.wait_dma2 semaphore(%run_scoped3A : memref<!tpu.dma_semaphore, #tpu.memory_space<semaphore_mem>>) src(%dma_wait3A_432 : memref<200x128xi32, #tpu.memory_space<hbm>>) dst(%arg5 : memref<200x128xi32, #tpu.memory_space<vmem>>)
      tpu.yield
    }) : () -> ()
    %iota3A = tpu.iota {dimensions = array<i32: 0>} : vector<16xi32>
    %add3A_3 = arith.constant 0 : i32
    %add3A_4 = vector.broadcast %add3A_3 : i32 to vector<16xi32>
    %add3A_5 = arith.addi %iota3A, %add3A_4 : vector<16xi32>
    %iota3A_6 = tpu.iota {dimensions = array<i32: 0>} : vector<16xi32>
    %add3A_7 = arith.constant 16 : i32
    %add3A_8 = vector.broadcast %add3A_7 : i32 to vector<16xi32>
    %add3A_9 = arith.addi %iota3A_6, %add3A_8 : vector<16xi32>
    %iota3A_10 = tpu.iota {dimensions = array<i32: 0>} : vector<16xi32>
    %add3A_11 = arith.constant 32 : i32
    %add3A_12 = vector.broadcast %add3A_11 : i32 to vector<16xi32>
    %add3A_13 = arith.addi %iota3A_10, %add3A_12 : vector<16xi32>
    %iota3A_14 = tpu.iota {dimensions = array<i32: 0>} : vector<16xi32>
    %add3A_15 = arith.constant 48 : i32
    %add3A_16 = vector.broadcast %add3A_15 : i32 to vector<16xi32>
    %add3A_17 = arith.addi %iota3A_14, %add3A_16 : vector<16xi32>
    %shift_right_logical3A = arith.constant 3 : i32
    %shift_right_logical3A_18 = vector.broadcast %shift_right_logical3A : i32 to vector<16xi32>
    %shift_right_logical3A_19 = arith.shrui %add3A_5, %shift_right_logical3A_18 : vector<16xi32>
    %shift_right_logical3A_20 = arith.constant 3 : i32
    %shift_right_logical3A_21 = vector.broadcast %shift_right_logical3A_20 : i32 to vector<16xi32>
    %shift_right_logical3A_22 = arith.shrui %add3A_9, %shift_right_logical3A_21 : vector<16xi32>
    %shift_right_logical3A_23 = arith.constant 3 : i32
    %shift_right_logical3A_24 = vector.broadcast %shift_right_logical3A_23 : i32 to vector<16xi32>
    %shift_right_logical3A_25 = arith.shrui %add3A_13, %shift_right_logical3A_24 : vector<16xi32>
    %shift_right_logical3A_26 = arith.constant 3 : i32
    %shift_right_logical3A_27 = vector.broadcast %shift_right_logical3A_26 : i32 to vector<16xi32>
    %shift_right_logical3A_28 = arith.shrui %add3A_17, %shift_right_logical3A_27 : vector<16xi32>
    %and3A = arith.constant 7 : i32
    %and3A_29 = vector.broadcast %and3A : i32 to vector<16xi32>
    %and3A_30 = arith.andi %add3A_5, %and3A_29 : vector<16xi32>
    %and3A_31 = arith.constant 7 : i32
    %and3A_32 = vector.broadcast %and3A_31 : i32 to vector<16xi32>
    %and3A_33 = arith.andi %add3A_9, %and3A_32 : vector<16xi32>
    %and3A_34 = arith.constant 7 : i32
    %and3A_35 = vector.broadcast %and3A_34 : i32 to vector<16xi32>
    %and3A_36 = arith.andi %add3A_13, %and3A_35 : vector<16xi32>
    %and3A_37 = arith.constant 7 : i32
    %and3A_38 = vector.broadcast %and3A_37 : i32 to vector<16xi32>
    %and3A_39 = arith.andi %add3A_17, %and3A_38 : vector<16xi32>
    %broadcast_in_dim3A = arith.constant 0 : i32
    %broadcast_in_dim3A_40 = vector.broadcast %broadcast_in_dim3A : i32 to vector<16xi32>
    %dma_start3A = arith.constant 0 : i32
    %dma_start3A_41 = arith.constant 0 : i32
    %dma_start3A_42 = arith.constant 0 : i32
    %dma_start3A_43 = arith.constant 0 : i32
    %dma_start3A_44 = arith.constant 0 : i32
    %dma_start3A_45 = tpu.memref_slice %arg6[%dma_start3A_41, %dma_start3A_43, %dma_start3A_44] : memref<8x128x64xf32, #tpu.memory_space<vmem>> -> memref<1x128x64xf32, #tpu.memory_space<vmem>>
    %dma_start3A_46 = tpu.memref_squeeze %dma_start3A_45 : memref<1x128x64xf32, #tpu.memory_space<vmem>> -> memref<128x64xf32, #tpu.memory_space<vmem>>
    %dma_start3A_47 = arith.constant 0 : i32
    %dma_start3A_48 = tpu.memref_slice %arg5[%dma_start3A, %dma_start3A_47] : memref<200x128xi32, #tpu.memory_space<vmem>> -> memref<1x128xi32, #tpu.memory_space<vmem>>
    %dma_start3A_49 = tpu.memref_squeeze %dma_start3A_48 : memref<1x128xi32, #tpu.memory_space<vmem>> -> memref<128xi32, #tpu.memory_space<vmem>>
    %dma_start3A_50 = arith.constant 0 : i32
    %dma_start3A_51 = arith.constant 0 : i32
    %dma_start3A_52 = tpu.memref_slice %arg3[%dma_start3A_50, %dma_start3A_51] : memref<1000000x64xf32, #tpu.memory_space<hbm>> -> memref<1000000x64xf32, #tpu.memory_space<hbm>>
    %dma_start3A_53 = tpu.memref_slice %arg8[%dma_start3A_42] : memref<8x!tpu.dma_semaphore, #tpu.memory_space<semaphore_mem>> -> memref<1x!tpu.dma_semaphore, #tpu.memory_space<semaphore_mem>>
    %dma_start3A_54 = tpu.memref_squeeze %dma_start3A_53 : memref<1x!tpu.dma_semaphore, #tpu.memory_space<semaphore_mem>> -> memref<!tpu.dma_semaphore, #tpu.memory_space<semaphore_mem>>
    tpu.enqueue_indirect_dma source(%dma_start3A_52 : memref<1000000x64xf32, #tpu.memory_space<hbm>>) target(%dma_start3A_46 : memref<128x64xf32, #tpu.memory_space<vmem>>) offsets(%dma_start3A_49 : memref<128xi32, #tpu.memory_space<vmem>>) semaphore(%dma_start3A_54 : memref<!tpu.dma_semaphore, #tpu.memory_space<semaphore_mem>>)
    %dma_start3A_55 = arith.constant 1 : i32
    %dma_start3A_56 = arith.constant 1 : i32
    %dma_start3A_57 = arith.constant 1 : i32
    %dma_start3A_58 = arith.constant 0 : i32
    %dma_start3A_59 = arith.constant 0 : i32
    %dma_start3A_60 = tpu.memref_slice %arg6[%dma_start3A_56, %dma_start3A_58, %dma_start3A_59] : memref<8x128x64xf32, #tpu.memory_space<vmem>> -> memref<1x128x64xf32, #tpu.memory_space<vmem>>
    %dma_start3A_61 = tpu.memref_squeeze %dma_start3A_60 : memref<1x128x64xf32, #tpu.memory_space<vmem>> -> memref<128x64xf32, #tpu.memory_space<vmem>>
    %dma_start3A_62 = arith.constant 0 : i32
    %dma_start3A_63 = tpu.memref_slice %arg5[%dma_start3A_55, %dma_start3A_62] : memref<200x128xi32, #tpu.memory_space<vmem>> -> memref<1x128xi32, #tpu.memory_space<vmem>>
    %dma_start3A_64 = tpu.memref_squeeze %dma_start3A_63 : memref<1x128xi32, #tpu.memory_space<vmem>> -> memref<128xi32, #tpu.memory_space<vmem>>
    %dma_start3A_65 = arith.constant 0 : i32
    %dma_start3A_66 = arith.constant 0 : i32
    %dma_start3A_67 = tpu.memref_slice %arg3[%dma_start3A_65, %dma_start3A_66] : memref<1000000x64xf32, #tpu.memory_space<hbm>> -> memref<1000000x64xf32, #tpu.memory_space<hbm>>
    %dma_start3A_68 = tpu.memref_slice %arg8[%dma_start3A_57] : memref<8x!tpu.dma_semaphore, #tpu.memory_space<semaphore_mem>> -> memref<1x!tpu.dma_semaphore, #tpu.memory_space<semaphore_mem>>
    %dma_start3A_69 = tpu.memref_squeeze %dma_start3A_68 : memref<1x!tpu.dma_semaphore, #tpu.memory_space<semaphore_mem>> -> memref<!tpu.dma_semaphore, #tpu.memory_space<semaphore_mem>>
    tpu.enqueue_indirect_dma source(%dma_start3A_67 : memref<1000000x64xf32, #tpu.memory_space<hbm>>) target(%dma_start3A_61 : memref<128x64xf32, #tpu.memory_space<vmem>>) offsets(%dma_start3A_64 : memref<128xi32, #tpu.memory_space<vmem>>) semaphore(%dma_start3A_69 : memref<!tpu.dma_semaphore, #tpu.memory_space<semaphore_mem>>)
    %dma_start3A_70 = arith.constant 2 : i32
    %dma_start3A_71 = arith.constant 2 : i32
    %dma_start3A_72 = arith.constant 2 : i32
    %dma_start3A_73 = arith.constant 0 : i32
    %dma_start3A_74 = arith.constant 0 : i32
    %dma_start3A_75 = tpu.memref_slice %arg6[%dma_start3A_71, %dma_start3A_73, %dma_start3A_74] : memref<8x128x64xf32, #tpu.memory_space<vmem>> -> memref<1x128x64xf32, #tpu.memory_space<vmem>>
    %dma_start3A_76 = tpu.memref_squeeze %dma_start3A_75 : memref<1x128x64xf32, #tpu.memory_space<vmem>> -> memref<128x64xf32, #tpu.memory_space<vmem>>
    %dma_start3A_77 = arith.constant 0 : i32
    %dma_start3A_78 = tpu.memref_slice %arg5[%dma_start3A_70, %dma_start3A_77] : memref<200x128xi32, #tpu.memory_space<vmem>> -> memref<1x128xi32, #tpu.memory_space<vmem>>
    %dma_start3A_79 = tpu.memref_squeeze %dma_start3A_78 : memref<1x128xi32, #tpu.memory_space<vmem>> -> memref<128xi32, #tpu.memory_space<vmem>>
    %dma_start3A_80 = arith.constant 0 : i32
    %dma_start3A_81 = arith.constant 0 : i32
    %dma_start3A_82 = tpu.memref_slice %arg3[%dma_start3A_80, %dma_start3A_81] : memref<1000000x64xf32, #tpu.memory_space<hbm>> -> memref<1000000x64xf32, #tpu.memory_space<hbm>>
    %dma_start3A_83 = tpu.memref_slice %arg8[%dma_start3A_72] : memref<8x!tpu.dma_semaphore, #tpu.memory_space<semaphore_mem>> -> memref<1x!tpu.dma_semaphore, #tpu.memory_space<semaphore_mem>>
    %dma_start3A_84 = tpu.memref_squeeze %dma_start3A_83 : memref<1x!tpu.dma_semaphore, #tpu.memory_space<semaphore_mem>> -> memref<!tpu.dma_semaphore, #tpu.memory_space<semaphore_mem>>
    tpu.enqueue_indirect_dma source(%dma_start3A_82 : memref<1000000x64xf32, #tpu.memory_space<hbm>>) target(%dma_start3A_76 : memref<128x64xf32, #tpu.memory_space<vmem>>) offsets(%dma_start3A_79 : memref<128xi32, #tpu.memory_space<vmem>>) semaphore(%dma_start3A_84 : memref<!tpu.dma_semaphore, #tpu.memory_space<semaphore_mem>>)
    %dma_start3A_85 = arith.constant 3 : i32
    %dma_start3A_86 = arith.constant 3 : i32
    %dma_start3A_87 = arith.constant 3 : i32
    %dma_start3A_88 = arith.constant 0 : i32
    %dma_start3A_89 = arith.constant 0 : i32
    %dma_start3A_90 = tpu.memref_slice %arg6[%dma_start3A_86, %dma_start3A_88, %dma_start3A_89] : memref<8x128x64xf32, #tpu.memory_space<vmem>> -> memref<1x128x64xf32, #tpu.memory_space<vmem>>
    %dma_start3A_91 = tpu.memref_squeeze %dma_start3A_90 : memref<1x128x64xf32, #tpu.memory_space<vmem>> -> memref<128x64xf32, #tpu.memory_space<vmem>>
    %dma_start3A_92 = arith.constant 0 : i32
    %dma_start3A_93 = tpu.memref_slice %arg5[%dma_start3A_85, %dma_start3A_92] : memref<200x128xi32, #tpu.memory_space<vmem>> -> memref<1x128xi32, #tpu.memory_space<vmem>>
    %dma_start3A_94 = tpu.memref_squeeze %dma_start3A_93 : memref<1x128xi32, #tpu.memory_space<vmem>> -> memref<128xi32, #tpu.memory_space<vmem>>
    %dma_start3A_95 = arith.constant 0 : i32
    %dma_start3A_96 = arith.constant 0 : i32
    %dma_start3A_97 = tpu.memref_slice %arg3[%dma_start3A_95, %dma_start3A_96] : memref<1000000x64xf32, #tpu.memory_space<hbm>> -> memref<1000000x64xf32, #tpu.memory_space<hbm>>
    %dma_start3A_98 = tpu.memref_slice %arg8[%dma_start3A_87] : memref<8x!tpu.dma_semaphore, #tpu.memory_space<semaphore_mem>> -> memref<1x!tpu.dma_semaphore, #tpu.memory_space<semaphore_mem>>
    %dma_start3A_99 = tpu.memref_squeeze %dma_start3A_98 : memref<1x!tpu.dma_semaphore, #tpu.memory_space<semaphore_mem>> -> memref<!tpu.dma_semaphore, #tpu.memory_space<semaphore_mem>>
    tpu.enqueue_indirect_dma source(%dma_start3A_97 : memref<1000000x64xf32, #tpu.memory_space<hbm>>) target(%dma_start3A_91 : memref<128x64xf32, #tpu.memory_space<vmem>>) offsets(%dma_start3A_94 : memref<128xi32, #tpu.memory_space<vmem>>) semaphore(%dma_start3A_99 : memref<!tpu.dma_semaphore, #tpu.memory_space<semaphore_mem>>)
    %scan3A = arith.constant 0 : i32
    %scan3A_100 = arith.constant 0 : i32
    %scan3A_101 = arith.constant 25 : i32
    %scan3A_102 = arith.addi %scan3A_100, %scan3A_101 : i32
    %scan3A_103 = arith.constant 1 : i32
    scf.for %scan3A_425 = %scan3A_100 to %scan3A_102 step %scan3A_103  : i32 {
      %mul3A_426 = arith.constant 2 : i32
      %mul3A_427 = arith.muli %scan3A_425, %mul3A_426 : i32
      %mul3A_428 = arith.constant 4 : i32
      %mul3A_429 = arith.muli %mul3A_427, %mul3A_428 : i32
      %add3A_430 = arith.constant 0 : i32
      %add3A_431 = arith.addi %mul3A_429, %add3A_430 : i32
      %dma_wait3A_432 = arith.constant 0 : i32
      %dma_wait3A_433 = arith.constant 0 : i32
      %dma_wait3A_434 = arith.constant 0 : i32
      %dma_wait3A_435 = arith.constant 0 : i32
      %dma_wait3A_436 = tpu.memref_slice %arg6[%dma_wait3A_432, %dma_wait3A_434, %dma_wait3A_435] : memref<8x128x64xf32, #tpu.memory_space<vmem>> -> memref<1x128x64xf32, #tpu.memory_space<vmem>>
      %dma_wait3A_437 = tpu.memref_squeeze %dma_wait3A_436 : memref<1x128x64xf32, #tpu.memory_space<vmem>> -> memref<128x64xf32, #tpu.memory_space<vmem>>
      %dma_wait3A_438 = arith.constant 0 : i32
      %dma_wait3A_439 = tpu.memref_slice %arg5[%add3A_431, %dma_wait3A_438] : memref<200x128xi32, #tpu.memory_space<vmem>> -> memref<1x128xi32, #tpu.memory_space<vmem>>
      %dma_wait3A_440 = tpu.memref_squeeze %dma_wait3A_439 : memref<1x128xi32, #tpu.memory_space<vmem>> -> memref<128xi32, #tpu.memory_space<vmem>>
      %dma_wait3A_441 = arith.constant 0 : i32
      %dma_wait3A_442 = arith.constant 0 : i32
      %dma_wait3A_443 = tpu.memref_slice %arg3[%dma_wait3A_441, %dma_wait3A_442] : memref<1000000x64xf32, #tpu.memory_space<hbm>> -> memref<1000000x64xf32, #tpu.memory_space<hbm>>
      %dma_wait3A_444 = tpu.memref_slice %arg8[%dma_wait3A_433] : memref<8x!tpu.dma_semaphore, #tpu.memory_space<semaphore_mem>> -> memref<1x!tpu.dma_semaphore, #tpu.memory_space<semaphore_mem>>
      %dma_wait3A_445 = tpu.memref_squeeze %dma_wait3A_444 : memref<1x!tpu.dma_semaphore, #tpu.memory_space<semaphore_mem>> -> memref<!tpu.dma_semaphore, #tpu.memory_space<semaphore_mem>>
      tpu.wait_indirect_dma semaphore(%dma_wait3A_445 : memref<!tpu.dma_semaphore, #tpu.memory_space<semaphore_mem>>) src(%dma_wait3A_443 : memref<1000000x64xf32, #tpu.memory_space<hbm>>) dst(%dma_wait3A_437 : memref<128x64xf32, #tpu.memory_space<vmem>>)
      %ge3A = arith.constant 1 : i32
      %ge3A_446 = arith.cmpi sge, %add3A_431, %ge3A : i32
      %convert_element_type3A = arith.extui %ge3A_446 : i1 to i32
      %cond3A = arith.constant 0 : i32
      %cond3A_447 = arith.cmpi ne, %convert_element_type3A, %cond3A : i32
      scf.if %cond3A_447 {
        %sub3A_714 = arith.constant 1 : i32
        %sub3A_715 = arith.subi %add3A_431, %sub3A_714 : i32
        %add3A_716 = arith.addi %mul3A_2, %sub3A_715 : i32
        %jit3A_717 = arith.constant 32 : i32
        %div3A_718 = arith.divsi %add3A_716, %jit3A_717 : i32
        %sign3A_719 = arith.constant 0 : i32
        %sign3A_720 = arith.cmpi sgt, %add3A_716, %sign3A_719 : i32
        %sign3A_721 = arith.extui %sign3A_720 : i1 to i32
        %sign3A_722 = arith.constant 0 : i32
        %sign3A_723 = arith.cmpi slt, %add3A_716, %sign3A_722 : i32
        %sign3A_724 = arith.extui %sign3A_723 : i1 to i32
        %sign3A_725 = arith.subi %sign3A_721, %sign3A_724 : i32
        %sign3A_726 = arith.constant 0 : i32
        %sign3A_727 = arith.cmpi sgt, %jit3A_717, %sign3A_726 : i32
        %sign3A_728 = arith.extui %sign3A_727 : i1 to i32
        %sign3A_729 = arith.constant 0 : i32
        %sign3A_730 = arith.cmpi slt, %jit3A_717, %sign3A_729 : i32
        %sign3A_731 = arith.extui %sign3A_730 : i1 to i32
        %sign3A_732 = arith.subi %sign3A_728, %sign3A_731 : i32
        %ne3A_733 = arith.cmpi ne, %sign3A_725, %sign3A_732 : i32
        %rem3A_734 = arith.remsi %add3A_716, %jit3A_717 : i32
        %ne3A_735 = arith.constant 0 : i32
        %ne3A_736 = arith.cmpi ne, %rem3A_734, %ne3A_735 : i32
        %and3A_737 = arith.andi %ne3A_733, %ne3A_736 : i1
        %sub3A_738 = arith.constant 1 : i32
        %sub3A_739 = arith.subi %div3A_718, %sub3A_738 : i32
        %select_n3A_740 = arith.select %and3A_737, %sub3A_739, %div3A_718 : i32
        %jit3A_741 = arith.constant 32 : i32
        %eq3A_742 = arith.constant 0 : i32
        %eq3A_743 = arith.cmpi eq, %jit3A_741, %eq3A_742 : i32
        %jit3A_744 = arith.constant 1 : i32
        %select_n3A_745 = arith.select %eq3A_743, %jit3A_744, %jit3A_741 : i32
        %rem3A_746 = arith.remsi %add3A_716, %select_n3A_745 : i32
        %ne3A_747 = arith.constant 0 : i32
        %ne3A_748 = arith.cmpi ne, %rem3A_746, %ne3A_747 : i32
        %lt3A_749 = arith.constant 0 : i32
        %lt3A_750 = arith.cmpi slt, %rem3A_746, %lt3A_749 : i32
        %lt3A_751 = arith.constant 0 : i32
        %lt3A_752 = arith.cmpi slt, %select_n3A_745, %lt3A_751 : i32
        %ne3A_753 = arith.xori %lt3A_750, %lt3A_752 : i1
        %and3A_754 = arith.andi %ne3A_753, %ne3A_748 : i1
        %add3A_755 = arith.addi %rem3A_746, %select_n3A_745 : i32
        %select_n3A_756 = arith.select %and3A_754, %add3A_755, %rem3A_746 : i32
        %dma_start3A_757 = arith.constant 3 : i32
        %dma_start3A_758 = arith.constant 3 : i32
        %dma_start3A_759 = arith.constant 0 : i32
        %dma_start3A_760 = arith.constant 0 : i32
        %dma_start3A_761 = arith.constant 0 : i32
        %dma_start3A_762 = tpu.memref_slice %arg7[%dma_start3A_757, %dma_start3A_759, %dma_start3A_760, %dma_start3A_761] : memref<4x8x8x129xf32, #tpu.memory_space<vmem>> -> memref<1x8x8x128xf32, #tpu.memory_space<vmem>>
        %dma_start3A_763 = tpu.memref_squeeze %dma_start3A_762 : memref<1x8x8x128xf32, #tpu.memory_space<vmem>> -> memref<8x8x128xf32, #tpu.memory_space<vmem>>
        %dma_start3A_764 = arith.constant 0 : i32
        %dma_start3A_765 = arith.constant 0 : i32
        %dma_start3A_766 = arith.constant 0 : i32
        %dma_start3A_767 = tpu.memref_slice %arg4[%select_n3A_740, %dma_start3A_764, %select_n3A_756, %dma_start3A_765, %dma_start3A_766] : memref<200x8x32x8x128xf32, #tpu.memory_space<hbm>> -> memref<1x8x1x8x128xf32, #tpu.memory_space<hbm>>
        %dma_start3A_768 = tpu.memref_squeeze %dma_start3A_767 : memref<1x8x1x8x128xf32, #tpu.memory_space<hbm>> -> memref<8x8x128xf32, #tpu.memory_space<hbm>>
        %dma_start3A_769 = tpu.memref_slice %arg9[%dma_start3A_758] : memref<4x!tpu.dma_semaphore, #tpu.memory_space<semaphore_mem>> -> memref<1x!tpu.dma_semaphore, #tpu.memory_space<semaphore_mem>>
        %dma_start3A_770 = tpu.memref_squeeze %dma_start3A_769 : memref<1x!tpu.dma_semaphore, #tpu.memory_space<semaphore_mem>> -> memref<!tpu.dma_semaphore, #tpu.memory_space<semaphore_mem>>
        %dma_start3A_771 = arith.constant 0 : i32
        %dma_start3A_772 = arith.constant 0 : i32
        %dma_start3A_773 = arith.constant 0 : i32
        %dma_start3A_774 = tpu.memref_slice %arg4[%select_n3A_740, %dma_start3A_771, %select_n3A_756, %dma_start3A_772, %dma_start3A_773] : memref<200x8x32x8x128xf32, #tpu.memory_space<hbm>> -> memref<1x8x1x8x128xf32, #tpu.memory_space<hbm>>
        %dma_start3A_775 = tpu.memref_squeeze %dma_start3A_774 : memref<1x8x1x8x128xf32, #tpu.memory_space<hbm>> -> memref<8x8x128xf32, #tpu.memory_space<hbm>>
        %dma_start3A_776 = arith.constant 0 : i32
        %dma_start3A_777 = arith.constant 0 : i32
        %dma_start3A_778 = arith.constant 0 : i32
        %dma_start3A_779 = tpu.memref_slice %arg7[%dma_start3A_757, %dma_start3A_776, %dma_start3A_777, %dma_start3A_778] : memref<4x8x8x129xf32, #tpu.memory_space<vmem>> -> memref<1x8x8x128xf32, #tpu.memory_space<vmem>>
        %dma_start3A_780 = tpu.memref_squeeze %dma_start3A_779 : memref<1x8x8x128xf32, #tpu.memory_space<vmem>> -> memref<8x8x128xf32, #tpu.memory_space<vmem>>
        tpu.enqueue_dma source(%dma_start3A_780 : memref<8x8x128xf32, #tpu.memory_space<vmem>>) target(%dma_start3A_775 : memref<8x8x128xf32, #tpu.memory_space<hbm>>) target_semaphore(%dma_start3A_770 : memref<!tpu.dma_semaphore, #tpu.memory_space<semaphore_mem>>)
      } else {
      }
      %ge3A_448 = arith.constant 4 : i32
      %ge3A_449 = arith.cmpi sge, %add3A_431, %ge3A_448 : i32
      %convert_element_type3A_450 = arith.extui %ge3A_449 : i1 to i32
      %cond3A_451 = arith.constant 0 : i32
      %cond3A_452 = arith.cmpi ne, %convert_element_type3A_450, %cond3A_451 : i32
      scf.if %cond3A_452 {
        %sub3A_714 = arith.constant 4 : i32
        %sub3A_715 = arith.subi %add3A_431, %sub3A_714 : i32
        %add3A_716 = arith.addi %mul3A_2, %sub3A_715 : i32
        %jit3A_717 = arith.constant 32 : i32
        %div3A_718 = arith.divsi %add3A_716, %jit3A_717 : i32
        %sign3A_719 = arith.constant 0 : i32
        %sign3A_720 = arith.cmpi sgt, %add3A_716, %sign3A_719 : i32
        %sign3A_721 = arith.extui %sign3A_720 : i1 to i32
        %sign3A_722 = arith.constant 0 : i32
        %sign3A_723 = arith.cmpi slt, %add3A_716, %sign3A_722 : i32
        %sign3A_724 = arith.extui %sign3A_723 : i1 to i32
        %sign3A_725 = arith.subi %sign3A_721, %sign3A_724 : i32
        %sign3A_726 = arith.constant 0 : i32
        %sign3A_727 = arith.cmpi sgt, %jit3A_717, %sign3A_726 : i32
        %sign3A_728 = arith.extui %sign3A_727 : i1 to i32
        %sign3A_729 = arith.constant 0 : i32
        %sign3A_730 = arith.cmpi slt, %jit3A_717, %sign3A_729 : i32
        %sign3A_731 = arith.extui %sign3A_730 : i1 to i32
        %sign3A_732 = arith.subi %sign3A_728, %sign3A_731 : i32
        %ne3A_733 = arith.cmpi ne, %sign3A_725, %sign3A_732 : i32
        %rem3A_734 = arith.remsi %add3A_716, %jit3A_717 : i32
        %ne3A_735 = arith.constant 0 : i32
        %ne3A_736 = arith.cmpi ne, %rem3A_734, %ne3A_735 : i32
        %and3A_737 = arith.andi %ne3A_733, %ne3A_736 : i1
        %sub3A_738 = arith.constant 1 : i32
        %sub3A_739 = arith.subi %div3A_718, %sub3A_738 : i32
        %select_n3A_740 = arith.select %and3A_737, %sub3A_739, %div3A_718 : i32
        %jit3A_741 = arith.constant 32 : i32
        %eq3A_742 = arith.constant 0 : i32
        %eq3A_743 = arith.cmpi eq, %jit3A_741, %eq3A_742 : i32
        %jit3A_744 = arith.constant 1 : i32
        %select_n3A_745 = arith.select %eq3A_743, %jit3A_744, %jit3A_741 : i32
        %rem3A_746 = arith.remsi %add3A_716, %select_n3A_745 : i32
        %ne3A_747 = arith.constant 0 : i32
        %ne3A_748 = arith.cmpi ne, %rem3A_746, %ne3A_747 : i32
        %lt3A_749 = arith.constant 0 : i32
        %lt3A_750 = arith.cmpi slt, %rem3A_746, %lt3A_749 : i32
        %lt3A_751 = arith.constant 0 : i32
        %lt3A_752 = arith.cmpi slt, %select_n3A_745, %lt3A_751 : i32
        %ne3A_753 = arith.xori %lt3A_750, %lt3A_752 : i1
        %and3A_754 = arith.andi %ne3A_753, %ne3A_748 : i1
        %add3A_755 = arith.addi %rem3A_746, %select_n3A_745 : i32
        %select_n3A_756 = arith.select %and3A_754, %add3A_755, %rem3A_746 : i32
        %dma_wait3A_757 = arith.constant 0 : i32
        %dma_wait3A_758 = arith.constant 0 : i32
        %dma_wait3A_759 = arith.constant 0 : i32
        %dma_wait3A_760 = arith.constant 0 : i32
        %dma_wait3A_761 = arith.constant 0 : i32
        %dma_wait3A_762 = tpu.memref_slice %arg7[%dma_wait3A_757, %dma_wait3A_759, %dma_wait3A_760, %dma_wait3A_761] : memref<4x8x8x129xf32, #tpu.memory_space<vmem>> -> memref<1x8x8x128xf32, #tpu.memory_space<vmem>>
        %dma_wait3A_763 = tpu.memref_squeeze %dma_wait3A_762 : memref<1x8x8x128xf32, #tpu.memory_space<vmem>> -> memref<8x8x128xf32, #tpu.memory_space<vmem>>
        %dma_wait3A_764 = arith.constant 0 : i32
        %dma_wait3A_765 = arith.constant 0 : i32
        %dma_wait3A_766 = arith.constant 0 : i32
        %dma_wait3A_767 = tpu.memref_slice %arg4[%select_n3A_740, %dma_wait3A_764, %select_n3A_756, %dma_wait3A_765, %dma_wait3A_766] : memref<200x8x32x8x128xf32, #tpu.memory_space<hbm>> -> memref<1x8x1x8x128xf32, #tpu.memory_space<hbm>>
        %dma_wait3A_768 = tpu.memref_squeeze %dma_wait3A_767 : memref<1x8x1x8x128xf32, #tpu.memory_space<hbm>> -> memref<8x8x128xf32, #tpu.memory_space<hbm>>
        %dma_wait3A_769 = tpu.memref_slice %arg9[%dma_wait3A_758] : memref<4x!tpu.dma_semaphore, #tpu.memory_space<semaphore_mem>> -> memref<1x!tpu.dma_semaphore, #tpu.memory_space<semaphore_mem>>
        %dma_wait3A_770 = tpu.memref_squeeze %dma_wait3A_769 : memref<1x!tpu.dma_semaphore, #tpu.memory_space<semaphore_mem>> -> memref<!tpu.dma_semaphore, #tpu.memory_space<semaphore_mem>>
        %dma_wait3A_771 = arith.constant 0 : i32
        %dma_wait3A_772 = arith.constant 0 : i32
        %dma_wait3A_773 = arith.constant 0 : i32
        %dma_wait3A_774 = tpu.memref_slice %arg4[%select_n3A_740, %dma_wait3A_771, %select_n3A_756, %dma_wait3A_772, %dma_wait3A_773] : memref<200x8x32x8x128xf32, #tpu.memory_space<hbm>> -> memref<1x8x1x8x128xf32, #tpu.memory_space<hbm>>
        %dma_wait3A_775 = tpu.memref_squeeze %dma_wait3A_774 : memref<1x8x1x8x128xf32, #tpu.memory_space<hbm>> -> memref<8x8x128xf32, #tpu.memory_space<hbm>>
        %dma_wait3A_776 = arith.constant 0 : i32
        %dma_wait3A_777 = arith.constant 0 : i32
        %dma_wait3A_778 = arith.constant 0 : i32
        %dma_wait3A_779 = tpu.memref_slice %arg7[%dma_wait3A_757, %dma_wait3A_776, %dma_wait3A_777, %dma_wait3A_778] : memref<4x8x8x129xf32, #tpu.memory_space<vmem>> -> memref<1x8x8x128xf32, #tpu.memory_space<vmem>>
        %dma_wait3A_780 = tpu.memref_squeeze %dma_wait3A_779 : memref<1x8x8x128xf32, #tpu.memory_space<vmem>> -> memref<8x8x128xf32, #tpu.memory_space<vmem>>
        tpu.wait_dma2 semaphore(%dma_wait3A_770 : memref<!tpu.dma_semaphore, #tpu.memory_space<semaphore_mem>>) src(%dma_wait3A_780 : memref<8x8x128xf32, #tpu.memory_space<vmem>>) dst(%dma_wait3A_775 : memref<8x8x128xf32, #tpu.memory_space<hbm>>)
      } else {
      }
      %parallel_loop3A = arith.constant 0 : i32
      %parallel_loop3A_453 = arith.constant 128 : i32
      %parallel_loop3A_454 = arith.constant 1 : i32
      scf.for %parallel_loop3A_714 = %parallel_loop3A to %parallel_loop3A_453 step %parallel_loop3A_454  : i32 {
        %parallel_loop3A_715 = vector.broadcast %parallel_loop3A_714 : i32 to vector<16xi32>
        %parallel_loop3A_716 = arith.addi %broadcast_in_dim3A_40, %parallel_loop3A_715 : vector<16xi32>
        %parallel_loop3A_717 = arith.constant 0 : i32
        %parallel_loop3A_718 = arith.index_cast %parallel_loop3A_717 : i32 to index
        %parallel_loop3A_719 = arith.index_cast %parallel_loop3A_714 : i32 to index
        %parallel_loop3A_720 = arith.constant 0 : index
        %parallel_loop3A_721 = tpu.vector_load %arg6[%parallel_loop3A_718, %parallel_loop3A_719, %parallel_loop3A_720] {strides = array<i32>} : memref<8x128x64xf32, #tpu.memory_space<vmem>>, vector<16xf32>,
        %parallel_loop3A_722 = arith.constant 8.000000e+00 : f32
        %parallel_loop3A_723 = vector.broadcast %parallel_loop3A_722 : f32 to vector<16xf32>
        %parallel_loop3A_724 = arith.mulf %parallel_loop3A_721, %parallel_loop3A_723 : vector<16xf32>
        %parallel_loop3A_725 = arith.constant 0 : i32
        %parallel_loop3A_726 = arith.constant 0 : i32
        %parallel_loop3A_727 = arith.constant 0 : i32
        %parallel_loop3A_728 = arith.constant 0 : i32
        %parallel_loop3A_729 = tpu.memref_slice %arg7[%parallel_loop3A_725, %parallel_loop3A_726, %parallel_loop3A_727, %parallel_loop3A_728] : memref<4x8x8x129xf32, #tpu.memory_space<vmem>> -> memref<1x8x8x129xf32, #tpu.memory_space<vmem>>
        %parallel_loop3A_730 = tpu.memref_squeeze %parallel_loop3A_729 : memref<1x8x8x129xf32, #tpu.memory_space<vmem>> -> memref<8x8x129xf32, #tpu.memory_space<vmem>>
        tpu.vector_store_idx %parallel_loop3A_730[%shift_right_logical3A_19, %and3A_30, %parallel_loop3A_716], %parallel_loop3A_724 : memref<8x8x129xf32, #tpu.memory_space<vmem>>[vector<16xi32>, vector<16xi32>, vector<16xi32>], vector<16xf32>,
        %parallel_loop3A_731 = arith.constant 0 : i32
        %parallel_loop3A_732 = arith.index_cast %parallel_loop3A_731 : i32 to index
        %parallel_loop3A_733 = arith.index_cast %parallel_loop3A_714 : i32 to index
        %parallel_loop3A_734 = arith.constant 16 : index
        %parallel_loop3A_735 = tpu.vector_load %arg6[%parallel_loop3A_732, %parallel_loop3A_733, %parallel_loop3A_734] {strides = array<i32>} : memref<8x128x64xf32, #tpu.memory_space<vmem>>, vector<16xf32>,
        %parallel_loop3A_736 = arith.constant 8.000000e+00 : f32
        %parallel_loop3A_737 = vector.broadcast %parallel_loop3A_736 : f32 to vector<16xf32>
        %parallel_loop3A_738 = arith.mulf %parallel_loop3A_735, %parallel_loop3A_737 : vector<16xf32>
        %parallel_loop3A_739 = arith.constant 0 : i32
        %parallel_loop3A_740 = arith.constant 0 : i32
        %parallel_loop3A_741 = arith.constant 0 : i32
        %parallel_loop3A_742 = arith.constant 0 : i32
        %parallel_loop3A_743 = tpu.memref_slice %arg7[%parallel_loop3A_739, %parallel_loop3A_740, %parallel_loop3A_741, %parallel_loop3A_742] : memref<4x8x8x129xf32, #tpu.memory_space<vmem>> -> memref<1x8x8x129xf32, #tpu.memory_space<vmem>>
        %parallel_loop3A_744 = tpu.memref_squeeze %parallel_loop3A_743 : memref<1x8x8x129xf32, #tpu.memory_space<vmem>> -> memref<8x8x129xf32, #tpu.memory_space<vmem>>
        tpu.vector_store_idx %parallel_loop3A_744[%shift_right_logical3A_22, %and3A_33, %parallel_loop3A_716], %parallel_loop3A_738 : memref<8x8x129xf32, #tpu.memory_space<vmem>>[vector<16xi32>, vector<16xi32>, vector<16xi32>], vector<16xf32>,
        %parallel_loop3A_745 = arith.constant 0 : i32
        %parallel_loop3A_746 = arith.index_cast %parallel_loop3A_745 : i32 to index
        %parallel_loop3A_747 = arith.index_cast %parallel_loop3A_714 : i32 to index
        %parallel_loop3A_748 = arith.constant 32 : index
        %parallel_loop3A_749 = tpu.vector_load %arg6[%parallel_loop3A_746, %parallel_loop3A_747, %parallel_loop3A_748] {strides = array<i32>} : memref<8x128x64xf32, #tpu.memory_space<vmem>>, vector<16xf32>,
        %parallel_loop3A_750 = arith.constant 8.000000e+00 : f32
        %parallel_loop3A_751 = vector.broadcast %parallel_loop3A_750 : f32 to vector<16xf32>
        %parallel_loop3A_752 = arith.mulf %parallel_loop3A_749, %parallel_loop3A_751 : vector<16xf32>
        %parallel_loop3A_753 = arith.constant 0 : i32
        %parallel_loop3A_754 = arith.constant 0 : i32
        %parallel_loop3A_755 = arith.constant 0 : i32
        %parallel_loop3A_756 = arith.constant 0 : i32
        %parallel_loop3A_757 = tpu.memref_slice %arg7[%parallel_loop3A_753, %parallel_loop3A_754, %parallel_loop3A_755, %parallel_loop3A_756] : memref<4x8x8x129xf32, #tpu.memory_space<vmem>> -> memref<1x8x8x129xf32, #tpu.memory_space<vmem>>
        %parallel_loop3A_758 = tpu.memref_squeeze %parallel_loop3A_757 : memref<1x8x8x129xf32, #tpu.memory_space<vmem>> -> memref<8x8x129xf32, #tpu.memory_space<vmem>>
        tpu.vector_store_idx %parallel_loop3A_758[%shift_right_logical3A_25, %and3A_36, %parallel_loop3A_716], %parallel_loop3A_752 : memref<8x8x129xf32, #tpu.memory_space<vmem>>[vector<16xi32>, vector<16xi32>, vector<16xi32>], vector<16xf32>,
        %parallel_loop3A_759 = arith.constant 0 : i32
        %parallel_loop3A_760 = arith.index_cast %parallel_loop3A_759 : i32 to index
        %parallel_loop3A_761 = arith.index_cast %parallel_loop3A_714 : i32 to index
        %parallel_loop3A_762 = arith.constant 48 : index
        %parallel_loop3A_763 = tpu.vector_load %arg6[%parallel_loop3A_760, %parallel_loop3A_761, %parallel_loop3A_762] {strides = array<i32>} : memref<8x128x64xf32, #tpu.memory_space<vmem>>, vector<16xf32>,
        %parallel_loop3A_764 = arith.constant 8.000000e+00 : f32
        %parallel_loop3A_765 = vector.broadcast %parallel_loop3A_764 : f32 to vector<16xf32>
        %parallel_loop3A_766 = arith.mulf %parallel_loop3A_763, %parallel_loop3A_765 : vector<16xf32>
        %parallel_loop3A_767 = arith.constant 0 : i32
        %parallel_loop3A_768 = arith.constant 0 : i32
        %parallel_loop3A_769 = arith.constant 0 : i32
        %parallel_loop3A_770 = arith.constant 0 : i32
        %parallel_loop3A_771 = tpu.memref_slice %arg7[%parallel_loop3A_767, %parallel_loop3A_768, %parallel_loop3A_769, %parallel_loop3A_770] : memref<4x8x8x129xf32, #tpu.memory_space<vmem>> -> memref<1x8x8x129xf32, #tpu.memory_space<vmem>>
        %parallel_loop3A_772 = tpu.memref_squeeze %parallel_loop3A_771 : memref<1x8x8x129xf32, #tpu.memory_space<vmem>> -> memref<8x8x129xf32, #tpu.memory_space<vmem>>
        tpu.vector_store_idx %parallel_loop3A_772[%shift_right_logical3A_28, %and3A_39, %parallel_loop3A_716], %parallel_loop3A_766 : memref<8x8x129xf32, #tpu.memory_space<vmem>>[vector<16xi32>, vector<16xi32>, vector<16xi32>], vector<16xf32>,
      } {sc.loop_unroll_factor = 4 : i64, sc.parallel_access}
      %add3A_455 = arith.constant 4 : i32
      %add3A_456 = arith.addi %add3A_431, %add3A_455 : i32
      %lt3A_457 = arith.constant 200 : i32
      %lt3A_458 = arith.cmpi slt, %add3A_456, %lt3A_457 : i32
      %convert_element_type3A_459 = arith.extui %lt3A_458 : i1 to i32
      %cond3A_460 = arith.constant 0 : i32
      %cond3A_461 = arith.cmpi ne, %convert_element_type3A_459, %cond3A_460 : i32
      scf.if %cond3A_461 {
        %add3A_714 = arith.constant 4 : i32
        %add3A_715 = arith.addi %add3A_431, %add3A_714 : i32
        %dma_start3A_716 = arith.constant 4 : i32
        %dma_start3A_717 = arith.constant 4 : i32
        %dma_start3A_718 = arith.constant 0 : i32
        %dma_start3A_719 = arith.constant 0 : i32
        %dma_start3A_720 = tpu.memref_slice %arg6[%dma_start3A_716, %dma_start3A_718, %dma_start3A_719] : memref<8x128x64xf32, #tpu.memory_space<vmem>> -> memref<1x128x64xf32, #tpu.memory_space<vmem>>
        %dma_start3A_721 = tpu.memref_squeeze %dma_start3A_720 : memref<1x128x64xf32, #tpu.memory_space<vmem>> -> memref<128x64xf32, #tpu.memory_space<vmem>>
        %dma_start3A_722 = arith.constant 0 : i32
        %dma_start3A_723 = tpu.memref_slice %arg5[%add3A_715, %dma_start3A_722] : memref<200x128xi32, #tpu.memory_space<vmem>> -> memref<1x128xi32, #tpu.memory_space<vmem>>
        %dma_start3A_724 = tpu.memref_squeeze %dma_start3A_723 : memref<1x128xi32, #tpu.memory_space<vmem>> -> memref<128xi32, #tpu.memory_space<vmem>>
        %dma_start3A_725 = arith.constant 0 : i32
        %dma_start3A_726 = arith.constant 0 : i32
        %dma_start3A_727 = tpu.memref_slice %arg3[%dma_start3A_725, %dma_start3A_726] : memref<1000000x64xf32, #tpu.memory_space<hbm>> -> memref<1000000x64xf32, #tpu.memory_space<hbm>>
        %dma_start3A_728 = tpu.memref_slice %arg8[%dma_start3A_717] : memref<8x!tpu.dma_semaphore, #tpu.memory_space<semaphore_mem>> -> memref<1x!tpu.dma_semaphore, #tpu.memory_space<semaphore_mem>>
        %dma_start3A_729 = tpu.memref_squeeze %dma_start3A_728 : memref<1x!tpu.dma_semaphore, #tpu.memory_space<semaphore_mem>> -> memref<!tpu.dma_semaphore, #tpu.memory_space<semaphore_mem>>
        tpu.enqueue_indirect_dma source(%dma_start3A_727 : memref<1000000x64xf32, #tpu.memory_space<hbm>>) target(%dma_start3A_721 : memref<128x64xf32, #tpu.memory_space<vmem>>) offsets(%dma_start3A_724 : memref<128xi32, #tpu.memory_space<vmem>>) semaphore(%dma_start3A_729 : memref<!tpu.dma_semaphore, #tpu.memory_space<semaphore_mem>>)
      } else {
      }
      %add3A_462 = arith.constant 1 : i32
      %add3A_463 = arith.addi %mul3A_429, %add3A_462 : i32
      %dma_wait3A_464 = arith.constant 1 : i32
      %dma_wait3A_465 = arith.constant 1 : i32
      %dma_wait3A_466 = arith.constant 0 : i32
      %dma_wait3A_467 = arith.constant 0 : i32
      %dma_wait3A_468 = tpu.memref_slice %arg6[%dma_wait3A_464, %dma_wait3A_466, %dma_wait3A_467] : memref<8x128x64xf32, #tpu.memory_space<vmem>> -> memref<1x128x64xf32, #tpu.memory_space<vmem>>
      %dma_wait3A_469 = tpu.memref_squeeze %dma_wait3A_468 : memref<1x128x64xf32, #tpu.memory_space<vmem>> -> memref<128x64xf32, #tpu.memory_space<vmem>>
      %dma_wait3A_470 = arith.constant 0 : i32
      %dma_wait3A_471 = tpu.memref_slice %arg5[%add3A_463, %dma_wait3A_470] : memref<200x128xi32, #tpu.memory_space<vmem>> -> memref<1x128xi32, #tpu.memory_space<vmem>>
      %dma_wait3A_472 = tpu.memref_squeeze %dma_wait3A_471 : memref<1x128xi32, #tpu.memory_space<vmem>> -> memref<128xi32, #tpu.memory_space<vmem>>
      %dma_wait3A_473 = arith.constant 0 : i32
      %dma_wait3A_474 = arith.constant 0 : i32
      %dma_wait3A_475 = tpu.memref_slice %arg3[%dma_wait3A_473, %dma_wait3A_474] : memref<1000000x64xf32, #tpu.memory_space<hbm>> -> memref<1000000x64xf32, #tpu.memory_space<hbm>>
      %dma_wait3A_476 = tpu.memref_slice %arg8[%dma_wait3A_465] : memref<8x!tpu.dma_semaphore, #tpu.memory_space<semaphore_mem>> -> memref<1x!tpu.dma_semaphore, #tpu.memory_space<semaphore_mem>>
      %dma_wait3A_477 = tpu.memref_squeeze %dma_wait3A_476 : memref<1x!tpu.dma_semaphore, #tpu.memory_space<semaphore_mem>> -> memref<!tpu.dma_semaphore, #tpu.memory_space<semaphore_mem>>
      tpu.wait_indirect_dma semaphore(%dma_wait3A_477 : memref<!tpu.dma_semaphore, #tpu.memory_space<semaphore_mem>>) src(%dma_wait3A_475 : memref<1000000x64xf32, #tpu.memory_space<hbm>>) dst(%dma_wait3A_469 : memref<128x64xf32, #tpu.memory_space<vmem>>)
      %ge3A_478 = arith.constant 1 : i32
      %ge3A_479 = arith.cmpi sge, %add3A_463, %ge3A_478 : i32
      %convert_element_type3A_480 = arith.extui %ge3A_479 : i1 to i32
      %cond3A_481 = arith.constant 0 : i32
      %cond3A_482 = arith.cmpi ne, %convert_element_type3A_480, %cond3A_481 : i32
      scf.if %cond3A_482 {
        %sub3A_714 = arith.constant 1 : i32
        %sub3A_715 = arith.subi %add3A_463, %sub3A_714 : i32
        %add3A_716 = arith.addi %mul3A_2, %sub3A_715 : i32
        %jit3A_717 = arith.constant 32 : i32
        %div3A_718 = arith.divsi %add3A_716, %jit3A_717 : i32
        %sign3A_719 = arith.constant 0 : i32
        %sign3A_720 = arith.cmpi sgt, %add3A_716, %sign3A_719 : i32
        %sign3A_721 = arith.extui %sign3A_720 : i1 to i32
        %sign3A_722 = arith.constant 0 : i32
        %sign3A_723 = arith.cmpi slt, %add3A_716, %sign3A_722 : i32
        %sign3A_724 = arith.extui %sign3A_723 : i1 to i32
        %sign3A_725 = arith.subi %sign3A_721, %sign3A_724 : i32
        %sign3A_726 = arith.constant 0 : i32
        %sign3A_727 = arith.cmpi sgt, %jit3A_717, %sign3A_726 : i32
        %sign3A_728 = arith.extui %sign3A_727 : i1 to i32
        %sign3A_729 = arith.constant 0 : i32
        %sign3A_730 = arith.cmpi slt, %jit3A_717, %sign3A_729 : i32
        %sign3A_731 = arith.extui %sign3A_730 : i1 to i32
        %sign3A_732 = arith.subi %sign3A_728, %sign3A_731 : i32
        %ne3A_733 = arith.cmpi ne, %sign3A_725, %sign3A_732 : i32
        %rem3A_734 = arith.remsi %add3A_716, %jit3A_717 : i32
        %ne3A_735 = arith.constant 0 : i32
        %ne3A_736 = arith.cmpi ne, %rem3A_734, %ne3A_735 : i32
        %and3A_737 = arith.andi %ne3A_733, %ne3A_736 : i1
        %sub3A_738 = arith.constant 1 : i32
        %sub3A_739 = arith.subi %div3A_718, %sub3A_738 : i32
        %select_n3A_740 = arith.select %and3A_737, %sub3A_739, %div3A_718 : i32
        %jit3A_741 = arith.constant 32 : i32
        %eq3A_742 = arith.constant 0 : i32
        %eq3A_743 = arith.cmpi eq, %jit3A_741, %eq3A_742 : i32
        %jit3A_744 = arith.constant 1 : i32
        %select_n3A_745 = arith.select %eq3A_743, %jit3A_744, %jit3A_741 : i32
        %rem3A_746 = arith.remsi %add3A_716, %select_n3A_745 : i32
        %ne3A_747 = arith.constant 0 : i32
        %ne3A_748 = arith.cmpi ne, %rem3A_746, %ne3A_747 : i32
        %lt3A_749 = arith.constant 0 : i32
        %lt3A_750 = arith.cmpi slt, %rem3A_746, %lt3A_749 : i32
        %lt3A_751 = arith.constant 0 : i32
        %lt3A_752 = arith.cmpi slt, %select_n3A_745, %lt3A_751 : i32
        %ne3A_753 = arith.xori %lt3A_750, %lt3A_752 : i1
        %and3A_754 = arith.andi %ne3A_753, %ne3A_748 : i1
        %add3A_755 = arith.addi %rem3A_746, %select_n3A_745 : i32
        %select_n3A_756 = arith.select %and3A_754, %add3A_755, %rem3A_746 : i32
        %dma_start3A_757 = arith.constant 0 : i32
        %dma_start3A_758 = arith.constant 0 : i32
        %dma_start3A_759 = arith.constant 0 : i32
        %dma_start3A_760 = arith.constant 0 : i32
        %dma_start3A_761 = arith.constant 0 : i32
        %dma_start3A_762 = tpu.memref_slice %arg7[%dma_start3A_757, %dma_start3A_759, %dma_start3A_760, %dma_start3A_761] : memref<4x8x8x129xf32, #tpu.memory_space<vmem>> -> memref<1x8x8x128xf32, #tpu.memory_space<vmem>>
        %dma_start3A_763 = tpu.memref_squeeze %dma_start3A_762 : memref<1x8x8x128xf32, #tpu.memory_space<vmem>> -> memref<8x8x128xf32, #tpu.memory_space<vmem>>
        %dma_start3A_764 = arith.constant 0 : i32
        %dma_start3A_765 = arith.constant 0 : i32
        %dma_start3A_766 = arith.constant 0 : i32
        %dma_start3A_767 = tpu.memref_slice %arg4[%select_n3A_740, %dma_start3A_764, %select_n3A_756, %dma_start3A_765, %dma_start3A_766] : memref<200x8x32x8x128xf32, #tpu.memory_space<hbm>> -> memref<1x8x1x8x128xf32, #tpu.memory_space<hbm>>
        %dma_start3A_768 = tpu.memref_squeeze %dma_start3A_767 : memref<1x8x1x8x128xf32, #tpu.memory_space<hbm>> -> memref<8x8x128xf32, #tpu.memory_space<hbm>>
        %dma_start3A_769 = tpu.memref_slice %arg9[%dma_start3A_758] : memref<4x!tpu.dma_semaphore, #tpu.memory_space<semaphore_mem>> -> memref<1x!tpu.dma_semaphore, #tpu.memory_space<semaphore_mem>>
        %dma_start3A_770 = tpu.memref_squeeze %dma_start3A_769 : memref<1x!tpu.dma_semaphore, #tpu.memory_space<semaphore_mem>> -> memref<!tpu.dma_semaphore, #tpu.memory_space<semaphore_mem>>
        %dma_start3A_771 = arith.constant 0 : i32
        %dma_start3A_772 = arith.constant 0 : i32
        %dma_start3A_773 = arith.constant 0 : i32
        %dma_start3A_774 = tpu.memref_slice %arg4[%select_n3A_740, %dma_start3A_771, %select_n3A_756, %dma_start3A_772, %dma_start3A_773] : memref<200x8x32x8x128xf32, #tpu.memory_space<hbm>> -> memref<1x8x1x8x128xf32, #tpu.memory_space<hbm>>
        %dma_start3A_775 = tpu.memref_squeeze %dma_start3A_774 : memref<1x8x1x8x128xf32, #tpu.memory_space<hbm>> -> memref<8x8x128xf32, #tpu.memory_space<hbm>>
        %dma_start3A_776 = arith.constant 0 : i32
        %dma_start3A_777 = arith.constant 0 : i32
        %dma_start3A_778 = arith.constant 0 : i32
        %dma_start3A_779 = tpu.memref_slice %arg7[%dma_start3A_757, %dma_start3A_776, %dma_start3A_777, %dma_start3A_778] : memref<4x8x8x129xf32, #tpu.memory_space<vmem>> -> memref<1x8x8x128xf32, #tpu.memory_space<vmem>>
        %dma_start3A_780 = tpu.memref_squeeze %dma_start3A_779 : memref<1x8x8x128xf32, #tpu.memory_space<vmem>> -> memref<8x8x128xf32, #tpu.memory_space<vmem>>
        tpu.enqueue_dma source(%dma_start3A_780 : memref<8x8x128xf32, #tpu.memory_space<vmem>>) target(%dma_start3A_775 : memref<8x8x128xf32, #tpu.memory_space<hbm>>) target_semaphore(%dma_start3A_770 : memref<!tpu.dma_semaphore, #tpu.memory_space<semaphore_mem>>)
      } else {
      }
      %ge3A_483 = arith.constant 4 : i32
      %ge3A_484 = arith.cmpi sge, %add3A_463, %ge3A_483 : i32
      %convert_element_type3A_485 = arith.extui %ge3A_484 : i1 to i32
      %cond3A_486 = arith.constant 0 : i32
      %cond3A_487 = arith.cmpi ne, %convert_element_type3A_485, %cond3A_486 : i32
      scf.if %cond3A_487 {
        %sub3A_714 = arith.constant 4 : i32
        %sub3A_715 = arith.subi %add3A_463, %sub3A_714 : i32
        %add3A_716 = arith.addi %mul3A_2, %sub3A_715 : i32
        %jit3A_717 = arith.constant 32 : i32
        %div3A_718 = arith.divsi %add3A_716, %jit3A_717 : i32
        %sign3A_719 = arith.constant 0 : i32
        %sign3A_720 = arith.cmpi sgt, %add3A_716, %sign3A_719 : i32
        %sign3A_721 = arith.extui %sign3A_720 : i1 to i32
        %sign3A_722 = arith.constant 0 : i32
        %sign3A_723 = arith.cmpi slt, %add3A_716, %sign3A_722 : i32
        %sign3A_724 = arith.extui %sign3A_723 : i1 to i32
        %sign3A_725 = arith.subi %sign3A_721, %sign3A_724 : i32
        %sign3A_726 = arith.constant 0 : i32
        %sign3A_727 = arith.cmpi sgt, %jit3A_717, %sign3A_726 : i32
        %sign3A_728 = arith.extui %sign3A_727 : i1 to i32
        %sign3A_729 = arith.constant 0 : i32
        %sign3A_730 = arith.cmpi slt, %jit3A_717, %sign3A_729 : i32
        %sign3A_731 = arith.extui %sign3A_730 : i1 to i32
        %sign3A_732 = arith.subi %sign3A_728, %sign3A_731 : i32
        %ne3A_733 = arith.cmpi ne, %sign3A_725, %sign3A_732 : i32
        %rem3A_734 = arith.remsi %add3A_716, %jit3A_717 : i32
        %ne3A_735 = arith.constant 0 : i32
        %ne3A_736 = arith.cmpi ne, %rem3A_734, %ne3A_735 : i32
        %and3A_737 = arith.andi %ne3A_733, %ne3A_736 : i1
        %sub3A_738 = arith.constant 1 : i32
        %sub3A_739 = arith.subi %div3A_718, %sub3A_738 : i32
        %select_n3A_740 = arith.select %and3A_737, %sub3A_739, %div3A_718 : i32
        %jit3A_741 = arith.constant 32 : i32
        %eq3A_742 = arith.constant 0 : i32
        %eq3A_743 = arith.cmpi eq, %jit3A_741, %eq3A_742 : i32
        %jit3A_744 = arith.constant 1 : i32
        %select_n3A_745 = arith.select %eq3A_743, %jit3A_744, %jit3A_741 : i32
        %rem3A_746 = arith.remsi %add3A_716, %select_n3A_745 : i32
        %ne3A_747 = arith.constant 0 : i32
        %ne3A_748 = arith.cmpi ne, %rem3A_746, %ne3A_747 : i32
        %lt3A_749 = arith.constant 0 : i32
        %lt3A_750 = arith.cmpi slt, %rem3A_746, %lt3A_749 : i32
        %lt3A_751 = arith.constant 0 : i32
        %lt3A_752 = arith.cmpi slt, %select_n3A_745, %lt3A_751 : i32
        %ne3A_753 = arith.xori %lt3A_750, %lt3A_752 : i1
        %and3A_754 = arith.andi %ne3A_753, %ne3A_748 : i1
        %add3A_755 = arith.addi %rem3A_746, %select_n3A_745 : i32
        %select_n3A_756 = arith.select %and3A_754, %add3A_755, %rem3A_746 : i32
        %dma_wait3A_757 = arith.constant 1 : i32
        %dma_wait3A_758 = arith.constant 1 : i32
        %dma_wait3A_759 = arith.constant 0 : i32
        %dma_wait3A_760 = arith.constant 0 : i32
        %dma_wait3A_761 = arith.constant 0 : i32
        %dma_wait3A_762 = tpu.memref_slice %arg7[%dma_wait3A_757, %dma_wait3A_759, %dma_wait3A_760, %dma_wait3A_761] : memref<4x8x8x129xf32, #tpu.memory_space<vmem>> -> memref<1x8x8x128xf32, #tpu.memory_space<vmem>>
        %dma_wait3A_763 = tpu.memref_squeeze %dma_wait3A_762 : memref<1x8x8x128xf32, #tpu.memory_space<vmem>> -> memref<8x8x128xf32, #tpu.memory_space<vmem>>
        %dma_wait3A_764 = arith.constant 0 : i32
        %dma_wait3A_765 = arith.constant 0 : i32
        %dma_wait3A_766 = arith.constant 0 : i32
        %dma_wait3A_767 = tpu.memref_slice %arg4[%select_n3A_740, %dma_wait3A_764, %select_n3A_756, %dma_wait3A_765, %dma_wait3A_766] : memref<200x8x32x8x128xf32, #tpu.memory_space<hbm>> -> memref<1x8x1x8x128xf32, #tpu.memory_space<hbm>>
        %dma_wait3A_768 = tpu.memref_squeeze %dma_wait3A_767 : memref<1x8x1x8x128xf32, #tpu.memory_space<hbm>> -> memref<8x8x128xf32, #tpu.memory_space<hbm>>
        %dma_wait3A_769 = tpu.memref_slice %arg9[%dma_wait3A_758] : memref<4x!tpu.dma_semaphore, #tpu.memory_space<semaphore_mem>> -> memref<1x!tpu.dma_semaphore, #tpu.memory_space<semaphore_mem>>
        %dma_wait3A_770 = tpu.memref_squeeze %dma_wait3A_769 : memref<1x!tpu.dma_semaphore, #tpu.memory_space<semaphore_mem>> -> memref<!tpu.dma_semaphore, #tpu.memory_space<semaphore_mem>>
        %dma_wait3A_771 = arith.constant 0 : i32
        %dma_wait3A_772 = arith.constant 0 : i32
        %dma_wait3A_773 = arith.constant 0 : i32
        %dma_wait3A_774 = tpu.memref_slice %arg4[%select_n3A_740, %dma_wait3A_771, %select_n3A_756, %dma_wait3A_772, %dma_wait3A_773] : memref<200x8x32x8x128xf32, #tpu.memory_space<hbm>> -> memref<1x8x1x8x128xf32, #tpu.memory_space<hbm>>
        %dma_wait3A_775 = tpu.memref_squeeze %dma_wait3A_774 : memref<1x8x1x8x128xf32, #tpu.memory_space<hbm>> -> memref<8x8x128xf32, #tpu.memory_space<hbm>>
        %dma_wait3A_776 = arith.constant 0 : i32
        %dma_wait3A_777 = arith.constant 0 : i32
        %dma_wait3A_778 = arith.constant 0 : i32
        %dma_wait3A_779 = tpu.memref_slice %arg7[%dma_wait3A_757, %dma_wait3A_776, %dma_wait3A_777, %dma_wait3A_778] : memref<4x8x8x129xf32, #tpu.memory_space<vmem>> -> memref<1x8x8x128xf32, #tpu.memory_space<vmem>>
        %dma_wait3A_780 = tpu.memref_squeeze %dma_wait3A_779 : memref<1x8x8x128xf32, #tpu.memory_space<vmem>> -> memref<8x8x128xf32, #tpu.memory_space<vmem>>
        tpu.wait_dma2 semaphore(%dma_wait3A_770 : memref<!tpu.dma_semaphore, #tpu.memory_space<semaphore_mem>>) src(%dma_wait3A_780 : memref<8x8x128xf32, #tpu.memory_space<vmem>>) dst(%dma_wait3A_775 : memref<8x8x128xf32, #tpu.memory_space<hbm>>)
      } else {
      }
      %parallel_loop3A_488 = arith.constant 0 : i32
      %parallel_loop3A_489 = arith.constant 128 : i32
      %parallel_loop3A_490 = arith.constant 1 : i32
      scf.for %parallel_loop3A_714 = %parallel_loop3A_488 to %parallel_loop3A_489 step %parallel_loop3A_490  : i32 {
        %parallel_loop3A_715 = vector.broadcast %parallel_loop3A_714 : i32 to vector<16xi32>
        %parallel_loop3A_716 = arith.addi %broadcast_in_dim3A_40, %parallel_loop3A_715 : vector<16xi32>
        %parallel_loop3A_717 = arith.constant 1 : i32
        %parallel_loop3A_718 = arith.index_cast %parallel_loop3A_717 : i32 to index
        %parallel_loop3A_719 = arith.index_cast %parallel_loop3A_714 : i32 to index
        %parallel_loop3A_720 = arith.constant 0 : index
        %parallel_loop3A_721 = tpu.vector_load %arg6[%parallel_loop3A_718, %parallel_loop3A_719, %parallel_loop3A_720] {strides = array<i32>} : memref<8x128x64xf32, #tpu.memory_space<vmem>>, vector<16xf32>,
        %parallel_loop3A_722 = arith.constant 8.000000e+00 : f32
        %parallel_loop3A_723 = vector.broadcast %parallel_loop3A_722 : f32 to vector<16xf32>
        %parallel_loop3A_724 = arith.mulf %parallel_loop3A_721, %parallel_loop3A_723 : vector<16xf32>
        %parallel_loop3A_725 = arith.constant 1 : i32
        %parallel_loop3A_726 = arith.constant 0 : i32
        %parallel_loop3A_727 = arith.constant 0 : i32
        %parallel_loop3A_728 = arith.constant 0 : i32
        %parallel_loop3A_729 = tpu.memref_slice %arg7[%parallel_loop3A_725, %parallel_loop3A_726, %parallel_loop3A_727, %parallel_loop3A_728] : memref<4x8x8x129xf32, #tpu.memory_space<vmem>> -> memref<1x8x8x129xf32, #tpu.memory_space<vmem>>
        %parallel_loop3A_730 = tpu.memref_squeeze %parallel_loop3A_729 : memref<1x8x8x129xf32, #tpu.memory_space<vmem>> -> memref<8x8x129xf32, #tpu.memory_space<vmem>>
        tpu.vector_store_idx %parallel_loop3A_730[%shift_right_logical3A_19, %and3A_30, %parallel_loop3A_716], %parallel_loop3A_724 : memref<8x8x129xf32, #tpu.memory_space<vmem>>[vector<16xi32>, vector<16xi32>, vector<16xi32>], vector<16xf32>,
        %parallel_loop3A_731 = arith.constant 1 : i32
        %parallel_loop3A_732 = arith.index_cast %parallel_loop3A_731 : i32 to index
        %parallel_loop3A_733 = arith.index_cast %parallel_loop3A_714 : i32 to index
        %parallel_loop3A_734 = arith.constant 16 : index
        %parallel_loop3A_735 = tpu.vector_load %arg6[%parallel_loop3A_732, %parallel_loop3A_733, %parallel_loop3A_734] {strides = array<i32>} : memref<8x128x64xf32, #tpu.memory_space<vmem>>, vector<16xf32>,
        %parallel_loop3A_736 = arith.constant 8.000000e+00 : f32
        %parallel_loop3A_737 = vector.broadcast %parallel_loop3A_736 : f32 to vector<16xf32>
        %parallel_loop3A_738 = arith.mulf %parallel_loop3A_735, %parallel_loop3A_737 : vector<16xf32>
        %parallel_loop3A_739 = arith.constant 1 : i32
        %parallel_loop3A_740 = arith.constant 0 : i32
        %parallel_loop3A_741 = arith.constant 0 : i32
        %parallel_loop3A_742 = arith.constant 0 : i32
        %parallel_loop3A_743 = tpu.memref_slice %arg7[%parallel_loop3A_739, %parallel_loop3A_740, %parallel_loop3A_741, %parallel_loop3A_742] : memref<4x8x8x129xf32, #tpu.memory_space<vmem>> -> memref<1x8x8x129xf32, #tpu.memory_space<vmem>>
        %parallel_loop3A_744 = tpu.memref_squeeze %parallel_loop3A_743 : memref<1x8x8x129xf32, #tpu.memory_space<vmem>> -> memref<8x8x129xf32, #tpu.memory_space<vmem>>
        tpu.vector_store_idx %parallel_loop3A_744[%shift_right_logical3A_22, %and3A_33, %parallel_loop3A_716], %parallel_loop3A_738 : memref<8x8x129xf32, #tpu.memory_space<vmem>>[vector<16xi32>, vector<16xi32>, vector<16xi32>], vector<16xf32>,
        %parallel_loop3A_745 = arith.constant 1 : i32
        %parallel_loop3A_746 = arith.index_cast %parallel_loop3A_745 : i32 to index
        %parallel_loop3A_747 = arith.index_cast %parallel_loop3A_714 : i32 to index
        %parallel_loop3A_748 = arith.constant 32 : index
        %parallel_loop3A_749 = tpu.vector_load %arg6[%parallel_loop3A_746, %parallel_loop3A_747, %parallel_loop3A_748] {strides = array<i32>} : memref<8x128x64xf32, #tpu.memory_space<vmem>>, vector<16xf32>,
        %parallel_loop3A_750 = arith.constant 8.000000e+00 : f32
        %parallel_loop3A_751 = vector.broadcast %parallel_loop3A_750 : f32 to vector<16xf32>
        %parallel_loop3A_752 = arith.mulf %parallel_loop3A_749, %parallel_loop3A_751 : vector<16xf32>
        %parallel_loop3A_753 = arith.constant 1 : i32
        %parallel_loop3A_754 = arith.constant 0 : i32
        %parallel_loop3A_755 = arith.constant 0 : i32
        %parallel_loop3A_756 = arith.constant 0 : i32
        %parallel_loop3A_757 = tpu.memref_slice %arg7[%parallel_loop3A_753, %parallel_loop3A_754, %parallel_loop3A_755, %parallel_loop3A_756] : memref<4x8x8x129xf32, #tpu.memory_space<vmem>> -> memref<1x8x8x129xf32, #tpu.memory_space<vmem>>
        %parallel_loop3A_758 = tpu.memref_squeeze %parallel_loop3A_757 : memref<1x8x8x129xf32, #tpu.memory_space<vmem>> -> memref<8x8x129xf32, #tpu.memory_space<vmem>>
        tpu.vector_store_idx %parallel_loop3A_758[%shift_right_logical3A_25, %and3A_36, %parallel_loop3A_716], %parallel_loop3A_752 : memref<8x8x129xf32, #tpu.memory_space<vmem>>[vector<16xi32>, vector<16xi32>, vector<16xi32>], vector<16xf32>,
        %parallel_loop3A_759 = arith.constant 1 : i32
        %parallel_loop3A_760 = arith.index_cast %parallel_loop3A_759 : i32 to index
        %parallel_loop3A_761 = arith.index_cast %parallel_loop3A_714 : i32 to index
        %parallel_loop3A_762 = arith.constant 48 : index
        %parallel_loop3A_763 = tpu.vector_load %arg6[%parallel_loop3A_760, %parallel_loop3A_761, %parallel_loop3A_762] {strides = array<i32>} : memref<8x128x64xf32, #tpu.memory_space<vmem>>, vector<16xf32>,
        %parallel_loop3A_764 = arith.constant 8.000000e+00 : f32
        %parallel_loop3A_765 = vector.broadcast %parallel_loop3A_764 : f32 to vector<16xf32>
        %parallel_loop3A_766 = arith.mulf %parallel_loop3A_763, %parallel_loop3A_765 : vector<16xf32>
        %parallel_loop3A_767 = arith.constant 1 : i32
        %parallel_loop3A_768 = arith.constant 0 : i32
        %parallel_loop3A_769 = arith.constant 0 : i32
        %parallel_loop3A_770 = arith.constant 0 : i32
        %parallel_loop3A_771 = tpu.memref_slice %arg7[%parallel_loop3A_767, %parallel_loop3A_768, %parallel_loop3A_769, %parallel_loop3A_770] : memref<4x8x8x129xf32, #tpu.memory_space<vmem>> -> memref<1x8x8x129xf32, #tpu.memory_space<vmem>>
        %parallel_loop3A_772 = tpu.memref_squeeze %parallel_loop3A_771 : memref<1x8x8x129xf32, #tpu.memory_space<vmem>> -> memref<8x8x129xf32, #tpu.memory_space<vmem>>
        tpu.vector_store_idx %parallel_loop3A_772[%shift_right_logical3A_28, %and3A_39, %parallel_loop3A_716], %parallel_loop3A_766 : memref<8x8x129xf32, #tpu.memory_space<vmem>>[vector<16xi32>, vector<16xi32>, vector<16xi32>], vector<16xf32>,
      } {sc.loop_unroll_factor = 4 : i64, sc.parallel_access}
      %add3A_491 = arith.constant 4 : i32
      %add3A_492 = arith.addi %add3A_463, %add3A_491 : i32
      %lt3A_493 = arith.constant 200 : i32
      %lt3A_494 = arith.cmpi slt, %add3A_492, %lt3A_493 : i32
      %convert_element_type3A_495 = arith.extui %lt3A_494 : i1 to i32
      %cond3A_496 = arith.constant 0 : i32
      %cond3A_497 = arith.cmpi ne, %convert_element_type3A_495, %cond3A_496 : i32
      scf.if %cond3A_497 {
        %add3A_714 = arith.constant 4 : i32
        %add3A_715 = arith.addi %add3A_463, %add3A_714 : i32
        %dma_start3A_716 = arith.constant 5 : i32
        %dma_start3A_717 = arith.constant 5 : i32
        %dma_start3A_718 = arith.constant 0 : i32
        %dma_start3A_719 = arith.constant 0 : i32
        %dma_start3A_720 = tpu.memref_slice %arg6[%dma_start3A_716, %dma_start3A_718, %dma_start3A_719] : memref<8x128x64xf32, #tpu.memory_space<vmem>> -> memref<1x128x64xf32, #tpu.memory_space<vmem>>
        %dma_start3A_721 = tpu.memref_squeeze %dma_start3A_720 : memref<1x128x64xf32, #tpu.memory_space<vmem>> -> memref<128x64xf32, #tpu.memory_space<vmem>>
        %dma_start3A_722 = arith.constant 0 : i32
        %dma_start3A_723 = tpu.memref_slice %arg5[%add3A_715, %dma_start3A_722] : memref<200x128xi32, #tpu.memory_space<vmem>> -> memref<1x128xi32, #tpu.memory_space<vmem>>
        %dma_start3A_724 = tpu.memref_squeeze %dma_start3A_723 : memref<1x128xi32, #tpu.memory_space<vmem>> -> memref<128xi32, #tpu.memory_space<vmem>>
        %dma_start3A_725 = arith.constant 0 : i32
        %dma_start3A_726 = arith.constant 0 : i32
        %dma_start3A_727 = tpu.memref_slice %arg3[%dma_start3A_725, %dma_start3A_726] : memref<1000000x64xf32, #tpu.memory_space<hbm>> -> memref<1000000x64xf32, #tpu.memory_space<hbm>>
        %dma_start3A_728 = tpu.memref_slice %arg8[%dma_start3A_717] : memref<8x!tpu.dma_semaphore, #tpu.memory_space<semaphore_mem>> -> memref<1x!tpu.dma_semaphore, #tpu.memory_space<semaphore_mem>>
        %dma_start3A_729 = tpu.memref_squeeze %dma_start3A_728 : memref<1x!tpu.dma_semaphore, #tpu.memory_space<semaphore_mem>> -> memref<!tpu.dma_semaphore, #tpu.memory_space<semaphore_mem>>
        tpu.enqueue_indirect_dma source(%dma_start3A_727 : memref<1000000x64xf32, #tpu.memory_space<hbm>>) target(%dma_start3A_721 : memref<128x64xf32, #tpu.memory_space<vmem>>) offsets(%dma_start3A_724 : memref<128xi32, #tpu.memory_space<vmem>>) semaphore(%dma_start3A_729 : memref<!tpu.dma_semaphore, #tpu.memory_space<semaphore_mem>>)
      } else {
      }
      %add3A_498 = arith.constant 2 : i32
      %add3A_499 = arith.addi %mul3A_429, %add3A_498 : i32
      %dma_wait3A_500 = arith.constant 2 : i32
      %dma_wait3A_501 = arith.constant 2 : i32
      %dma_wait3A_502 = arith.constant 0 : i32
      %dma_wait3A_503 = arith.constant 0 : i32
      %dma_wait3A_504 = tpu.memref_slice %arg6[%dma_wait3A_500, %dma_wait3A_502, %dma_wait3A_503] : memref<8x128x64xf32, #tpu.memory_space<vmem>> -> memref<1x128x64xf32, #tpu.memory_space<vmem>>
      %dma_wait3A_505 = tpu.memref_squeeze %dma_wait3A_504 : memref<1x128x64xf32, #tpu.memory_space<vmem>> -> memref<128x64xf32, #tpu.memory_space<vmem>>
      %dma_wait3A_506 = arith.constant 0 : i32
      %dma_wait3A_507 = tpu.memref_slice %arg5[%add3A_499, %dma_wait3A_506] : memref<200x128xi32, #tpu.memory_space<vmem>> -> memref<1x128xi32, #tpu.memory_space<vmem>>
      %dma_wait3A_508 = tpu.memref_squeeze %dma_wait3A_507 : memref<1x128xi32, #tpu.memory_space<vmem>> -> memref<128xi32, #tpu.memory_space<vmem>>
      %dma_wait3A_509 = arith.constant 0 : i32
      %dma_wait3A_510 = arith.constant 0 : i32
      %dma_wait3A_511 = tpu.memref_slice %arg3[%dma_wait3A_509, %dma_wait3A_510] : memref<1000000x64xf32, #tpu.memory_space<hbm>> -> memref<1000000x64xf32, #tpu.memory_space<hbm>>
      %dma_wait3A_512 = tpu.memref_slice %arg8[%dma_wait3A_501] : memref<8x!tpu.dma_semaphore, #tpu.memory_space<semaphore_mem>> -> memref<1x!tpu.dma_semaphore, #tpu.memory_space<semaphore_mem>>
      %dma_wait3A_513 = tpu.memref_squeeze %dma_wait3A_512 : memref<1x!tpu.dma_semaphore, #tpu.memory_space<semaphore_mem>> -> memref<!tpu.dma_semaphore, #tpu.memory_space<semaphore_mem>>
      tpu.wait_indirect_dma semaphore(%dma_wait3A_513 : memref<!tpu.dma_semaphore, #tpu.memory_space<semaphore_mem>>) src(%dma_wait3A_511 : memref<1000000x64xf32, #tpu.memory_space<hbm>>) dst(%dma_wait3A_505 : memref<128x64xf32, #tpu.memory_space<vmem>>)
      %ge3A_514 = arith.constant 1 : i32
      %ge3A_515 = arith.cmpi sge, %add3A_499, %ge3A_514 : i32
      %convert_element_type3A_516 = arith.extui %ge3A_515 : i1 to i32
      %cond3A_517 = arith.constant 0 : i32
      %cond3A_518 = arith.cmpi ne, %convert_element_type3A_516, %cond3A_517 : i32
      scf.if %cond3A_518 {
        %sub3A_714 = arith.constant 1 : i32
        %sub3A_715 = arith.subi %add3A_499, %sub3A_714 : i32
        %add3A_716 = arith.addi %mul3A_2, %sub3A_715 : i32
        %jit3A_717 = arith.constant 32 : i32
        %div3A_718 = arith.divsi %add3A_716, %jit3A_717 : i32
        %sign3A_719 = arith.constant 0 : i32
        %sign3A_720 = arith.cmpi sgt, %add3A_716, %sign3A_719 : i32
        %sign3A_721 = arith.extui %sign3A_720 : i1 to i32
        %sign3A_722 = arith.constant 0 : i32
        %sign3A_723 = arith.cmpi slt, %add3A_716, %sign3A_722 : i32
        %sign3A_724 = arith.extui %sign3A_723 : i1 to i32
        %sign3A_725 = arith.subi %sign3A_721, %sign3A_724 : i32
        %sign3A_726 = arith.constant 0 : i32
        %sign3A_727 = arith.cmpi sgt, %jit3A_717, %sign3A_726 : i32
        %sign3A_728 = arith.extui %sign3A_727 : i1 to i32
        %sign3A_729 = arith.constant 0 : i32
        %sign3A_730 = arith.cmpi slt, %jit3A_717, %sign3A_729 : i32
        %sign3A_731 = arith.extui %sign3A_730 : i1 to i32
        %sign3A_732 = arith.subi %sign3A_728, %sign3A_731 : i32
        %ne3A_733 = arith.cmpi ne, %sign3A_725, %sign3A_732 : i32
        %rem3A_734 = arith.remsi %add3A_716, %jit3A_717 : i32
        %ne3A_735 = arith.constant 0 : i32
        %ne3A_736 = arith.cmpi ne, %rem3A_734, %ne3A_735 : i32
        %and3A_737 = arith.andi %ne3A_733, %ne3A_736 : i1
        %sub3A_738 = arith.constant 1 : i32
        %sub3A_739 = arith.subi %div3A_718, %sub3A_738 : i32
        %select_n3A_740 = arith.select %and3A_737, %sub3A_739, %div3A_718 : i32
        %jit3A_741 = arith.constant 32 : i32
        %eq3A_742 = arith.constant 0 : i32
        %eq3A_743 = arith.cmpi eq, %jit3A_741, %eq3A_742 : i32
        %jit3A_744 = arith.constant 1 : i32
        %select_n3A_745 = arith.select %eq3A_743, %jit3A_744, %jit3A_741 : i32
        %rem3A_746 = arith.remsi %add3A_716, %select_n3A_745 : i32
        %ne3A_747 = arith.constant 0 : i32
        %ne3A_748 = arith.cmpi ne, %rem3A_746, %ne3A_747 : i32
        %lt3A_749 = arith.constant 0 : i32
        %lt3A_750 = arith.cmpi slt, %rem3A_746, %lt3A_749 : i32
        %lt3A_751 = arith.constant 0 : i32
        %lt3A_752 = arith.cmpi slt, %select_n3A_745, %lt3A_751 : i32
        %ne3A_753 = arith.xori %lt3A_750, %lt3A_752 : i1
        %and3A_754 = arith.andi %ne3A_753, %ne3A_748 : i1
        %add3A_755 = arith.addi %rem3A_746, %select_n3A_745 : i32
        %select_n3A_756 = arith.select %and3A_754, %add3A_755, %rem3A_746 : i32
        %dma_start3A_757 = arith.constant 1 : i32
        %dma_start3A_758 = arith.constant 1 : i32
        %dma_start3A_759 = arith.constant 0 : i32
        %dma_start3A_760 = arith.constant 0 : i32
        %dma_start3A_761 = arith.constant 0 : i32
        %dma_start3A_762 = tpu.memref_slice %arg7[%dma_start3A_757, %dma_start3A_759, %dma_start3A_760, %dma_start3A_761] : memref<4x8x8x129xf32, #tpu.memory_space<vmem>> -> memref<1x8x8x128xf32, #tpu.memory_space<vmem>>
        %dma_start3A_763 = tpu.memref_squeeze %dma_start3A_762 : memref<1x8x8x128xf32, #tpu.memory_space<vmem>> -> memref<8x8x128xf32, #tpu.memory_space<vmem>>
        %dma_start3A_764 = arith.constant 0 : i32
        %dma_start3A_765 = arith.constant 0 : i32
        %dma_start3A_766 = arith.constant 0 : i32
        %dma_start3A_767 = tpu.memref_slice %arg4[%select_n3A_740, %dma_start3A_764, %select_n3A_756, %dma_start3A_765, %dma_start3A_766] : memref<200x8x32x8x128xf32, #tpu.memory_space<hbm>> -> memref<1x8x1x8x128xf32, #tpu.memory_space<hbm>>
        %dma_start3A_768 = tpu.memref_squeeze %dma_start3A_767 : memref<1x8x1x8x128xf32, #tpu.memory_space<hbm>> -> memref<8x8x128xf32, #tpu.memory_space<hbm>>
        %dma_start3A_769 = tpu.memref_slice %arg9[%dma_start3A_758] : memref<4x!tpu.dma_semaphore, #tpu.memory_space<semaphore_mem>> -> memref<1x!tpu.dma_semaphore, #tpu.memory_space<semaphore_mem>>
        %dma_start3A_770 = tpu.memref_squeeze %dma_start3A_769 : memref<1x!tpu.dma_semaphore, #tpu.memory_space<semaphore_mem>> -> memref<!tpu.dma_semaphore, #tpu.memory_space<semaphore_mem>>
        %dma_start3A_771 = arith.constant 0 : i32
        %dma_start3A_772 = arith.constant 0 : i32
        %dma_start3A_773 = arith.constant 0 : i32
        %dma_start3A_774 = tpu.memref_slice %arg4[%select_n3A_740, %dma_start3A_771, %select_n3A_756, %dma_start3A_772, %dma_start3A_773] : memref<200x8x32x8x128xf32, #tpu.memory_space<hbm>> -> memref<1x8x1x8x128xf32, #tpu.memory_space<hbm>>
        %dma_start3A_775 = tpu.memref_squeeze %dma_start3A_774 : memref<1x8x1x8x128xf32, #tpu.memory_space<hbm>> -> memref<8x8x128xf32, #tpu.memory_space<hbm>>
        %dma_start3A_776 = arith.constant 0 : i32
        %dma_start3A_777 = arith.constant 0 : i32
        %dma_start3A_778 = arith.constant 0 : i32
        %dma_start3A_779 = tpu.memref_slice %arg7[%dma_start3A_757, %dma_start3A_776, %dma_start3A_777, %dma_start3A_778] : memref<4x8x8x129xf32, #tpu.memory_space<vmem>> -> memref<1x8x8x128xf32, #tpu.memory_space<vmem>>
        %dma_start3A_780 = tpu.memref_squeeze %dma_start3A_779 : memref<1x8x8x128xf32, #tpu.memory_space<vmem>> -> memref<8x8x128xf32, #tpu.memory_space<vmem>>
        tpu.enqueue_dma source(%dma_start3A_780 : memref<8x8x128xf32, #tpu.memory_space<vmem>>) target(%dma_start3A_775 : memref<8x8x128xf32, #tpu.memory_space<hbm>>) target_semaphore(%dma_start3A_770 : memref<!tpu.dma_semaphore, #tpu.memory_space<semaphore_mem>>)
      } else {
      }
      %ge3A_519 = arith.constant 4 : i32
      %ge3A_520 = arith.cmpi sge, %add3A_499, %ge3A_519 : i32
      %convert_element_type3A_521 = arith.extui %ge3A_520 : i1 to i32
      %cond3A_522 = arith.constant 0 : i32
      %cond3A_523 = arith.cmpi ne, %convert_element_type3A_521, %cond3A_522 : i32
      scf.if %cond3A_523 {
        %sub3A_714 = arith.constant 4 : i32
        %sub3A_715 = arith.subi %add3A_499, %sub3A_714 : i32
        %add3A_716 = arith.addi %mul3A_2, %sub3A_715 : i32
        %jit3A_717 = arith.constant 32 : i32
        %div3A_718 = arith.divsi %add3A_716, %jit3A_717 : i32
        %sign3A_719 = arith.constant 0 : i32
        %sign3A_720 = arith.cmpi sgt, %add3A_716, %sign3A_719 : i32
        %sign3A_721 = arith.extui %sign3A_720 : i1 to i32
        %sign3A_722 = arith.constant 0 : i32
        %sign3A_723 = arith.cmpi slt, %add3A_716, %sign3A_722 : i32
        %sign3A_724 = arith.extui %sign3A_723 : i1 to i32
        %sign3A_725 = arith.subi %sign3A_721, %sign3A_724 : i32
        %sign3A_726 = arith.constant 0 : i32
        %sign3A_727 = arith.cmpi sgt, %jit3A_717, %sign3A_726 : i32
        %sign3A_728 = arith.extui %sign3A_727 : i1 to i32
        %sign3A_729 = arith.constant 0 : i32
        %sign3A_730 = arith.cmpi slt, %jit3A_717, %sign3A_729 : i32
        %sign3A_731 = arith.extui %sign3A_730 : i1 to i32
        %sign3A_732 = arith.subi %sign3A_728, %sign3A_731 : i32
        %ne3A_733 = arith.cmpi ne, %sign3A_725, %sign3A_732 : i32
        %rem3A_734 = arith.remsi %add3A_716, %jit3A_717 : i32
        %ne3A_735 = arith.constant 0 : i32
        %ne3A_736 = arith.cmpi ne, %rem3A_734, %ne3A_735 : i32
        %and3A_737 = arith.andi %ne3A_733, %ne3A_736 : i1
        %sub3A_738 = arith.constant 1 : i32
        %sub3A_739 = arith.subi %div3A_718, %sub3A_738 : i32
        %select_n3A_740 = arith.select %and3A_737, %sub3A_739, %div3A_718 : i32
        %jit3A_741 = arith.constant 32 : i32
        %eq3A_742 = arith.constant 0 : i32
        %eq3A_743 = arith.cmpi eq, %jit3A_741, %eq3A_742 : i32
        %jit3A_744 = arith.constant 1 : i32
        %select_n3A_745 = arith.select %eq3A_743, %jit3A_744, %jit3A_741 : i32
        %rem3A_746 = arith.remsi %add3A_716, %select_n3A_745 : i32
        %ne3A_747 = arith.constant 0 : i32
        %ne3A_748 = arith.cmpi ne, %rem3A_746, %ne3A_747 : i32
        %lt3A_749 = arith.constant 0 : i32
        %lt3A_750 = arith.cmpi slt, %rem3A_746, %lt3A_749 : i32
        %lt3A_751 = arith.constant 0 : i32
        %lt3A_752 = arith.cmpi slt, %select_n3A_745, %lt3A_751 : i32
        %ne3A_753 = arith.xori %lt3A_750, %lt3A_752 : i1
        %and3A_754 = arith.andi %ne3A_753, %ne3A_748 : i1
        %add3A_755 = arith.addi %rem3A_746, %select_n3A_745 : i32
        %select_n3A_756 = arith.select %and3A_754, %add3A_755, %rem3A_746 : i32
        %dma_wait3A_757 = arith.constant 2 : i32
        %dma_wait3A_758 = arith.constant 2 : i32
        %dma_wait3A_759 = arith.constant 0 : i32
        %dma_wait3A_760 = arith.constant 0 : i32
        %dma_wait3A_761 = arith.constant 0 : i32
        %dma_wait3A_762 = tpu.memref_slice %arg7[%dma_wait3A_757, %dma_wait3A_759, %dma_wait3A_760, %dma_wait3A_761] : memref<4x8x8x129xf32, #tpu.memory_space<vmem>> -> memref<1x8x8x128xf32, #tpu.memory_space<vmem>>
        %dma_wait3A_763 = tpu.memref_squeeze %dma_wait3A_762 : memref<1x8x8x128xf32, #tpu.memory_space<vmem>> -> memref<8x8x128xf32, #tpu.memory_space<vmem>>
        %dma_wait3A_764 = arith.constant 0 : i32
        %dma_wait3A_765 = arith.constant 0 : i32
        %dma_wait3A_766 = arith.constant 0 : i32
        %dma_wait3A_767 = tpu.memref_slice %arg4[%select_n3A_740, %dma_wait3A_764, %select_n3A_756, %dma_wait3A_765, %dma_wait3A_766] : memref<200x8x32x8x128xf32, #tpu.memory_space<hbm>> -> memref<1x8x1x8x128xf32, #tpu.memory_space<hbm>>
        %dma_wait3A_768 = tpu.memref_squeeze %dma_wait3A_767 : memref<1x8x1x8x128xf32, #tpu.memory_space<hbm>> -> memref<8x8x128xf32, #tpu.memory_space<hbm>>
        %dma_wait3A_769 = tpu.memref_slice %arg9[%dma_wait3A_758] : memref<4x!tpu.dma_semaphore, #tpu.memory_space<semaphore_mem>> -> memref<1x!tpu.dma_semaphore, #tpu.memory_space<semaphore_mem>>
        %dma_wait3A_770 = tpu.memref_squeeze %dma_wait3A_769 : memref<1x!tpu.dma_semaphore, #tpu.memory_space<semaphore_mem>> -> memref<!tpu.dma_semaphore, #tpu.memory_space<semaphore_mem>>
        %dma_wait3A_771 = arith.constant 0 : i32
        %dma_wait3A_772 = arith.constant 0 : i32
        %dma_wait3A_773 = arith.constant 0 : i32
        %dma_wait3A_774 = tpu.memref_slice %arg4[%select_n3A_740, %dma_wait3A_771, %select_n3A_756, %dma_wait3A_772, %dma_wait3A_773] : memref<200x8x32x8x128xf32, #tpu.memory_space<hbm>> -> memref<1x8x1x8x128xf32, #tpu.memory_space<hbm>>
        %dma_wait3A_775 = tpu.memref_squeeze %dma_wait3A_774 : memref<1x8x1x8x128xf32, #tpu.memory_space<hbm>> -> memref<8x8x128xf32, #tpu.memory_space<hbm>>
        %dma_wait3A_776 = arith.constant 0 : i32
        %dma_wait3A_777 = arith.constant 0 : i32
        %dma_wait3A_778 = arith.constant 0 : i32
        %dma_wait3A_779 = tpu.memref_slice %arg7[%dma_wait3A_757, %dma_wait3A_776, %dma_wait3A_777, %dma_wait3A_778] : memref<4x8x8x129xf32, #tpu.memory_space<vmem>> -> memref<1x8x8x128xf32, #tpu.memory_space<vmem>>
        %dma_wait3A_780 = tpu.memref_squeeze %dma_wait3A_779 : memref<1x8x8x128xf32, #tpu.memory_space<vmem>> -> memref<8x8x128xf32, #tpu.memory_space<vmem>>
        tpu.wait_dma2 semaphore(%dma_wait3A_770 : memref<!tpu.dma_semaphore, #tpu.memory_space<semaphore_mem>>) src(%dma_wait3A_780 : memref<8x8x128xf32, #tpu.memory_space<vmem>>) dst(%dma_wait3A_775 : memref<8x8x128xf32, #tpu.memory_space<hbm>>)
      } else {
      }
      %parallel_loop3A_524 = arith.constant 0 : i32
      %parallel_loop3A_525 = arith.constant 128 : i32
      %parallel_loop3A_526 = arith.constant 1 : i32
      scf.for %parallel_loop3A_714 = %parallel_loop3A_524 to %parallel_loop3A_525 step %parallel_loop3A_526  : i32 {
        %parallel_loop3A_715 = vector.broadcast %parallel_loop3A_714 : i32 to vector<16xi32>
        %parallel_loop3A_716 = arith.addi %broadcast_in_dim3A_40, %parallel_loop3A_715 : vector<16xi32>
        %parallel_loop3A_717 = arith.constant 2 : i32
        %parallel_loop3A_718 = arith.index_cast %parallel_loop3A_717 : i32 to index
        %parallel_loop3A_719 = arith.index_cast %parallel_loop3A_714 : i32 to index
        %parallel_loop3A_720 = arith.constant 0 : index
        %parallel_loop3A_721 = tpu.vector_load %arg6[%parallel_loop3A_718, %parallel_loop3A_719, %parallel_loop3A_720] {strides = array<i32>} : memref<8x128x64xf32, #tpu.memory_space<vmem>>, vector<16xf32>,
        %parallel_loop3A_722 = arith.constant 8.000000e+00 : f32
        %parallel_loop3A_723 = vector.broadcast %parallel_loop3A_722 : f32 to vector<16xf32>
        %parallel_loop3A_724 = arith.mulf %parallel_loop3A_721, %parallel_loop3A_723 : vector<16xf32>
        %parallel_loop3A_725 = arith.constant 2 : i32
        %parallel_loop3A_726 = arith.constant 0 : i32
        %parallel_loop3A_727 = arith.constant 0 : i32
        %parallel_loop3A_728 = arith.constant 0 : i32
        %parallel_loop3A_729 = tpu.memref_slice %arg7[%parallel_loop3A_725, %parallel_loop3A_726, %parallel_loop3A_727, %parallel_loop3A_728] : memref<4x8x8x129xf32, #tpu.memory_space<vmem>> -> memref<1x8x8x129xf32, #tpu.memory_space<vmem>>
        %parallel_loop3A_730 = tpu.memref_squeeze %parallel_loop3A_729 : memref<1x8x8x129xf32, #tpu.memory_space<vmem>> -> memref<8x8x129xf32, #tpu.memory_space<vmem>>
        tpu.vector_store_idx %parallel_loop3A_730[%shift_right_logical3A_19, %and3A_30, %parallel_loop3A_716], %parallel_loop3A_724 : memref<8x8x129xf32, #tpu.memory_space<vmem>>[vector<16xi32>, vector<16xi32>, vector<16xi32>], vector<16xf32>,
        %parallel_loop3A_731 = arith.constant 2 : i32
        %parallel_loop3A_732 = arith.index_cast %parallel_loop3A_731 : i32 to index
        %parallel_loop3A_733 = arith.index_cast %parallel_loop3A_714 : i32 to index
        %parallel_loop3A_734 = arith.constant 16 : index
        %parallel_loop3A_735 = tpu.vector_load %arg6[%parallel_loop3A_732, %parallel_loop3A_733, %parallel_loop3A_734] {strides = array<i32>} : memref<8x128x64xf32, #tpu.memory_space<vmem>>, vector<16xf32>,
        %parallel_loop3A_736 = arith.constant 8.000000e+00 : f32
        %parallel_loop3A_737 = vector.broadcast %parallel_loop3A_736 : f32 to vector<16xf32>
        %parallel_loop3A_738 = arith.mulf %parallel_loop3A_735, %parallel_loop3A_737 : vector<16xf32>
        %parallel_loop3A_739 = arith.constant 2 : i32
        %parallel_loop3A_740 = arith.constant 0 : i32
        %parallel_loop3A_741 = arith.constant 0 : i32
        %parallel_loop3A_742 = arith.constant 0 : i32
        %parallel_loop3A_743 = tpu.memref_slice %arg7[%parallel_loop3A_739, %parallel_loop3A_740, %parallel_loop3A_741, %parallel_loop3A_742] : memref<4x8x8x129xf32, #tpu.memory_space<vmem>> -> memref<1x8x8x129xf32, #tpu.memory_space<vmem>>
        %parallel_loop3A_744 = tpu.memref_squeeze %parallel_loop3A_743 : memref<1x8x8x129xf32, #tpu.memory_space<vmem>> -> memref<8x8x129xf32, #tpu.memory_space<vmem>>
        tpu.vector_store_idx %parallel_loop3A_744[%shift_right_logical3A_22, %and3A_33, %parallel_loop3A_716], %parallel_loop3A_738 : memref<8x8x129xf32, #tpu.memory_space<vmem>>[vector<16xi32>, vector<16xi32>, vector<16xi32>], vector<16xf32>,
        %parallel_loop3A_745 = arith.constant 2 : i32
        %parallel_loop3A_746 = arith.index_cast %parallel_loop3A_745 : i32 to index
        %parallel_loop3A_747 = arith.index_cast %parallel_loop3A_714 : i32 to index
        %parallel_loop3A_748 = arith.constant 32 : index
        %parallel_loop3A_749 = tpu.vector_load %arg6[%parallel_loop3A_746, %parallel_loop3A_747, %parallel_loop3A_748] {strides = array<i32>} : memref<8x128x64xf32, #tpu.memory_space<vmem>>, vector<16xf32>,
        %parallel_loop3A_750 = arith.constant 8.000000e+00 : f32
        %parallel_loop3A_751 = vector.broadcast %parallel_loop3A_750 : f32 to vector<16xf32>
        %parallel_loop3A_752 = arith.mulf %parallel_loop3A_749, %parallel_loop3A_751 : vector<16xf32>
        %parallel_loop3A_753 = arith.constant 2 : i32
        %parallel_loop3A_754 = arith.constant 0 : i32
        %parallel_loop3A_755 = arith.constant 0 : i32
        %parallel_loop3A_756 = arith.constant 0 : i32
        %parallel_loop3A_757 = tpu.memref_slice %arg7[%parallel_loop3A_753, %parallel_loop3A_754, %parallel_loop3A_755, %parallel_loop3A_756] : memref<4x8x8x129xf32, #tpu.memory_space<vmem>> -> memref<1x8x8x129xf32, #tpu.memory_space<vmem>>
        %parallel_loop3A_758 = tpu.memref_squeeze %parallel_loop3A_757 : memref<1x8x8x129xf32, #tpu.memory_space<vmem>> -> memref<8x8x129xf32, #tpu.memory_space<vmem>>
        tpu.vector_store_idx %parallel_loop3A_758[%shift_right_logical3A_25, %and3A_36, %parallel_loop3A_716], %parallel_loop3A_752 : memref<8x8x129xf32, #tpu.memory_space<vmem>>[vector<16xi32>, vector<16xi32>, vector<16xi32>], vector<16xf32>,
        %parallel_loop3A_759 = arith.constant 2 : i32
        %parallel_loop3A_760 = arith.index_cast %parallel_loop3A_759 : i32 to index
        %parallel_loop3A_761 = arith.index_cast %parallel_loop3A_714 : i32 to index
        %parallel_loop3A_762 = arith.constant 48 : index
        %parallel_loop3A_763 = tpu.vector_load %arg6[%parallel_loop3A_760, %parallel_loop3A_761, %parallel_loop3A_762] {strides = array<i32>} : memref<8x128x64xf32, #tpu.memory_space<vmem>>, vector<16xf32>,
        %parallel_loop3A_764 = arith.constant 8.000000e+00 : f32
        %parallel_loop3A_765 = vector.broadcast %parallel_loop3A_764 : f32 to vector<16xf32>
        %parallel_loop3A_766 = arith.mulf %parallel_loop3A_763, %parallel_loop3A_765 : vector<16xf32>
        %parallel_loop3A_767 = arith.constant 2 : i32
        %parallel_loop3A_768 = arith.constant 0 : i32
        %parallel_loop3A_769 = arith.constant 0 : i32
        %parallel_loop3A_770 = arith.constant 0 : i32
        %parallel_loop3A_771 = tpu.memref_slice %arg7[%parallel_loop3A_767, %parallel_loop3A_768, %parallel_loop3A_769, %parallel_loop3A_770] : memref<4x8x8x129xf32, #tpu.memory_space<vmem>> -> memref<1x8x8x129xf32, #tpu.memory_space<vmem>>
        %parallel_loop3A_772 = tpu.memref_squeeze %parallel_loop3A_771 : memref<1x8x8x129xf32, #tpu.memory_space<vmem>> -> memref<8x8x129xf32, #tpu.memory_space<vmem>>
        tpu.vector_store_idx %parallel_loop3A_772[%shift_right_logical3A_28, %and3A_39, %parallel_loop3A_716], %parallel_loop3A_766 : memref<8x8x129xf32, #tpu.memory_space<vmem>>[vector<16xi32>, vector<16xi32>, vector<16xi32>], vector<16xf32>,
      } {sc.loop_unroll_factor = 4 : i64, sc.parallel_access}
      %add3A_527 = arith.constant 4 : i32
      %add3A_528 = arith.addi %add3A_499, %add3A_527 : i32
      %lt3A_529 = arith.constant 200 : i32
      %lt3A_530 = arith.cmpi slt, %add3A_528, %lt3A_529 : i32
      %convert_element_type3A_531 = arith.extui %lt3A_530 : i1 to i32
      %cond3A_532 = arith.constant 0 : i32
      %cond3A_533 = arith.cmpi ne, %convert_element_type3A_531, %cond3A_532 : i32
      scf.if %cond3A_533 {
        %add3A_714 = arith.constant 4 : i32
        %add3A_715 = arith.addi %add3A_499, %add3A_714 : i32
        %dma_start3A_716 = arith.constant 6 : i32
        %dma_start3A_717 = arith.constant 6 : i32
        %dma_start3A_718 = arith.constant 0 : i32
        %dma_start3A_719 = arith.constant 0 : i32
        %dma_start3A_720 = tpu.memref_slice %arg6[%dma_start3A_716, %dma_start3A_718, %dma_start3A_719] : memref<8x128x64xf32, #tpu.memory_space<vmem>> -> memref<1x128x64xf32, #tpu.memory_space<vmem>>
        %dma_start3A_721 = tpu.memref_squeeze %dma_start3A_720 : memref<1x128x64xf32, #tpu.memory_space<vmem>> -> memref<128x64xf32, #tpu.memory_space<vmem>>
        %dma_start3A_722 = arith.constant 0 : i32
        %dma_start3A_723 = tpu.memref_slice %arg5[%add3A_715, %dma_start3A_722] : memref<200x128xi32, #tpu.memory_space<vmem>> -> memref<1x128xi32, #tpu.memory_space<vmem>>
        %dma_start3A_724 = tpu.memref_squeeze %dma_start3A_723 : memref<1x128xi32, #tpu.memory_space<vmem>> -> memref<128xi32, #tpu.memory_space<vmem>>
        %dma_start3A_725 = arith.constant 0 : i32
        %dma_start3A_726 = arith.constant 0 : i32
        %dma_start3A_727 = tpu.memref_slice %arg3[%dma_start3A_725, %dma_start3A_726] : memref<1000000x64xf32, #tpu.memory_space<hbm>> -> memref<1000000x64xf32, #tpu.memory_space<hbm>>
        %dma_start3A_728 = tpu.memref_slice %arg8[%dma_start3A_717] : memref<8x!tpu.dma_semaphore, #tpu.memory_space<semaphore_mem>> -> memref<1x!tpu.dma_semaphore, #tpu.memory_space<semaphore_mem>>
        %dma_start3A_729 = tpu.memref_squeeze %dma_start3A_728 : memref<1x!tpu.dma_semaphore, #tpu.memory_space<semaphore_mem>> -> memref<!tpu.dma_semaphore, #tpu.memory_space<semaphore_mem>>
        tpu.enqueue_indirect_dma source(%dma_start3A_727 : memref<1000000x64xf32, #tpu.memory_space<hbm>>) target(%dma_start3A_721 : memref<128x64xf32, #tpu.memory_space<vmem>>) offsets(%dma_start3A_724 : memref<128xi32, #tpu.memory_space<vmem>>) semaphore(%dma_start3A_729 : memref<!tpu.dma_semaphore, #tpu.memory_space<semaphore_mem>>)
      } else {
      }
      %add3A_534 = arith.constant 3 : i32
      %add3A_535 = arith.addi %mul3A_429, %add3A_534 : i32
      %dma_wait3A_536 = arith.constant 3 : i32
      %dma_wait3A_537 = arith.constant 3 : i32
      %dma_wait3A_538 = arith.constant 0 : i32
      %dma_wait3A_539 = arith.constant 0 : i32
      %dma_wait3A_540 = tpu.memref_slice %arg6[%dma_wait3A_536, %dma_wait3A_538, %dma_wait3A_539] : memref<8x128x64xf32, #tpu.memory_space<vmem>> -> memref<1x128x64xf32, #tpu.memory_space<vmem>>
      %dma_wait3A_541 = tpu.memref_squeeze %dma_wait3A_540 : memref<1x128x64xf32, #tpu.memory_space<vmem>> -> memref<128x64xf32, #tpu.memory_space<vmem>>
      %dma_wait3A_542 = arith.constant 0 : i32
      %dma_wait3A_543 = tpu.memref_slice %arg5[%add3A_535, %dma_wait3A_542] : memref<200x128xi32, #tpu.memory_space<vmem>> -> memref<1x128xi32, #tpu.memory_space<vmem>>
      %dma_wait3A_544 = tpu.memref_squeeze %dma_wait3A_543 : memref<1x128xi32, #tpu.memory_space<vmem>> -> memref<128xi32, #tpu.memory_space<vmem>>
      %dma_wait3A_545 = arith.constant 0 : i32
      %dma_wait3A_546 = arith.constant 0 : i32
      %dma_wait3A_547 = tpu.memref_slice %arg3[%dma_wait3A_545, %dma_wait3A_546] : memref<1000000x64xf32, #tpu.memory_space<hbm>> -> memref<1000000x64xf32, #tpu.memory_space<hbm>>
      %dma_wait3A_548 = tpu.memref_slice %arg8[%dma_wait3A_537] : memref<8x!tpu.dma_semaphore, #tpu.memory_space<semaphore_mem>> -> memref<1x!tpu.dma_semaphore, #tpu.memory_space<semaphore_mem>>
      %dma_wait3A_549 = tpu.memref_squeeze %dma_wait3A_548 : memref<1x!tpu.dma_semaphore, #tpu.memory_space<semaphore_mem>> -> memref<!tpu.dma_semaphore, #tpu.memory_space<semaphore_mem>>
      tpu.wait_indirect_dma semaphore(%dma_wait3A_549 : memref<!tpu.dma_semaphore, #tpu.memory_space<semaphore_mem>>) src(%dma_wait3A_547 : memref<1000000x64xf32, #tpu.memory_space<hbm>>) dst(%dma_wait3A_541 : memref<128x64xf32, #tpu.memory_space<vmem>>)
      %ge3A_550 = arith.constant 1 : i32
      %ge3A_551 = arith.cmpi sge, %add3A_535, %ge3A_550 : i32
      %convert_element_type3A_552 = arith.extui %ge3A_551 : i1 to i32
      %cond3A_553 = arith.constant 0 : i32
      %cond3A_554 = arith.cmpi ne, %convert_element_type3A_552, %cond3A_553 : i32
      scf.if %cond3A_554 {
        %sub3A_714 = arith.constant 1 : i32
        %sub3A_715 = arith.subi %add3A_535, %sub3A_714 : i32
        %add3A_716 = arith.addi %mul3A_2, %sub3A_715 : i32
        %jit3A_717 = arith.constant 32 : i32
        %div3A_718 = arith.divsi %add3A_716, %jit3A_717 : i32
        %sign3A_719 = arith.constant 0 : i32
        %sign3A_720 = arith.cmpi sgt, %add3A_716, %sign3A_719 : i32
        %sign3A_721 = arith.extui %sign3A_720 : i1 to i32
        %sign3A_722 = arith.constant 0 : i32
        %sign3A_723 = arith.cmpi slt, %add3A_716, %sign3A_722 : i32
        %sign3A_724 = arith.extui %sign3A_723 : i1 to i32
        %sign3A_725 = arith.subi %sign3A_721, %sign3A_724 : i32
        %sign3A_726 = arith.constant 0 : i32
        %sign3A_727 = arith.cmpi sgt, %jit3A_717, %sign3A_726 : i32
        %sign3A_728 = arith.extui %sign3A_727 : i1 to i32
        %sign3A_729 = arith.constant 0 : i32
        %sign3A_730 = arith.cmpi slt, %jit3A_717, %sign3A_729 : i32
        %sign3A_731 = arith.extui %sign3A_730 : i1 to i32
        %sign3A_732 = arith.subi %sign3A_728, %sign3A_731 : i32
        %ne3A_733 = arith.cmpi ne, %sign3A_725, %sign3A_732 : i32
        %rem3A_734 = arith.remsi %add3A_716, %jit3A_717 : i32
        %ne3A_735 = arith.constant 0 : i32
        %ne3A_736 = arith.cmpi ne, %rem3A_734, %ne3A_735 : i32
        %and3A_737 = arith.andi %ne3A_733, %ne3A_736 : i1
        %sub3A_738 = arith.constant 1 : i32
        %sub3A_739 = arith.subi %div3A_718, %sub3A_738 : i32
        %select_n3A_740 = arith.select %and3A_737, %sub3A_739, %div3A_718 : i32
        %jit3A_741 = arith.constant 32 : i32
        %eq3A_742 = arith.constant 0 : i32
        %eq3A_743 = arith.cmpi eq, %jit3A_741, %eq3A_742 : i32
        %jit3A_744 = arith.constant 1 : i32
        %select_n3A_745 = arith.select %eq3A_743, %jit3A_744, %jit3A_741 : i32
        %rem3A_746 = arith.remsi %add3A_716, %select_n3A_745 : i32
        %ne3A_747 = arith.constant 0 : i32
        %ne3A_748 = arith.cmpi ne, %rem3A_746, %ne3A_747 : i32
        %lt3A_749 = arith.constant 0 : i32
        %lt3A_750 = arith.cmpi slt, %rem3A_746, %lt3A_749 : i32
        %lt3A_751 = arith.constant 0 : i32
        %lt3A_752 = arith.cmpi slt, %select_n3A_745, %lt3A_751 : i32
        %ne3A_753 = arith.xori %lt3A_750, %lt3A_752 : i1
        %and3A_754 = arith.andi %ne3A_753, %ne3A_748 : i1
        %add3A_755 = arith.addi %rem3A_746, %select_n3A_745 : i32
        %select_n3A_756 = arith.select %and3A_754, %add3A_755, %rem3A_746 : i32
        %dma_start3A_757 = arith.constant 2 : i32
        %dma_start3A_758 = arith.constant 2 : i32
        %dma_start3A_759 = arith.constant 0 : i32
        %dma_start3A_760 = arith.constant 0 : i32
        %dma_start3A_761 = arith.constant 0 : i32
        %dma_start3A_762 = tpu.memref_slice %arg7[%dma_start3A_757, %dma_start3A_759, %dma_start3A_760, %dma_start3A_761] : memref<4x8x8x129xf32, #tpu.memory_space<vmem>> -> memref<1x8x8x128xf32, #tpu.memory_space<vmem>>
        %dma_start3A_763 = tpu.memref_squeeze %dma_start3A_762 : memref<1x8x8x128xf32, #tpu.memory_space<vmem>> -> memref<8x8x128xf32, #tpu.memory_space<vmem>>
        %dma_start3A_764 = arith.constant 0 : i32
        %dma_start3A_765 = arith.constant 0 : i32
        %dma_start3A_766 = arith.constant 0 : i32
        %dma_start3A_767 = tpu.memref_slice %arg4[%select_n3A_740, %dma_start3A_764, %select_n3A_756, %dma_start3A_765, %dma_start3A_766] : memref<200x8x32x8x128xf32, #tpu.memory_space<hbm>> -> memref<1x8x1x8x128xf32, #tpu.memory_space<hbm>>
        %dma_start3A_768 = tpu.memref_squeeze %dma_start3A_767 : memref<1x8x1x8x128xf32, #tpu.memory_space<hbm>> -> memref<8x8x128xf32, #tpu.memory_space<hbm>>
        %dma_start3A_769 = tpu.memref_slice %arg9[%dma_start3A_758] : memref<4x!tpu.dma_semaphore, #tpu.memory_space<semaphore_mem>> -> memref<1x!tpu.dma_semaphore, #tpu.memory_space<semaphore_mem>>
        %dma_start3A_770 = tpu.memref_squeeze %dma_start3A_769 : memref<1x!tpu.dma_semaphore, #tpu.memory_space<semaphore_mem>> -> memref<!tpu.dma_semaphore, #tpu.memory_space<semaphore_mem>>
        %dma_start3A_771 = arith.constant 0 : i32
        %dma_start3A_772 = arith.constant 0 : i32
        %dma_start3A_773 = arith.constant 0 : i32
        %dma_start3A_774 = tpu.memref_slice %arg4[%select_n3A_740, %dma_start3A_771, %select_n3A_756, %dma_start3A_772, %dma_start3A_773] : memref<200x8x32x8x128xf32, #tpu.memory_space<hbm>> -> memref<1x8x1x8x128xf32, #tpu.memory_space<hbm>>
        %dma_start3A_775 = tpu.memref_squeeze %dma_start3A_774 : memref<1x8x1x8x128xf32, #tpu.memory_space<hbm>> -> memref<8x8x128xf32, #tpu.memory_space<hbm>>
        %dma_start3A_776 = arith.constant 0 : i32
        %dma_start3A_777 = arith.constant 0 : i32
        %dma_start3A_778 = arith.constant 0 : i32
        %dma_start3A_779 = tpu.memref_slice %arg7[%dma_start3A_757, %dma_start3A_776, %dma_start3A_777, %dma_start3A_778] : memref<4x8x8x129xf32, #tpu.memory_space<vmem>> -> memref<1x8x8x128xf32, #tpu.memory_space<vmem>>
        %dma_start3A_780 = tpu.memref_squeeze %dma_start3A_779 : memref<1x8x8x128xf32, #tpu.memory_space<vmem>> -> memref<8x8x128xf32, #tpu.memory_space<vmem>>
        tpu.enqueue_dma source(%dma_start3A_780 : memref<8x8x128xf32, #tpu.memory_space<vmem>>) target(%dma_start3A_775 : memref<8x8x128xf32, #tpu.memory_space<hbm>>) target_semaphore(%dma_start3A_770 : memref<!tpu.dma_semaphore, #tpu.memory_space<semaphore_mem>>)
      } else {
      }
      %ge3A_555 = arith.constant 4 : i32
      %ge3A_556 = arith.cmpi sge, %add3A_535, %ge3A_555 : i32
      %convert_element_type3A_557 = arith.extui %ge3A_556 : i1 to i32
      %cond3A_558 = arith.constant 0 : i32
      %cond3A_559 = arith.cmpi ne, %convert_element_type3A_557, %cond3A_558 : i32
      scf.if %cond3A_559 {
        %sub3A_714 = arith.constant 4 : i32
        %sub3A_715 = arith.subi %add3A_535, %sub3A_714 : i32
        %add3A_716 = arith.addi %mul3A_2, %sub3A_715 : i32
        %jit3A_717 = arith.constant 32 : i32
        %div3A_718 = arith.divsi %add3A_716, %jit3A_717 : i32
        %sign3A_719 = arith.constant 0 : i32
        %sign3A_720 = arith.cmpi sgt, %add3A_716, %sign3A_719 : i32
        %sign3A_721 = arith.extui %sign3A_720 : i1 to i32
        %sign3A_722 = arith.constant 0 : i32
        %sign3A_723 = arith.cmpi slt, %add3A_716, %sign3A_722 : i32
        %sign3A_724 = arith.extui %sign3A_723 : i1 to i32
        %sign3A_725 = arith.subi %sign3A_721, %sign3A_724 : i32
        %sign3A_726 = arith.constant 0 : i32
        %sign3A_727 = arith.cmpi sgt, %jit3A_717, %sign3A_726 : i32
        %sign3A_728 = arith.extui %sign3A_727 : i1 to i32
        %sign3A_729 = arith.constant 0 : i32
        %sign3A_730 = arith.cmpi slt, %jit3A_717, %sign3A_729 : i32
        %sign3A_731 = arith.extui %sign3A_730 : i1 to i32
        %sign3A_732 = arith.subi %sign3A_728, %sign3A_731 : i32
        %ne3A_733 = arith.cmpi ne, %sign3A_725, %sign3A_732 : i32
        %rem3A_734 = arith.remsi %add3A_716, %jit3A_717 : i32
        %ne3A_735 = arith.constant 0 : i32
        %ne3A_736 = arith.cmpi ne, %rem3A_734, %ne3A_735 : i32
        %and3A_737 = arith.andi %ne3A_733, %ne3A_736 : i1
        %sub3A_738 = arith.constant 1 : i32
        %sub3A_739 = arith.subi %div3A_718, %sub3A_738 : i32
        %select_n3A_740 = arith.select %and3A_737, %sub3A_739, %div3A_718 : i32
        %jit3A_741 = arith.constant 32 : i32
        %eq3A_742 = arith.constant 0 : i32
        %eq3A_743 = arith.cmpi eq, %jit3A_741, %eq3A_742 : i32
        %jit3A_744 = arith.constant 1 : i32
        %select_n3A_745 = arith.select %eq3A_743, %jit3A_744, %jit3A_741 : i32
        %rem3A_746 = arith.remsi %add3A_716, %select_n3A_745 : i32
        %ne3A_747 = arith.constant 0 : i32
        %ne3A_748 = arith.cmpi ne, %rem3A_746, %ne3A_747 : i32
        %lt3A_749 = arith.constant 0 : i32
        %lt3A_750 = arith.cmpi slt, %rem3A_746, %lt3A_749 : i32
        %lt3A_751 = arith.constant 0 : i32
        %lt3A_752 = arith.cmpi slt, %select_n3A_745, %lt3A_751 : i32
        %ne3A_753 = arith.xori %lt3A_750, %lt3A_752 : i1
        %and3A_754 = arith.andi %ne3A_753, %ne3A_748 : i1
        %add3A_755 = arith.addi %rem3A_746, %select_n3A_745 : i32
        %select_n3A_756 = arith.select %and3A_754, %add3A_755, %rem3A_746 : i32
        %dma_wait3A_757 = arith.constant 3 : i32
        %dma_wait3A_758 = arith.constant 3 : i32
        %dma_wait3A_759 = arith.constant 0 : i32
        %dma_wait3A_760 = arith.constant 0 : i32
        %dma_wait3A_761 = arith.constant 0 : i32
        %dma_wait3A_762 = tpu.memref_slice %arg7[%dma_wait3A_757, %dma_wait3A_759, %dma_wait3A_760, %dma_wait3A_761] : memref<4x8x8x129xf32, #tpu.memory_space<vmem>> -> memref<1x8x8x128xf32, #tpu.memory_space<vmem>>
        %dma_wait3A_763 = tpu.memref_squeeze %dma_wait3A_762 : memref<1x8x8x128xf32, #tpu.memory_space<vmem>> -> memref<8x8x128xf32, #tpu.memory_space<vmem>>
        %dma_wait3A_764 = arith.constant 0 : i32
        %dma_wait3A_765 = arith.constant 0 : i32
        %dma_wait3A_766 = arith.constant 0 : i32
        %dma_wait3A_767 = tpu.memref_slice %arg4[%select_n3A_740, %dma_wait3A_764, %select_n3A_756, %dma_wait3A_765, %dma_wait3A_766] : memref<200x8x32x8x128xf32, #tpu.memory_space<hbm>> -> memref<1x8x1x8x128xf32, #tpu.memory_space<hbm>>
        %dma_wait3A_768 = tpu.memref_squeeze %dma_wait3A_767 : memref<1x8x1x8x128xf32, #tpu.memory_space<hbm>> -> memref<8x8x128xf32, #tpu.memory_space<hbm>>
        %dma_wait3A_769 = tpu.memref_slice %arg9[%dma_wait3A_758] : memref<4x!tpu.dma_semaphore, #tpu.memory_space<semaphore_mem>> -> memref<1x!tpu.dma_semaphore, #tpu.memory_space<semaphore_mem>>
        %dma_wait3A_770 = tpu.memref_squeeze %dma_wait3A_769 : memref<1x!tpu.dma_semaphore, #tpu.memory_space<semaphore_mem>> -> memref<!tpu.dma_semaphore, #tpu.memory_space<semaphore_mem>>
        %dma_wait3A_771 = arith.constant 0 : i32
        %dma_wait3A_772 = arith.constant 0 : i32
        %dma_wait3A_773 = arith.constant 0 : i32
        %dma_wait3A_774 = tpu.memref_slice %arg4[%select_n3A_740, %dma_wait3A_771, %select_n3A_756, %dma_wait3A_772, %dma_wait3A_773] : memref<200x8x32x8x128xf32, #tpu.memory_space<hbm>> -> memref<1x8x1x8x128xf32, #tpu.memory_space<hbm>>
        %dma_wait3A_775 = tpu.memref_squeeze %dma_wait3A_774 : memref<1x8x1x8x128xf32, #tpu.memory_space<hbm>> -> memref<8x8x128xf32, #tpu.memory_space<hbm>>
        %dma_wait3A_776 = arith.constant 0 : i32
        %dma_wait3A_777 = arith.constant 0 : i32
        %dma_wait3A_778 = arith.constant 0 : i32
        %dma_wait3A_779 = tpu.memref_slice %arg7[%dma_wait3A_757, %dma_wait3A_776, %dma_wait3A_777, %dma_wait3A_778] : memref<4x8x8x129xf32, #tpu.memory_space<vmem>> -> memref<1x8x8x128xf32, #tpu.memory_space<vmem>>
        %dma_wait3A_780 = tpu.memref_squeeze %dma_wait3A_779 : memref<1x8x8x128xf32, #tpu.memory_space<vmem>> -> memref<8x8x128xf32, #tpu.memory_space<vmem>>
        tpu.wait_dma2 semaphore(%dma_wait3A_770 : memref<!tpu.dma_semaphore, #tpu.memory_space<semaphore_mem>>) src(%dma_wait3A_780 : memref<8x8x128xf32, #tpu.memory_space<vmem>>) dst(%dma_wait3A_775 : memref<8x8x128xf32, #tpu.memory_space<hbm>>)
      } else {
      }
      %parallel_loop3A_560 = arith.constant 0 : i32
      %parallel_loop3A_561 = arith.constant 128 : i32
      %parallel_loop3A_562 = arith.constant 1 : i32
      scf.for %parallel_loop3A_714 = %parallel_loop3A_560 to %parallel_loop3A_561 step %parallel_loop3A_562  : i32 {
        %parallel_loop3A_715 = vector.broadcast %parallel_loop3A_714 : i32 to vector<16xi32>
        %parallel_loop3A_716 = arith.addi %broadcast_in_dim3A_40, %parallel_loop3A_715 : vector<16xi32>
        %parallel_loop3A_717 = arith.constant 3 : i32
        %parallel_loop3A_718 = arith.index_cast %parallel_loop3A_717 : i32 to index
        %parallel_loop3A_719 = arith.index_cast %parallel_loop3A_714 : i32 to index
        %parallel_loop3A_720 = arith.constant 0 : index
        %parallel_loop3A_721 = tpu.vector_load %arg6[%parallel_loop3A_718, %parallel_loop3A_719, %parallel_loop3A_720] {strides = array<i32>} : memref<8x128x64xf32, #tpu.memory_space<vmem>>, vector<16xf32>,
        %parallel_loop3A_722 = arith.constant 8.000000e+00 : f32
        %parallel_loop3A_723 = vector.broadcast %parallel_loop3A_722 : f32 to vector<16xf32>
        %parallel_loop3A_724 = arith.mulf %parallel_loop3A_721, %parallel_loop3A_723 : vector<16xf32>
        %parallel_loop3A_725 = arith.constant 3 : i32
        %parallel_loop3A_726 = arith.constant 0 : i32
        %parallel_loop3A_727 = arith.constant 0 : i32
        %parallel_loop3A_728 = arith.constant 0 : i32
        %parallel_loop3A_729 = tpu.memref_slice %arg7[%parallel_loop3A_725, %parallel_loop3A_726, %parallel_loop3A_727, %parallel_loop3A_728] : memref<4x8x8x129xf32, #tpu.memory_space<vmem>> -> memref<1x8x8x129xf32, #tpu.memory_space<vmem>>
        %parallel_loop3A_730 = tpu.memref_squeeze %parallel_loop3A_729 : memref<1x8x8x129xf32, #tpu.memory_space<vmem>> -> memref<8x8x129xf32, #tpu.memory_space<vmem>>
        tpu.vector_store_idx %parallel_loop3A_730[%shift_right_logical3A_19, %and3A_30, %parallel_loop3A_716], %parallel_loop3A_724 : memref<8x8x129xf32, #tpu.memory_space<vmem>>[vector<16xi32>, vector<16xi32>, vector<16xi32>], vector<16xf32>,
        %parallel_loop3A_731 = arith.constant 3 : i32
        %parallel_loop3A_732 = arith.index_cast %parallel_loop3A_731 : i32 to index
        %parallel_loop3A_733 = arith.index_cast %parallel_loop3A_714 : i32 to index
        %parallel_loop3A_734 = arith.constant 16 : index
        %parallel_loop3A_735 = tpu.vector_load %arg6[%parallel_loop3A_732, %parallel_loop3A_733, %parallel_loop3A_734] {strides = array<i32>} : memref<8x128x64xf32, #tpu.memory_space<vmem>>, vector<16xf32>,
        %parallel_loop3A_736 = arith.constant 8.000000e+00 : f32
        %parallel_loop3A_737 = vector.broadcast %parallel_loop3A_736 : f32 to vector<16xf32>
        %parallel_loop3A_738 = arith.mulf %parallel_loop3A_735, %parallel_loop3A_737 : vector<16xf32>
        %parallel_loop3A_739 = arith.constant 3 : i32
        %parallel_loop3A_740 = arith.constant 0 : i32
        %parallel_loop3A_741 = arith.constant 0 : i32
        %parallel_loop3A_742 = arith.constant 0 : i32
        %parallel_loop3A_743 = tpu.memref_slice %arg7[%parallel_loop3A_739, %parallel_loop3A_740, %parallel_loop3A_741, %parallel_loop3A_742] : memref<4x8x8x129xf32, #tpu.memory_space<vmem>> -> memref<1x8x8x129xf32, #tpu.memory_space<vmem>>
        %parallel_loop3A_744 = tpu.memref_squeeze %parallel_loop3A_743 : memref<1x8x8x129xf32, #tpu.memory_space<vmem>> -> memref<8x8x129xf32, #tpu.memory_space<vmem>>
        tpu.vector_store_idx %parallel_loop3A_744[%shift_right_logical3A_22, %and3A_33, %parallel_loop3A_716], %parallel_loop3A_738 : memref<8x8x129xf32, #tpu.memory_space<vmem>>[vector<16xi32>, vector<16xi32>, vector<16xi32>], vector<16xf32>,
        %parallel_loop3A_745 = arith.constant 3 : i32
        %parallel_loop3A_746 = arith.index_cast %parallel_loop3A_745 : i32 to index
        %parallel_loop3A_747 = arith.index_cast %parallel_loop3A_714 : i32 to index
        %parallel_loop3A_748 = arith.constant 32 : index
        %parallel_loop3A_749 = tpu.vector_load %arg6[%parallel_loop3A_746, %parallel_loop3A_747, %parallel_loop3A_748] {strides = array<i32>} : memref<8x128x64xf32, #tpu.memory_space<vmem>>, vector<16xf32>,
        %parallel_loop3A_750 = arith.constant 8.000000e+00 : f32
        %parallel_loop3A_751 = vector.broadcast %parallel_loop3A_750 : f32 to vector<16xf32>
        %parallel_loop3A_752 = arith.mulf %parallel_loop3A_749, %parallel_loop3A_751 : vector<16xf32>
        %parallel_loop3A_753 = arith.constant 3 : i32
        %parallel_loop3A_754 = arith.constant 0 : i32
        %parallel_loop3A_755 = arith.constant 0 : i32
        %parallel_loop3A_756 = arith.constant 0 : i32
        %parallel_loop3A_757 = tpu.memref_slice %arg7[%parallel_loop3A_753, %parallel_loop3A_754, %parallel_loop3A_755, %parallel_loop3A_756] : memref<4x8x8x129xf32, #tpu.memory_space<vmem>> -> memref<1x8x8x129xf32, #tpu.memory_space<vmem>>
        %parallel_loop3A_758 = tpu.memref_squeeze %parallel_loop3A_757 : memref<1x8x8x129xf32, #tpu.memory_space<vmem>> -> memref<8x8x129xf32, #tpu.memory_space<vmem>>
        tpu.vector_store_idx %parallel_loop3A_758[%shift_right_logical3A_25, %and3A_36, %parallel_loop3A_716], %parallel_loop3A_752 : memref<8x8x129xf32, #tpu.memory_space<vmem>>[vector<16xi32>, vector<16xi32>, vector<16xi32>], vector<16xf32>,
        %parallel_loop3A_759 = arith.constant 3 : i32
        %parallel_loop3A_760 = arith.index_cast %parallel_loop3A_759 : i32 to index
        %parallel_loop3A_761 = arith.index_cast %parallel_loop3A_714 : i32 to index
        %parallel_loop3A_762 = arith.constant 48 : index
        %parallel_loop3A_763 = tpu.vector_load %arg6[%parallel_loop3A_760, %parallel_loop3A_761, %parallel_loop3A_762] {strides = array<i32>} : memref<8x128x64xf32, #tpu.memory_space<vmem>>, vector<16xf32>,
        %parallel_loop3A_764 = arith.constant 8.000000e+00 : f32
        %parallel_loop3A_765 = vector.broadcast %parallel_loop3A_764 : f32 to vector<16xf32>
        %parallel_loop3A_766 = arith.mulf %parallel_loop3A_763, %parallel_loop3A_765 : vector<16xf32>
        %parallel_loop3A_767 = arith.constant 3 : i32
        %parallel_loop3A_768 = arith.constant 0 : i32
        %parallel_loop3A_769 = arith.constant 0 : i32
        %parallel_loop3A_770 = arith.constant 0 : i32
        %parallel_loop3A_771 = tpu.memref_slice %arg7[%parallel_loop3A_767, %parallel_loop3A_768, %parallel_loop3A_769, %parallel_loop3A_770] : memref<4x8x8x129xf32, #tpu.memory_space<vmem>> -> memref<1x8x8x129xf32, #tpu.memory_space<vmem>>
        %parallel_loop3A_772 = tpu.memref_squeeze %parallel_loop3A_771 : memref<1x8x8x129xf32, #tpu.memory_space<vmem>> -> memref<8x8x129xf32, #tpu.memory_space<vmem>>
        tpu.vector_store_idx %parallel_loop3A_772[%shift_right_logical3A_28, %and3A_39, %parallel_loop3A_716], %parallel_loop3A_766 : memref<8x8x129xf32, #tpu.memory_space<vmem>>[vector<16xi32>, vector<16xi32>, vector<16xi32>], vector<16xf32>,
      } {sc.loop_unroll_factor = 4 : i64, sc.parallel_access}
      %add3A_563 = arith.constant 4 : i32
      %add3A_564 = arith.addi %add3A_535, %add3A_563 : i32
      %lt3A_565 = arith.constant 200 : i32
      %lt3A_566 = arith.cmpi slt, %add3A_564, %lt3A_565 : i32
      %convert_element_type3A_567 = arith.extui %lt3A_566 : i1 to i32
      %cond3A_568 = arith.constant 0 : i32
      %cond3A_569 = arith.cmpi ne, %convert_element_type3A_567, %cond3A_568 : i32
      scf.if %cond3A_569 {
        %add3A_714 = arith.constant 4 : i32
        %add3A_715 = arith.addi %add3A_535, %add3A_714 : i32
        %dma_start3A_716 = arith.constant 7 : i32
        %dma_start3A_717 = arith.constant 7 : i32
        %dma_start3A_718 = arith.constant 0 : i32
        %dma_start3A_719 = arith.constant 0 : i32
        %dma_start3A_720 = tpu.memref_slice %arg6[%dma_start3A_716, %dma_start3A_718, %dma_start3A_719] : memref<8x128x64xf32, #tpu.memory_space<vmem>> -> memref<1x128x64xf32, #tpu.memory_space<vmem>>
        %dma_start3A_721 = tpu.memref_squeeze %dma_start3A_720 : memref<1x128x64xf32, #tpu.memory_space<vmem>> -> memref<128x64xf32, #tpu.memory_space<vmem>>
        %dma_start3A_722 = arith.constant 0 : i32
        %dma_start3A_723 = tpu.memref_slice %arg5[%add3A_715, %dma_start3A_722] : memref<200x128xi32, #tpu.memory_space<vmem>> -> memref<1x128xi32, #tpu.memory_space<vmem>>
        %dma_start3A_724 = tpu.memref_squeeze %dma_start3A_723 : memref<1x128xi32, #tpu.memory_space<vmem>> -> memref<128xi32, #tpu.memory_space<vmem>>
        %dma_start3A_725 = arith.constant 0 : i32
        %dma_start3A_726 = arith.constant 0 : i32
        %dma_start3A_727 = tpu.memref_slice %arg3[%dma_start3A_725, %dma_start3A_726] : memref<1000000x64xf32, #tpu.memory_space<hbm>> -> memref<1000000x64xf32, #tpu.memory_space<hbm>>
        %dma_start3A_728 = tpu.memref_slice %arg8[%dma_start3A_717] : memref<8x!tpu.dma_semaphore, #tpu.memory_space<semaphore_mem>> -> memref<1x!tpu.dma_semaphore, #tpu.memory_space<semaphore_mem>>
        %dma_start3A_729 = tpu.memref_squeeze %dma_start3A_728 : memref<1x!tpu.dma_semaphore, #tpu.memory_space<semaphore_mem>> -> memref<!tpu.dma_semaphore, #tpu.memory_space<semaphore_mem>>
        tpu.enqueue_indirect_dma source(%dma_start3A_727 : memref<1000000x64xf32, #tpu.memory_space<hbm>>) target(%dma_start3A_721 : memref<128x64xf32, #tpu.memory_space<vmem>>) offsets(%dma_start3A_724 : memref<128xi32, #tpu.memory_space<vmem>>) semaphore(%dma_start3A_729 : memref<!tpu.dma_semaphore, #tpu.memory_space<semaphore_mem>>)
      } else {
      }
      %add3A_570 = arith.constant 4 : i32
      %add3A_571 = arith.addi %mul3A_429, %add3A_570 : i32
      %dma_wait3A_572 = arith.constant 4 : i32
      %dma_wait3A_573 = arith.constant 4 : i32
      %dma_wait3A_574 = arith.constant 0 : i32
      %dma_wait3A_575 = arith.constant 0 : i32
      %dma_wait3A_576 = tpu.memref_slice %arg6[%dma_wait3A_572, %dma_wait3A_574, %dma_wait3A_575] : memref<8x128x64xf32, #tpu.memory_space<vmem>> -> memref<1x128x64xf32, #tpu.memory_space<vmem>>
      %dma_wait3A_577 = tpu.memref_squeeze %dma_wait3A_576 : memref<1x128x64xf32, #tpu.memory_space<vmem>> -> memref<128x64xf32, #tpu.memory_space<vmem>>
      %dma_wait3A_578 = arith.constant 0 : i32
      %dma_wait3A_579 = tpu.memref_slice %arg5[%add3A_571, %dma_wait3A_578] : memref<200x128xi32, #tpu.memory_space<vmem>> -> memref<1x128xi32, #tpu.memory_space<vmem>>
      %dma_wait3A_580 = tpu.memref_squeeze %dma_wait3A_579 : memref<1x128xi32, #tpu.memory_space<vmem>> -> memref<128xi32, #tpu.memory_space<vmem>>
      %dma_wait3A_581 = arith.constant 0 : i32
      %dma_wait3A_582 = arith.constant 0 : i32
      %dma_wait3A_583 = tpu.memref_slice %arg3[%dma_wait3A_581, %dma_wait3A_582] : memref<1000000x64xf32, #tpu.memory_space<hbm>> -> memref<1000000x64xf32, #tpu.memory_space<hbm>>
      %dma_wait3A_584 = tpu.memref_slice %arg8[%dma_wait3A_573] : memref<8x!tpu.dma_semaphore, #tpu.memory_space<semaphore_mem>> -> memref<1x!tpu.dma_semaphore, #tpu.memory_space<semaphore_mem>>
      %dma_wait3A_585 = tpu.memref_squeeze %dma_wait3A_584 : memref<1x!tpu.dma_semaphore, #tpu.memory_space<semaphore_mem>> -> memref<!tpu.dma_semaphore, #tpu.memory_space<semaphore_mem>>
      tpu.wait_indirect_dma semaphore(%dma_wait3A_585 : memref<!tpu.dma_semaphore, #tpu.memory_space<semaphore_mem>>) src(%dma_wait3A_583 : memref<1000000x64xf32, #tpu.memory_space<hbm>>) dst(%dma_wait3A_577 : memref<128x64xf32, #tpu.memory_space<vmem>>)
      %ge3A_586 = arith.constant 1 : i32
      %ge3A_587 = arith.cmpi sge, %add3A_571, %ge3A_586 : i32
      %convert_element_type3A_588 = arith.extui %ge3A_587 : i1 to i32
      %cond3A_589 = arith.constant 0 : i32
      %cond3A_590 = arith.cmpi ne, %convert_element_type3A_588, %cond3A_589 : i32
      scf.if %cond3A_590 {
        %sub3A_714 = arith.constant 1 : i32
        %sub3A_715 = arith.subi %add3A_571, %sub3A_714 : i32
        %add3A_716 = arith.addi %mul3A_2, %sub3A_715 : i32
        %jit3A_717 = arith.constant 32 : i32
        %div3A_718 = arith.divsi %add3A_716, %jit3A_717 : i32
        %sign3A_719 = arith.constant 0 : i32
        %sign3A_720 = arith.cmpi sgt, %add3A_716, %sign3A_719 : i32
        %sign3A_721 = arith.extui %sign3A_720 : i1 to i32
        %sign3A_722 = arith.constant 0 : i32
        %sign3A_723 = arith.cmpi slt, %add3A_716, %sign3A_722 : i32
        %sign3A_724 = arith.extui %sign3A_723 : i1 to i32
        %sign3A_725 = arith.subi %sign3A_721, %sign3A_724 : i32
        %sign3A_726 = arith.constant 0 : i32
        %sign3A_727 = arith.cmpi sgt, %jit3A_717, %sign3A_726 : i32
        %sign3A_728 = arith.extui %sign3A_727 : i1 to i32
        %sign3A_729 = arith.constant 0 : i32
        %sign3A_730 = arith.cmpi slt, %jit3A_717, %sign3A_729 : i32
        %sign3A_731 = arith.extui %sign3A_730 : i1 to i32
        %sign3A_732 = arith.subi %sign3A_728, %sign3A_731 : i32
        %ne3A_733 = arith.cmpi ne, %sign3A_725, %sign3A_732 : i32
        %rem3A_734 = arith.remsi %add3A_716, %jit3A_717 : i32
        %ne3A_735 = arith.constant 0 : i32
        %ne3A_736 = arith.cmpi ne, %rem3A_734, %ne3A_735 : i32
        %and3A_737 = arith.andi %ne3A_733, %ne3A_736 : i1
        %sub3A_738 = arith.constant 1 : i32
        %sub3A_739 = arith.subi %div3A_718, %sub3A_738 : i32
        %select_n3A_740 = arith.select %and3A_737, %sub3A_739, %div3A_718 : i32
        %jit3A_741 = arith.constant 32 : i32
        %eq3A_742 = arith.constant 0 : i32
        %eq3A_743 = arith.cmpi eq, %jit3A_741, %eq3A_742 : i32
        %jit3A_744 = arith.constant 1 : i32
        %select_n3A_745 = arith.select %eq3A_743, %jit3A_744, %jit3A_741 : i32
        %rem3A_746 = arith.remsi %add3A_716, %select_n3A_745 : i32
        %ne3A_747 = arith.constant 0 : i32
        %ne3A_748 = arith.cmpi ne, %rem3A_746, %ne3A_747 : i32
        %lt3A_749 = arith.constant 0 : i32
        %lt3A_750 = arith.cmpi slt, %rem3A_746, %lt3A_749 : i32
        %lt3A_751 = arith.constant 0 : i32
        %lt3A_752 = arith.cmpi slt, %select_n3A_745, %lt3A_751 : i32
        %ne3A_753 = arith.xori %lt3A_750, %lt3A_752 : i1
        %and3A_754 = arith.andi %ne3A_753, %ne3A_748 : i1
        %add3A_755 = arith.addi %rem3A_746, %select_n3A_745 : i32
        %select_n3A_756 = arith.select %and3A_754, %add3A_755, %rem3A_746 : i32
        %dma_start3A_757 = arith.constant 3 : i32
        %dma_start3A_758 = arith.constant 3 : i32
        %dma_start3A_759 = arith.constant 0 : i32
        %dma_start3A_760 = arith.constant 0 : i32
        %dma_start3A_761 = arith.constant 0 : i32
        %dma_start3A_762 = tpu.memref_slice %arg7[%dma_start3A_757, %dma_start3A_759, %dma_start3A_760, %dma_start3A_761] : memref<4x8x8x129xf32, #tpu.memory_space<vmem>> -> memref<1x8x8x128xf32, #tpu.memory_space<vmem>>
        %dma_start3A_763 = tpu.memref_squeeze %dma_start3A_762 : memref<1x8x8x128xf32, #tpu.memory_space<vmem>> -> memref<8x8x128xf32, #tpu.memory_space<vmem>>
        %dma_start3A_764 = arith.constant 0 : i32
        %dma_start3A_765 = arith.constant 0 : i32
        %dma_start3A_766 = arith.constant 0 : i32
        %dma_start3A_767 = tpu.memref_slice %arg4[%select_n3A_740, %dma_start3A_764, %select_n3A_756, %dma_start3A_765, %dma_start3A_766] : memref<200x8x32x8x128xf32, #tpu.memory_space<hbm>> -> memref<1x8x1x8x128xf32, #tpu.memory_space<hbm>>
        %dma_start3A_768 = tpu.memref_squeeze %dma_start3A_767 : memref<1x8x1x8x128xf32, #tpu.memory_space<hbm>> -> memref<8x8x128xf32, #tpu.memory_space<hbm>>
        %dma_start3A_769 = tpu.memref_slice %arg9[%dma_start3A_758] : memref<4x!tpu.dma_semaphore, #tpu.memory_space<semaphore_mem>> -> memref<1x!tpu.dma_semaphore, #tpu.memory_space<semaphore_mem>>
        %dma_start3A_770 = tpu.memref_squeeze %dma_start3A_769 : memref<1x!tpu.dma_semaphore, #tpu.memory_space<semaphore_mem>> -> memref<!tpu.dma_semaphore, #tpu.memory_space<semaphore_mem>>
        %dma_start3A_771 = arith.constant 0 : i32
        %dma_start3A_772 = arith.constant 0 : i32
        %dma_start3A_773 = arith.constant 0 : i32
        %dma_start3A_774 = tpu.memref_slice %arg4[%select_n3A_740, %dma_start3A_771, %select_n3A_756, %dma_start3A_772, %dma_start3A_773] : memref<200x8x32x8x128xf32, #tpu.memory_space<hbm>> -> memref<1x8x1x8x128xf32, #tpu.memory_space<hbm>>
        %dma_start3A_775 = tpu.memref_squeeze %dma_start3A_774 : memref<1x8x1x8x128xf32, #tpu.memory_space<hbm>> -> memref<8x8x128xf32, #tpu.memory_space<hbm>>
        %dma_start3A_776 = arith.constant 0 : i32
        %dma_start3A_777 = arith.constant 0 : i32
        %dma_start3A_778 = arith.constant 0 : i32
        %dma_start3A_779 = tpu.memref_slice %arg7[%dma_start3A_757, %dma_start3A_776, %dma_start3A_777, %dma_start3A_778] : memref<4x8x8x129xf32, #tpu.memory_space<vmem>> -> memref<1x8x8x128xf32, #tpu.memory_space<vmem>>
        %dma_start3A_780 = tpu.memref_squeeze %dma_start3A_779 : memref<1x8x8x128xf32, #tpu.memory_space<vmem>> -> memref<8x8x128xf32, #tpu.memory_space<vmem>>
        tpu.enqueue_dma source(%dma_start3A_780 : memref<8x8x128xf32, #tpu.memory_space<vmem>>) target(%dma_start3A_775 : memref<8x8x128xf32, #tpu.memory_space<hbm>>) target_semaphore(%dma_start3A_770 : memref<!tpu.dma_semaphore, #tpu.memory_space<semaphore_mem>>)
      } else {
      }
      %ge3A_591 = arith.constant 4 : i32
      %ge3A_592 = arith.cmpi sge, %add3A_571, %ge3A_591 : i32
      %convert_element_type3A_593 = arith.extui %ge3A_592 : i1 to i32
      %cond3A_594 = arith.constant 0 : i32
      %cond3A_595 = arith.cmpi ne, %convert_element_type3A_593, %cond3A_594 : i32
      scf.if %cond3A_595 {
        %sub3A_714 = arith.constant 4 : i32
        %sub3A_715 = arith.subi %add3A_571, %sub3A_714 : i32
        %add3A_716 = arith.addi %mul3A_2, %sub3A_715 : i32
        %jit3A_717 = arith.constant 32 : i32
        %div3A_718 = arith.divsi %add3A_716, %jit3A_717 : i32
        %sign3A_719 = arith.constant 0 : i32
        %sign3A_720 = arith.cmpi sgt, %add3A_716, %sign3A_719 : i32
        %sign3A_721 = arith.extui %sign3A_720 : i1 to i32
        %sign3A_722 = arith.constant 0 : i32
        %sign3A_723 = arith.cmpi slt, %add3A_716, %sign3A_722 : i32
        %sign3A_724 = arith.extui %sign3A_723 : i1 to i32
        %sign3A_725 = arith.subi %sign3A_721, %sign3A_724 : i32
        %sign3A_726 = arith.constant 0 : i32
        %sign3A_727 = arith.cmpi sgt, %jit3A_717, %sign3A_726 : i32
        %sign3A_728 = arith.extui %sign3A_727 : i1 to i32
        %sign3A_729 = arith.constant 0 : i32
        %sign3A_730 = arith.cmpi slt, %jit3A_717, %sign3A_729 : i32
        %sign3A_731 = arith.extui %sign3A_730 : i1 to i32
        %sign3A_732 = arith.subi %sign3A_728, %sign3A_731 : i32
        %ne3A_733 = arith.cmpi ne, %sign3A_725, %sign3A_732 : i32
        %rem3A_734 = arith.remsi %add3A_716, %jit3A_717 : i32
        %ne3A_735 = arith.constant 0 : i32
        %ne3A_736 = arith.cmpi ne, %rem3A_734, %ne3A_735 : i32
        %and3A_737 = arith.andi %ne3A_733, %ne3A_736 : i1
        %sub3A_738 = arith.constant 1 : i32
        %sub3A_739 = arith.subi %div3A_718, %sub3A_738 : i32
        %select_n3A_740 = arith.select %and3A_737, %sub3A_739, %div3A_718 : i32
        %jit3A_741 = arith.constant 32 : i32
        %eq3A_742 = arith.constant 0 : i32
        %eq3A_743 = arith.cmpi eq, %jit3A_741, %eq3A_742 : i32
        %jit3A_744 = arith.constant 1 : i32
        %select_n3A_745 = arith.select %eq3A_743, %jit3A_744, %jit3A_741 : i32
        %rem3A_746 = arith.remsi %add3A_716, %select_n3A_745 : i32
        %ne3A_747 = arith.constant 0 : i32
        %ne3A_748 = arith.cmpi ne, %rem3A_746, %ne3A_747 : i32
        %lt3A_749 = arith.constant 0 : i32
        %lt3A_750 = arith.cmpi slt, %rem3A_746, %lt3A_749 : i32
        %lt3A_751 = arith.constant 0 : i32
        %lt3A_752 = arith.cmpi slt, %select_n3A_745, %lt3A_751 : i32
        %ne3A_753 = arith.xori %lt3A_750, %lt3A_752 : i1
        %and3A_754 = arith.andi %ne3A_753, %ne3A_748 : i1
        %add3A_755 = arith.addi %rem3A_746, %select_n3A_745 : i32
        %select_n3A_756 = arith.select %and3A_754, %add3A_755, %rem3A_746 : i32
        %dma_wait3A_757 = arith.constant 0 : i32
        %dma_wait3A_758 = arith.constant 0 : i32
        %dma_wait3A_759 = arith.constant 0 : i32
        %dma_wait3A_760 = arith.constant 0 : i32
        %dma_wait3A_761 = arith.constant 0 : i32
        %dma_wait3A_762 = tpu.memref_slice %arg7[%dma_wait3A_757, %dma_wait3A_759, %dma_wait3A_760, %dma_wait3A_761] : memref<4x8x8x129xf32, #tpu.memory_space<vmem>> -> memref<1x8x8x128xf32, #tpu.memory_space<vmem>>
        %dma_wait3A_763 = tpu.memref_squeeze %dma_wait3A_762 : memref<1x8x8x128xf32, #tpu.memory_space<vmem>> -> memref<8x8x128xf32, #tpu.memory_space<vmem>>
        %dma_wait3A_764 = arith.constant 0 : i32
        %dma_wait3A_765 = arith.constant 0 : i32
        %dma_wait3A_766 = arith.constant 0 : i32
        %dma_wait3A_767 = tpu.memref_slice %arg4[%select_n3A_740, %dma_wait3A_764, %select_n3A_756, %dma_wait3A_765, %dma_wait3A_766] : memref<200x8x32x8x128xf32, #tpu.memory_space<hbm>> -> memref<1x8x1x8x128xf32, #tpu.memory_space<hbm>>
        %dma_wait3A_768 = tpu.memref_squeeze %dma_wait3A_767 : memref<1x8x1x8x128xf32, #tpu.memory_space<hbm>> -> memref<8x8x128xf32, #tpu.memory_space<hbm>>
        %dma_wait3A_769 = tpu.memref_slice %arg9[%dma_wait3A_758] : memref<4x!tpu.dma_semaphore, #tpu.memory_space<semaphore_mem>> -> memref<1x!tpu.dma_semaphore, #tpu.memory_space<semaphore_mem>>
        %dma_wait3A_770 = tpu.memref_squeeze %dma_wait3A_769 : memref<1x!tpu.dma_semaphore, #tpu.memory_space<semaphore_mem>> -> memref<!tpu.dma_semaphore, #tpu.memory_space<semaphore_mem>>
        %dma_wait3A_771 = arith.constant 0 : i32
        %dma_wait3A_772 = arith.constant 0 : i32
        %dma_wait3A_773 = arith.constant 0 : i32
        %dma_wait3A_774 = tpu.memref_slice %arg4[%select_n3A_740, %dma_wait3A_771, %select_n3A_756, %dma_wait3A_772, %dma_wait3A_773] : memref<200x8x32x8x128xf32, #tpu.memory_space<hbm>> -> memref<1x8x1x8x128xf32, #tpu.memory_space<hbm>>
        %dma_wait3A_775 = tpu.memref_squeeze %dma_wait3A_774 : memref<1x8x1x8x128xf32, #tpu.memory_space<hbm>> -> memref<8x8x128xf32, #tpu.memory_space<hbm>>
        %dma_wait3A_776 = arith.constant 0 : i32
        %dma_wait3A_777 = arith.constant 0 : i32
        %dma_wait3A_778 = arith.constant 0 : i32
        %dma_wait3A_779 = tpu.memref_slice %arg7[%dma_wait3A_757, %dma_wait3A_776, %dma_wait3A_777, %dma_wait3A_778] : memref<4x8x8x129xf32, #tpu.memory_space<vmem>> -> memref<1x8x8x128xf32, #tpu.memory_space<vmem>>
        %dma_wait3A_780 = tpu.memref_squeeze %dma_wait3A_779 : memref<1x8x8x128xf32, #tpu.memory_space<vmem>> -> memref<8x8x128xf32, #tpu.memory_space<vmem>>
        tpu.wait_dma2 semaphore(%dma_wait3A_770 : memref<!tpu.dma_semaphore, #tpu.memory_space<semaphore_mem>>) src(%dma_wait3A_780 : memref<8x8x128xf32, #tpu.memory_space<vmem>>) dst(%dma_wait3A_775 : memref<8x8x128xf32, #tpu.memory_space<hbm>>)
      } else {
      }
      %parallel_loop3A_596 = arith.constant 0 : i32
      %parallel_loop3A_597 = arith.constant 128 : i32
      %parallel_loop3A_598 = arith.constant 1 : i32
      scf.for %parallel_loop3A_714 = %parallel_loop3A_596 to %parallel_loop3A_597 step %parallel_loop3A_598  : i32 {
        %parallel_loop3A_715 = vector.broadcast %parallel_loop3A_714 : i32 to vector<16xi32>
        %parallel_loop3A_716 = arith.addi %broadcast_in_dim3A_40, %parallel_loop3A_715 : vector<16xi32>
        %parallel_loop3A_717 = arith.constant 4 : i32
        %parallel_loop3A_718 = arith.index_cast %parallel_loop3A_717 : i32 to index
        %parallel_loop3A_719 = arith.index_cast %parallel_loop3A_714 : i32 to index
        %parallel_loop3A_720 = arith.constant 0 : index
        %parallel_loop3A_721 = tpu.vector_load %arg6[%parallel_loop3A_718, %parallel_loop3A_719, %parallel_loop3A_720] {strides = array<i32>} : memref<8x128x64xf32, #tpu.memory_space<vmem>>, vector<16xf32>,
        %parallel_loop3A_722 = arith.constant 8.000000e+00 : f32
        %parallel_loop3A_723 = vector.broadcast %parallel_loop3A_722 : f32 to vector<16xf32>
        %parallel_loop3A_724 = arith.mulf %parallel_loop3A_721, %parallel_loop3A_723 : vector<16xf32>
        %parallel_loop3A_725 = arith.constant 0 : i32
        %parallel_loop3A_726 = arith.constant 0 : i32
        %parallel_loop3A_727 = arith.constant 0 : i32
        %parallel_loop3A_728 = arith.constant 0 : i32
        %parallel_loop3A_729 = tpu.memref_slice %arg7[%parallel_loop3A_725, %parallel_loop3A_726, %parallel_loop3A_727, %parallel_loop3A_728] : memref<4x8x8x129xf32, #tpu.memory_space<vmem>> -> memref<1x8x8x129xf32, #tpu.memory_space<vmem>>
        %parallel_loop3A_730 = tpu.memref_squeeze %parallel_loop3A_729 : memref<1x8x8x129xf32, #tpu.memory_space<vmem>> -> memref<8x8x129xf32, #tpu.memory_space<vmem>>
        tpu.vector_store_idx %parallel_loop3A_730[%shift_right_logical3A_19, %and3A_30, %parallel_loop3A_716], %parallel_loop3A_724 : memref<8x8x129xf32, #tpu.memory_space<vmem>>[vector<16xi32>, vector<16xi32>, vector<16xi32>], vector<16xf32>,
        %parallel_loop3A_731 = arith.constant 4 : i32
        %parallel_loop3A_732 = arith.index_cast %parallel_loop3A_731 : i32 to index
        %parallel_loop3A_733 = arith.index_cast %parallel_loop3A_714 : i32 to index
        %parallel_loop3A_734 = arith.constant 16 : index
        %parallel_loop3A_735 = tpu.vector_load %arg6[%parallel_loop3A_732, %parallel_loop3A_733, %parallel_loop3A_734] {strides = array<i32>} : memref<8x128x64xf32, #tpu.memory_space<vmem>>, vector<16xf32>,
        %parallel_loop3A_736 = arith.constant 8.000000e+00 : f32
        %parallel_loop3A_737 = vector.broadcast %parallel_loop3A_736 : f32 to vector<16xf32>
        %parallel_loop3A_738 = arith.mulf %parallel_loop3A_735, %parallel_loop3A_737 : vector<16xf32>
        %parallel_loop3A_739 = arith.constant 0 : i32
        %parallel_loop3A_740 = arith.constant 0 : i32
        %parallel_loop3A_741 = arith.constant 0 : i32
        %parallel_loop3A_742 = arith.constant 0 : i32
        %parallel_loop3A_743 = tpu.memref_slice %arg7[%parallel_loop3A_739, %parallel_loop3A_740, %parallel_loop3A_741, %parallel_loop3A_742] : memref<4x8x8x129xf32, #tpu.memory_space<vmem>> -> memref<1x8x8x129xf32, #tpu.memory_space<vmem>>
        %parallel_loop3A_744 = tpu.memref_squeeze %parallel_loop3A_743 : memref<1x8x8x129xf32, #tpu.memory_space<vmem>> -> memref<8x8x129xf32, #tpu.memory_space<vmem>>
        tpu.vector_store_idx %parallel_loop3A_744[%shift_right_logical3A_22, %and3A_33, %parallel_loop3A_716], %parallel_loop3A_738 : memref<8x8x129xf32, #tpu.memory_space<vmem>>[vector<16xi32>, vector<16xi32>, vector<16xi32>], vector<16xf32>,
        %parallel_loop3A_745 = arith.constant 4 : i32
        %parallel_loop3A_746 = arith.index_cast %parallel_loop3A_745 : i32 to index
        %parallel_loop3A_747 = arith.index_cast %parallel_loop3A_714 : i32 to index
        %parallel_loop3A_748 = arith.constant 32 : index
        %parallel_loop3A_749 = tpu.vector_load %arg6[%parallel_loop3A_746, %parallel_loop3A_747, %parallel_loop3A_748] {strides = array<i32>} : memref<8x128x64xf32, #tpu.memory_space<vmem>>, vector<16xf32>,
        %parallel_loop3A_750 = arith.constant 8.000000e+00 : f32
        %parallel_loop3A_751 = vector.broadcast %parallel_loop3A_750 : f32 to vector<16xf32>
        %parallel_loop3A_752 = arith.mulf %parallel_loop3A_749, %parallel_loop3A_751 : vector<16xf32>
        %parallel_loop3A_753 = arith.constant 0 : i32
        %parallel_loop3A_754 = arith.constant 0 : i32
        %parallel_loop3A_755 = arith.constant 0 : i32
        %parallel_loop3A_756 = arith.constant 0 : i32
        %parallel_loop3A_757 = tpu.memref_slice %arg7[%parallel_loop3A_753, %parallel_loop3A_754, %parallel_loop3A_755, %parallel_loop3A_756] : memref<4x8x8x129xf32, #tpu.memory_space<vmem>> -> memref<1x8x8x129xf32, #tpu.memory_space<vmem>>
        %parallel_loop3A_758 = tpu.memref_squeeze %parallel_loop3A_757 : memref<1x8x8x129xf32, #tpu.memory_space<vmem>> -> memref<8x8x129xf32, #tpu.memory_space<vmem>>
        tpu.vector_store_idx %parallel_loop3A_758[%shift_right_logical3A_25, %and3A_36, %parallel_loop3A_716], %parallel_loop3A_752 : memref<8x8x129xf32, #tpu.memory_space<vmem>>[vector<16xi32>, vector<16xi32>, vector<16xi32>], vector<16xf32>,
        %parallel_loop3A_759 = arith.constant 4 : i32
        %parallel_loop3A_760 = arith.index_cast %parallel_loop3A_759 : i32 to index
        %parallel_loop3A_761 = arith.index_cast %parallel_loop3A_714 : i32 to index
        %parallel_loop3A_762 = arith.constant 48 : index
        %parallel_loop3A_763 = tpu.vector_load %arg6[%parallel_loop3A_760, %parallel_loop3A_761, %parallel_loop3A_762] {strides = array<i32>} : memref<8x128x64xf32, #tpu.memory_space<vmem>>, vector<16xf32>,
        %parallel_loop3A_764 = arith.constant 8.000000e+00 : f32
        %parallel_loop3A_765 = vector.broadcast %parallel_loop3A_764 : f32 to vector<16xf32>
        %parallel_loop3A_766 = arith.mulf %parallel_loop3A_763, %parallel_loop3A_765 : vector<16xf32>
        %parallel_loop3A_767 = arith.constant 0 : i32
        %parallel_loop3A_768 = arith.constant 0 : i32
        %parallel_loop3A_769 = arith.constant 0 : i32
        %parallel_loop3A_770 = arith.constant 0 : i32
        %parallel_loop3A_771 = tpu.memref_slice %arg7[%parallel_loop3A_767, %parallel_loop3A_768, %parallel_loop3A_769, %parallel_loop3A_770] : memref<4x8x8x129xf32, #tpu.memory_space<vmem>> -> memref<1x8x8x129xf32, #tpu.memory_space<vmem>>
        %parallel_loop3A_772 = tpu.memref_squeeze %parallel_loop3A_771 : memref<1x8x8x129xf32, #tpu.memory_space<vmem>> -> memref<8x8x129xf32, #tpu.memory_space<vmem>>
        tpu.vector_store_idx %parallel_loop3A_772[%shift_right_logical3A_28, %and3A_39, %parallel_loop3A_716], %parallel_loop3A_766 : memref<8x8x129xf32, #tpu.memory_space<vmem>>[vector<16xi32>, vector<16xi32>, vector<16xi32>], vector<16xf32>,
      } {sc.loop_unroll_factor = 4 : i64, sc.parallel_access}
      %add3A_599 = arith.constant 4 : i32
      %add3A_600 = arith.addi %add3A_571, %add3A_599 : i32
      %lt3A_601 = arith.constant 200 : i32
      %lt3A_602 = arith.cmpi slt, %add3A_600, %lt3A_601 : i32
      %convert_element_type3A_603 = arith.extui %lt3A_602 : i1 to i32
      %cond3A_604 = arith.constant 0 : i32
      %cond3A_605 = arith.cmpi ne, %convert_element_type3A_603, %cond3A_604 : i32
      scf.if %cond3A_605 {
        %add3A_714 = arith.constant 4 : i32
        %add3A_715 = arith.addi %add3A_571, %add3A_714 : i32
        %dma_start3A_716 = arith.constant 0 : i32
        %dma_start3A_717 = arith.constant 0 : i32
        %dma_start3A_718 = arith.constant 0 : i32
        %dma_start3A_719 = arith.constant 0 : i32
        %dma_start3A_720 = tpu.memref_slice %arg6[%dma_start3A_716, %dma_start3A_718, %dma_start3A_719] : memref<8x128x64xf32, #tpu.memory_space<vmem>> -> memref<1x128x64xf32, #tpu.memory_space<vmem>>
        %dma_start3A_721 = tpu.memref_squeeze %dma_start3A_720 : memref<1x128x64xf32, #tpu.memory_space<vmem>> -> memref<128x64xf32, #tpu.memory_space<vmem>>
        %dma_start3A_722 = arith.constant 0 : i32
        %dma_start3A_723 = tpu.memref_slice %arg5[%add3A_715, %dma_start3A_722] : memref<200x128xi32, #tpu.memory_space<vmem>> -> memref<1x128xi32, #tpu.memory_space<vmem>>
        %dma_start3A_724 = tpu.memref_squeeze %dma_start3A_723 : memref<1x128xi32, #tpu.memory_space<vmem>> -> memref<128xi32, #tpu.memory_space<vmem>>
        %dma_start3A_725 = arith.constant 0 : i32
        %dma_start3A_726 = arith.constant 0 : i32
        %dma_start3A_727 = tpu.memref_slice %arg3[%dma_start3A_725, %dma_start3A_726] : memref<1000000x64xf32, #tpu.memory_space<hbm>> -> memref<1000000x64xf32, #tpu.memory_space<hbm>>
        %dma_start3A_728 = tpu.memref_slice %arg8[%dma_start3A_717] : memref<8x!tpu.dma_semaphore, #tpu.memory_space<semaphore_mem>> -> memref<1x!tpu.dma_semaphore, #tpu.memory_space<semaphore_mem>>
        %dma_start3A_729 = tpu.memref_squeeze %dma_start3A_728 : memref<1x!tpu.dma_semaphore, #tpu.memory_space<semaphore_mem>> -> memref<!tpu.dma_semaphore, #tpu.memory_space<semaphore_mem>>
        tpu.enqueue_indirect_dma source(%dma_start3A_727 : memref<1000000x64xf32, #tpu.memory_space<hbm>>) target(%dma_start3A_721 : memref<128x64xf32, #tpu.memory_space<vmem>>) offsets(%dma_start3A_724 : memref<128xi32, #tpu.memory_space<vmem>>) semaphore(%dma_start3A_729 : memref<!tpu.dma_semaphore, #tpu.memory_space<semaphore_mem>>)
      } else {
      }
      %add3A_606 = arith.constant 5 : i32
      %add3A_607 = arith.addi %mul3A_429, %add3A_606 : i32
      %dma_wait3A_608 = arith.constant 5 : i32
      %dma_wait3A_609 = arith.constant 5 : i32
      %dma_wait3A_610 = arith.constant 0 : i32
      %dma_wait3A_611 = arith.constant 0 : i32
      %dma_wait3A_612 = tpu.memref_slice %arg6[%dma_wait3A_608, %dma_wait3A_610, %dma_wait3A_611] : memref<8x128x64xf32, #tpu.memory_space<vmem>> -> memref<1x128x64xf32, #tpu.memory_space<vmem>>
      %dma_wait3A_613 = tpu.memref_squeeze %dma_wait3A_612 : memref<1x128x64xf32, #tpu.memory_space<vmem>> -> memref<128x64xf32, #tpu.memory_space<vmem>>
      %dma_wait3A_614 = arith.constant 0 : i32
      %dma_wait3A_615 = tpu.memref_slice %arg5[%add3A_607, %dma_wait3A_614] : memref<200x128xi32, #tpu.memory_space<vmem>> -> memref<1x128xi32, #tpu.memory_space<vmem>>
      %dma_wait3A_616 = tpu.memref_squeeze %dma_wait3A_615 : memref<1x128xi32, #tpu.memory_space<vmem>> -> memref<128xi32, #tpu.memory_space<vmem>>
      %dma_wait3A_617 = arith.constant 0 : i32
      %dma_wait3A_618 = arith.constant 0 : i32
      %dma_wait3A_619 = tpu.memref_slice %arg3[%dma_wait3A_617, %dma_wait3A_618] : memref<1000000x64xf32, #tpu.memory_space<hbm>> -> memref<1000000x64xf32, #tpu.memory_space<hbm>>
      %dma_wait3A_620 = tpu.memref_slice %arg8[%dma_wait3A_609] : memref<8x!tpu.dma_semaphore, #tpu.memory_space<semaphore_mem>> -> memref<1x!tpu.dma_semaphore, #tpu.memory_space<semaphore_mem>>
      %dma_wait3A_621 = tpu.memref_squeeze %dma_wait3A_620 : memref<1x!tpu.dma_semaphore, #tpu.memory_space<semaphore_mem>> -> memref<!tpu.dma_semaphore, #tpu.memory_space<semaphore_mem>>
      tpu.wait_indirect_dma semaphore(%dma_wait3A_621 : memref<!tpu.dma_semaphore, #tpu.memory_space<semaphore_mem>>) src(%dma_wait3A_619 : memref<1000000x64xf32, #tpu.memory_space<hbm>>) dst(%dma_wait3A_613 : memref<128x64xf32, #tpu.memory_space<vmem>>)
      %ge3A_622 = arith.constant 1 : i32
      %ge3A_623 = arith.cmpi sge, %add3A_607, %ge3A_622 : i32
      %convert_element_type3A_624 = arith.extui %ge3A_623 : i1 to i32
      %cond3A_625 = arith.constant 0 : i32
      %cond3A_626 = arith.cmpi ne, %convert_element_type3A_624, %cond3A_625 : i32
      scf.if %cond3A_626 {
        %sub3A_714 = arith.constant 1 : i32
        %sub3A_715 = arith.subi %add3A_607, %sub3A_714 : i32
        %add3A_716 = arith.addi %mul3A_2, %sub3A_715 : i32
        %jit3A_717 = arith.constant 32 : i32
        %div3A_718 = arith.divsi %add3A_716, %jit3A_717 : i32
        %sign3A_719 = arith.constant 0 : i32
        %sign3A_720 = arith.cmpi sgt, %add3A_716, %sign3A_719 : i32
        %sign3A_721 = arith.extui %sign3A_720 : i1 to i32
        %sign3A_722 = arith.constant 0 : i32
        %sign3A_723 = arith.cmpi slt, %add3A_716, %sign3A_722 : i32
        %sign3A_724 = arith.extui %sign3A_723 : i1 to i32
        %sign3A_725 = arith.subi %sign3A_721, %sign3A_724 : i32
        %sign3A_726 = arith.constant 0 : i32
        %sign3A_727 = arith.cmpi sgt, %jit3A_717, %sign3A_726 : i32
        %sign3A_728 = arith.extui %sign3A_727 : i1 to i32
        %sign3A_729 = arith.constant 0 : i32
        %sign3A_730 = arith.cmpi slt, %jit3A_717, %sign3A_729 : i32
        %sign3A_731 = arith.extui %sign3A_730 : i1 to i32
        %sign3A_732 = arith.subi %sign3A_728, %sign3A_731 : i32
        %ne3A_733 = arith.cmpi ne, %sign3A_725, %sign3A_732 : i32
        %rem3A_734 = arith.remsi %add3A_716, %jit3A_717 : i32
        %ne3A_735 = arith.constant 0 : i32
        %ne3A_736 = arith.cmpi ne, %rem3A_734, %ne3A_735 : i32
        %and3A_737 = arith.andi %ne3A_733, %ne3A_736 : i1
        %sub3A_738 = arith.constant 1 : i32
        %sub3A_739 = arith.subi %div3A_718, %sub3A_738 : i32
        %select_n3A_740 = arith.select %and3A_737, %sub3A_739, %div3A_718 : i32
        %jit3A_741 = arith.constant 32 : i32
        %eq3A_742 = arith.constant 0 : i32
        %eq3A_743 = arith.cmpi eq, %jit3A_741, %eq3A_742 : i32
        %jit3A_744 = arith.constant 1 : i32
        %select_n3A_745 = arith.select %eq3A_743, %jit3A_744, %jit3A_741 : i32
        %rem3A_746 = arith.remsi %add3A_716, %select_n3A_745 : i32
        %ne3A_747 = arith.constant 0 : i32
        %ne3A_748 = arith.cmpi ne, %rem3A_746, %ne3A_747 : i32
        %lt3A_749 = arith.constant 0 : i32
        %lt3A_750 = arith.cmpi slt, %rem3A_746, %lt3A_749 : i32
        %lt3A_751 = arith.constant 0 : i32
        %lt3A_752 = arith.cmpi slt, %select_n3A_745, %lt3A_751 : i32
        %ne3A_753 = arith.xori %lt3A_750, %lt3A_752 : i1
        %and3A_754 = arith.andi %ne3A_753, %ne3A_748 : i1
        %add3A_755 = arith.addi %rem3A_746, %select_n3A_745 : i32
        %select_n3A_756 = arith.select %and3A_754, %add3A_755, %rem3A_746 : i32
        %dma_start3A_757 = arith.constant 0 : i32
        %dma_start3A_758 = arith.constant 0 : i32
        %dma_start3A_759 = arith.constant 0 : i32
        %dma_start3A_760 = arith.constant 0 : i32
        %dma_start3A_761 = arith.constant 0 : i32
        %dma_start3A_762 = tpu.memref_slice %arg7[%dma_start3A_757, %dma_start3A_759, %dma_start3A_760, %dma_start3A_761] : memref<4x8x8x129xf32, #tpu.memory_space<vmem>> -> memref<1x8x8x128xf32, #tpu.memory_space<vmem>>
        %dma_start3A_763 = tpu.memref_squeeze %dma_start3A_762 : memref<1x8x8x128xf32, #tpu.memory_space<vmem>> -> memref<8x8x128xf32, #tpu.memory_space<vmem>>
        %dma_start3A_764 = arith.constant 0 : i32
        %dma_start3A_765 = arith.constant 0 : i32
        %dma_start3A_766 = arith.constant 0 : i32
        %dma_start3A_767 = tpu.memref_slice %arg4[%select_n3A_740, %dma_start3A_764, %select_n3A_756, %dma_start3A_765, %dma_start3A_766] : memref<200x8x32x8x128xf32, #tpu.memory_space<hbm>> -> memref<1x8x1x8x128xf32, #tpu.memory_space<hbm>>
        %dma_start3A_768 = tpu.memref_squeeze %dma_start3A_767 : memref<1x8x1x8x128xf32, #tpu.memory_space<hbm>> -> memref<8x8x128xf32, #tpu.memory_space<hbm>>
        %dma_start3A_769 = tpu.memref_slice %arg9[%dma_start3A_758] : memref<4x!tpu.dma_semaphore, #tpu.memory_space<semaphore_mem>> -> memref<1x!tpu.dma_semaphore, #tpu.memory_space<semaphore_mem>>
        %dma_start3A_770 = tpu.memref_squeeze %dma_start3A_769 : memref<1x!tpu.dma_semaphore, #tpu.memory_space<semaphore_mem>> -> memref<!tpu.dma_semaphore, #tpu.memory_space<semaphore_mem>>
        %dma_start3A_771 = arith.constant 0 : i32
        %dma_start3A_772 = arith.constant 0 : i32
        %dma_start3A_773 = arith.constant 0 : i32
        %dma_start3A_774 = tpu.memref_slice %arg4[%select_n3A_740, %dma_start3A_771, %select_n3A_756, %dma_start3A_772, %dma_start3A_773] : memref<200x8x32x8x128xf32, #tpu.memory_space<hbm>> -> memref<1x8x1x8x128xf32, #tpu.memory_space<hbm>>
        %dma_start3A_775 = tpu.memref_squeeze %dma_start3A_774 : memref<1x8x1x8x128xf32, #tpu.memory_space<hbm>> -> memref<8x8x128xf32, #tpu.memory_space<hbm>>
        %dma_start3A_776 = arith.constant 0 : i32
        %dma_start3A_777 = arith.constant 0 : i32
        %dma_start3A_778 = arith.constant 0 : i32
        %dma_start3A_779 = tpu.memref_slice %arg7[%dma_start3A_757, %dma_start3A_776, %dma_start3A_777, %dma_start3A_778] : memref<4x8x8x129xf32, #tpu.memory_space<vmem>> -> memref<1x8x8x128xf32, #tpu.memory_space<vmem>>
        %dma_start3A_780 = tpu.memref_squeeze %dma_start3A_779 : memref<1x8x8x128xf32, #tpu.memory_space<vmem>> -> memref<8x8x128xf32, #tpu.memory_space<vmem>>
        tpu.enqueue_dma source(%dma_start3A_780 : memref<8x8x128xf32, #tpu.memory_space<vmem>>) target(%dma_start3A_775 : memref<8x8x128xf32, #tpu.memory_space<hbm>>) target_semaphore(%dma_start3A_770 : memref<!tpu.dma_semaphore, #tpu.memory_space<semaphore_mem>>)
      } else {
      }
      %ge3A_627 = arith.constant 4 : i32
      %ge3A_628 = arith.cmpi sge, %add3A_607, %ge3A_627 : i32
      %convert_element_type3A_629 = arith.extui %ge3A_628 : i1 to i32
      %cond3A_630 = arith.constant 0 : i32
      %cond3A_631 = arith.cmpi ne, %convert_element_type3A_629, %cond3A_630 : i32
      scf.if %cond3A_631 {
        %sub3A_714 = arith.constant 4 : i32
        %sub3A_715 = arith.subi %add3A_607, %sub3A_714 : i32
        %add3A_716 = arith.addi %mul3A_2, %sub3A_715 : i32
        %jit3A_717 = arith.constant 32 : i32
        %div3A_718 = arith.divsi %add3A_716, %jit3A_717 : i32
        %sign3A_719 = arith.constant 0 : i32
        %sign3A_720 = arith.cmpi sgt, %add3A_716, %sign3A_719 : i32
        %sign3A_721 = arith.extui %sign3A_720 : i1 to i32
        %sign3A_722 = arith.constant 0 : i32
        %sign3A_723 = arith.cmpi slt, %add3A_716, %sign3A_722 : i32
        %sign3A_724 = arith.extui %sign3A_723 : i1 to i32
        %sign3A_725 = arith.subi %sign3A_721, %sign3A_724 : i32
        %sign3A_726 = arith.constant 0 : i32
        %sign3A_727 = arith.cmpi sgt, %jit3A_717, %sign3A_726 : i32
        %sign3A_728 = arith.extui %sign3A_727 : i1 to i32
        %sign3A_729 = arith.constant 0 : i32
        %sign3A_730 = arith.cmpi slt, %jit3A_717, %sign3A_729 : i32
        %sign3A_731 = arith.extui %sign3A_730 : i1 to i32
        %sign3A_732 = arith.subi %sign3A_728, %sign3A_731 : i32
        %ne3A_733 = arith.cmpi ne, %sign3A_725, %sign3A_732 : i32
        %rem3A_734 = arith.remsi %add3A_716, %jit3A_717 : i32
        %ne3A_735 = arith.constant 0 : i32
        %ne3A_736 = arith.cmpi ne, %rem3A_734, %ne3A_735 : i32
        %and3A_737 = arith.andi %ne3A_733, %ne3A_736 : i1
        %sub3A_738 = arith.constant 1 : i32
        %sub3A_739 = arith.subi %div3A_718, %sub3A_738 : i32
        %select_n3A_740 = arith.select %and3A_737, %sub3A_739, %div3A_718 : i32
        %jit3A_741 = arith.constant 32 : i32
        %eq3A_742 = arith.constant 0 : i32
        %eq3A_743 = arith.cmpi eq, %jit3A_741, %eq3A_742 : i32
        %jit3A_744 = arith.constant 1 : i32
        %select_n3A_745 = arith.select %eq3A_743, %jit3A_744, %jit3A_741 : i32
        %rem3A_746 = arith.remsi %add3A_716, %select_n3A_745 : i32
        %ne3A_747 = arith.constant 0 : i32
        %ne3A_748 = arith.cmpi ne, %rem3A_746, %ne3A_747 : i32
        %lt3A_749 = arith.constant 0 : i32
        %lt3A_750 = arith.cmpi slt, %rem3A_746, %lt3A_749 : i32
        %lt3A_751 = arith.constant 0 : i32
        %lt3A_752 = arith.cmpi slt, %select_n3A_745, %lt3A_751 : i32
        %ne3A_753 = arith.xori %lt3A_750, %lt3A_752 : i1
        %and3A_754 = arith.andi %ne3A_753, %ne3A_748 : i1
        %add3A_755 = arith.addi %rem3A_746, %select_n3A_745 : i32
        %select_n3A_756 = arith.select %and3A_754, %add3A_755, %rem3A_746 : i32
        %dma_wait3A_757 = arith.constant 1 : i32
        %dma_wait3A_758 = arith.constant 1 : i32
        %dma_wait3A_759 = arith.constant 0 : i32
        %dma_wait3A_760 = arith.constant 0 : i32
        %dma_wait3A_761 = arith.constant 0 : i32
        %dma_wait3A_762 = tpu.memref_slice %arg7[%dma_wait3A_757, %dma_wait3A_759, %dma_wait3A_760, %dma_wait3A_761] : memref<4x8x8x129xf32, #tpu.memory_space<vmem>> -> memref<1x8x8x128xf32, #tpu.memory_space<vmem>>
        %dma_wait3A_763 = tpu.memref_squeeze %dma_wait3A_762 : memref<1x8x8x128xf32, #tpu.memory_space<vmem>> -> memref<8x8x128xf32, #tpu.memory_space<vmem>>
        %dma_wait3A_764 = arith.constant 0 : i32
        %dma_wait3A_765 = arith.constant 0 : i32
        %dma_wait3A_766 = arith.constant 0 : i32
        %dma_wait3A_767 = tpu.memref_slice %arg4[%select_n3A_740, %dma_wait3A_764, %select_n3A_756, %dma_wait3A_765, %dma_wait3A_766] : memref<200x8x32x8x128xf32, #tpu.memory_space<hbm>> -> memref<1x8x1x8x128xf32, #tpu.memory_space<hbm>>
        %dma_wait3A_768 = tpu.memref_squeeze %dma_wait3A_767 : memref<1x8x1x8x128xf32, #tpu.memory_space<hbm>> -> memref<8x8x128xf32, #tpu.memory_space<hbm>>
        %dma_wait3A_769 = tpu.memref_slice %arg9[%dma_wait3A_758] : memref<4x!tpu.dma_semaphore, #tpu.memory_space<semaphore_mem>> -> memref<1x!tpu.dma_semaphore, #tpu.memory_space<semaphore_mem>>
        %dma_wait3A_770 = tpu.memref_squeeze %dma_wait3A_769 : memref<1x!tpu.dma_semaphore, #tpu.memory_space<semaphore_mem>> -> memref<!tpu.dma_semaphore, #tpu.memory_space<semaphore_mem>>
        %dma_wait3A_771 = arith.constant 0 : i32
        %dma_wait3A_772 = arith.constant 0 : i32
        %dma_wait3A_773 = arith.constant 0 : i32
        %dma_wait3A_774 = tpu.memref_slice %arg4[%select_n3A_740, %dma_wait3A_771, %select_n3A_756, %dma_wait3A_772, %dma_wait3A_773] : memref<200x8x32x8x128xf32, #tpu.memory_space<hbm>> -> memref<1x8x1x8x128xf32, #tpu.memory_space<hbm>>
        %dma_wait3A_775 = tpu.memref_squeeze %dma_wait3A_774 : memref<1x8x1x8x128xf32, #tpu.memory_space<hbm>> -> memref<8x8x128xf32, #tpu.memory_space<hbm>>
        %dma_wait3A_776 = arith.constant 0 : i32
        %dma_wait3A_777 = arith.constant 0 : i32
        %dma_wait3A_778 = arith.constant 0 : i32
        %dma_wait3A_779 = tpu.memref_slice %arg7[%dma_wait3A_757, %dma_wait3A_776, %dma_wait3A_777, %dma_wait3A_778] : memref<4x8x8x129xf32, #tpu.memory_space<vmem>> -> memref<1x8x8x128xf32, #tpu.memory_space<vmem>>
        %dma_wait3A_780 = tpu.memref_squeeze %dma_wait3A_779 : memref<1x8x8x128xf32, #tpu.memory_space<vmem>> -> memref<8x8x128xf32, #tpu.memory_space<vmem>>
        tpu.wait_dma2 semaphore(%dma_wait3A_770 : memref<!tpu.dma_semaphore, #tpu.memory_space<semaphore_mem>>) src(%dma_wait3A_780 : memref<8x8x128xf32, #tpu.memory_space<vmem>>) dst(%dma_wait3A_775 : memref<8x8x128xf32, #tpu.memory_space<hbm>>)
      } else {
      }
      %parallel_loop3A_632 = arith.constant 0 : i32
      %parallel_loop3A_633 = arith.constant 128 : i32
      %parallel_loop3A_634 = arith.constant 1 : i32
      scf.for %parallel_loop3A_714 = %parallel_loop3A_632 to %parallel_loop3A_633 step %parallel_loop3A_634  : i32 {
        %parallel_loop3A_715 = vector.broadcast %parallel_loop3A_714 : i32 to vector<16xi32>
        %parallel_loop3A_716 = arith.addi %broadcast_in_dim3A_40, %parallel_loop3A_715 : vector<16xi32>
        %parallel_loop3A_717 = arith.constant 5 : i32
        %parallel_loop3A_718 = arith.index_cast %parallel_loop3A_717 : i32 to index
        %parallel_loop3A_719 = arith.index_cast %parallel_loop3A_714 : i32 to index
        %parallel_loop3A_720 = arith.constant 0 : index
        %parallel_loop3A_721 = tpu.vector_load %arg6[%parallel_loop3A_718, %parallel_loop3A_719, %parallel_loop3A_720] {strides = array<i32>} : memref<8x128x64xf32, #tpu.memory_space<vmem>>, vector<16xf32>,
        %parallel_loop3A_722 = arith.constant 8.000000e+00 : f32
        %parallel_loop3A_723 = vector.broadcast %parallel_loop3A_722 : f32 to vector<16xf32>
        %parallel_loop3A_724 = arith.mulf %parallel_loop3A_721, %parallel_loop3A_723 : vector<16xf32>
        %parallel_loop3A_725 = arith.constant 1 : i32
        %parallel_loop3A_726 = arith.constant 0 : i32
        %parallel_loop3A_727 = arith.constant 0 : i32
        %parallel_loop3A_728 = arith.constant 0 : i32
        %parallel_loop3A_729 = tpu.memref_slice %arg7[%parallel_loop3A_725, %parallel_loop3A_726, %parallel_loop3A_727, %parallel_loop3A_728] : memref<4x8x8x129xf32, #tpu.memory_space<vmem>> -> memref<1x8x8x129xf32, #tpu.memory_space<vmem>>
        %parallel_loop3A_730 = tpu.memref_squeeze %parallel_loop3A_729 : memref<1x8x8x129xf32, #tpu.memory_space<vmem>> -> memref<8x8x129xf32, #tpu.memory_space<vmem>>
        tpu.vector_store_idx %parallel_loop3A_730[%shift_right_logical3A_19, %and3A_30, %parallel_loop3A_716], %parallel_loop3A_724 : memref<8x8x129xf32, #tpu.memory_space<vmem>>[vector<16xi32>, vector<16xi32>, vector<16xi32>], vector<16xf32>,
        %parallel_loop3A_731 = arith.constant 5 : i32
        %parallel_loop3A_732 = arith.index_cast %parallel_loop3A_731 : i32 to index
        %parallel_loop3A_733 = arith.index_cast %parallel_loop3A_714 : i32 to index
        %parallel_loop3A_734 = arith.constant 16 : index
        %parallel_loop3A_735 = tpu.vector_load %arg6[%parallel_loop3A_732, %parallel_loop3A_733, %parallel_loop3A_734] {strides = array<i32>} : memref<8x128x64xf32, #tpu.memory_space<vmem>>, vector<16xf32>,
        %parallel_loop3A_736 = arith.constant 8.000000e+00 : f32
        %parallel_loop3A_737 = vector.broadcast %parallel_loop3A_736 : f32 to vector<16xf32>
        %parallel_loop3A_738 = arith.mulf %parallel_loop3A_735, %parallel_loop3A_737 : vector<16xf32>
        %parallel_loop3A_739 = arith.constant 1 : i32
        %parallel_loop3A_740 = arith.constant 0 : i32
        %parallel_loop3A_741 = arith.constant 0 : i32
        %parallel_loop3A_742 = arith.constant 0 : i32
        %parallel_loop3A_743 = tpu.memref_slice %arg7[%parallel_loop3A_739, %parallel_loop3A_740, %parallel_loop3A_741, %parallel_loop3A_742] : memref<4x8x8x129xf32, #tpu.memory_space<vmem>> -> memref<1x8x8x129xf32, #tpu.memory_space<vmem>>
        %parallel_loop3A_744 = tpu.memref_squeeze %parallel_loop3A_743 : memref<1x8x8x129xf32, #tpu.memory_space<vmem>> -> memref<8x8x129xf32, #tpu.memory_space<vmem>>
        tpu.vector_store_idx %parallel_loop3A_744[%shift_right_logical3A_22, %and3A_33, %parallel_loop3A_716], %parallel_loop3A_738 : memref<8x8x129xf32, #tpu.memory_space<vmem>>[vector<16xi32>, vector<16xi32>, vector<16xi32>], vector<16xf32>,
        %parallel_loop3A_745 = arith.constant 5 : i32
        %parallel_loop3A_746 = arith.index_cast %parallel_loop3A_745 : i32 to index
        %parallel_loop3A_747 = arith.index_cast %parallel_loop3A_714 : i32 to index
        %parallel_loop3A_748 = arith.constant 32 : index
        %parallel_loop3A_749 = tpu.vector_load %arg6[%parallel_loop3A_746, %parallel_loop3A_747, %parallel_loop3A_748] {strides = array<i32>} : memref<8x128x64xf32, #tpu.memory_space<vmem>>, vector<16xf32>,
        %parallel_loop3A_750 = arith.constant 8.000000e+00 : f32
        %parallel_loop3A_751 = vector.broadcast %parallel_loop3A_750 : f32 to vector<16xf32>
        %parallel_loop3A_752 = arith.mulf %parallel_loop3A_749, %parallel_loop3A_751 : vector<16xf32>
        %parallel_loop3A_753 = arith.constant 1 : i32
        %parallel_loop3A_754 = arith.constant 0 : i32
        %parallel_loop3A_755 = arith.constant 0 : i32
        %parallel_loop3A_756 = arith.constant 0 : i32
        %parallel_loop3A_757 = tpu.memref_slice %arg7[%parallel_loop3A_753, %parallel_loop3A_754, %parallel_loop3A_755, %parallel_loop3A_756] : memref<4x8x8x129xf32, #tpu.memory_space<vmem>> -> memref<1x8x8x129xf32, #tpu.memory_space<vmem>>
        %parallel_loop3A_758 = tpu.memref_squeeze %parallel_loop3A_757 : memref<1x8x8x129xf32, #tpu.memory_space<vmem>> -> memref<8x8x129xf32, #tpu.memory_space<vmem>>
        tpu.vector_store_idx %parallel_loop3A_758[%shift_right_logical3A_25, %and3A_36, %parallel_loop3A_716], %parallel_loop3A_752 : memref<8x8x129xf32, #tpu.memory_space<vmem>>[vector<16xi32>, vector<16xi32>, vector<16xi32>], vector<16xf32>,
        %parallel_loop3A_759 = arith.constant 5 : i32
        %parallel_loop3A_760 = arith.index_cast %parallel_loop3A_759 : i32 to index
        %parallel_loop3A_761 = arith.index_cast %parallel_loop3A_714 : i32 to index
        %parallel_loop3A_762 = arith.constant 48 : index
        %parallel_loop3A_763 = tpu.vector_load %arg6[%parallel_loop3A_760, %parallel_loop3A_761, %parallel_loop3A_762] {strides = array<i32>} : memref<8x128x64xf32, #tpu.memory_space<vmem>>, vector<16xf32>,
        %parallel_loop3A_764 = arith.constant 8.000000e+00 : f32
        %parallel_loop3A_765 = vector.broadcast %parallel_loop3A_764 : f32 to vector<16xf32>
        %parallel_loop3A_766 = arith.mulf %parallel_loop3A_763, %parallel_loop3A_765 : vector<16xf32>
        %parallel_loop3A_767 = arith.constant 1 : i32
        %parallel_loop3A_768 = arith.constant 0 : i32
        %parallel_loop3A_769 = arith.constant 0 : i32
        %parallel_loop3A_770 = arith.constant 0 : i32
        %parallel_loop3A_771 = tpu.memref_slice %arg7[%parallel_loop3A_767, %parallel_loop3A_768, %parallel_loop3A_769, %parallel_loop3A_770] : memref<4x8x8x129xf32, #tpu.memory_space<vmem>> -> memref<1x8x8x129xf32, #tpu.memory_space<vmem>>
        %parallel_loop3A_772 = tpu.memref_squeeze %parallel_loop3A_771 : memref<1x8x8x129xf32, #tpu.memory_space<vmem>> -> memref<8x8x129xf32, #tpu.memory_space<vmem>>
        tpu.vector_store_idx %parallel_loop3A_772[%shift_right_logical3A_28, %and3A_39, %parallel_loop3A_716], %parallel_loop3A_766 : memref<8x8x129xf32, #tpu.memory_space<vmem>>[vector<16xi32>, vector<16xi32>, vector<16xi32>], vector<16xf32>,
      } {sc.loop_unroll_factor = 4 : i64, sc.parallel_access}
      %add3A_635 = arith.constant 4 : i32
      %add3A_636 = arith.addi %add3A_607, %add3A_635 : i32
      %lt3A_637 = arith.constant 200 : i32
      %lt3A_638 = arith.cmpi slt, %add3A_636, %lt3A_637 : i32
      %convert_element_type3A_639 = arith.extui %lt3A_638 : i1 to i32
      %cond3A_640 = arith.constant 0 : i32
      %cond3A_641 = arith.cmpi ne, %convert_element_type3A_639, %cond3A_640 : i32
      scf.if %cond3A_641 {
        %add3A_714 = arith.constant 4 : i32
        %add3A_715 = arith.addi %add3A_607, %add3A_714 : i32
        %dma_start3A_716 = arith.constant 1 : i32
        %dma_start3A_717 = arith.constant 1 : i32
        %dma_start3A_718 = arith.constant 0 : i32
        %dma_start3A_719 = arith.constant 0 : i32
        %dma_start3A_720 = tpu.memref_slice %arg6[%dma_start3A_716, %dma_start3A_718, %dma_start3A_719] : memref<8x128x64xf32, #tpu.memory_space<vmem>> -> memref<1x128x64xf32, #tpu.memory_space<vmem>>
        %dma_start3A_721 = tpu.memref_squeeze %dma_start3A_720 : memref<1x128x64xf32, #tpu.memory_space<vmem>> -> memref<128x64xf32, #tpu.memory_space<vmem>>
        %dma_start3A_722 = arith.constant 0 : i32
        %dma_start3A_723 = tpu.memref_slice %arg5[%add3A_715, %dma_start3A_722] : memref<200x128xi32, #tpu.memory_space<vmem>> -> memref<1x128xi32, #tpu.memory_space<vmem>>
        %dma_start3A_724 = tpu.memref_squeeze %dma_start3A_723 : memref<1x128xi32, #tpu.memory_space<vmem>> -> memref<128xi32, #tpu.memory_space<vmem>>
        %dma_start3A_725 = arith.constant 0 : i32
        %dma_start3A_726 = arith.constant 0 : i32
        %dma_start3A_727 = tpu.memref_slice %arg3[%dma_start3A_725, %dma_start3A_726] : memref<1000000x64xf32, #tpu.memory_space<hbm>> -> memref<1000000x64xf32, #tpu.memory_space<hbm>>
        %dma_start3A_728 = tpu.memref_slice %arg8[%dma_start3A_717] : memref<8x!tpu.dma_semaphore, #tpu.memory_space<semaphore_mem>> -> memref<1x!tpu.dma_semaphore, #tpu.memory_space<semaphore_mem>>
        %dma_start3A_729 = tpu.memref_squeeze %dma_start3A_728 : memref<1x!tpu.dma_semaphore, #tpu.memory_space<semaphore_mem>> -> memref<!tpu.dma_semaphore, #tpu.memory_space<semaphore_mem>>
        tpu.enqueue_indirect_dma source(%dma_start3A_727 : memref<1000000x64xf32, #tpu.memory_space<hbm>>) target(%dma_start3A_721 : memref<128x64xf32, #tpu.memory_space<vmem>>) offsets(%dma_start3A_724 : memref<128xi32, #tpu.memory_space<vmem>>) semaphore(%dma_start3A_729 : memref<!tpu.dma_semaphore, #tpu.memory_space<semaphore_mem>>)
      } else {
      }
      %add3A_642 = arith.constant 6 : i32
      %add3A_643 = arith.addi %mul3A_429, %add3A_642 : i32
      %dma_wait3A_644 = arith.constant 6 : i32
      %dma_wait3A_645 = arith.constant 6 : i32
      %dma_wait3A_646 = arith.constant 0 : i32
      %dma_wait3A_647 = arith.constant 0 : i32
      %dma_wait3A_648 = tpu.memref_slice %arg6[%dma_wait3A_644, %dma_wait3A_646, %dma_wait3A_647] : memref<8x128x64xf32, #tpu.memory_space<vmem>> -> memref<1x128x64xf32, #tpu.memory_space<vmem>>
      %dma_wait3A_649 = tpu.memref_squeeze %dma_wait3A_648 : memref<1x128x64xf32, #tpu.memory_space<vmem>> -> memref<128x64xf32, #tpu.memory_space<vmem>>
      %dma_wait3A_650 = arith.constant 0 : i32
      %dma_wait3A_651 = tpu.memref_slice %arg5[%add3A_643, %dma_wait3A_650] : memref<200x128xi32, #tpu.memory_space<vmem>> -> memref<1x128xi32, #tpu.memory_space<vmem>>
      %dma_wait3A_652 = tpu.memref_squeeze %dma_wait3A_651 : memref<1x128xi32, #tpu.memory_space<vmem>> -> memref<128xi32, #tpu.memory_space<vmem>>
      %dma_wait3A_653 = arith.constant 0 : i32
      %dma_wait3A_654 = arith.constant 0 : i32
      %dma_wait3A_655 = tpu.memref_slice %arg3[%dma_wait3A_653, %dma_wait3A_654] : memref<1000000x64xf32, #tpu.memory_space<hbm>> -> memref<1000000x64xf32, #tpu.memory_space<hbm>>
      %dma_wait3A_656 = tpu.memref_slice %arg8[%dma_wait3A_645] : memref<8x!tpu.dma_semaphore, #tpu.memory_space<semaphore_mem>> -> memref<1x!tpu.dma_semaphore, #tpu.memory_space<semaphore_mem>>
      %dma_wait3A_657 = tpu.memref_squeeze %dma_wait3A_656 : memref<1x!tpu.dma_semaphore, #tpu.memory_space<semaphore_mem>> -> memref<!tpu.dma_semaphore, #tpu.memory_space<semaphore_mem>>
      tpu.wait_indirect_dma semaphore(%dma_wait3A_657 : memref<!tpu.dma_semaphore, #tpu.memory_space<semaphore_mem>>) src(%dma_wait3A_655 : memref<1000000x64xf32, #tpu.memory_space<hbm>>) dst(%dma_wait3A_649 : memref<128x64xf32, #tpu.memory_space<vmem>>)
      %ge3A_658 = arith.constant 1 : i32
      %ge3A_659 = arith.cmpi sge, %add3A_643, %ge3A_658 : i32
      %convert_element_type3A_660 = arith.extui %ge3A_659 : i1 to i32
      %cond3A_661 = arith.constant 0 : i32
      %cond3A_662 = arith.cmpi ne, %convert_element_type3A_660, %cond3A_661 : i32
      scf.if %cond3A_662 {
        %sub3A_714 = arith.constant 1 : i32
        %sub3A_715 = arith.subi %add3A_643, %sub3A_714 : i32
        %add3A_716 = arith.addi %mul3A_2, %sub3A_715 : i32
        %jit3A_717 = arith.constant 32 : i32
        %div3A_718 = arith.divsi %add3A_716, %jit3A_717 : i32
        %sign3A_719 = arith.constant 0 : i32
        %sign3A_720 = arith.cmpi sgt, %add3A_716, %sign3A_719 : i32
        %sign3A_721 = arith.extui %sign3A_720 : i1 to i32
        %sign3A_722 = arith.constant 0 : i32
        %sign3A_723 = arith.cmpi slt, %add3A_716, %sign3A_722 : i32
        %sign3A_724 = arith.extui %sign3A_723 : i1 to i32
        %sign3A_725 = arith.subi %sign3A_721, %sign3A_724 : i32
        %sign3A_726 = arith.constant 0 : i32
        %sign3A_727 = arith.cmpi sgt, %jit3A_717, %sign3A_726 : i32
        %sign3A_728 = arith.extui %sign3A_727 : i1 to i32
        %sign3A_729 = arith.constant 0 : i32
        %sign3A_730 = arith.cmpi slt, %jit3A_717, %sign3A_729 : i32
        %sign3A_731 = arith.extui %sign3A_730 : i1 to i32
        %sign3A_732 = arith.subi %sign3A_728, %sign3A_731 : i32
        %ne3A_733 = arith.cmpi ne, %sign3A_725, %sign3A_732 : i32
        %rem3A_734 = arith.remsi %add3A_716, %jit3A_717 : i32
        %ne3A_735 = arith.constant 0 : i32
        %ne3A_736 = arith.cmpi ne, %rem3A_734, %ne3A_735 : i32
        %and3A_737 = arith.andi %ne3A_733, %ne3A_736 : i1
        %sub3A_738 = arith.constant 1 : i32
        %sub3A_739 = arith.subi %div3A_718, %sub3A_738 : i32
        %select_n3A_740 = arith.select %and3A_737, %sub3A_739, %div3A_718 : i32
        %jit3A_741 = arith.constant 32 : i32
        %eq3A_742 = arith.constant 0 : i32
        %eq3A_743 = arith.cmpi eq, %jit3A_741, %eq3A_742 : i32
        %jit3A_744 = arith.constant 1 : i32
        %select_n3A_745 = arith.select %eq3A_743, %jit3A_744, %jit3A_741 : i32
        %rem3A_746 = arith.remsi %add3A_716, %select_n3A_745 : i32
        %ne3A_747 = arith.constant 0 : i32
        %ne3A_748 = arith.cmpi ne, %rem3A_746, %ne3A_747 : i32
        %lt3A_749 = arith.constant 0 : i32
        %lt3A_750 = arith.cmpi slt, %rem3A_746, %lt3A_749 : i32
        %lt3A_751 = arith.constant 0 : i32
        %lt3A_752 = arith.cmpi slt, %select_n3A_745, %lt3A_751 : i32
        %ne3A_753 = arith.xori %lt3A_750, %lt3A_752 : i1
        %and3A_754 = arith.andi %ne3A_753, %ne3A_748 : i1
        %add3A_755 = arith.addi %rem3A_746, %select_n3A_745 : i32
        %select_n3A_756 = arith.select %and3A_754, %add3A_755, %rem3A_746 : i32
        %dma_start3A_757 = arith.constant 1 : i32
        %dma_start3A_758 = arith.constant 1 : i32
        %dma_start3A_759 = arith.constant 0 : i32
        %dma_start3A_760 = arith.constant 0 : i32
        %dma_start3A_761 = arith.constant 0 : i32
        %dma_start3A_762 = tpu.memref_slice %arg7[%dma_start3A_757, %dma_start3A_759, %dma_start3A_760, %dma_start3A_761] : memref<4x8x8x129xf32, #tpu.memory_space<vmem>> -> memref<1x8x8x128xf32, #tpu.memory_space<vmem>>
        %dma_start3A_763 = tpu.memref_squeeze %dma_start3A_762 : memref<1x8x8x128xf32, #tpu.memory_space<vmem>> -> memref<8x8x128xf32, #tpu.memory_space<vmem>>
        %dma_start3A_764 = arith.constant 0 : i32
        %dma_start3A_765 = arith.constant 0 : i32
        %dma_start3A_766 = arith.constant 0 : i32
        %dma_start3A_767 = tpu.memref_slice %arg4[%select_n3A_740, %dma_start3A_764, %select_n3A_756, %dma_start3A_765, %dma_start3A_766] : memref<200x8x32x8x128xf32, #tpu.memory_space<hbm>> -> memref<1x8x1x8x128xf32, #tpu.memory_space<hbm>>
        %dma_start3A_768 = tpu.memref_squeeze %dma_start3A_767 : memref<1x8x1x8x128xf32, #tpu.memory_space<hbm>> -> memref<8x8x128xf32, #tpu.memory_space<hbm>>
        %dma_start3A_769 = tpu.memref_slice %arg9[%dma_start3A_758] : memref<4x!tpu.dma_semaphore, #tpu.memory_space<semaphore_mem>> -> memref<1x!tpu.dma_semaphore, #tpu.memory_space<semaphore_mem>>
        %dma_start3A_770 = tpu.memref_squeeze %dma_start3A_769 : memref<1x!tpu.dma_semaphore, #tpu.memory_space<semaphore_mem>> -> memref<!tpu.dma_semaphore, #tpu.memory_space<semaphore_mem>>
        %dma_start3A_771 = arith.constant 0 : i32
        %dma_start3A_772 = arith.constant 0 : i32
        %dma_start3A_773 = arith.constant 0 : i32
        %dma_start3A_774 = tpu.memref_slice %arg4[%select_n3A_740, %dma_start3A_771, %select_n3A_756, %dma_start3A_772, %dma_start3A_773] : memref<200x8x32x8x128xf32, #tpu.memory_space<hbm>> -> memref<1x8x1x8x128xf32, #tpu.memory_space<hbm>>
        %dma_start3A_775 = tpu.memref_squeeze %dma_start3A_774 : memref<1x8x1x8x128xf32, #tpu.memory_space<hbm>> -> memref<8x8x128xf32, #tpu.memory_space<hbm>>
        %dma_start3A_776 = arith.constant 0 : i32
        %dma_start3A_777 = arith.constant 0 : i32
        %dma_start3A_778 = arith.constant 0 : i32
        %dma_start3A_779 = tpu.memref_slice %arg7[%dma_start3A_757, %dma_start3A_776, %dma_start3A_777, %dma_start3A_778] : memref<4x8x8x129xf32, #tpu.memory_space<vmem>> -> memref<1x8x8x128xf32, #tpu.memory_space<vmem>>
        %dma_start3A_780 = tpu.memref_squeeze %dma_start3A_779 : memref<1x8x8x128xf32, #tpu.memory_space<vmem>> -> memref<8x8x128xf32, #tpu.memory_space<vmem>>
        tpu.enqueue_dma source(%dma_start3A_780 : memref<8x8x128xf32, #tpu.memory_space<vmem>>) target(%dma_start3A_775 : memref<8x8x128xf32, #tpu.memory_space<hbm>>) target_semaphore(%dma_start3A_770 : memref<!tpu.dma_semaphore, #tpu.memory_space<semaphore_mem>>)
      } else {
      }
      %ge3A_663 = arith.constant 4 : i32
      %ge3A_664 = arith.cmpi sge, %add3A_643, %ge3A_663 : i32
      %convert_element_type3A_665 = arith.extui %ge3A_664 : i1 to i32
      %cond3A_666 = arith.constant 0 : i32
      %cond3A_667 = arith.cmpi ne, %convert_element_type3A_665, %cond3A_666 : i32
      scf.if %cond3A_667 {
        %sub3A_714 = arith.constant 4 : i32
        %sub3A_715 = arith.subi %add3A_643, %sub3A_714 : i32
        %add3A_716 = arith.addi %mul3A_2, %sub3A_715 : i32
        %jit3A_717 = arith.constant 32 : i32
        %div3A_718 = arith.divsi %add3A_716, %jit3A_717 : i32
        %sign3A_719 = arith.constant 0 : i32
        %sign3A_720 = arith.cmpi sgt, %add3A_716, %sign3A_719 : i32
        %sign3A_721 = arith.extui %sign3A_720 : i1 to i32
        %sign3A_722 = arith.constant 0 : i32
        %sign3A_723 = arith.cmpi slt, %add3A_716, %sign3A_722 : i32
        %sign3A_724 = arith.extui %sign3A_723 : i1 to i32
        %sign3A_725 = arith.subi %sign3A_721, %sign3A_724 : i32
        %sign3A_726 = arith.constant 0 : i32
        %sign3A_727 = arith.cmpi sgt, %jit3A_717, %sign3A_726 : i32
        %sign3A_728 = arith.extui %sign3A_727 : i1 to i32
        %sign3A_729 = arith.constant 0 : i32
        %sign3A_730 = arith.cmpi slt, %jit3A_717, %sign3A_729 : i32
        %sign3A_731 = arith.extui %sign3A_730 : i1 to i32
        %sign3A_732 = arith.subi %sign3A_728, %sign3A_731 : i32
        %ne3A_733 = arith.cmpi ne, %sign3A_725, %sign3A_732 : i32
        %rem3A_734 = arith.remsi %add3A_716, %jit3A_717 : i32
        %ne3A_735 = arith.constant 0 : i32
        %ne3A_736 = arith.cmpi ne, %rem3A_734, %ne3A_735 : i32
        %and3A_737 = arith.andi %ne3A_733, %ne3A_736 : i1
        %sub3A_738 = arith.constant 1 : i32
        %sub3A_739 = arith.subi %div3A_718, %sub3A_738 : i32
        %select_n3A_740 = arith.select %and3A_737, %sub3A_739, %div3A_718 : i32
        %jit3A_741 = arith.constant 32 : i32
        %eq3A_742 = arith.constant 0 : i32
        %eq3A_743 = arith.cmpi eq, %jit3A_741, %eq3A_742 : i32
        %jit3A_744 = arith.constant 1 : i32
        %select_n3A_745 = arith.select %eq3A_743, %jit3A_744, %jit3A_741 : i32
        %rem3A_746 = arith.remsi %add3A_716, %select_n3A_745 : i32
        %ne3A_747 = arith.constant 0 : i32
        %ne3A_748 = arith.cmpi ne, %rem3A_746, %ne3A_747 : i32
        %lt3A_749 = arith.constant 0 : i32
        %lt3A_750 = arith.cmpi slt, %rem3A_746, %lt3A_749 : i32
        %lt3A_751 = arith.constant 0 : i32
        %lt3A_752 = arith.cmpi slt, %select_n3A_745, %lt3A_751 : i32
        %ne3A_753 = arith.xori %lt3A_750, %lt3A_752 : i1
        %and3A_754 = arith.andi %ne3A_753, %ne3A_748 : i1
        %add3A_755 = arith.addi %rem3A_746, %select_n3A_745 : i32
        %select_n3A_756 = arith.select %and3A_754, %add3A_755, %rem3A_746 : i32
        %dma_wait3A_757 = arith.constant 2 : i32
        %dma_wait3A_758 = arith.constant 2 : i32
        %dma_wait3A_759 = arith.constant 0 : i32
        %dma_wait3A_760 = arith.constant 0 : i32
        %dma_wait3A_761 = arith.constant 0 : i32
        %dma_wait3A_762 = tpu.memref_slice %arg7[%dma_wait3A_757, %dma_wait3A_759, %dma_wait3A_760, %dma_wait3A_761] : memref<4x8x8x129xf32, #tpu.memory_space<vmem>> -> memref<1x8x8x128xf32, #tpu.memory_space<vmem>>
        %dma_wait3A_763 = tpu.memref_squeeze %dma_wait3A_762 : memref<1x8x8x128xf32, #tpu.memory_space<vmem>> -> memref<8x8x128xf32, #tpu.memory_space<vmem>>
        %dma_wait3A_764 = arith.constant 0 : i32
        %dma_wait3A_765 = arith.constant 0 : i32
        %dma_wait3A_766 = arith.constant 0 : i32
        %dma_wait3A_767 = tpu.memref_slice %arg4[%select_n3A_740, %dma_wait3A_764, %select_n3A_756, %dma_wait3A_765, %dma_wait3A_766] : memref<200x8x32x8x128xf32, #tpu.memory_space<hbm>> -> memref<1x8x1x8x128xf32, #tpu.memory_space<hbm>>
        %dma_wait3A_768 = tpu.memref_squeeze %dma_wait3A_767 : memref<1x8x1x8x128xf32, #tpu.memory_space<hbm>> -> memref<8x8x128xf32, #tpu.memory_space<hbm>>
        %dma_wait3A_769 = tpu.memref_slice %arg9[%dma_wait3A_758] : memref<4x!tpu.dma_semaphore, #tpu.memory_space<semaphore_mem>> -> memref<1x!tpu.dma_semaphore, #tpu.memory_space<semaphore_mem>>
        %dma_wait3A_770 = tpu.memref_squeeze %dma_wait3A_769 : memref<1x!tpu.dma_semaphore, #tpu.memory_space<semaphore_mem>> -> memref<!tpu.dma_semaphore, #tpu.memory_space<semaphore_mem>>
        %dma_wait3A_771 = arith.constant 0 : i32
        %dma_wait3A_772 = arith.constant 0 : i32
        %dma_wait3A_773 = arith.constant 0 : i32
        %dma_wait3A_774 = tpu.memref_slice %arg4[%select_n3A_740, %dma_wait3A_771, %select_n3A_756, %dma_wait3A_772, %dma_wait3A_773] : memref<200x8x32x8x128xf32, #tpu.memory_space<hbm>> -> memref<1x8x1x8x128xf32, #tpu.memory_space<hbm>>
        %dma_wait3A_775 = tpu.memref_squeeze %dma_wait3A_774 : memref<1x8x1x8x128xf32, #tpu.memory_space<hbm>> -> memref<8x8x128xf32, #tpu.memory_space<hbm>>
        %dma_wait3A_776 = arith.constant 0 : i32
        %dma_wait3A_777 = arith.constant 0 : i32
        %dma_wait3A_778 = arith.constant 0 : i32
        %dma_wait3A_779 = tpu.memref_slice %arg7[%dma_wait3A_757, %dma_wait3A_776, %dma_wait3A_777, %dma_wait3A_778] : memref<4x8x8x129xf32, #tpu.memory_space<vmem>> -> memref<1x8x8x128xf32, #tpu.memory_space<vmem>>
        %dma_wait3A_780 = tpu.memref_squeeze %dma_wait3A_779 : memref<1x8x8x128xf32, #tpu.memory_space<vmem>> -> memref<8x8x128xf32, #tpu.memory_space<vmem>>
        tpu.wait_dma2 semaphore(%dma_wait3A_770 : memref<!tpu.dma_semaphore, #tpu.memory_space<semaphore_mem>>) src(%dma_wait3A_780 : memref<8x8x128xf32, #tpu.memory_space<vmem>>) dst(%dma_wait3A_775 : memref<8x8x128xf32, #tpu.memory_space<hbm>>)
      } else {
      }
      %parallel_loop3A_668 = arith.constant 0 : i32
      %parallel_loop3A_669 = arith.constant 128 : i32
      %parallel_loop3A_670 = arith.constant 1 : i32
      scf.for %parallel_loop3A_714 = %parallel_loop3A_668 to %parallel_loop3A_669 step %parallel_loop3A_670  : i32 {
        %parallel_loop3A_715 = vector.broadcast %parallel_loop3A_714 : i32 to vector<16xi32>
        %parallel_loop3A_716 = arith.addi %broadcast_in_dim3A_40, %parallel_loop3A_715 : vector<16xi32>
        %parallel_loop3A_717 = arith.constant 6 : i32
        %parallel_loop3A_718 = arith.index_cast %parallel_loop3A_717 : i32 to index
        %parallel_loop3A_719 = arith.index_cast %parallel_loop3A_714 : i32 to index
        %parallel_loop3A_720 = arith.constant 0 : index
        %parallel_loop3A_721 = tpu.vector_load %arg6[%parallel_loop3A_718, %parallel_loop3A_719, %parallel_loop3A_720] {strides = array<i32>} : memref<8x128x64xf32, #tpu.memory_space<vmem>>, vector<16xf32>,
        %parallel_loop3A_722 = arith.constant 8.000000e+00 : f32
        %parallel_loop3A_723 = vector.broadcast %parallel_loop3A_722 : f32 to vector<16xf32>
        %parallel_loop3A_724 = arith.mulf %parallel_loop3A_721, %parallel_loop3A_723 : vector<16xf32>
        %parallel_loop3A_725 = arith.constant 2 : i32
        %parallel_loop3A_726 = arith.constant 0 : i32
        %parallel_loop3A_727 = arith.constant 0 : i32
        %parallel_loop3A_728 = arith.constant 0 : i32
        %parallel_loop3A_729 = tpu.memref_slice %arg7[%parallel_loop3A_725, %parallel_loop3A_726, %parallel_loop3A_727, %parallel_loop3A_728] : memref<4x8x8x129xf32, #tpu.memory_space<vmem>> -> memref<1x8x8x129xf32, #tpu.memory_space<vmem>>
        %parallel_loop3A_730 = tpu.memref_squeeze %parallel_loop3A_729 : memref<1x8x8x129xf32, #tpu.memory_space<vmem>> -> memref<8x8x129xf32, #tpu.memory_space<vmem>>
        tpu.vector_store_idx %parallel_loop3A_730[%shift_right_logical3A_19, %and3A_30, %parallel_loop3A_716], %parallel_loop3A_724 : memref<8x8x129xf32, #tpu.memory_space<vmem>>[vector<16xi32>, vector<16xi32>, vector<16xi32>], vector<16xf32>,
        %parallel_loop3A_731 = arith.constant 6 : i32
        %parallel_loop3A_732 = arith.index_cast %parallel_loop3A_731 : i32 to index
        %parallel_loop3A_733 = arith.index_cast %parallel_loop3A_714 : i32 to index
        %parallel_loop3A_734 = arith.constant 16 : index
        %parallel_loop3A_735 = tpu.vector_load %arg6[%parallel_loop3A_732, %parallel_loop3A_733, %parallel_loop3A_734] {strides = array<i32>} : memref<8x128x64xf32, #tpu.memory_space<vmem>>, vector<16xf32>,
        %parallel_loop3A_736 = arith.constant 8.000000e+00 : f32
        %parallel_loop3A_737 = vector.broadcast %parallel_loop3A_736 : f32 to vector<16xf32>
        %parallel_loop3A_738 = arith.mulf %parallel_loop3A_735, %parallel_loop3A_737 : vector<16xf32>
        %parallel_loop3A_739 = arith.constant 2 : i32
        %parallel_loop3A_740 = arith.constant 0 : i32
        %parallel_loop3A_741 = arith.constant 0 : i32
        %parallel_loop3A_742 = arith.constant 0 : i32
        %parallel_loop3A_743 = tpu.memref_slice %arg7[%parallel_loop3A_739, %parallel_loop3A_740, %parallel_loop3A_741, %parallel_loop3A_742] : memref<4x8x8x129xf32, #tpu.memory_space<vmem>> -> memref<1x8x8x129xf32, #tpu.memory_space<vmem>>
        %parallel_loop3A_744 = tpu.memref_squeeze %parallel_loop3A_743 : memref<1x8x8x129xf32, #tpu.memory_space<vmem>> -> memref<8x8x129xf32, #tpu.memory_space<vmem>>
        tpu.vector_store_idx %parallel_loop3A_744[%shift_right_logical3A_22, %and3A_33, %parallel_loop3A_716], %parallel_loop3A_738 : memref<8x8x129xf32, #tpu.memory_space<vmem>>[vector<16xi32>, vector<16xi32>, vector<16xi32>], vector<16xf32>,
        %parallel_loop3A_745 = arith.constant 6 : i32
        %parallel_loop3A_746 = arith.index_cast %parallel_loop3A_745 : i32 to index
        %parallel_loop3A_747 = arith.index_cast %parallel_loop3A_714 : i32 to index
        %parallel_loop3A_748 = arith.constant 32 : index
        %parallel_loop3A_749 = tpu.vector_load %arg6[%parallel_loop3A_746, %parallel_loop3A_747, %parallel_loop3A_748] {strides = array<i32>} : memref<8x128x64xf32, #tpu.memory_space<vmem>>, vector<16xf32>,
        %parallel_loop3A_750 = arith.constant 8.000000e+00 : f32
        %parallel_loop3A_751 = vector.broadcast %parallel_loop3A_750 : f32 to vector<16xf32>
        %parallel_loop3A_752 = arith.mulf %parallel_loop3A_749, %parallel_loop3A_751 : vector<16xf32>
        %parallel_loop3A_753 = arith.constant 2 : i32
        %parallel_loop3A_754 = arith.constant 0 : i32
        %parallel_loop3A_755 = arith.constant 0 : i32
        %parallel_loop3A_756 = arith.constant 0 : i32
        %parallel_loop3A_757 = tpu.memref_slice %arg7[%parallel_loop3A_753, %parallel_loop3A_754, %parallel_loop3A_755, %parallel_loop3A_756] : memref<4x8x8x129xf32, #tpu.memory_space<vmem>> -> memref<1x8x8x129xf32, #tpu.memory_space<vmem>>
        %parallel_loop3A_758 = tpu.memref_squeeze %parallel_loop3A_757 : memref<1x8x8x129xf32, #tpu.memory_space<vmem>> -> memref<8x8x129xf32, #tpu.memory_space<vmem>>
        tpu.vector_store_idx %parallel_loop3A_758[%shift_right_logical3A_25, %and3A_36, %parallel_loop3A_716], %parallel_loop3A_752 : memref<8x8x129xf32, #tpu.memory_space<vmem>>[vector<16xi32>, vector<16xi32>, vector<16xi32>], vector<16xf32>,
        %parallel_loop3A_759 = arith.constant 6 : i32
        %parallel_loop3A_760 = arith.index_cast %parallel_loop3A_759 : i32 to index
        %parallel_loop3A_761 = arith.index_cast %parallel_loop3A_714 : i32 to index
        %parallel_loop3A_762 = arith.constant 48 : index
        %parallel_loop3A_763 = tpu.vector_load %arg6[%parallel_loop3A_760, %parallel_loop3A_761, %parallel_loop3A_762] {strides = array<i32>} : memref<8x128x64xf32, #tpu.memory_space<vmem>>, vector<16xf32>,
        %parallel_loop3A_764 = arith.constant 8.000000e+00 : f32
        %parallel_loop3A_765 = vector.broadcast %parallel_loop3A_764 : f32 to vector<16xf32>
        %parallel_loop3A_766 = arith.mulf %parallel_loop3A_763, %parallel_loop3A_765 : vector<16xf32>
        %parallel_loop3A_767 = arith.constant 2 : i32
        %parallel_loop3A_768 = arith.constant 0 : i32
        %parallel_loop3A_769 = arith.constant 0 : i32
        %parallel_loop3A_770 = arith.constant 0 : i32
        %parallel_loop3A_771 = tpu.memref_slice %arg7[%parallel_loop3A_767, %parallel_loop3A_768, %parallel_loop3A_769, %parallel_loop3A_770] : memref<4x8x8x129xf32, #tpu.memory_space<vmem>> -> memref<1x8x8x129xf32, #tpu.memory_space<vmem>>
        %parallel_loop3A_772 = tpu.memref_squeeze %parallel_loop3A_771 : memref<1x8x8x129xf32, #tpu.memory_space<vmem>> -> memref<8x8x129xf32, #tpu.memory_space<vmem>>
        tpu.vector_store_idx %parallel_loop3A_772[%shift_right_logical3A_28, %and3A_39, %parallel_loop3A_716], %parallel_loop3A_766 : memref<8x8x129xf32, #tpu.memory_space<vmem>>[vector<16xi32>, vector<16xi32>, vector<16xi32>], vector<16xf32>,
      } {sc.loop_unroll_factor = 4 : i64, sc.parallel_access}
      %add3A_671 = arith.constant 4 : i32
      %add3A_672 = arith.addi %add3A_643, %add3A_671 : i32
      %lt3A_673 = arith.constant 200 : i32
      %lt3A_674 = arith.cmpi slt, %add3A_672, %lt3A_673 : i32
      %convert_element_type3A_675 = arith.extui %lt3A_674 : i1 to i32
      %cond3A_676 = arith.constant 0 : i32
      %cond3A_677 = arith.cmpi ne, %convert_element_type3A_675, %cond3A_676 : i32
      scf.if %cond3A_677 {
        %add3A_714 = arith.constant 4 : i32
        %add3A_715 = arith.addi %add3A_643, %add3A_714 : i32
        %dma_start3A_716 = arith.constant 2 : i32
        %dma_start3A_717 = arith.constant 2 : i32
        %dma_start3A_718 = arith.constant 0 : i32
        %dma_start3A_719 = arith.constant 0 : i32
        %dma_start3A_720 = tpu.memref_slice %arg6[%dma_start3A_716, %dma_start3A_718, %dma_start3A_719] : memref<8x128x64xf32, #tpu.memory_space<vmem>> -> memref<1x128x64xf32, #tpu.memory_space<vmem>>
        %dma_start3A_721 = tpu.memref_squeeze %dma_start3A_720 : memref<1x128x64xf32, #tpu.memory_space<vmem>> -> memref<128x64xf32, #tpu.memory_space<vmem>>
        %dma_start3A_722 = arith.constant 0 : i32
        %dma_start3A_723 = tpu.memref_slice %arg5[%add3A_715, %dma_start3A_722] : memref<200x128xi32, #tpu.memory_space<vmem>> -> memref<1x128xi32, #tpu.memory_space<vmem>>
        %dma_start3A_724 = tpu.memref_squeeze %dma_start3A_723 : memref<1x128xi32, #tpu.memory_space<vmem>> -> memref<128xi32, #tpu.memory_space<vmem>>
        %dma_start3A_725 = arith.constant 0 : i32
        %dma_start3A_726 = arith.constant 0 : i32
        %dma_start3A_727 = tpu.memref_slice %arg3[%dma_start3A_725, %dma_start3A_726] : memref<1000000x64xf32, #tpu.memory_space<hbm>> -> memref<1000000x64xf32, #tpu.memory_space<hbm>>
        %dma_start3A_728 = tpu.memref_slice %arg8[%dma_start3A_717] : memref<8x!tpu.dma_semaphore, #tpu.memory_space<semaphore_mem>> -> memref<1x!tpu.dma_semaphore, #tpu.memory_space<semaphore_mem>>
        %dma_start3A_729 = tpu.memref_squeeze %dma_start3A_728 : memref<1x!tpu.dma_semaphore, #tpu.memory_space<semaphore_mem>> -> memref<!tpu.dma_semaphore, #tpu.memory_space<semaphore_mem>>
        tpu.enqueue_indirect_dma source(%dma_start3A_727 : memref<1000000x64xf32, #tpu.memory_space<hbm>>) target(%dma_start3A_721 : memref<128x64xf32, #tpu.memory_space<vmem>>) offsets(%dma_start3A_724 : memref<128xi32, #tpu.memory_space<vmem>>) semaphore(%dma_start3A_729 : memref<!tpu.dma_semaphore, #tpu.memory_space<semaphore_mem>>)
      } else {
      }
      %add3A_678 = arith.constant 7 : i32
      %add3A_679 = arith.addi %mul3A_429, %add3A_678 : i32
      %dma_wait3A_680 = arith.constant 7 : i32
      %dma_wait3A_681 = arith.constant 7 : i32
      %dma_wait3A_682 = arith.constant 0 : i32
      %dma_wait3A_683 = arith.constant 0 : i32
      %dma_wait3A_684 = tpu.memref_slice %arg6[%dma_wait3A_680, %dma_wait3A_682, %dma_wait3A_683] : memref<8x128x64xf32, #tpu.memory_space<vmem>> -> memref<1x128x64xf32, #tpu.memory_space<vmem>>
      %dma_wait3A_685 = tpu.memref_squeeze %dma_wait3A_684 : memref<1x128x64xf32, #tpu.memory_space<vmem>> -> memref<128x64xf32, #tpu.memory_space<vmem>>
      %dma_wait3A_686 = arith.constant 0 : i32
      %dma_wait3A_687 = tpu.memref_slice %arg5[%add3A_679, %dma_wait3A_686] : memref<200x128xi32, #tpu.memory_space<vmem>> -> memref<1x128xi32, #tpu.memory_space<vmem>>
      %dma_wait3A_688 = tpu.memref_squeeze %dma_wait3A_687 : memref<1x128xi32, #tpu.memory_space<vmem>> -> memref<128xi32, #tpu.memory_space<vmem>>
      %dma_wait3A_689 = arith.constant 0 : i32
      %dma_wait3A_690 = arith.constant 0 : i32
      %dma_wait3A_691 = tpu.memref_slice %arg3[%dma_wait3A_689, %dma_wait3A_690] : memref<1000000x64xf32, #tpu.memory_space<hbm>> -> memref<1000000x64xf32, #tpu.memory_space<hbm>>
      %dma_wait3A_692 = tpu.memref_slice %arg8[%dma_wait3A_681] : memref<8x!tpu.dma_semaphore, #tpu.memory_space<semaphore_mem>> -> memref<1x!tpu.dma_semaphore, #tpu.memory_space<semaphore_mem>>
      %dma_wait3A_693 = tpu.memref_squeeze %dma_wait3A_692 : memref<1x!tpu.dma_semaphore, #tpu.memory_space<semaphore_mem>> -> memref<!tpu.dma_semaphore, #tpu.memory_space<semaphore_mem>>
      tpu.wait_indirect_dma semaphore(%dma_wait3A_693 : memref<!tpu.dma_semaphore, #tpu.memory_space<semaphore_mem>>) src(%dma_wait3A_691 : memref<1000000x64xf32, #tpu.memory_space<hbm>>) dst(%dma_wait3A_685 : memref<128x64xf32, #tpu.memory_space<vmem>>)
      %ge3A_694 = arith.constant 1 : i32
      %ge3A_695 = arith.cmpi sge, %add3A_679, %ge3A_694 : i32
      %convert_element_type3A_696 = arith.extui %ge3A_695 : i1 to i32
      %cond3A_697 = arith.constant 0 : i32
      %cond3A_698 = arith.cmpi ne, %convert_element_type3A_696, %cond3A_697 : i32
      scf.if %cond3A_698 {
        %sub3A_714 = arith.constant 1 : i32
        %sub3A_715 = arith.subi %add3A_679, %sub3A_714 : i32
        %add3A_716 = arith.addi %mul3A_2, %sub3A_715 : i32
        %jit3A_717 = arith.constant 32 : i32
        %div3A_718 = arith.divsi %add3A_716, %jit3A_717 : i32
        %sign3A_719 = arith.constant 0 : i32
        %sign3A_720 = arith.cmpi sgt, %add3A_716, %sign3A_719 : i32
        %sign3A_721 = arith.extui %sign3A_720 : i1 to i32
        %sign3A_722 = arith.constant 0 : i32
        %sign3A_723 = arith.cmpi slt, %add3A_716, %sign3A_722 : i32
        %sign3A_724 = arith.extui %sign3A_723 : i1 to i32
        %sign3A_725 = arith.subi %sign3A_721, %sign3A_724 : i32
        %sign3A_726 = arith.constant 0 : i32
        %sign3A_727 = arith.cmpi sgt, %jit3A_717, %sign3A_726 : i32
        %sign3A_728 = arith.extui %sign3A_727 : i1 to i32
        %sign3A_729 = arith.constant 0 : i32
        %sign3A_730 = arith.cmpi slt, %jit3A_717, %sign3A_729 : i32
        %sign3A_731 = arith.extui %sign3A_730 : i1 to i32
        %sign3A_732 = arith.subi %sign3A_728, %sign3A_731 : i32
        %ne3A_733 = arith.cmpi ne, %sign3A_725, %sign3A_732 : i32
        %rem3A_734 = arith.remsi %add3A_716, %jit3A_717 : i32
        %ne3A_735 = arith.constant 0 : i32
        %ne3A_736 = arith.cmpi ne, %rem3A_734, %ne3A_735 : i32
        %and3A_737 = arith.andi %ne3A_733, %ne3A_736 : i1
        %sub3A_738 = arith.constant 1 : i32
        %sub3A_739 = arith.subi %div3A_718, %sub3A_738 : i32
        %select_n3A_740 = arith.select %and3A_737, %sub3A_739, %div3A_718 : i32
        %jit3A_741 = arith.constant 32 : i32
        %eq3A_742 = arith.constant 0 : i32
        %eq3A_743 = arith.cmpi eq, %jit3A_741, %eq3A_742 : i32
        %jit3A_744 = arith.constant 1 : i32
        %select_n3A_745 = arith.select %eq3A_743, %jit3A_744, %jit3A_741 : i32
        %rem3A_746 = arith.remsi %add3A_716, %select_n3A_745 : i32
        %ne3A_747 = arith.constant 0 : i32
        %ne3A_748 = arith.cmpi ne, %rem3A_746, %ne3A_747 : i32
        %lt3A_749 = arith.constant 0 : i32
        %lt3A_750 = arith.cmpi slt, %rem3A_746, %lt3A_749 : i32
        %lt3A_751 = arith.constant 0 : i32
        %lt3A_752 = arith.cmpi slt, %select_n3A_745, %lt3A_751 : i32
        %ne3A_753 = arith.xori %lt3A_750, %lt3A_752 : i1
        %and3A_754 = arith.andi %ne3A_753, %ne3A_748 : i1
        %add3A_755 = arith.addi %rem3A_746, %select_n3A_745 : i32
        %select_n3A_756 = arith.select %and3A_754, %add3A_755, %rem3A_746 : i32
        %dma_start3A_757 = arith.constant 2 : i32
        %dma_start3A_758 = arith.constant 2 : i32
        %dma_start3A_759 = arith.constant 0 : i32
        %dma_start3A_760 = arith.constant 0 : i32
        %dma_start3A_761 = arith.constant 0 : i32
        %dma_start3A_762 = tpu.memref_slice %arg7[%dma_start3A_757, %dma_start3A_759, %dma_start3A_760, %dma_start3A_761] : memref<4x8x8x129xf32, #tpu.memory_space<vmem>> -> memref<1x8x8x128xf32, #tpu.memory_space<vmem>>
        %dma_start3A_763 = tpu.memref_squeeze %dma_start3A_762 : memref<1x8x8x128xf32, #tpu.memory_space<vmem>> -> memref<8x8x128xf32, #tpu.memory_space<vmem>>
        %dma_start3A_764 = arith.constant 0 : i32
        %dma_start3A_765 = arith.constant 0 : i32
        %dma_start3A_766 = arith.constant 0 : i32
        %dma_start3A_767 = tpu.memref_slice %arg4[%select_n3A_740, %dma_start3A_764, %select_n3A_756, %dma_start3A_765, %dma_start3A_766] : memref<200x8x32x8x128xf32, #tpu.memory_space<hbm>> -> memref<1x8x1x8x128xf32, #tpu.memory_space<hbm>>
        %dma_start3A_768 = tpu.memref_squeeze %dma_start3A_767 : memref<1x8x1x8x128xf32, #tpu.memory_space<hbm>> -> memref<8x8x128xf32, #tpu.memory_space<hbm>>
        %dma_start3A_769 = tpu.memref_slice %arg9[%dma_start3A_758] : memref<4x!tpu.dma_semaphore, #tpu.memory_space<semaphore_mem>> -> memref<1x!tpu.dma_semaphore, #tpu.memory_space<semaphore_mem>>
        %dma_start3A_770 = tpu.memref_squeeze %dma_start3A_769 : memref<1x!tpu.dma_semaphore, #tpu.memory_space<semaphore_mem>> -> memref<!tpu.dma_semaphore, #tpu.memory_space<semaphore_mem>>
        %dma_start3A_771 = arith.constant 0 : i32
        %dma_start3A_772 = arith.constant 0 : i32
        %dma_start3A_773 = arith.constant 0 : i32
        %dma_start3A_774 = tpu.memref_slice %arg4[%select_n3A_740, %dma_start3A_771, %select_n3A_756, %dma_start3A_772, %dma_start3A_773] : memref<200x8x32x8x128xf32, #tpu.memory_space<hbm>> -> memref<1x8x1x8x128xf32, #tpu.memory_space<hbm>>
        %dma_start3A_775 = tpu.memref_squeeze %dma_start3A_774 : memref<1x8x1x8x128xf32, #tpu.memory_space<hbm>> -> memref<8x8x128xf32, #tpu.memory_space<hbm>>
        %dma_start3A_776 = arith.constant 0 : i32
        %dma_start3A_777 = arith.constant 0 : i32
        %dma_start3A_778 = arith.constant 0 : i32
        %dma_start3A_779 = tpu.memref_slice %arg7[%dma_start3A_757, %dma_start3A_776, %dma_start3A_777, %dma_start3A_778] : memref<4x8x8x129xf32, #tpu.memory_space<vmem>> -> memref<1x8x8x128xf32, #tpu.memory_space<vmem>>
        %dma_start3A_780 = tpu.memref_squeeze %dma_start3A_779 : memref<1x8x8x128xf32, #tpu.memory_space<vmem>> -> memref<8x8x128xf32, #tpu.memory_space<vmem>>
        tpu.enqueue_dma source(%dma_start3A_780 : memref<8x8x128xf32, #tpu.memory_space<vmem>>) target(%dma_start3A_775 : memref<8x8x128xf32, #tpu.memory_space<hbm>>) target_semaphore(%dma_start3A_770 : memref<!tpu.dma_semaphore, #tpu.memory_space<semaphore_mem>>)
      } else {
      }
      %ge3A_699 = arith.constant 4 : i32
      %ge3A_700 = arith.cmpi sge, %add3A_679, %ge3A_699 : i32
      %convert_element_type3A_701 = arith.extui %ge3A_700 : i1 to i32
      %cond3A_702 = arith.constant 0 : i32
      %cond3A_703 = arith.cmpi ne, %convert_element_type3A_701, %cond3A_702 : i32
      scf.if %cond3A_703 {
        %sub3A_714 = arith.constant 4 : i32
        %sub3A_715 = arith.subi %add3A_679, %sub3A_714 : i32
        %add3A_716 = arith.addi %mul3A_2, %sub3A_715 : i32
        %jit3A_717 = arith.constant 32 : i32
        %div3A_718 = arith.divsi %add3A_716, %jit3A_717 : i32
        %sign3A_719 = arith.constant 0 : i32
        %sign3A_720 = arith.cmpi sgt, %add3A_716, %sign3A_719 : i32
        %sign3A_721 = arith.extui %sign3A_720 : i1 to i32
        %sign3A_722 = arith.constant 0 : i32
        %sign3A_723 = arith.cmpi slt, %add3A_716, %sign3A_722 : i32
        %sign3A_724 = arith.extui %sign3A_723 : i1 to i32
        %sign3A_725 = arith.subi %sign3A_721, %sign3A_724 : i32
        %sign3A_726 = arith.constant 0 : i32
        %sign3A_727 = arith.cmpi sgt, %jit3A_717, %sign3A_726 : i32
        %sign3A_728 = arith.extui %sign3A_727 : i1 to i32
        %sign3A_729 = arith.constant 0 : i32
        %sign3A_730 = arith.cmpi slt, %jit3A_717, %sign3A_729 : i32
        %sign3A_731 = arith.extui %sign3A_730 : i1 to i32
        %sign3A_732 = arith.subi %sign3A_728, %sign3A_731 : i32
        %ne3A_733 = arith.cmpi ne, %sign3A_725, %sign3A_732 : i32
        %rem3A_734 = arith.remsi %add3A_716, %jit3A_717 : i32
        %ne3A_735 = arith.constant 0 : i32
        %ne3A_736 = arith.cmpi ne, %rem3A_734, %ne3A_735 : i32
        %and3A_737 = arith.andi %ne3A_733, %ne3A_736 : i1
        %sub3A_738 = arith.constant 1 : i32
        %sub3A_739 = arith.subi %div3A_718, %sub3A_738 : i32
        %select_n3A_740 = arith.select %and3A_737, %sub3A_739, %div3A_718 : i32
        %jit3A_741 = arith.constant 32 : i32
        %eq3A_742 = arith.constant 0 : i32
        %eq3A_743 = arith.cmpi eq, %jit3A_741, %eq3A_742 : i32
        %jit3A_744 = arith.constant 1 : i32
        %select_n3A_745 = arith.select %eq3A_743, %jit3A_744, %jit3A_741 : i32
        %rem3A_746 = arith.remsi %add3A_716, %select_n3A_745 : i32
        %ne3A_747 = arith.constant 0 : i32
        %ne3A_748 = arith.cmpi ne, %rem3A_746, %ne3A_747 : i32
        %lt3A_749 = arith.constant 0 : i32
        %lt3A_750 = arith.cmpi slt, %rem3A_746, %lt3A_749 : i32
        %lt3A_751 = arith.constant 0 : i32
        %lt3A_752 = arith.cmpi slt, %select_n3A_745, %lt3A_751 : i32
        %ne3A_753 = arith.xori %lt3A_750, %lt3A_752 : i1
        %and3A_754 = arith.andi %ne3A_753, %ne3A_748 : i1
        %add3A_755 = arith.addi %rem3A_746, %select_n3A_745 : i32
        %select_n3A_756 = arith.select %and3A_754, %add3A_755, %rem3A_746 : i32
        %dma_wait3A_757 = arith.constant 3 : i32
        %dma_wait3A_758 = arith.constant 3 : i32
        %dma_wait3A_759 = arith.constant 0 : i32
        %dma_wait3A_760 = arith.constant 0 : i32
        %dma_wait3A_761 = arith.constant 0 : i32
        %dma_wait3A_762 = tpu.memref_slice %arg7[%dma_wait3A_757, %dma_wait3A_759, %dma_wait3A_760, %dma_wait3A_761] : memref<4x8x8x129xf32, #tpu.memory_space<vmem>> -> memref<1x8x8x128xf32, #tpu.memory_space<vmem>>
        %dma_wait3A_763 = tpu.memref_squeeze %dma_wait3A_762 : memref<1x8x8x128xf32, #tpu.memory_space<vmem>> -> memref<8x8x128xf32, #tpu.memory_space<vmem>>
        %dma_wait3A_764 = arith.constant 0 : i32
        %dma_wait3A_765 = arith.constant 0 : i32
        %dma_wait3A_766 = arith.constant 0 : i32
        %dma_wait3A_767 = tpu.memref_slice %arg4[%select_n3A_740, %dma_wait3A_764, %select_n3A_756, %dma_wait3A_765, %dma_wait3A_766] : memref<200x8x32x8x128xf32, #tpu.memory_space<hbm>> -> memref<1x8x1x8x128xf32, #tpu.memory_space<hbm>>
        %dma_wait3A_768 = tpu.memref_squeeze %dma_wait3A_767 : memref<1x8x1x8x128xf32, #tpu.memory_space<hbm>> -> memref<8x8x128xf32, #tpu.memory_space<hbm>>
        %dma_wait3A_769 = tpu.memref_slice %arg9[%dma_wait3A_758] : memref<4x!tpu.dma_semaphore, #tpu.memory_space<semaphore_mem>> -> memref<1x!tpu.dma_semaphore, #tpu.memory_space<semaphore_mem>>
        %dma_wait3A_770 = tpu.memref_squeeze %dma_wait3A_769 : memref<1x!tpu.dma_semaphore, #tpu.memory_space<semaphore_mem>> -> memref<!tpu.dma_semaphore, #tpu.memory_space<semaphore_mem>>
        %dma_wait3A_771 = arith.constant 0 : i32
        %dma_wait3A_772 = arith.constant 0 : i32
        %dma_wait3A_773 = arith.constant 0 : i32
        %dma_wait3A_774 = tpu.memref_slice %arg4[%select_n3A_740, %dma_wait3A_771, %select_n3A_756, %dma_wait3A_772, %dma_wait3A_773] : memref<200x8x32x8x128xf32, #tpu.memory_space<hbm>> -> memref<1x8x1x8x128xf32, #tpu.memory_space<hbm>>
        %dma_wait3A_775 = tpu.memref_squeeze %dma_wait3A_774 : memref<1x8x1x8x128xf32, #tpu.memory_space<hbm>> -> memref<8x8x128xf32, #tpu.memory_space<hbm>>
        %dma_wait3A_776 = arith.constant 0 : i32
        %dma_wait3A_777 = arith.constant 0 : i32
        %dma_wait3A_778 = arith.constant 0 : i32
        %dma_wait3A_779 = tpu.memref_slice %arg7[%dma_wait3A_757, %dma_wait3A_776, %dma_wait3A_777, %dma_wait3A_778] : memref<4x8x8x129xf32, #tpu.memory_space<vmem>> -> memref<1x8x8x128xf32, #tpu.memory_space<vmem>>
        %dma_wait3A_780 = tpu.memref_squeeze %dma_wait3A_779 : memref<1x8x8x128xf32, #tpu.memory_space<vmem>> -> memref<8x8x128xf32, #tpu.memory_space<vmem>>
        tpu.wait_dma2 semaphore(%dma_wait3A_770 : memref<!tpu.dma_semaphore, #tpu.memory_space<semaphore_mem>>) src(%dma_wait3A_780 : memref<8x8x128xf32, #tpu.memory_space<vmem>>) dst(%dma_wait3A_775 : memref<8x8x128xf32, #tpu.memory_space<hbm>>)
      } else {
      }
      %parallel_loop3A_704 = arith.constant 0 : i32
      %parallel_loop3A_705 = arith.constant 128 : i32
      %parallel_loop3A_706 = arith.constant 1 : i32
      scf.for %parallel_loop3A_714 = %parallel_loop3A_704 to %parallel_loop3A_705 step %parallel_loop3A_706  : i32 {
        %parallel_loop3A_715 = vector.broadcast %parallel_loop3A_714 : i32 to vector<16xi32>
        %parallel_loop3A_716 = arith.addi %broadcast_in_dim3A_40, %parallel_loop3A_715 : vector<16xi32>
        %parallel_loop3A_717 = arith.constant 7 : i32
        %parallel_loop3A_718 = arith.index_cast %parallel_loop3A_717 : i32 to index
        %parallel_loop3A_719 = arith.index_cast %parallel_loop3A_714 : i32 to index
        %parallel_loop3A_720 = arith.constant 0 : index
        %parallel_loop3A_721 = tpu.vector_load %arg6[%parallel_loop3A_718, %parallel_loop3A_719, %parallel_loop3A_720] {strides = array<i32>} : memref<8x128x64xf32, #tpu.memory_space<vmem>>, vector<16xf32>,
        %parallel_loop3A_722 = arith.constant 8.000000e+00 : f32
        %parallel_loop3A_723 = vector.broadcast %parallel_loop3A_722 : f32 to vector<16xf32>
        %parallel_loop3A_724 = arith.mulf %parallel_loop3A_721, %parallel_loop3A_723 : vector<16xf32>
        %parallel_loop3A_725 = arith.constant 3 : i32
        %parallel_loop3A_726 = arith.constant 0 : i32
        %parallel_loop3A_727 = arith.constant 0 : i32
        %parallel_loop3A_728 = arith.constant 0 : i32
        %parallel_loop3A_729 = tpu.memref_slice %arg7[%parallel_loop3A_725, %parallel_loop3A_726, %parallel_loop3A_727, %parallel_loop3A_728] : memref<4x8x8x129xf32, #tpu.memory_space<vmem>> -> memref<1x8x8x129xf32, #tpu.memory_space<vmem>>
        %parallel_loop3A_730 = tpu.memref_squeeze %parallel_loop3A_729 : memref<1x8x8x129xf32, #tpu.memory_space<vmem>> -> memref<8x8x129xf32, #tpu.memory_space<vmem>>
        tpu.vector_store_idx %parallel_loop3A_730[%shift_right_logical3A_19, %and3A_30, %parallel_loop3A_716], %parallel_loop3A_724 : memref<8x8x129xf32, #tpu.memory_space<vmem>>[vector<16xi32>, vector<16xi32>, vector<16xi32>], vector<16xf32>,
        %parallel_loop3A_731 = arith.constant 7 : i32
        %parallel_loop3A_732 = arith.index_cast %parallel_loop3A_731 : i32 to index
        %parallel_loop3A_733 = arith.index_cast %parallel_loop3A_714 : i32 to index
        %parallel_loop3A_734 = arith.constant 16 : index
        %parallel_loop3A_735 = tpu.vector_load %arg6[%parallel_loop3A_732, %parallel_loop3A_733, %parallel_loop3A_734] {strides = array<i32>} : memref<8x128x64xf32, #tpu.memory_space<vmem>>, vector<16xf32>,
        %parallel_loop3A_736 = arith.constant 8.000000e+00 : f32
        %parallel_loop3A_737 = vector.broadcast %parallel_loop3A_736 : f32 to vector<16xf32>
        %parallel_loop3A_738 = arith.mulf %parallel_loop3A_735, %parallel_loop3A_737 : vector<16xf32>
        %parallel_loop3A_739 = arith.constant 3 : i32
        %parallel_loop3A_740 = arith.constant 0 : i32
        %parallel_loop3A_741 = arith.constant 0 : i32
        %parallel_loop3A_742 = arith.constant 0 : i32
        %parallel_loop3A_743 = tpu.memref_slice %arg7[%parallel_loop3A_739, %parallel_loop3A_740, %parallel_loop3A_741, %parallel_loop3A_742] : memref<4x8x8x129xf32, #tpu.memory_space<vmem>> -> memref<1x8x8x129xf32, #tpu.memory_space<vmem>>
        %parallel_loop3A_744 = tpu.memref_squeeze %parallel_loop3A_743 : memref<1x8x8x129xf32, #tpu.memory_space<vmem>> -> memref<8x8x129xf32, #tpu.memory_space<vmem>>
        tpu.vector_store_idx %parallel_loop3A_744[%shift_right_logical3A_22, %and3A_33, %parallel_loop3A_716], %parallel_loop3A_738 : memref<8x8x129xf32, #tpu.memory_space<vmem>>[vector<16xi32>, vector<16xi32>, vector<16xi32>], vector<16xf32>,
        %parallel_loop3A_745 = arith.constant 7 : i32
        %parallel_loop3A_746 = arith.index_cast %parallel_loop3A_745 : i32 to index
        %parallel_loop3A_747 = arith.index_cast %parallel_loop3A_714 : i32 to index
        %parallel_loop3A_748 = arith.constant 32 : index
        %parallel_loop3A_749 = tpu.vector_load %arg6[%parallel_loop3A_746, %parallel_loop3A_747, %parallel_loop3A_748] {strides = array<i32>} : memref<8x128x64xf32, #tpu.memory_space<vmem>>, vector<16xf32>,
        %parallel_loop3A_750 = arith.constant 8.000000e+00 : f32
        %parallel_loop3A_751 = vector.broadcast %parallel_loop3A_750 : f32 to vector<16xf32>
        %parallel_loop3A_752 = arith.mulf %parallel_loop3A_749, %parallel_loop3A_751 : vector<16xf32>
        %parallel_loop3A_753 = arith.constant 3 : i32
        %parallel_loop3A_754 = arith.constant 0 : i32
        %parallel_loop3A_755 = arith.constant 0 : i32
        %parallel_loop3A_756 = arith.constant 0 : i32
        %parallel_loop3A_757 = tpu.memref_slice %arg7[%parallel_loop3A_753, %parallel_loop3A_754, %parallel_loop3A_755, %parallel_loop3A_756] : memref<4x8x8x129xf32, #tpu.memory_space<vmem>> -> memref<1x8x8x129xf32, #tpu.memory_space<vmem>>
        %parallel_loop3A_758 = tpu.memref_squeeze %parallel_loop3A_757 : memref<1x8x8x129xf32, #tpu.memory_space<vmem>> -> memref<8x8x129xf32, #tpu.memory_space<vmem>>
        tpu.vector_store_idx %parallel_loop3A_758[%shift_right_logical3A_25, %and3A_36, %parallel_loop3A_716], %parallel_loop3A_752 : memref<8x8x129xf32, #tpu.memory_space<vmem>>[vector<16xi32>, vector<16xi32>, vector<16xi32>], vector<16xf32>,
        %parallel_loop3A_759 = arith.constant 7 : i32
        %parallel_loop3A_760 = arith.index_cast %parallel_loop3A_759 : i32 to index
        %parallel_loop3A_761 = arith.index_cast %parallel_loop3A_714 : i32 to index
        %parallel_loop3A_762 = arith.constant 48 : index
        %parallel_loop3A_763 = tpu.vector_load %arg6[%parallel_loop3A_760, %parallel_loop3A_761, %parallel_loop3A_762] {strides = array<i32>} : memref<8x128x64xf32, #tpu.memory_space<vmem>>, vector<16xf32>,
        %parallel_loop3A_764 = arith.constant 8.000000e+00 : f32
        %parallel_loop3A_765 = vector.broadcast %parallel_loop3A_764 : f32 to vector<16xf32>
        %parallel_loop3A_766 = arith.mulf %parallel_loop3A_763, %parallel_loop3A_765 : vector<16xf32>
        %parallel_loop3A_767 = arith.constant 3 : i32
        %parallel_loop3A_768 = arith.constant 0 : i32
        %parallel_loop3A_769 = arith.constant 0 : i32
        %parallel_loop3A_770 = arith.constant 0 : i32
        %parallel_loop3A_771 = tpu.memref_slice %arg7[%parallel_loop3A_767, %parallel_loop3A_768, %parallel_loop3A_769, %parallel_loop3A_770] : memref<4x8x8x129xf32, #tpu.memory_space<vmem>> -> memref<1x8x8x129xf32, #tpu.memory_space<vmem>>
        %parallel_loop3A_772 = tpu.memref_squeeze %parallel_loop3A_771 : memref<1x8x8x129xf32, #tpu.memory_space<vmem>> -> memref<8x8x129xf32, #tpu.memory_space<vmem>>
        tpu.vector_store_idx %parallel_loop3A_772[%shift_right_logical3A_28, %and3A_39, %parallel_loop3A_716], %parallel_loop3A_766 : memref<8x8x129xf32, #tpu.memory_space<vmem>>[vector<16xi32>, vector<16xi32>, vector<16xi32>], vector<16xf32>,
      } {sc.loop_unroll_factor = 4 : i64, sc.parallel_access}
      %add3A_707 = arith.constant 4 : i32
      %add3A_708 = arith.addi %add3A_679, %add3A_707 : i32
      %lt3A_709 = arith.constant 200 : i32
      %lt3A_710 = arith.cmpi slt, %add3A_708, %lt3A_709 : i32
      %convert_element_type3A_711 = arith.extui %lt3A_710 : i1 to i32
      %cond3A_712 = arith.constant 0 : i32
      %cond3A_713 = arith.cmpi ne, %convert_element_type3A_711, %cond3A_712 : i32
      scf.if %cond3A_713 {
        %add3A_714 = arith.constant 4 : i32
        %add3A_715 = arith.addi %add3A_679, %add3A_714 : i32
        %dma_start3A_716 = arith.constant 3 : i32
        %dma_start3A_717 = arith.constant 3 : i32
        %dma_start3A_718 = arith.constant 0 : i32
        %dma_start3A_719 = arith.constant 0 : i32
        %dma_start3A_720 = tpu.memref_slice %arg6[%dma_start3A_716, %dma_start3A_718, %dma_start3A_719] : memref<8x128x64xf32, #tpu.memory_space<vmem>> -> memref<1x128x64xf32, #tpu.memory_space<vmem>>
        %dma_start3A_721 = tpu.memref_squeeze %dma_start3A_720 : memref<1x128x64xf32, #tpu.memory_space<vmem>> -> memref<128x64xf32, #tpu.memory_space<vmem>>
        %dma_start3A_722 = arith.constant 0 : i32
        %dma_start3A_723 = tpu.memref_slice %arg5[%add3A_715, %dma_start3A_722] : memref<200x128xi32, #tpu.memory_space<vmem>> -> memref<1x128xi32, #tpu.memory_space<vmem>>
        %dma_start3A_724 = tpu.memref_squeeze %dma_start3A_723 : memref<1x128xi32, #tpu.memory_space<vmem>> -> memref<128xi32, #tpu.memory_space<vmem>>
        %dma_start3A_725 = arith.constant 0 : i32
        %dma_start3A_726 = arith.constant 0 : i32
        %dma_start3A_727 = tpu.memref_slice %arg3[%dma_start3A_725, %dma_start3A_726] : memref<1000000x64xf32, #tpu.memory_space<hbm>> -> memref<1000000x64xf32, #tpu.memory_space<hbm>>
        %dma_start3A_728 = tpu.memref_slice %arg8[%dma_start3A_717] : memref<8x!tpu.dma_semaphore, #tpu.memory_space<semaphore_mem>> -> memref<1x!tpu.dma_semaphore, #tpu.memory_space<semaphore_mem>>
        %dma_start3A_729 = tpu.memref_squeeze %dma_start3A_728 : memref<1x!tpu.dma_semaphore, #tpu.memory_space<semaphore_mem>> -> memref<!tpu.dma_semaphore, #tpu.memory_space<semaphore_mem>>
        tpu.enqueue_indirect_dma source(%dma_start3A_727 : memref<1000000x64xf32, #tpu.memory_space<hbm>>) target(%dma_start3A_721 : memref<128x64xf32, #tpu.memory_space<vmem>>) offsets(%dma_start3A_724 : memref<128xi32, #tpu.memory_space<vmem>>) semaphore(%dma_start3A_729 : memref<!tpu.dma_semaphore, #tpu.memory_space<semaphore_mem>>)
      } else {
      }
    }
    %scan3A_104 = arith.constant 25 : i32
    %add3A_105 = arith.constant 199 : i32
    %add3A_106 = arith.addi %mul3A_2, %add3A_105 : i32
    %jit3A = arith.constant 32 : i32
    %div3A = arith.divsi %add3A_106, %jit3A : i32
    %sign3A = arith.constant 0 : i32
    %sign3A_107 = arith.cmpi sgt, %add3A_106, %sign3A : i32
    %sign3A_108 = arith.extui %sign3A_107 : i1 to i32
    %sign3A_109 = arith.constant 0 : i32
    %sign3A_110 = arith.cmpi slt, %add3A_106, %sign3A_109 : i32
    %sign3A_111 = arith.extui %sign3A_110 : i1 to i32
    %sign3A_112 = arith.subi %sign3A_108, %sign3A_111 : i32
    %sign3A_113 = arith.constant 0 : i32
    %sign3A_114 = arith.cmpi sgt, %jit3A, %sign3A_113 : i32
    %sign3A_115 = arith.extui %sign3A_114 : i1 to i32
    %sign3A_116 = arith.constant 0 : i32
    %sign3A_117 = arith.cmpi slt, %jit3A, %sign3A_116 : i32
    %sign3A_118 = arith.extui %sign3A_117 : i1 to i32
    %sign3A_119 = arith.subi %sign3A_115, %sign3A_118 : i32
    %ne3A = arith.cmpi ne, %sign3A_112, %sign3A_119 : i32
    %rem3A = arith.remsi %add3A_106, %jit3A : i32
    %ne3A_120 = arith.constant 0 : i32
    %ne3A_121 = arith.cmpi ne, %rem3A, %ne3A_120 : i32
    %and3A_122 = arith.andi %ne3A, %ne3A_121 : i1
    %sub3A = arith.constant 1 : i32
    %sub3A_123 = arith.subi %div3A, %sub3A : i32
    %select_n3A = arith.select %and3A_122, %sub3A_123, %div3A : i32
    %jit3A_124 = arith.constant 32 : i32
    %eq3A = arith.constant 0 : i32
    %eq3A_125 = arith.cmpi eq, %jit3A_124, %eq3A : i32
    %jit3A_126 = arith.constant 1 : i32
    %select_n3A_127 = arith.select %eq3A_125, %jit3A_126, %jit3A_124 : i32
    %rem3A_128 = arith.remsi %add3A_106, %select_n3A_127 : i32
    %ne3A_129 = arith.constant 0 : i32
    %ne3A_130 = arith.cmpi ne, %rem3A_128, %ne3A_129 : i32
    %lt3A = arith.constant 0 : i32
    %lt3A_131 = arith.cmpi slt, %rem3A_128, %lt3A : i32
    %lt3A_132 = arith.constant 0 : i32
    %lt3A_133 = arith.cmpi slt, %select_n3A_127, %lt3A_132 : i32
    %ne3A_134 = arith.xori %lt3A_131, %lt3A_133 : i1
    %and3A_135 = arith.andi %ne3A_134, %ne3A_130 : i1
    %add3A_136 = arith.addi %rem3A_128, %select_n3A_127 : i32
    %select_n3A_137 = arith.select %and3A_135, %add3A_136, %rem3A_128 : i32
    %dma_start3A_138 = arith.constant 3 : i32
    %dma_start3A_139 = arith.constant 3 : i32
    %dma_start3A_140 = arith.constant 0 : i32
    %dma_start3A_141 = arith.constant 0 : i32
    %dma_start3A_142 = arith.constant 0 : i32
    %dma_start3A_143 = tpu.memref_slice %arg7[%dma_start3A_138, %dma_start3A_140, %dma_start3A_141, %dma_start3A_142] : memref<4x8x8x129xf32, #tpu.memory_space<vmem>> -> memref<1x8x8x128xf32, #tpu.memory_space<vmem>>
    %dma_start3A_144 = tpu.memref_squeeze %dma_start3A_143 : memref<1x8x8x128xf32, #tpu.memory_space<vmem>> -> memref<8x8x128xf32, #tpu.memory_space<vmem>>
    %dma_start3A_145 = arith.constant 0 : i32
    %dma_start3A_146 = arith.constant 0 : i32
    %dma_start3A_147 = arith.constant 0 : i32
    %dma_start3A_148 = tpu.memref_slice %arg4[%select_n3A, %dma_start3A_145, %select_n3A_137, %dma_start3A_146, %dma_start3A_147] : memref<200x8x32x8x128xf32, #tpu.memory_space<hbm>> -> memref<1x8x1x8x128xf32, #tpu.memory_space<hbm>>
    %dma_start3A_149 = tpu.memref_squeeze %dma_start3A_148 : memref<1x8x1x8x128xf32, #tpu.memory_space<hbm>> -> memref<8x8x128xf32, #tpu.memory_space<hbm>>
    %dma_start3A_150 = tpu.memref_slice %arg9[%dma_start3A_139] : memref<4x!tpu.dma_semaphore, #tpu.memory_space<semaphore_mem>> -> memref<1x!tpu.dma_semaphore, #tpu.memory_space<semaphore_mem>>
    %dma_start3A_151 = tpu.memref_squeeze %dma_start3A_150 : memref<1x!tpu.dma_semaphore, #tpu.memory_space<semaphore_mem>> -> memref<!tpu.dma_semaphore, #tpu.memory_space<semaphore_mem>>
    %dma_start3A_152 = arith.constant 0 : i32
    %dma_start3A_153 = arith.constant 0 : i32
    %dma_start3A_154 = arith.constant 0 : i32
    %dma_start3A_155 = tpu.memref_slice %arg4[%select_n3A, %dma_start3A_152, %select_n3A_137, %dma_start3A_153, %dma_start3A_154] : memref<200x8x32x8x128xf32, #tpu.memory_space<hbm>> -> memref<1x8x1x8x128xf32, #tpu.memory_space<hbm>>
    %dma_start3A_156 = tpu.memref_squeeze %dma_start3A_155 : memref<1x8x1x8x128xf32, #tpu.memory_space<hbm>> -> memref<8x8x128xf32, #tpu.memory_space<hbm>>
    %dma_start3A_157 = arith.constant 0 : i32
    %dma_start3A_158 = arith.constant 0 : i32
    %dma_start3A_159 = arith.constant 0 : i32
    %dma_start3A_160 = tpu.memref_slice %arg7[%dma_start3A_138, %dma_start3A_157, %dma_start3A_158, %dma_start3A_159] : memref<4x8x8x129xf32, #tpu.memory_space<vmem>> -> memref<1x8x8x128xf32, #tpu.memory_space<vmem>>
    %dma_start3A_161 = tpu.memref_squeeze %dma_start3A_160 : memref<1x8x8x128xf32, #tpu.memory_space<vmem>> -> memref<8x8x128xf32, #tpu.memory_space<vmem>>
    tpu.enqueue_dma source(%dma_start3A_161 : memref<8x8x128xf32, #tpu.memory_space<vmem>>) target(%dma_start3A_156 : memref<8x8x128xf32, #tpu.memory_space<hbm>>) target_semaphore(%dma_start3A_151 : memref<!tpu.dma_semaphore, #tpu.memory_space<semaphore_mem>>)
    %add3A_162 = arith.constant 196 : i32
    %add3A_163 = arith.addi %mul3A_2, %add3A_162 : i32
    %jit3A_164 = arith.constant 32 : i32
    %div3A_165 = arith.divsi %add3A_163, %jit3A_164 : i32
    %sign3A_166 = arith.constant 0 : i32
    %sign3A_167 = arith.cmpi sgt, %add3A_163, %sign3A_166 : i32
    %sign3A_168 = arith.extui %sign3A_167 : i1 to i32
    %sign3A_169 = arith.constant 0 : i32
    %sign3A_170 = arith.cmpi slt, %add3A_163, %sign3A_169 : i32
    %sign3A_171 = arith.extui %sign3A_170 : i1 to i32
    %sign3A_172 = arith.subi %sign3A_168, %sign3A_171 : i32
    %sign3A_173 = arith.constant 0 : i32
    %sign3A_174 = arith.cmpi sgt, %jit3A_164, %sign3A_173 : i32
    %sign3A_175 = arith.extui %sign3A_174 : i1 to i32
    %sign3A_176 = arith.constant 0 : i32
    %sign3A_177 = arith.cmpi slt, %jit3A_164, %sign3A_176 : i32
    %sign3A_178 = arith.extui %sign3A_177 : i1 to i32
    %sign3A_179 = arith.subi %sign3A_175, %sign3A_178 : i32
    %ne3A_180 = arith.cmpi ne, %sign3A_172, %sign3A_179 : i32
    %rem3A_181 = arith.remsi %add3A_163, %jit3A_164 : i32
    %ne3A_182 = arith.constant 0 : i32
    %ne3A_183 = arith.cmpi ne, %rem3A_181, %ne3A_182 : i32
    %and3A_184 = arith.andi %ne3A_180, %ne3A_183 : i1
    %sub3A_185 = arith.constant 1 : i32
    %sub3A_186 = arith.subi %div3A_165, %sub3A_185 : i32
    %select_n3A_187 = arith.select %and3A_184, %sub3A_186, %div3A_165 : i32
    %jit3A_188 = arith.constant 32 : i32
    %eq3A_189 = arith.constant 0 : i32
    %eq3A_190 = arith.cmpi eq, %jit3A_188, %eq3A_189 : i32
    %jit3A_191 = arith.constant 1 : i32
    %select_n3A_192 = arith.select %eq3A_190, %jit3A_191, %jit3A_188 : i32
    %rem3A_193 = arith.remsi %add3A_163, %select_n3A_192 : i32
    %ne3A_194 = arith.constant 0 : i32
    %ne3A_195 = arith.cmpi ne, %rem3A_193, %ne3A_194 : i32
    %lt3A_196 = arith.constant 0 : i32
    %lt3A_197 = arith.cmpi slt, %rem3A_193, %lt3A_196 : i32
    %lt3A_198 = arith.constant 0 : i32
    %lt3A_199 = arith.cmpi slt, %select_n3A_192, %lt3A_198 : i32
    %ne3A_200 = arith.xori %lt3A_197, %lt3A_199 : i1
    %and3A_201 = arith.andi %ne3A_200, %ne3A_195 : i1
    %add3A_202 = arith.addi %rem3A_193, %select_n3A_192 : i32
    %select_n3A_203 = arith.select %and3A_201, %add3A_202, %rem3A_193 : i32
    %dma_wait3A = arith.constant 0 : i32
    %dma_wait3A_204 = arith.constant 0 : i32
    %dma_wait3A_205 = arith.constant 0 : i32
    %dma_wait3A_206 = arith.constant 0 : i32
    %dma_wait3A_207 = arith.constant 0 : i32
    %dma_wait3A_208 = tpu.memref_slice %arg7[%dma_wait3A, %dma_wait3A_205, %dma_wait3A_206, %dma_wait3A_207] : memref<4x8x8x129xf32, #tpu.memory_space<vmem>> -> memref<1x8x8x128xf32, #tpu.memory_space<vmem>>
    %dma_wait3A_209 = tpu.memref_squeeze %dma_wait3A_208 : memref<1x8x8x128xf32, #tpu.memory_space<vmem>> -> memref<8x8x128xf32, #tpu.memory_space<vmem>>
    %dma_wait3A_210 = arith.constant 0 : i32
    %dma_wait3A_211 = arith.constant 0 : i32
    %dma_wait3A_212 = arith.constant 0 : i32
    %dma_wait3A_213 = tpu.memref_slice %arg4[%select_n3A_187, %dma_wait3A_210, %select_n3A_203, %dma_wait3A_211, %dma_wait3A_212] : memref<200x8x32x8x128xf32, #tpu.memory_space<hbm>> -> memref<1x8x1x8x128xf32, #tpu.memory_space<hbm>>
    %dma_wait3A_214 = tpu.memref_squeeze %dma_wait3A_213 : memref<1x8x1x8x128xf32, #tpu.memory_space<hbm>> -> memref<8x8x128xf32, #tpu.memory_space<hbm>>
    %dma_wait3A_215 = tpu.memref_slice %arg9[%dma_wait3A_204] : memref<4x!tpu.dma_semaphore, #tpu.memory_space<semaphore_mem>> -> memref<1x!tpu.dma_semaphore, #tpu.memory_space<semaphore_mem>>
    %dma_wait3A_216 = tpu.memref_squeeze %dma_wait3A_215 : memref<1x!tpu.dma_semaphore, #tpu.memory_space<semaphore_mem>> -> memref<!tpu.dma_semaphore, #tpu.memory_space<semaphore_mem>>
    %dma_wait3A_217 = arith.constant 0 : i32
    %dma_wait3A_218 = arith.constant 0 : i32
    %dma_wait3A_219 = arith.constant 0 : i32
    %dma_wait3A_220 = tpu.memref_slice %arg4[%select_n3A_187, %dma_wait3A_217, %select_n3A_203, %dma_wait3A_218, %dma_wait3A_219] : memref<200x8x32x8x128xf32, #tpu.memory_space<hbm>> -> memref<1x8x1x8x128xf32, #tpu.memory_space<hbm>>
    %dma_wait3A_221 = tpu.memref_squeeze %dma_wait3A_220 : memref<1x8x1x8x128xf32, #tpu.memory_space<hbm>> -> memref<8x8x128xf32, #tpu.memory_space<hbm>>
    %dma_wait3A_222 = arith.constant 0 : i32
    %dma_wait3A_223 = arith.constant 0 : i32
    %dma_wait3A_224 = arith.constant 0 : i32
    %dma_wait3A_225 = tpu.memref_slice %arg7[%dma_wait3A, %dma_wait3A_222, %dma_wait3A_223, %dma_wait3A_224] : memref<4x8x8x129xf32, #tpu.memory_space<vmem>> -> memref<1x8x8x128xf32, #tpu.memory_space<vmem>>
    %dma_wait3A_226 = tpu.memref_squeeze %dma_wait3A_225 : memref<1x8x8x128xf32, #tpu.memory_space<vmem>> -> memref<8x8x128xf32, #tpu.memory_space<vmem>>
    tpu.wait_dma2 semaphore(%dma_wait3A_216 : memref<!tpu.dma_semaphore, #tpu.memory_space<semaphore_mem>>) src(%dma_wait3A_226 : memref<8x8x128xf32, #tpu.memory_space<vmem>>) dst(%dma_wait3A_221 : memref<8x8x128xf32, #tpu.memory_space<hbm>>)
    %add3A_227 = arith.constant 197 : i32
    %add3A_228 = arith.addi %mul3A_2, %add3A_227 : i32
    %jit3A_229 = arith.constant 32 : i32
    %div3A_230 = arith.divsi %add3A_228, %jit3A_229 : i32
    %sign3A_231 = arith.constant 0 : i32
    %sign3A_232 = arith.cmpi sgt, %add3A_228, %sign3A_231 : i32
    %sign3A_233 = arith.extui %sign3A_232 : i1 to i32
    %sign3A_234 = arith.constant 0 : i32
    %sign3A_235 = arith.cmpi slt, %add3A_228, %sign3A_234 : i32
    %sign3A_236 = arith.extui %sign3A_235 : i1 to i32
    %sign3A_237 = arith.subi %sign3A_233, %sign3A_236 : i32
    %sign3A_238 = arith.constant 0 : i32
    %sign3A_239 = arith.cmpi sgt, %jit3A_229, %sign3A_238 : i32
    %sign3A_240 = arith.extui %sign3A_239 : i1 to i32
    %sign3A_241 = arith.constant 0 : i32
    %sign3A_242 = arith.cmpi slt, %jit3A_229, %sign3A_241 : i32
    %sign3A_243 = arith.extui %sign3A_242 : i1 to i32
    %sign3A_244 = arith.subi %sign3A_240, %sign3A_243 : i32
    %ne3A_245 = arith.cmpi ne, %sign3A_237, %sign3A_244 : i32
    %rem3A_246 = arith.remsi %add3A_228, %jit3A_229 : i32
    %ne3A_247 = arith.constant 0 : i32
    %ne3A_248 = arith.cmpi ne, %rem3A_246, %ne3A_247 : i32
    %and3A_249 = arith.andi %ne3A_245, %ne3A_248 : i1
    %sub3A_250 = arith.constant 1 : i32
    %sub3A_251 = arith.subi %div3A_230, %sub3A_250 : i32
    %select_n3A_252 = arith.select %and3A_249, %sub3A_251, %div3A_230 : i32
    %jit3A_253 = arith.constant 32 : i32
    %eq3A_254 = arith.constant 0 : i32
    %eq3A_255 = arith.cmpi eq, %jit3A_253, %eq3A_254 : i32
    %jit3A_256 = arith.constant 1 : i32
    %select_n3A_257 = arith.select %eq3A_255, %jit3A_256, %jit3A_253 : i32
    %rem3A_258 = arith.remsi %add3A_228, %select_n3A_257 : i32
    %ne3A_259 = arith.constant 0 : i32
    %ne3A_260 = arith.cmpi ne, %rem3A_258, %ne3A_259 : i32
    %lt3A_261 = arith.constant 0 : i32
    %lt3A_262 = arith.cmpi slt, %rem3A_258, %lt3A_261 : i32
    %lt3A_263 = arith.constant 0 : i32
    %lt3A_264 = arith.cmpi slt, %select_n3A_257, %lt3A_263 : i32
    %ne3A_265 = arith.xori %lt3A_262, %lt3A_264 : i1
    %and3A_266 = arith.andi %ne3A_265, %ne3A_260 : i1
    %add3A_267 = arith.addi %rem3A_258, %select_n3A_257 : i32
    %select_n3A_268 = arith.select %and3A_266, %add3A_267, %rem3A_258 : i32
    %dma_wait3A_269 = arith.constant 1 : i32
    %dma_wait3A_270 = arith.constant 1 : i32
    %dma_wait3A_271 = arith.constant 0 : i32
    %dma_wait3A_272 = arith.constant 0 : i32
    %dma_wait3A_273 = arith.constant 0 : i32
    %dma_wait3A_274 = tpu.memref_slice %arg7[%dma_wait3A_269, %dma_wait3A_271, %dma_wait3A_272, %dma_wait3A_273] : memref<4x8x8x129xf32, #tpu.memory_space<vmem>> -> memref<1x8x8x128xf32, #tpu.memory_space<vmem>>
    %dma_wait3A_275 = tpu.memref_squeeze %dma_wait3A_274 : memref<1x8x8x128xf32, #tpu.memory_space<vmem>> -> memref<8x8x128xf32, #tpu.memory_space<vmem>>
    %dma_wait3A_276 = arith.constant 0 : i32
    %dma_wait3A_277 = arith.constant 0 : i32
    %dma_wait3A_278 = arith.constant 0 : i32
    %dma_wait3A_279 = tpu.memref_slice %arg4[%select_n3A_252, %dma_wait3A_276, %select_n3A_268, %dma_wait3A_277, %dma_wait3A_278] : memref<200x8x32x8x128xf32, #tpu.memory_space<hbm>> -> memref<1x8x1x8x128xf32, #tpu.memory_space<hbm>>
    %dma_wait3A_280 = tpu.memref_squeeze %dma_wait3A_279 : memref<1x8x1x8x128xf32, #tpu.memory_space<hbm>> -> memref<8x8x128xf32, #tpu.memory_space<hbm>>
    %dma_wait3A_281 = tpu.memref_slice %arg9[%dma_wait3A_270] : memref<4x!tpu.dma_semaphore, #tpu.memory_space<semaphore_mem>> -> memref<1x!tpu.dma_semaphore, #tpu.memory_space<semaphore_mem>>
    %dma_wait3A_282 = tpu.memref_squeeze %dma_wait3A_281 : memref<1x!tpu.dma_semaphore, #tpu.memory_space<semaphore_mem>> -> memref<!tpu.dma_semaphore, #tpu.memory_space<semaphore_mem>>
    %dma_wait3A_283 = arith.constant 0 : i32
    %dma_wait3A_284 = arith.constant 0 : i32
    %dma_wait3A_285 = arith.constant 0 : i32
    %dma_wait3A_286 = tpu.memref_slice %arg4[%select_n3A_252, %dma_wait3A_283, %select_n3A_268, %dma_wait3A_284, %dma_wait3A_285] : memref<200x8x32x8x128xf32, #tpu.memory_space<hbm>> -> memref<1x8x1x8x128xf32, #tpu.memory_space<hbm>>
    %dma_wait3A_287 = tpu.memref_squeeze %dma_wait3A_286 : memref<1x8x1x8x128xf32, #tpu.memory_space<hbm>> -> memref<8x8x128xf32, #tpu.memory_space<hbm>>
    %dma_wait3A_288 = arith.constant 0 : i32
    %dma_wait3A_289 = arith.constant 0 : i32
    %dma_wait3A_290 = arith.constant 0 : i32
    %dma_wait3A_291 = tpu.memref_slice %arg7[%dma_wait3A_269, %dma_wait3A_288, %dma_wait3A_289, %dma_wait3A_290] : memref<4x8x8x129xf32, #tpu.memory_space<vmem>> -> memref<1x8x8x128xf32, #tpu.memory_space<vmem>>
    %dma_wait3A_292 = tpu.memref_squeeze %dma_wait3A_291 : memref<1x8x8x128xf32, #tpu.memory_space<vmem>> -> memref<8x8x128xf32, #tpu.memory_space<vmem>>
    tpu.wait_dma2 semaphore(%dma_wait3A_282 : memref<!tpu.dma_semaphore, #tpu.memory_space<semaphore_mem>>) src(%dma_wait3A_292 : memref<8x8x128xf32, #tpu.memory_space<vmem>>) dst(%dma_wait3A_287 : memref<8x8x128xf32, #tpu.memory_space<hbm>>)
    %add3A_293 = arith.constant 198 : i32
    %add3A_294 = arith.addi %mul3A_2, %add3A_293 : i32
    %jit3A_295 = arith.constant 32 : i32
    %div3A_296 = arith.divsi %add3A_294, %jit3A_295 : i32
    %sign3A_297 = arith.constant 0 : i32
    %sign3A_298 = arith.cmpi sgt, %add3A_294, %sign3A_297 : i32
    %sign3A_299 = arith.extui %sign3A_298 : i1 to i32
    %sign3A_300 = arith.constant 0 : i32
    %sign3A_301 = arith.cmpi slt, %add3A_294, %sign3A_300 : i32
    %sign3A_302 = arith.extui %sign3A_301 : i1 to i32
    %sign3A_303 = arith.subi %sign3A_299, %sign3A_302 : i32
    %sign3A_304 = arith.constant 0 : i32
    %sign3A_305 = arith.cmpi sgt, %jit3A_295, %sign3A_304 : i32
    %sign3A_306 = arith.extui %sign3A_305 : i1 to i32
    %sign3A_307 = arith.constant 0 : i32
    %sign3A_308 = arith.cmpi slt, %jit3A_295, %sign3A_307 : i32
    %sign3A_309 = arith.extui %sign3A_308 : i1 to i32
    %sign3A_310 = arith.subi %sign3A_306, %sign3A_309 : i32
    %ne3A_311 = arith.cmpi ne, %sign3A_303, %sign3A_310 : i32
    %rem3A_312 = arith.remsi %add3A_294, %jit3A_295 : i32
    %ne3A_313 = arith.constant 0 : i32
    %ne3A_314 = arith.cmpi ne, %rem3A_312, %ne3A_313 : i32
    %and3A_315 = arith.andi %ne3A_311, %ne3A_314 : i1
    %sub3A_316 = arith.constant 1 : i32
    %sub3A_317 = arith.subi %div3A_296, %sub3A_316 : i32
    %select_n3A_318 = arith.select %and3A_315, %sub3A_317, %div3A_296 : i32
    %jit3A_319 = arith.constant 32 : i32
    %eq3A_320 = arith.constant 0 : i32
    %eq3A_321 = arith.cmpi eq, %jit3A_319, %eq3A_320 : i32
    %jit3A_322 = arith.constant 1 : i32
    %select_n3A_323 = arith.select %eq3A_321, %jit3A_322, %jit3A_319 : i32
    %rem3A_324 = arith.remsi %add3A_294, %select_n3A_323 : i32
    %ne3A_325 = arith.constant 0 : i32
    %ne3A_326 = arith.cmpi ne, %rem3A_324, %ne3A_325 : i32
    %lt3A_327 = arith.constant 0 : i32
    %lt3A_328 = arith.cmpi slt, %rem3A_324, %lt3A_327 : i32
    %lt3A_329 = arith.constant 0 : i32
    %lt3A_330 = arith.cmpi slt, %select_n3A_323, %lt3A_329 : i32
    %ne3A_331 = arith.xori %lt3A_328, %lt3A_330 : i1
    %and3A_332 = arith.andi %ne3A_331, %ne3A_326 : i1
    %add3A_333 = arith.addi %rem3A_324, %select_n3A_323 : i32
    %select_n3A_334 = arith.select %and3A_332, %add3A_333, %rem3A_324 : i32
    %dma_wait3A_335 = arith.constant 2 : i32
    %dma_wait3A_336 = arith.constant 2 : i32
    %dma_wait3A_337 = arith.constant 0 : i32
    %dma_wait3A_338 = arith.constant 0 : i32
    %dma_wait3A_339 = arith.constant 0 : i32
    %dma_wait3A_340 = tpu.memref_slice %arg7[%dma_wait3A_335, %dma_wait3A_337, %dma_wait3A_338, %dma_wait3A_339] : memref<4x8x8x129xf32, #tpu.memory_space<vmem>> -> memref<1x8x8x128xf32, #tpu.memory_space<vmem>>
    %dma_wait3A_341 = tpu.memref_squeeze %dma_wait3A_340 : memref<1x8x8x128xf32, #tpu.memory_space<vmem>> -> memref<8x8x128xf32, #tpu.memory_space<vmem>>
    %dma_wait3A_342 = arith.constant 0 : i32
    %dma_wait3A_343 = arith.constant 0 : i32
    %dma_wait3A_344 = arith.constant 0 : i32
    %dma_wait3A_345 = tpu.memref_slice %arg4[%select_n3A_318, %dma_wait3A_342, %select_n3A_334, %dma_wait3A_343, %dma_wait3A_344] : memref<200x8x32x8x128xf32, #tpu.memory_space<hbm>> -> memref<1x8x1x8x128xf32, #tpu.memory_space<hbm>>
    %dma_wait3A_346 = tpu.memref_squeeze %dma_wait3A_345 : memref<1x8x1x8x128xf32, #tpu.memory_space<hbm>> -> memref<8x8x128xf32, #tpu.memory_space<hbm>>
    %dma_wait3A_347 = tpu.memref_slice %arg9[%dma_wait3A_336] : memref<4x!tpu.dma_semaphore, #tpu.memory_space<semaphore_mem>> -> memref<1x!tpu.dma_semaphore, #tpu.memory_space<semaphore_mem>>
    %dma_wait3A_348 = tpu.memref_squeeze %dma_wait3A_347 : memref<1x!tpu.dma_semaphore, #tpu.memory_space<semaphore_mem>> -> memref<!tpu.dma_semaphore, #tpu.memory_space<semaphore_mem>>
    %dma_wait3A_349 = arith.constant 0 : i32
    %dma_wait3A_350 = arith.constant 0 : i32
    %dma_wait3A_351 = arith.constant 0 : i32
    %dma_wait3A_352 = tpu.memref_slice %arg4[%select_n3A_318, %dma_wait3A_349, %select_n3A_334, %dma_wait3A_350, %dma_wait3A_351] : memref<200x8x32x8x128xf32, #tpu.memory_space<hbm>> -> memref<1x8x1x8x128xf32, #tpu.memory_space<hbm>>
    %dma_wait3A_353 = tpu.memref_squeeze %dma_wait3A_352 : memref<1x8x1x8x128xf32, #tpu.memory_space<hbm>> -> memref<8x8x128xf32, #tpu.memory_space<hbm>>
    %dma_wait3A_354 = arith.constant 0 : i32
    %dma_wait3A_355 = arith.constant 0 : i32
    %dma_wait3A_356 = arith.constant 0 : i32
    %dma_wait3A_357 = tpu.memref_slice %arg7[%dma_wait3A_335, %dma_wait3A_354, %dma_wait3A_355, %dma_wait3A_356] : memref<4x8x8x129xf32, #tpu.memory_space<vmem>> -> memref<1x8x8x128xf32, #tpu.memory_space<vmem>>
    %dma_wait3A_358 = tpu.memref_squeeze %dma_wait3A_357 : memref<1x8x8x128xf32, #tpu.memory_space<vmem>> -> memref<8x8x128xf32, #tpu.memory_space<vmem>>
    tpu.wait_dma2 semaphore(%dma_wait3A_348 : memref<!tpu.dma_semaphore, #tpu.memory_space<semaphore_mem>>) src(%dma_wait3A_358 : memref<8x8x128xf32, #tpu.memory_space<vmem>>) dst(%dma_wait3A_353 : memref<8x8x128xf32, #tpu.memory_space<hbm>>)
    %add3A_359 = arith.constant 199 : i32
    %add3A_360 = arith.addi %mul3A_2, %add3A_359 : i32
    %jit3A_361 = arith.constant 32 : i32
    %div3A_362 = arith.divsi %add3A_360, %jit3A_361 : i32
    %sign3A_363 = arith.constant 0 : i32
    %sign3A_364 = arith.cmpi sgt, %add3A_360, %sign3A_363 : i32
    %sign3A_365 = arith.extui %sign3A_364 : i1 to i32
    %sign3A_366 = arith.constant 0 : i32
    %sign3A_367 = arith.cmpi slt, %add3A_360, %sign3A_366 : i32
    %sign3A_368 = arith.extui %sign3A_367 : i1 to i32
    %sign3A_369 = arith.subi %sign3A_365, %sign3A_368 : i32
    %sign3A_370 = arith.constant 0 : i32
    %sign3A_371 = arith.cmpi sgt, %jit3A_361, %sign3A_370 : i32
    %sign3A_372 = arith.extui %sign3A_371 : i1 to i32
    %sign3A_373 = arith.constant 0 : i32
    %sign3A_374 = arith.cmpi slt, %jit3A_361, %sign3A_373 : i32
    %sign3A_375 = arith.extui %sign3A_374 : i1 to i32
    %sign3A_376 = arith.subi %sign3A_372, %sign3A_375 : i32
    %ne3A_377 = arith.cmpi ne, %sign3A_369, %sign3A_376 : i32
    %rem3A_378 = arith.remsi %add3A_360, %jit3A_361 : i32
    %ne3A_379 = arith.constant 0 : i32
    %ne3A_380 = arith.cmpi ne, %rem3A_378, %ne3A_379 : i32
    %and3A_381 = arith.andi %ne3A_377, %ne3A_380 : i1
    %sub3A_382 = arith.constant 1 : i32
    %sub3A_383 = arith.subi %div3A_362, %sub3A_382 : i32
    %select_n3A_384 = arith.select %and3A_381, %sub3A_383, %div3A_362 : i32
    %jit3A_385 = arith.constant 32 : i32
    %eq3A_386 = arith.constant 0 : i32
    %eq3A_387 = arith.cmpi eq, %jit3A_385, %eq3A_386 : i32
    %jit3A_388 = arith.constant 1 : i32
    %select_n3A_389 = arith.select %eq3A_387, %jit3A_388, %jit3A_385 : i32
    %rem3A_390 = arith.remsi %add3A_360, %select_n3A_389 : i32
    %ne3A_391 = arith.constant 0 : i32
    %ne3A_392 = arith.cmpi ne, %rem3A_390, %ne3A_391 : i32
    %lt3A_393 = arith.constant 0 : i32
    %lt3A_394 = arith.cmpi slt, %rem3A_390, %lt3A_393 : i32
    %lt3A_395 = arith.constant 0 : i32
    %lt3A_396 = arith.cmpi slt, %select_n3A_389, %lt3A_395 : i32
    %ne3A_397 = arith.xori %lt3A_394, %lt3A_396 : i1
    %and3A_398 = arith.andi %ne3A_397, %ne3A_392 : i1
    %add3A_399 = arith.addi %rem3A_390, %select_n3A_389 : i32
    %select_n3A_400 = arith.select %and3A_398, %add3A_399, %rem3A_390 : i32
    %dma_wait3A_401 = arith.constant 3 : i32
    %dma_wait3A_402 = arith.constant 3 : i32
    %dma_wait3A_403 = arith.constant 0 : i32
    %dma_wait3A_404 = arith.constant 0 : i32
    %dma_wait3A_405 = arith.constant 0 : i32
    %dma_wait3A_406 = tpu.memref_slice %arg7[%dma_wait3A_401, %dma_wait3A_403, %dma_wait3A_404, %dma_wait3A_405] : memref<4x8x8x129xf32, #tpu.memory_space<vmem>> -> memref<1x8x8x128xf32, #tpu.memory_space<vmem>>
    %dma_wait3A_407 = tpu.memref_squeeze %dma_wait3A_406 : memref<1x8x8x128xf32, #tpu.memory_space<vmem>> -> memref<8x8x128xf32, #tpu.memory_space<vmem>>
    %dma_wait3A_408 = arith.constant 0 : i32
    %dma_wait3A_409 = arith.constant 0 : i32
    %dma_wait3A_410 = arith.constant 0 : i32
    %dma_wait3A_411 = tpu.memref_slice %arg4[%select_n3A_384, %dma_wait3A_408, %select_n3A_400, %dma_wait3A_409, %dma_wait3A_410] : memref<200x8x32x8x128xf32, #tpu.memory_space<hbm>> -> memref<1x8x1x8x128xf32, #tpu.memory_space<hbm>>
    %dma_wait3A_412 = tpu.memref_squeeze %dma_wait3A_411 : memref<1x8x1x8x128xf32, #tpu.memory_space<hbm>> -> memref<8x8x128xf32, #tpu.memory_space<hbm>>
    %dma_wait3A_413 = tpu.memref_slice %arg9[%dma_wait3A_402] : memref<4x!tpu.dma_semaphore, #tpu.memory_space<semaphore_mem>> -> memref<1x!tpu.dma_semaphore, #tpu.memory_space<semaphore_mem>>
    %dma_wait3A_414 = tpu.memref_squeeze %dma_wait3A_413 : memref<1x!tpu.dma_semaphore, #tpu.memory_space<semaphore_mem>> -> memref<!tpu.dma_semaphore, #tpu.memory_space<semaphore_mem>>
    %dma_wait3A_415 = arith.constant 0 : i32
    %dma_wait3A_416 = arith.constant 0 : i32
    %dma_wait3A_417 = arith.constant 0 : i32
    %dma_wait3A_418 = tpu.memref_slice %arg4[%select_n3A_384, %dma_wait3A_415, %select_n3A_400, %dma_wait3A_416, %dma_wait3A_417] : memref<200x8x32x8x128xf32, #tpu.memory_space<hbm>> -> memref<1x8x1x8x128xf32, #tpu.memory_space<hbm>>
    %dma_wait3A_419 = tpu.memref_squeeze %dma_wait3A_418 : memref<1x8x1x8x128xf32, #tpu.memory_space<hbm>> -> memref<8x8x128xf32, #tpu.memory_space<hbm>>
    %dma_wait3A_420 = arith.constant 0 : i32
    %dma_wait3A_421 = arith.constant 0 : i32
    %dma_wait3A_422 = arith.constant 0 : i32
    %dma_wait3A_423 = tpu.memref_slice %arg7[%dma_wait3A_401, %dma_wait3A_420, %dma_wait3A_421, %dma_wait3A_422] : memref<4x8x8x129xf32, #tpu.memory_space<vmem>> -> memref<1x8x8x128xf32, #tpu.memory_space<vmem>>
    %dma_wait3A_424 = tpu.memref_squeeze %dma_wait3A_423 : memref<1x8x8x128xf32, #tpu.memory_space<vmem>> -> memref<8x8x128xf32, #tpu.memory_space<vmem>>
    tpu.wait_dma2 semaphore(%dma_wait3A_414 : memref<!tpu.dma_semaphore, #tpu.memory_space<semaphore_mem>>) src(%dma_wait3A_424 : memref<8x8x128xf32, #tpu.memory_space<vmem>>) dst(%dma_wait3A_419 : memref<8x8x128xf32, #tpu.memory_space<hbm>>)
    return
  }
}

</mosaic_0001>

<sc_bundles>
// kernel: kernel.3.cloned.1.call-start
scs
__scs_entry_jumppad:
0x0: {  	(pc) =	sbr.rel $0x88, $3  }
0x1: {  	(tag) =	ssettag $0x0;
	lr =	simm.s32 $0x1  }
0x2: {  	[smem:$0x3F9F] =	sst lr;
	_ =	strace $0xD0000000  }
0x3: {  	_ = 	snop  }
0x4: {  	_ = 	snop  }
0x5: {  	_ = 	snop  }
0x6: {  	_ = 	snop  }
0x7: {  	_ = 	snop  }
__scs_overlays_trampoline_lowered:
0x8: {  	[smem:$0x3FAE] =	sst s0  }
0x9: {  	[smem:$0x3FAF] =	sst s1  }
0xa: {  	[smem:$0x3FB0] =	sst s2  }
0xb: {  	[smem:$0x3FB1] =	sst s3  }
0xc: {  	[smem:$0x3FB2] =	sst s4  }
0xd: {  	[smem:$0x3FB3] =	sst s5  }
0xe: {  	[smem:$0x3FB4] =	sst s6  }
0xf: {  	[smem:$0x3FB5] =	sst s7  }
0x10: {  	[smem:$0x3FB6] =	sst s8  }
0x11: {  	[smem:$0x3FB7] =	sst s9;
	s0 =	simm.s32 @!p0 $0x0  }
0x12: {  	s1 =	sld [smem:$0x3F9D];
	s0 =	simm.s32 @p0 $0x1  }
0x13: {  	[smem:$0x3FB8] =	sst s0;
	s0 =	simm.s32 @!p1 $0x0  }
0x14: {  	s2 =	sld [smem:$0x3F9C];
	s0 =	simm.s32 @p1 $0x1  }
0x15: {  	[smem:$0x3FB9] =	sst s0;
	s0 =	simm.s32 @!p2 $0x0  }
0x16: {  	s3 =	sld [smem:$0x3FDB];
	s0 =	simm.s32 @p2 $0x1  }
0x17: {  	s4 =	simm.s32 $0x1BF5;
	[smem:$0x3FBB] =	sst s0  }
0x18: {  	s0 =	sld [smem:$0x3F9E];
	_ =	swait.ge [sflag:s4], $0x0  }
0x19: {  	s7 =	sld [smem:$0x3F9F]  }
0x1a: {  	s8 =	sadd.s32 $0xFFFFE003, lr  }
0x1b: {  	s9 =	sadd.s32 $0xFFFFFEF7, lr;
	s5 =	simm.s32 $0xFFFFFFFF;
	p2 =	slt.u32 s8, $0xFFFFF086  }
0x1c: {  	p1 =	slt.u32 s9, $0xF7A;
	s5 =	simm.s32 @!p2 $0x0  }
0x1d: {  	s5 =	simm.s32 @p1 $0x1;
	p0 =	seq.s32 s7, s2  }
0x1e: {  	s7 =	smul.u32 @!p0 $0xF7A, s2;
	p2 =	seq.s32 @!p0 s5, $0x0  }
0x1f: {  	s9 =	smul.u32 $0xF7A, s1;
	s8 =	simm.s32 @!p0 $0x1BF5;
	p2 =	por !p2, p0  }
0x20: {  	[sflag:s8] =	ssyncset.s32 @!p0 $0xFFFFF086;
	s6 =	sadd.s32 @!p0 s3, s7;
	s7 =	simm.s32 @!p0 $0x108  }
0x21: {  	s3 =	sadd.s32 s3, s9;
	s6 =	sadd.s32 @!p0 $0x88, s6;
	s7 =	simm.s32 @p2 $0x1082  }
0x22: {  	[simem:s7], [sflag:s8] =	dma.local @!p0 [hbm:s6], $0xF7A  }
0x23: {  	s9 =	sor.u32 $0xD0000000, s2;
	s6 =	simm.s32 $0x108;
	_ =	swait.ge @!p0 [sflag:s8], $0x0  }
0x24: {  	s3 =	sadd.s32 $0x88, s3;
	s6 =	simm.s32 @!p1 $0x1082;
	[sflag:s4] =	ssyncset.s32 $0xFFFFF086  }
0x25: {  	[simem:s6], [sflag:s4] =	dma.local [hbm:s3], $0xF7A  }
0x26: {  	[smem:$0x3F9F] =	sst s1;
	(tag) =	ssettag s2;
	_ =	strace s9  }
0x27: {  	s1 =	sld [smem:$0x3FAF]  }
0x28: {  	s2 =	sld [smem:$0x3FB0]  }
0x29: {  	s4 =	sld [smem:$0x3FB2]  }
0x2a: {  	p0 =	seq.s32 s5, $0x0;
	s5 =	sld [smem:$0x3FB3]  }
0x2b: {  	s6 =	sld [smem:$0x3FB4]  }
0x2c: {  	s7 =	sld [smem:$0x3FB5]  }
0x2d: {  	s3 =	simm.s32 $0x108;
	s8 =	sld [smem:$0x3FB6]  }
0x2e: {  	s3 =	simm.s32 @!p0 $0x1082;
	s9 =	sld [smem:$0x3FB7]  }
0x2f: {  	lr =	sadd.s32 s0, s3;
	s0 =	sld [smem:$0x3FAE]  }
0x30: {  	s3 =	sld [smem:$0x3FB1]  }
0x31: {  	[smem:$0x3FBA] =	sst s10  }
0x32: {  	s10 =	sld [smem:$0x3FB8];
	_ =	sdelay $0x3  }
0x33: {  	p0 =	seq.s32 s10, $0x1;
	s10 =	sld [smem:$0x3FBA];
	_ =	sdelay $0x3  }
0x34: {  	[smem:$0x3FBA] =	sst s10  }
0x35: {  	s10 =	sld [smem:$0x3FB9];
	_ =	sdelay $0x3  }
0x36: {  	p1 =	seq.s32 s10, $0x1;
	s10 =	sld [smem:$0x3FBA];
	_ =	sdelay $0x3  }
0x37: {  	[smem:$0x3FBA] =	sst s10  }
0x38: {  	s10 =	sld [smem:$0x3FBB]  }
0x39: {  	_ = 	snop;
	(pc) =	sbr.ind lr, $3  }
0x3a: {  	_ = 	snop  }
0x3b: {  	_ = 	snop  }
0x3c: {  	p2 =	seq.s32 s10, $0x1;
	s10 =	sld [smem:$0x3FBA]  }
0x3d: {  	_ =	shalt  }
0x3e: {  	_ =	shalt  }
0x3f: {  	_ =	shalt  }
0x40: {  	_ =	shalt  }
0x41: {  	_ =	shalt  }
0x42: {  	_ =	shalt  }
0x43: {  	_ =	shalt  }
0x44: {  	_ =	shalt  }
0x45: {  	_ =	shalt  }
0x46: {  	_ =	shalt  }
0x47: {  	_ =	shalt  }
0x48: {  	_ =	shalt  }
0x49: {  	_ =	shalt  }
0x4a: {  	_ =	shalt  }
0x4b: {  	_ =	shalt  }
0x4c: {  	_ =	shalt  }
0x4d: {  	_ =	shalt  }
0x4e: {  	_ =	shalt  }
0x4f: {  	_ =	shalt  }
0x50: {  	_ =	shalt  }
0x51: {  	_ =	shalt  }
0x52: {  	_ =	shalt  }
0x53: {  	_ =	shalt  }
0x54: {  	_ =	shalt  }
0x55: {  	_ =	shalt  }
0x56: {  	_ =	shalt  }
0x57: {  	_ =	shalt  }
0x58: {  	_ =	shalt  }
0x59: {  	_ =	shalt  }
0x5a: {  	_ =	shalt  }
0x5b: {  	_ =	shalt  }
0x5c: {  	_ =	shalt  }
0x5d: {  	_ =	shalt  }
0x5e: {  	_ =	shalt  }
0x5f: {  	_ =	shalt  }
0x60: {  	_ =	shalt  }
0x61: {  	_ =	shalt  }
0x62: {  	_ =	shalt  }
0x63: {  	_ =	shalt  }
0x64: {  	_ =	shalt  }
0x65: {  	_ =	shalt  }
0x66: {  	_ =	shalt  }
0x67: {  	_ =	shalt  }
0x68: {  	_ =	shalt  }
0x69: {  	_ =	shalt  }
0x6a: {  	_ =	shalt  }
0x6b: {  	_ =	shalt  }
0x6c: {  	_ =	shalt  }
0x6d: {  	_ =	shalt  }
0x6e: {  	_ =	shalt  }
0x6f: {  	_ =	shalt  }
0x70: {  	_ =	shalt  }
0x71: {  	_ =	shalt  }
0x72: {  	_ =	shalt  }
0x73: {  	_ =	shalt  }
0x74: {  	_ =	shalt  }
0x75: {  	_ =	shalt  }
0x76: {  	_ =	shalt  }
0x77: {  	_ =	shalt  }
0x78: {  	_ =	shalt  }
0x79: {  	_ =	shalt  }
0x7a: {  	_ =	shalt  }
0x7b: {  	_ =	shalt  }
0x7c: {  	_ =	shalt  }
0x7d: {  	_ =	shalt  }
0x7e: {  	_ =	shalt  }
0x7f: {  	_ =	shalt  }
0x80: {  	_ =	shalt  }
0x81: {  	_ =	shalt  }
0x82: {  	_ =	shalt  }
0x83: {  	_ =	shalt  }
0x84: {  	_ =	shalt  }
0x85: {  	_ =	shalt  }
0x86: {  	_ =	shalt  }
0x87: {  	_ =	shalt  }
.Lfunc_end0:
.L_simem_size_0:
called_computation_lowered:
.L_overlay_start_0:
0x88: {  	s2 =	sld [smem:$0x3FD9]  }
0x89: {  	s3 =	sld [smem:$0x3FFE];
	_ =	sdelay $0x1  }
0x8a: {  	s1 =	srdreg.scid  }
0x8b: {  	s0 =	sand.u32 $0x1, s1  }
0x8c: {  	s17 =	sshll.u32 s0, $0xA;
	s2 =	sadd.s32 s3, s2  }
0x8d: {  	s2 =	sadd.s32 s2, s17  }
0x8e: {  	[smem:$0x3FC6] =	sst s2  }
0x8f: {  	_ = 	snop  }
0x90: {  	s2 =	sld [smem:$0x3FD0];
	(tm) =	ssettm $0x1  }
0x91: {  	s18 =	sld [smem:$0x3FFB];
	_ =	sdelay $0x3  }
0x92: {  	_ =	strace s18  }
0x93: {  	s3 =	sld [smem:$0x3FFC];
	_ =	sdelay $0x3  }
0x94: {  	_ =	strace s3  }
0x95: {  	s3 =	sld [smem:$0x3FFD];
	_ =	sdelay $0x3  }
0x96: {  	_ =	strace s3  }
0x97: {  	_ =	strace $0x8FFFFFFF  }
0x98: {  	s19 =	sld [smem:$0x3FDB];
	_ =	sdelay $0x1  }
0x99: {  	s4 =	simm.s32 $_scs_section_size  }
0x9a: {  	s5 =	simm.s32 $_size__tile_overlayer_lowered;
	s6 =	simm.s32 $_tile_overlayer_lowered  }
0x9b: {  	s22 =	simm.s32 $0x1BFF;
	s21 =	sshll.u32 s6, $0x1;
	s3 =	sadd.s32 s4, s19  }
0x9c: {  	s7 =	simm.s32 $0x0;
	s20 =	sshll.u32 s5, $0x1;
	s5 =	sadd.s32 s21, s3  }
0x9d: {  	[timem:s7], [sflag:s22] =	dma.local [hbm:s5], s20  }
0x9e: {  	_ =	swait.ge [sflag:s22], s20  }
0x9f: {  	s4 =	ssub.s32 $0x0, s20;
	[sflag:s22] =	ssyncset.done $0x0  }
0xa0: {  	[sflag:s22] =	ssyncadd.s32 s4;
	_ =	sdelay $0x1  }
0xa1: {  	s23 =	simm.s32 $0x1B8B  }
0xa2: {  	_ =	swait.ge [sflag:s23], $0x1  }
0xa3: {  	[sflag:s23] =	ssyncset.done $0x0  }
0xa4: {  	s25 =	simm.s32 $0x1B8E;
	s24 =	sld [smem:$0x3FFE];
	[sflag:s23] =	ssyncadd.s32 $0xFFFFFFFF  }
0xa5: {  	s26 =	simm.s32 $execute0_lowered;
	[smem:$0x3FD2] =	sst s25  }
0xa6: {  	s5 =	sshll.u32 s26, $0x1;
	_ =	strace $0x80000046;
	[dreg:$0x1] =	wrdreg $0xFFFFFFFF  }
0xa7: {  	s28 =	simm.s32 $_size_execute0_lowered;
	s3 =	sadd.s32 s3, s5;
	[dreg:$0x0] =	wrdreg $0x0  }
0xa8: {  	s5 =	sshll.u32 s28, $0x1;
	[dreg:$0x2] =	wrdreg s3  }
0xa9: {  	[dreg:$0x3] =	wrdreg s5  }
0xaa: {  	[dreg:$0x4] =	wrdreg $0xC0  }
0xab: {  	_ =	task [dreg:s7], $0x5FFFF  }
0xac: {  	[dreg:$0x1] =	wrdreg $0xFFFFFFFF  }
0xad: {  	[dreg:$0x0] =	wrdreg $0x60  }
0xae: {  	[dreg:$0x2] =	wrdreg s24  }
0xaf: {  	[dreg:$0x3] =	wrdreg s2  }
0xb0: {  	[dreg:$0x4] =	wrdreg $0x9  }
0xb1: {  	_ =	task.clear_ibuf [dreg:s7], $0x5FFFF;
	_ =	strace $0x90000046  }
0xb2: {  	s29 =	simm.s32 $0x9;
	_ =	strace $0x80000048  }
0xb3: {  	_ =	swait.ge [sflag:s29], $0x1  }
0xb4: {  	[sflag:s29] =	ssyncadd.s32 $0xFFFFFFFF  }
0xb5: {  	_ =	strace $0x90000048  }
0xb6: {  	_ =	sfence  }
0xb7: {  	s30 =	sld [smem:$0x0];
	_ =	sdelay $0x2  }
0xb8: {  	s31 =	sshll.u32 s1, $0xD;
	s1 =	sshrl.u32 s1, $0x2  }
0xb9: {  	s3 =	sand.u32 $0x4000, s31;
	s1 =	sadd.s32 s1, s30  }
0xba: {  	s0 =	sor.u32 s3, s0;
	s1 =	sshll.u32 s1, $0x11  }
0xbb: {  	s0 =	sor.u32 s1, s0  }
0xbc: {  	s0 =	sadd.s32 $0x8F2B, s0  }
0xbd: {  	[sflag:s0] =	ssyncadd.remote.s32 $0x1  }
0xbe: {  	_ =	sfence.sel $0xFFFF  }
0xbf: {  	[dreg:$0x0] =	wrdreg $0xFFFFFFFF;
	(pc) =	sbr.abs _section_cstart, $3  }
0xc0: {  	[dreg:$0x1] =	wrdreg $0xFFFFFFFF  }
0xc1: {  	_ =	task.clear_ibuf [dreg:s7], $0x2FFFF;
	_ =	strace $0x9FFFFFFF  }
0xc2: {  	(tm) =	ssettm $0x7FFFFFFF  }
0xc3: {  	_ =	shalt  }
tec
execute0_lowered:
.L_overlay_start_1:
0x0: {  	(tag) =	ssettag $0x1  }
0x1: {  	s0 =	srdreg.scid  }
0x2: {  	s1 =	stileid.u32;
	s5 =	rddreg [dreg:$0x0]  }
0x3: {  	s2 =	rddreg [dreg:$0x1];
	s3 =	simm.s32 $0x0;
	s11 =	simm.s32 $0x80  }
0x4: {  	s19 =	simm.s32 $0x16400;
	s21 =	simm.s32 $0x2;
	s22 =	simm.s32 $0x18600  }
0x5: {  	s28 =	simm.s32 $0x4;
	s29 =	simm.s32 $0x1CA00;
	s31 =	simm.s32 $0x5  }
0x6: {  	s12 =	simm.s32 $0xA;
	s0 =	sand.u32 $0x1, s0;
	s1 =	sshll.u32 s1, $0x1  }
0x7: {  	s13 =	simm.s32 $0x7;
	s14 =	simm.s32 $0xB;
	s1 =	sor.u32 s0, s1  }
0x8: {  	s15 =	simm.s32 $0x8;
	s0 =	ssub.s32 $0x2, s0;
	s6 =	smul.u32 $0xC80, s1  }
0x9: {  	[smem:$0x7FF] =	sst s3;
	s4 =	smul.u32 $0xC8, s1;
	s8 =	sshrl.u32 s0, $0x1  }
0xa: {  	s16 =	simm.s32 $0xC;
	_ =	strace $0x80000047;
	s0 =	ssub.s32 s0, s8  }
0xb: {  	s24 =	sadd.s32 s6, s5;
	s25 =	sadd.s32 $0xC7, s4;
	s5 =	sadd.s32 $0xF42A00, s5  }
0xc: {  	s26 =	sadd.s32 $0xFFFFFFFF, s4;
	s0 =	smax.u32 s0, $0x1;
	s7 =	sshll.u32 s25, $0x7  }
0xd: {  	s6 =	sshll.u32 s25, $0xA;
	s1 =	sadd.s32 $0x600, s24;
	[dreg:$0x4] =	wrdreg s26  }
0xe: {  	v0 =	vlaneseq.u32;
	[dreg:$0x6] =	wrdreg s0;
	s24 =	simm.s32 $0x3;
	s7 =	sand.u32 $0xF80, s7  }
0xf: {  	v0 =	vmul.u32 $0x88, v0;
	s25 =	simm.s32 $0x1A800;
	s6 =	sand.u32 $0xFF8000, s6;
	s7 =	sadd.s32 s2, s7  }
0x10: {  	s0 =	simm.s32 $0x6;
	[dreg:$0x3] =	wrdreg s1;
	s30 =	sadd.s32 s6, s7  }
0x11: {  	v1 =	vadd.s32 $0x880, v0;
	v2 =	vadd.s32 $0x1100, v0;
	v3 =	vadd.s32 $0x1980, v0;
	s1 =	simm.s32 $0x9;
	s7 =	simm.s32 $0x0;
	[dreg:$0x5] =	wrdreg s30  }
.LBB2_1:
0x12: {  	[dreg:$0x7] =	wrdreg s7  }
0x13: {  	s6 =	rddreg [dreg:$0x3];
	s10 =	simm.s32 $0xD  }
0x14: {  	[tilespmem:s3], [sflag:$0xD] =	stream.linear.gather [hbm4b:s6+s3], $0x6400, $0x38;
	[tilespmem:$0x1EC00] =	vst v63  }
0x15: {  	_ =	swait.ge [sflag:s10], $0x6400  }
0x16: {  	[sflag:s10] =	ssyncset.done $0x0  }
0x17: {  	s17 =	simm.s32 $0x6400;
	[sflag:s10] =	ssyncadd.s32 $0xFFFF9C00  }
0x18: {  	[tilespmem:s17], [sflag:$0x1] =	stream.indirect.gather [hbm4b:s5+s11], $0x40, s3, s11, $0xb8;
	[tilespmem:$0x1EC00] =	vst v63  }
0x19: {  	s18 =	simm.s32 $0x8400  }
0x1a: {  	[tilespmem:s18], [sflag:$0x2] =	stream.indirect.gather [hbm4b:s5+s11], $0x40, s11, s11, $0xb8;
	[tilespmem:$0x1EC00] =	vst v63  }
0x1b: {  	s20 =	simm.s32 $0x100;
	s23 =	simm.s32 $0xA400  }
0x1c: {  	[tilespmem:s23], [sflag:$0x3] =	stream.indirect.gather [hbm4b:s5+s11], $0x40, s20, s11, $0xb8;
	[tilespmem:$0x1EC00] =	vst v63  }
0x1d: {  	s26 =	simm.s32 $0x180;
	s30 =	simm.s32 $0xC400;
	s9 =	simm.s32 $0x0  }
0x1e: {  	[tilespmem:s30], [sflag:$0x4] =	stream.indirect.gather [hbm4b:s5+s11], $0x40, s26, s11, $0xb8;
	[tilespmem:$0x1EC00] =	vst v63  }
.LBB2_2:
0x1f: {  	p0 =	seq.s32 s9, $0x0  }
.Ltmp0:
0x20: {  	_ = 	snop;
	(pc) =	sbr.rel @p0 .LBB2_6-.Ltmp0, $4  }
0x21: {  	s6 =	simm.s32 $0x1  }
0x22: {  	_ =	swait.ge [sflag:s6], $0x2000  }
0x23: {  	[sflag:s6] =	ssyncset.done $0x0  }
0x24: {  	s17 =	sshll.u32 s9, $0x3;
	[sflag:s6] =	ssyncadd.s32 $0xFFFFE000  }
0x25: {  	s6 =	rddreg [dreg:$0x4]  }
0x26: {  	s6 =	sadd.s32 s17, s6  }
0x27: {  	s7 =	sshra.s32 s6, $0x1F  }
0x28: {  	s8 =	sshrl.u32 s7, $0x1B  }
0x29: {  	s8 =	sadd.s32 s8, s6  }
0x2a: {  	s8 =	sshrl.u32 s8, $0x5  }
0x2b: {  	s6 =	sshll.u32 s6, $0xA;
	s7 =	sadd.s32 s7, s8  }
0x2c: {  	s6 =	sand.u32 $0x7C00, s6;
	s7 =	sshll.u32 s7, $0x12  }
0x2d: {  	s6 =	sor.u32 s6, s7  }
0x2e: {  	s6 =	sshrl.u32 s6, $0x3  }
0x2f: {  	s8 =	simm.s32 $0x1CA00;
	s7 =	sadd.s32 s2, s6  }
0x30: {  	[hbm4b:s7+s3] =	stream.linear.scatter [tilespmem:s8], [sflag:$0xC], $0x80, $0x38;
	[tilespmem:$0x1EC00] =	vst v63  }
0x31: {  	s10 =	simm.s32 $0x1CA88;
	s18 =	sadd.s32 $0x10, s7  }
0x32: {  	[hbm4b:s18+s3] =	stream.linear.scatter [tilespmem:s10], [sflag:$0xC], $0x80, $0x38;
	[tilespmem:$0x1EC00] =	vst v63  }
0x33: {  	s20 =	simm.s32 $0x1CB10;
	s26 =	simm.s32 $0x1CB98;
	s23 =	sadd.s32 $0x20, s7  }
0x34: {  	[hbm4b:s23+s3] =	stream.linear.scatter [tilespmem:s20], [sflag:$0xC], $0x80, $0x38;
	[tilespmem:$0x1EC00] =	vst v63  }
0x35: {  	s6 =	simm.s32 $0x440;
	s30 =	sadd.s32 $0x30, s7;
	s8 =	sadd.s32 $0x1000, s7  }
0x36: {  	[hbm4b:s30+s3] =	stream.linear.scatter [tilespmem:s26], [sflag:$0xC], $0x80, $0x38;
	[tilespmem:$0x1EC00] =	vst v63  }
0x37: {  	s10 =	simm.s32 $0x1CC20;
	s18 =	sadd.s32 $0x40, s7;
	s20 =	simm.s32 $0x1CCA8  }
0x38: {  	[hbm4b:s18+s3] =	stream.linear.scatter [tilespmem:s10], [sflag:$0xC], $0x80, $0x38;
	[tilespmem:$0x1EC00] =	vst v63  }
0x39: {  	s23 =	sadd.s32 $0x50, s7;
	s26 =	simm.s32 $0x1CD30;
	s30 =	sadd.s32 $0x60, s7  }
0x3a: {  	[hbm4b:s23+s3] =	stream.linear.scatter [tilespmem:s20], [sflag:$0xC], $0x80, $0x38;
	[tilespmem:$0x1EC00] =	vst v63  }
0x3b: {  	s10 =	simm.s32 $0x2200;
	s20 =	simm.s32 $0x1CDB8;
	s23 =	sadd.s32 $0x70, s7  }
0x3c: {  	[hbm4b:s30+s3] =	stream.linear.scatter [tilespmem:s26], [sflag:$0xC], $0x80, $0x38;
	[tilespmem:$0x1EC00] =	vst v63  }
.LBB2_4:
0x3d: {  	[hbm4b:s23+s3] =	stream.linear.scatter [tilespmem:s20], [sflag:$0xC], $0x80, $0x38;
	[tilespmem:$0x1EC00] =	vst v63  }
0x3e: {  	s7 =	smov.u32 s6;
	s6 =	smov.u32 s10  }
0x3f: {  	s26 =	sadd.s32 $0x1100, s10;
	s6 =	sshra.s32 s6, $0x2;
	s20 =	sadd.s32 $0x1CA00, s7  }
0x40: {  	[hbm4b:s8+s3] =	stream.linear.scatter [tilespmem:s20], [sflag:$0xC], $0x80, $0x38;
	[tilespmem:$0x1EC00] =	vst v63  }
0x41: {  	p1 =	sne.s32 s10, $0x7700;
	s10 =	sadd.s32 $0x1CA88, s7;
	s20 =	sadd.s32 $0x10, s8  }
0x42: {  	[hbm4b:s20+s3] =	stream.linear.scatter [tilespmem:s10], [sflag:$0xC], $0x80, $0x38;
	[tilespmem:$0x1EC00] =	vst v63  }
0x43: {  	s10 =	sadd.s32 $0x1CB10, s7;
	s20 =	sadd.s32 $0x20, s8  }
0x44: {  	[hbm4b:s20+s3] =	stream.linear.scatter [tilespmem:s10], [sflag:$0xC], $0x80, $0x38;
	[tilespmem:$0x1EC00] =	vst v63  }
0x45: {  	s10 =	sadd.s32 $0x1CB98, s7;
	s20 =	sadd.s32 $0x30, s8  }
0x46: {  	[hbm4b:s20+s3] =	stream.linear.scatter [tilespmem:s10], [sflag:$0xC], $0x80, $0x38;
	[tilespmem:$0x1EC00] =	vst v63  }
0x47: {  	s10 =	sadd.s32 $0x1CC20, s7;
	s20 =	sadd.s32 $0x40, s8  }
0x48: {  	[hbm4b:s20+s3] =	stream.linear.scatter [tilespmem:s10], [sflag:$0xC], $0x80, $0x38;
	[tilespmem:$0x1EC00] =	vst v63  }
.Ltmp1:
0x49: {  	s10 =	sadd.s32 $0x1CCA8, s7;
	s20 =	sadd.s32 $0x50, s8;
	(pc) =	sbr.rel @p1 .LBB2_4-.Ltmp1, $4  }
0x4a: {  	[hbm4b:s20+s3] =	stream.linear.scatter [tilespmem:s10], [sflag:$0xC], $0x80, $0x38;
	[tilespmem:$0x1EC00] =	vst v63  }
0x4b: {  	s23 =	sadd.s32 $0x70, s8;
	s10 =	sadd.s32 $0x1CD30, s7;
	s20 =	sadd.s32 $0x60, s8  }
0x4c: {  	[hbm4b:s20+s3] =	stream.linear.scatter [tilespmem:s10], [sflag:$0xC], $0x80, $0x38;
	[tilespmem:$0x1EC00] =	vst v63  }
0x4d: {  	s8 =	sadd.s32 $0x1000, s8;
	s20 =	sadd.s32 $0x1CDB8, s7;
	s10 =	smov.u32 s26  }
0x4e: {  	[hbm4b:s23+s3] =	stream.linear.scatter [tilespmem:s20], [sflag:$0xC], $0x80, $0x38;
	[tilespmem:$0x1EC00] =	vst v63  }
0x4f: {  	s7 =	sadd.s32 $0x1CA00, s6  }
0x50: {  	[hbm4b:s8+s3] =	stream.linear.scatter [tilespmem:s7], [sflag:$0xC], $0x80, $0x38;
	[tilespmem:$0x1EC00] =	vst v63  }
0x51: {  	s30 =	sadd.s32 $0x1CA88, s6;
	s10 =	sadd.s32 $0x10, s8  }
0x52: {  	[hbm4b:s10+s3] =	stream.linear.scatter [tilespmem:s30], [sflag:$0xC], $0x80, $0x38;
	[tilespmem:$0x1EC00] =	vst v63  }
0x53: {  	s18 =	sadd.s32 $0x20, s8;
	s10 =	sadd.s32 $0x1CB10, s6  }
0x54: {  	[hbm4b:s18+s3] =	stream.linear.scatter [tilespmem:s10], [sflag:$0xC], $0x80, $0x38;
	[tilespmem:$0x1EC00] =	vst v63  }
0x55: {  	s20 =	sadd.s32 $0x1CB98, s6;
	s23 =	sadd.s32 $0x30, s8  }
0x56: {  	[hbm4b:s23+s3] =	stream.linear.scatter [tilespmem:s20], [sflag:$0xC], $0x80, $0x38;
	[tilespmem:$0x1EC00] =	vst v63  }
0x57: {  	s26 =	sadd.s32 $0x1CC20, s6;
	s30 =	sadd.s32 $0x40, s8  }
0x58: {  	[hbm4b:s30+s3] =	stream.linear.scatter [tilespmem:s26], [sflag:$0xC], $0x80, $0x38;
	[tilespmem:$0x1EC00] =	vst v63  }
0x59: {  	s10 =	sadd.s32 $0x1CCA8, s6;
	s18 =	sadd.s32 $0x50, s8  }
0x5a: {  	[hbm4b:s18+s3] =	stream.linear.scatter [tilespmem:s10], [sflag:$0xC], $0x80, $0x38;
	[tilespmem:$0x1EC00] =	vst v63  }
0x5b: {  	s20 =	sadd.s32 $0x1CD30, s6;
	s23 =	sadd.s32 $0x60, s8  }
0x5c: {  	[hbm4b:s23+s3] =	stream.linear.scatter [tilespmem:s20], [sflag:$0xC], $0x80, $0x38;
	[tilespmem:$0x1EC00] =	vst v63  }
0x5d: {  	s26 =	sadd.s32 $0x1CDB8, s6;
	s30 =	sadd.s32 $0x70, s8  }
0x5e: {  	[hbm4b:s30+s3] =	stream.linear.scatter [tilespmem:s26], [sflag:$0xC], $0x80, $0x38;
	[tilespmem:$0x1EC00] =	vst v63  }
0x5f: {  	_ =	swait.ge [sflag:s1], $0x2000  }
0x60: {  	[sflag:s1] =	ssyncset.done $0x0  }
0x61: {  	[sflag:s1] =	ssyncadd.s32 $0xFFFFE000  }
.LBB2_6:
0x62: {  	s20 =	simm.s32 $0x6480;
	s6 =	simm.s32 $0x3  }
0x63: {  	v4 =	vmov s6;
	v5 =	vld [tilespmem:s20+$0x40]  }
0x64: {  	v9 =	vand.u32 $0x7F, v4  }
0x65: {  	s8 =	simm.s32 $0x0;
	v4 =	vadd.s32 v0, v9  }
0x66: {  	s10 =	simm.s32 $0x1;
	s7 =	simm.s32 $0x2;
	v6 =	vmov s8;
	v7 =	vld [tilespmem:s20+$0xFFFFFF80]  }
0x67: {  	v10 =	vld [tilespmem:s20+$0xFFFFFFC0];
	v11 =	vmov s7;
	v8 =	vand.u32 $0x7C, v6;
	v6 =	vmov s10  }
0x68: {  	v12 =	vadd.s32 v0, v8;
	v15 =	vand.u32 $0x7D, v6;
	v6 =	vld [tilespmem:s20+$0x0];
	v5 =	vmul.f32 $8.000000000e+00, v5  }
0x69: {  	v17 =	vand.u32 $0x7E, v11;
	v13 =	vadd.s32 v0, v15  }
0x6a: {  	v11 =	vadd.s32 v0, v17;
	[tilespmem:v4+s19+$0x0] =	vst.idx.msk $0xffff, v5  }
0x6b: {  	v4 =	vmul.f32 $8.000000000e+00, v7;
	v5 =	vld [tilespmem:s20+$0x50]  }
0x6c: {  	v7 =	vmul.f32 $8.000000000e+00, v10  }
0x6d: {  	[tilespmem:v12+s19+$0x0] =	vst.idx.msk $0xffff, v4;
	v4 =	vmul.f32 $8.000000000e+00, v6;
	v6 =	vadd.s32 v1, v9  }
0x6e: {  	[tilespmem:v13+s19+$0x0] =	vst.idx.msk $0xffff, v7;
	v10 =	vld [tilespmem:s20+$0xFFFFFF90]  }
0x6f: {  	v7 =	vld [tilespmem:s20+$0xFFFFFFD0];
	[tilespmem:v11+s19+$0x0] =	vst.idx.msk $0xffff, v4  }
0x70: {  	v11 =	vld [tilespmem:s20+$0x10];
	v4 =	vmul.f32 $8.000000000e+00, v5  }
0x71: {  	s18 =	simm.s32 $0x4;
	s8 =	simm.s32 $0x7;
	s6 =	simm.s32 $0x6580;
	v12 =	vadd.s32 v1, v15  }
0x72: {  	v14 =	vld [tilespmem:s6+$0x40];
	v13 =	vadd.s32 v1, v17;
	v5 =	vmov s18;
	[tilespmem:v6+s19+$0x0] =	vst.idx.msk $0xffff, v4;
	v6 =	vmov s8  }
0x73: {  	v16 =	vadd.s32 v1, v8;
	v4 =	vand.u32 $0x7C, v5;
	v5 =	vand.u32 $0x7F, v6;
	v18 =	vld [tilespmem:s20+$0x60]  }
0x74: {  	s23 =	simm.s32 $0x5;
	v19 =	vld [tilespmem:s6+$0xFFFFFF80];
	v22 =	vadd.s32 v2, v9;
	v6 =	vmul.f32 $8.000000000e+00, v7;
	v20 =	vadd.s32 v0, v5  }
0x75: {  	s26 =	simm.s32 $0x6;
	v21 =	vld [tilespmem:s6+$0xFFFFFFC0];
	v10 =	vmul.f32 $8.000000000e+00, v10;
	v7 =	vmul.f32 $8.000000000e+00, v11;
	v11 =	vmov s23  }
0x76: {  	v23 =	vadd.s32 v0, v4;
	[tilespmem:v12+s19+$0x0] =	vst.idx.msk $0xffff, v6;
	v12 =	vmov s26;
	v6 =	vand.u32 $0x7D, v11;
	v11 =	vld [tilespmem:s6+$0x0]  }
0x77: {  	[tilespmem:v13+s19+$0x0] =	vst.idx.msk $0xffff, v7;
	v13 =	vadd.s32 v0, v6;
	v7 =	vand.u32 $0x7E, v12;
	v12 =	vmul.f32 $8.000000000e+00, v14;
	v14 =	vld [tilespmem:s20+$0xFFFFFFE0]  }
0x78: {  	[tilespmem:v16+s19+$0x0] =	vst.idx.msk $0xffff, v10;
	v10 =	vadd.s32 v0, v7;
	v16 =	vld [tilespmem:s20+$0x20];
	v18 =	vmul.f32 $8.000000000e+00, v18  }
0x79: {  	v19 =	vmul.f32 $8.000000000e+00, v19;
	[tilespmem:v20+s19+$0x0] =	vst.idx.msk $0xffff, v12;
	v12 =	vld [tilespmem:s20+$0xFFFFFFA0];
	v20 =	vadd.s32 v2, v15  }
0x7a: {  	v25 =	vadd.s32 v2, v17;
	v21 =	vmul.f32 $8.000000000e+00, v21;
	v24 =	vld [tilespmem:s6+$0x50];
	[tilespmem:v22+s19+$0x0] =	vst.idx.msk $0xffff, v18  }
0x7b: {  	[tilespmem:v23+s19+$0x0] =	vst.idx.msk $0xffff, v19;
	v19 =	vadd.s32 v2, v8;
	v11 =	vmul.f32 $8.000000000e+00, v11;
	v22 =	vld [tilespmem:s20+$0x70]  }
0x7c: {  	v23 =	vld [tilespmem:s6+$0xFFFFFF90];
	[tilespmem:v13+s19+$0x0] =	vst.idx.msk $0xffff, v21;
	v21 =	vadd.s32 v1, v5;
	v14 =	vmul.f32 $8.000000000e+00, v14  }
0x7d: {  	v27 =	vadd.s32 v3, v9;
	v26 =	vld [tilespmem:s6+$0xFFFFFFD0];
	[tilespmem:v10+s19+$0x0] =	vst.idx.msk $0xffff, v11;
	v10 =	vmul.f32 $8.000000000e+00, v16  }
0x7e: {  	v18 =	vadd.s32 v1, v4;
	v13 =	vld [tilespmem:s6+$0x10];
	v9 =	vmul.f32 $8.000000000e+00, v12;
	[tilespmem:v20+s19+$0x0] =	vst.idx.msk $0xffff, v14  }
0x7f: {  	s10 =	simm.s32 $0x8;
	v16 =	vadd.s32 v1, v6;
	[tilespmem:v25+s19+$0x0] =	vst.idx.msk $0xffff, v10;
	v14 =	vmul.f32 $8.000000000e+00, v24;
	v12 =	vld [tilespmem:s20+$0xFFFFFFF0]  }
0x80: {  	v20 =	vmov s10;
	v10 =	vadd.s32 v1, v7;
	v11 =	vld [tilespmem:s20+$0x30];
	[tilespmem:v19+s19+$0x0] =	vst.idx.msk $0xffff, v9;
	v63 =	vmul.f32 $8.000000000e+00, v22  }
0x81: {  	s30 =	simm.s32 $0xB;
	s8 =	simm.s32 $0x6680;
	v15 =	vadd.s32 v3, v15;
	v9 =	vand.u32 $0x7C, v20;
	v20 =	vmul.f32 $8.000000000e+00, v23;
	[tilespmem:v21+s19+$0x0] =	vst.idx.msk $0xffff, v14;
	v14 =	vld [tilespmem:s20+$0xFFFFFFB0]  }
0x82: {  	v17 =	vadd.s32 v3, v17;
	v22 =	vmov s30;
	v19 =	vld [tilespmem:s8+$0x40];
	s20 =	simm.s32 $0xC;
	v21 =	vmul.f32 $8.000000000e+00, v26;
	[tilespmem:v27+s19+$0x0] =	vst.idx.msk $0xffff, v63  }
.LBB2_7:
0x83: {  	p1 =	slt.u32 s20, $0x7C;
	s7 =	sadd.s32 $0x1, s10;
	v22 =	vand.u32 $0x7F, v22;
	[tilespmem:v18+s19+$0x0] =	vst.idx.msk $0xffff, v20;
	v13 =	vmul.f32 $8.000000000e+00, v13;
	v18 =	vld [tilespmem:s6+$0x60];
	v20 =	vadd.s32 v3, v8;
	v8 =	vmovc v4  }
0x84: {  	v4 =	vmovc v9;
	v23 =	vld [tilespmem:s8+$0xFFFFFF80];
	v24 =	vmov s7;
	s7 =	sadd.s32 $0x2, s10;
	v25 =	vadd.s32 v0, v22;
	[tilespmem:v16+s19+$0x0] =	vst.idx.msk $0xffff, v21;
	v12 =	vmul.f32 $8.000000000e+00, v12;
	s10 =	smov.u32 s20  }
0x85: {  	v9 =	vld [tilespmem:s8+$0xFFFFFFC0];
	v16 =	vmov s7;
	[tilespmem:v10+s19+$0x0] =	vst.idx.msk $0xffff, v13;
	v10 =	vadd.s32 v2, v5;
	v11 =	vmul.f32 $8.000000000e+00, v11  }
0x86: {  	v13 =	vadd.s32 v0, v4;
	v21 =	vand.u32 $0x7D, v24;
	v24 =	vld [tilespmem:s8+$0x0];
	v14 =	vmul.f32 $8.000000000e+00, v14;
	[tilespmem:v15+s19+$0x0] =	vst.idx.msk $0xffff, v12  }
0x87: {  	v12 =	vadd.s32 v0, v21;
	v26 =	vand.u32 $0x7E, v16;
	v15 =	vmul.f32 $8.000000000e+00, v19;
	v16 =	vld [tilespmem:s6+$0xFFFFFFE0];
	[tilespmem:v17+s19+$0x0] =	vst.idx.msk $0xffff, v11  }
0x88: {  	v11 =	vadd.s32 v0, v26;
	v17 =	vld [tilespmem:s6+$0x20];
	v18 =	vmul.f32 $8.000000000e+00, v18;
	[tilespmem:v20+s19+$0x0] =	vst.idx.msk $0xffff, v14  }
0x89: {  	v19 =	vadd.s32 v2, v6;
	v14 =	vmul.f32 $8.000000000e+00, v23;
	[tilespmem:v25+s19+$0x0] =	vst.idx.msk $0xffff, v15;
	v15 =	vld [tilespmem:s6+$0xFFFFFFA0]  }
0x8a: {  	v23 =	vadd.s32 v2, v7;
	v9 =	vmul.f32 $8.000000000e+00, v9;
	v20 =	vld [tilespmem:s8+$0x50];
	[tilespmem:v10+s19+$0x0] =	vst.idx.msk $0xffff, v18  }
0x8b: {  	[tilespmem:v13+s19+$0x0] =	vst.idx.msk $0xffff, v14;
	v10 =	vmul.f32 $8.000000000e+00, v24;
	v14 =	vadd.s32 v2, v8;
	v24 =	vld [tilespmem:s6+$0x70]  }
0x8c: {  	v27 =	vadd.s32 v1, v22;
	v25 =	vld [tilespmem:s8+$0xFFFFFF90];
	[tilespmem:v12+s19+$0x0] =	vst.idx.msk $0xffff, v9;
	v9 =	vmul.f32 $8.000000000e+00, v16  }
0x8d: {  	v29 =	vadd.s32 v3, v5;
	v5 =	vmov v22;
	v28 =	vld [tilespmem:s8+$0xFFFFFFD0];
	[tilespmem:v11+s19+$0x0] =	vst.idx.msk $0xffff, v10;
	v10 =	vmul.f32 $8.000000000e+00, v17  }
.Ltmp2:
0x8e: {  	v18 =	vadd.s32 v1, v4;
	v13 =	vld [tilespmem:s8+$0x10];
	v11 =	vmul.f32 $8.000000000e+00, v15;
	[tilespmem:v19+s19+$0x0] =	vst.idx.msk $0xffff, v9;
	(pc) =	sbr.rel @p1 .LBB2_7-.Ltmp2, $4  }
0x8f: {  	v16 =	vadd.s32 v1, v21;
	v15 =	vmul.f32 $8.000000000e+00, v20;
	v12 =	vld [tilespmem:s6+$0xFFFFFFF0];
	[tilespmem:v23+s19+$0x0] =	vst.idx.msk $0xffff, v10  }
0x90: {  	v9 =	vmov s20;
	v10 =	vadd.s32 v1, v26;
	[tilespmem:v14+s19+$0x0] =	vst.idx.msk $0xffff, v11;
	v11 =	vld [tilespmem:s6+$0x30];
	v23 =	vmul.f32 $8.000000000e+00, v24  }
0x91: {  	s7 =	sadd.s32 $0x3, s20;
	v9 =	vand.u32 $0x7C, v9;
	v20 =	vmul.f32 $8.000000000e+00, v25;
	[tilespmem:v27+s19+$0x0] =	vst.idx.msk $0xffff, v15;
	v14 =	vld [tilespmem:s6+$0xFFFFFFB0];
	v15 =	vadd.s32 v3, v6;
	v6 =	vmovc v21;
	s6 =	smov.u32 s8;
	s8 =	sadd.s32 $0x100, s8  }
0x92: {  	v22 =	vmov s7;
	v17 =	vadd.s32 v3, v7;
	v7 =	vmovc v26;
	s20 =	sadd.s32 $0x4, s20;
	v19 =	vld [tilespmem:s8+$0x40];
	v21 =	vmul.f32 $8.000000000e+00, v28;
	[tilespmem:v29+s19+$0x0] =	vst.idx.msk $0xffff, v23  }
0x93: {  	s7 =	sadd.s32 $0x1, s10;
	v22 =	vand.u32 $0x7F, v22;
	v28 =	vld [tilespmem:s8+$0xFFFFFF80]  }
0x94: {  	s10 =	sadd.s32 $0x2, s10;
	v24 =	vld [tilespmem:s8+$0xFFFFFFC0];
	v23 =	vmov s7;
	v25 =	vadd.s32 v0, v22  }
0x95: {  	v27 =	vld [tilespmem:s8+$0x0];
	v51 =	vadd.s32 v0, v9;
	v26 =	vmov s10;
	v23 =	vand.u32 $0x7D, v23  }
0x96: {  	v26 =	vand.u32 $0x7E, v26;
	v29 =	vadd.s32 v0, v23  }
0x97: {  	[tilespmem:v18+s19+$0x0] =	vst.idx.msk $0xffff, v20;
	v30 =	vadd.s32 v0, v26;
	v19 =	vmul.f32 $8.000000000e+00, v19  }
0x98: {  	[tilespmem:v16+s19+$0x0] =	vst.idx.msk $0xffff, v21;
	v54 =	vmul.f32 $8.000000000e+00, v28  }
0x99: {  	v52 =	vmul.f32 $8.000000000e+00, v24;
	[tilespmem:v25+s19+$0x0] =	vst.idx.msk $0xffff, v19  }
0x9a: {  	v53 =	vmul.f32 $8.000000000e+00, v27;
	v55 =	vld [tilespmem:s8+$0x50];
	[tilespmem:v51+s19+$0x0] =	vst.idx.msk $0xffff, v54  }
0x9b: {  	v13 =	vmul.f32 $8.000000000e+00, v13;
	v8 =	vadd.s32 v3, v8;
	[tilespmem:v29+s19+$0x0] =	vst.idx.msk $0xffff, v52;
	v59 =	vld [tilespmem:s8+$0xFFFFFF90]  }
0x9c: {  	v12 =	vmul.f32 $8.000000000e+00, v12;
	v57 =	vadd.s32 v1, v22;
	[tilespmem:v30+s19+$0x0] =	vst.idx.msk $0xffff, v53;
	v56 =	vld [tilespmem:s8+$0xFFFFFFD0]  }
0x9d: {  	[tilespmem:v10+s19+$0x0] =	vst.idx.msk $0xffff, v13;
	v58 =	vmul.f32 $8.000000000e+00, v11;
	v28 =	vadd.s32 v1, v9;
	v19 =	vld [tilespmem:s8+$0x10]  }
0x9e: {  	v61 =	vld [tilespmem:s6+$0x60];
	v60 =	vadd.s32 v1, v23;
	v14 =	vmul.f32 $8.000000000e+00, v14;
	[tilespmem:v15+s19+$0x0] =	vst.idx.msk $0xffff, v12  }
0x9f: {  	v32 =	vld [tilespmem:s6+$0xFFFFFFA0];
	v62 =	vadd.s32 v1, v26;
	[tilespmem:v17+s19+$0x0] =	vst.idx.msk $0xffff, v58;
	v16 =	vmul.f32 $8.000000000e+00, v55  }
0xa0: {  	[tilespmem:v8+s19+$0x0] =	vst.idx.msk $0xffff, v14;
	v29 =	vadd.s32 v2, v5;
	v30 =	vld [tilespmem:s6+$0x20];
	v11 =	vmul.f32 $8.000000000e+00, v59  }
0xa1: {  	v38 =	vadd.s32 v2, v4;
	v63 =	vld [tilespmem:s6+$0xFFFFFFE0];
	v31 =	vmul.f32 $8.000000000e+00, v56;
	[tilespmem:v57+s19+$0x0] =	vst.idx.msk $0xffff, v16  }
0xa2: {  	v35 =	vadd.s32 v2, v7;
	v34 =	vmul.f32 $8.000000000e+00, v19;
	v36 =	vld [tilespmem:s8+$0x60];
	[tilespmem:v28+s19+$0x0] =	vst.idx.msk $0xffff, v11  }
0xa3: {  	v33 =	vadd.s32 v2, v6;
	v37 =	vmul.f32 $8.000000000e+00, v61;
	[tilespmem:v60+s19+$0x0] =	vst.idx.msk $0xffff, v31;
	v43 =	vld [tilespmem:s8+$0xFFFFFFA0]  }
0xa4: {  	v40 =	vadd.s32 v2, v22;
	v14 =	vmul.f32 $8.000000000e+00, v32;
	[tilespmem:v62+s19+$0x0] =	vst.idx.msk $0xffff, v34;
	v39 =	vld [tilespmem:s8+$0xFFFFFFE0]  }
0xa5: {  	v48 =	vadd.s32 v2, v9;
	[tilespmem:v29+s19+$0x0] =	vst.idx.msk $0xffff, v37;
	v42 =	vmul.f32 $8.000000000e+00, v30;
	v41 =	vld [tilespmem:s8+$0x20]  }
0xa6: {  	v44 =	vadd.s32 v2, v23;
	v15 =	vmul.f32 $8.000000000e+00, v63;
	[tilespmem:v38+s19+$0x0] =	vst.idx.msk $0xffff, v14;
	v45 =	vld [tilespmem:s6+$0x70]  }
0xa7: {  	v46 =	vadd.s32 v2, v26;
	v14 =	vld [tilespmem:s6+$0xFFFFFFB0];
	[tilespmem:v35+s19+$0x0] =	vst.idx.msk $0xffff, v42;
	v47 =	vmul.f32 $8.000000000e+00, v36  }
0xa8: {  	v5 =	vadd.s32 v3, v5;
	[tilespmem:v33+s19+$0x0] =	vst.idx.msk $0xffff, v15;
	v49 =	vld [tilespmem:s6+$0x30];
	v53 =	vmul.f32 $8.000000000e+00, v43  }
0xa9: {  	v4 =	vadd.s32 v3, v4;
	v21 =	vld [tilespmem:s6+$0xFFFFFFF0];
	v12 =	vmul.f32 $8.000000000e+00, v39;
	[tilespmem:v40+s19+$0x0] =	vst.idx.msk $0xffff, v47  }
0xaa: {  	v52 =	vadd.s32 v3, v7;
	v51 =	vmul.f32 $8.000000000e+00, v41;
	v10 =	vld [tilespmem:s8+$0x70];
	[tilespmem:v48+s19+$0x0] =	vst.idx.msk $0xffff, v53  }
0xab: {  	v50 =	vadd.s32 v3, v6;
	v54 =	vmul.f32 $8.000000000e+00, v45;
	[tilespmem:v44+s19+$0x0] =	vst.idx.msk $0xffff, v12;
	v59 =	vld [tilespmem:s8+$0xFFFFFFB0]  }
0xac: {  	v57 =	vadd.s32 v3, v22;
	v14 =	vmul.f32 $8.000000000e+00, v14;
	[tilespmem:v46+s19+$0x0] =	vst.idx.msk $0xffff, v51;
	v55 =	vld [tilespmem:s8+$0xFFFFFFF0]  }
0xad: {  	v62 =	vadd.s32 v3, v9;
	[tilespmem:v5+s19+$0x0] =	vst.idx.msk $0xffff, v54;
	v5 =	vmul.f32 $8.000000000e+00, v49;
	v58 =	vld [tilespmem:s8+$0x30]  }
0xae: {  	v56 =	vmul.f32 $8.000000000e+00, v21;
	v60 =	vadd.s32 v3, v23;
	[tilespmem:v4+s19+$0x0] =	vst.idx.msk $0xffff, v14  }
0xaf: {  	v61 =	vadd.s32 v3, v26;
	[tilespmem:v52+s19+$0x0] =	vst.idx.msk $0xffff, v5;
	v5 =	vmul.f32 $8.000000000e+00, v10  }
0xb0: {  	[tilespmem:v50+s19+$0x0] =	vst.idx.msk $0xffff, v56;
	v63 =	vmul.f32 $8.000000000e+00, v59  }
0xb1: {  	v4 =	vmul.f32 $8.000000000e+00, v55;
	[tilespmem:v57+s19+$0x0] =	vst.idx.msk $0xffff, v5  }
0xb2: {  	s10 =	sor.u32 $0x4, s17;
	v5 =	vmul.f32 $8.000000000e+00, v58;
	[tilespmem:v62+s19+$0x0] =	vst.idx.msk $0xffff, v63  }
0xb3: {  	s23 =	sadd.s32 s4, s17;
	s18 =	sshll.u32 s10, $0x7;
	[tilespmem:v60+s19+$0x0] =	vst.idx.msk $0xffff, v4  }
0xb4: {  	s20 =	simm.s32 $0xE400;
	s26 =	sshll.u32 s23, $0x7;
	s6 =	sand.u32 $0x3FFFFF80, s18;
	[tilespmem:v61+s19+$0x0] =	vst.idx.msk $0xffff, v5  }
0xb5: {  	[tilespmem:s20], [sflag:$0x5] =	stream.indirect.gather [hbm4b:s5+s11], $0x40, s6, s11, $0xb8;
	[tilespmem:$0x1EC00] =	vst v63  }
0xb6: {  	s7 =	sand.u32 $0xC00, s26;
	s6 =	sshll.u32 s23, $0xA;
	_ =	swait.ge [sflag:s21], $0x2000  }
0xb7: {  	s7 =	sadd.s32 s2, s7;
	s6 =	sand.u32 $0xFFF8000, s6;
	[sflag:s21] =	ssyncset.done $0x0  }
0xb8: {  	s30 =	simm.s32 $0x16400;
	s7 =	sadd.s32 s6, s7;
	[sflag:s21] =	ssyncadd.s32 $0xFFFFE000  }
0xb9: {  	[hbm4b:s7+s3] =	stream.linear.scatter [tilespmem:s30], [sflag:$0x9], $0x80, $0x38;
	[tilespmem:$0x1EC00] =	vst v63  }
0xba: {  	s8 =	simm.s32 $0x16488;
	s18 =	sadd.s32 $0x10, s7  }
0xbb: {  	[hbm4b:s18+s3] =	stream.linear.scatter [tilespmem:s8], [sflag:$0x9], $0x80, $0x38;
	[tilespmem:$0x1EC00] =	vst v63  }
0xbc: {  	s20 =	simm.s32 $0x16510;
	s23 =	sadd.s32 $0x20, s7  }
0xbd: {  	[hbm4b:s23+s3] =	stream.linear.scatter [tilespmem:s20], [sflag:$0x9], $0x80, $0x38;
	[tilespmem:$0x1EC00] =	vst v63  }
0xbe: {  	s26 =	simm.s32 $0x16598;
	s30 =	sadd.s32 $0x30, s7  }
0xbf: {  	[hbm4b:s30+s3] =	stream.linear.scatter [tilespmem:s26], [sflag:$0x9], $0x80, $0x38;
	[tilespmem:$0x1EC00] =	vst v63  }
0xc0: {  	s8 =	simm.s32 $0x16620;
	s18 =	sadd.s32 $0x40, s7  }
0xc1: {  	[hbm4b:s18+s3] =	stream.linear.scatter [tilespmem:s8], [sflag:$0x9], $0x80, $0x38;
	[tilespmem:$0x1EC00] =	vst v63  }
0xc2: {  	s6 =	simm.s32 $0x440;
	s20 =	simm.s32 $0x166A8;
	s23 =	sadd.s32 $0x50, s7  }
0xc3: {  	[hbm4b:s23+s3] =	stream.linear.scatter [tilespmem:s20], [sflag:$0x9], $0x80, $0x38;
	[tilespmem:$0x1EC00] =	vst v63  }
0xc4: {  	s26 =	simm.s32 $0x16730;
	s30 =	sadd.s32 $0x60, s7;
	s8 =	sadd.s32 $0x1000, s7  }
0xc5: {  	[hbm4b:s30+s3] =	stream.linear.scatter [tilespmem:s26], [sflag:$0x9], $0x80, $0x38;
	[tilespmem:$0x1EC00] =	vst v63  }
0xc6: {  	s20 =	simm.s32 $0x2200;
	s23 =	simm.s32 $0x167B8;
	s26 =	sadd.s32 $0x70, s7  }
.LBB2_9:
0xc7: {  	[hbm4b:s26+s3] =	stream.linear.scatter [tilespmem:s23], [sflag:$0x9], $0x80, $0x38;
	[tilespmem:$0x1EC00] =	vst v63  }
0xc8: {  	s7 =	smov.u32 s6;
	s6 =	smov.u32 s20  }
0xc9: {  	s30 =	sadd.s32 $0x1100, s20;
	s6 =	sshra.s32 s6, $0x2;
	s23 =	sadd.s32 $0x16400, s7  }
0xca: {  	[hbm4b:s8+s3] =	stream.linear.scatter [tilespmem:s23], [sflag:$0x9], $0x80, $0x38;
	[tilespmem:$0x1EC00] =	vst v63  }
0xcb: {  	p1 =	sne.s32 s20, $0x7700;
	s20 =	sadd.s32 $0x16488, s7;
	s23 =	sadd.s32 $0x10, s8  }
0xcc: {  	[hbm4b:s23+s3] =	stream.linear.scatter [tilespmem:s20], [sflag:$0x9], $0x80, $0x38;
	[tilespmem:$0x1EC00] =	vst v63  }
0xcd: {  	s20 =	sadd.s32 $0x16510, s7;
	s23 =	sadd.s32 $0x20, s8  }
0xce: {  	[hbm4b:s23+s3] =	stream.linear.scatter [tilespmem:s20], [sflag:$0x9], $0x80, $0x38;
	[tilespmem:$0x1EC00] =	vst v63  }
0xcf: {  	s20 =	sadd.s32 $0x16598, s7;
	s23 =	sadd.s32 $0x30, s8  }
0xd0: {  	[hbm4b:s23+s3] =	stream.linear.scatter [tilespmem:s20], [sflag:$0x9], $0x80, $0x38;
	[tilespmem:$0x1EC00] =	vst v63  }
0xd1: {  	s20 =	sadd.s32 $0x16620, s7;
	s23 =	sadd.s32 $0x40, s8  }
0xd2: {  	[hbm4b:s23+s3] =	stream.linear.scatter [tilespmem:s20], [sflag:$0x9], $0x80, $0x38;
	[tilespmem:$0x1EC00] =	vst v63  }
.Ltmp3:
0xd3: {  	s20 =	sadd.s32 $0x166A8, s7;
	s23 =	sadd.s32 $0x50, s8;
	(pc) =	sbr.rel @p1 .LBB2_9-.Ltmp3, $4  }
0xd4: {  	[hbm4b:s23+s3] =	stream.linear.scatter [tilespmem:s20], [sflag:$0x9], $0x80, $0x38;
	[tilespmem:$0x1EC00] =	vst v63  }
0xd5: {  	s26 =	sadd.s32 $0x70, s8;
	s20 =	sadd.s32 $0x16730, s7;
	s23 =	sadd.s32 $0x60, s8  }
0xd6: {  	[hbm4b:s23+s3] =	stream.linear.scatter [tilespmem:s20], [sflag:$0x9], $0x80, $0x38;
	[tilespmem:$0x1EC00] =	vst v63  }
0xd7: {  	s8 =	sadd.s32 $0x1000, s8;
	s23 =	sadd.s32 $0x167B8, s7;
	s20 =	smov.u32 s30  }
0xd8: {  	[hbm4b:s26+s3] =	stream.linear.scatter [tilespmem:s23], [sflag:$0x9], $0x80, $0x38;
	[tilespmem:$0x1EC00] =	vst v63  }
0xd9: {  	s7 =	sadd.s32 $0x16400, s6  }
0xda: {  	[hbm4b:s8+s3] =	stream.linear.scatter [tilespmem:s7], [sflag:$0x9], $0x80, $0x38;
	[tilespmem:$0x1EC00] =	vst v63  }
0xdb: {  	s26 =	sadd.s32 $0x16488, s6;
	s20 =	sadd.s32 $0x10, s8  }
0xdc: {  	[hbm4b:s20+s3] =	stream.linear.scatter [tilespmem:s26], [sflag:$0x9], $0x80, $0x38;
	[tilespmem:$0x1EC00] =	vst v63  }
0xdd: {  	s30 =	sadd.s32 $0x16510, s6;
	s18 =	sadd.s32 $0x20, s8  }
0xde: {  	[hbm4b:s18+s3] =	stream.linear.scatter [tilespmem:s30], [sflag:$0x9], $0x80, $0x38;
	[tilespmem:$0x1EC00] =	vst v63  }
0xdf: {  	s23 =	sadd.s32 $0x16598, s6;
	s26 =	sadd.s32 $0x30, s8  }
0xe0: {  	[hbm4b:s26+s3] =	stream.linear.scatter [tilespmem:s23], [sflag:$0x9], $0x80, $0x38;
	[tilespmem:$0x1EC00] =	vst v63  }
0xe1: {  	s30 =	sadd.s32 $0x16620, s6;
	s18 =	sadd.s32 $0x40, s8  }
0xe2: {  	[hbm4b:s18+s3] =	stream.linear.scatter [tilespmem:s30], [sflag:$0x9], $0x80, $0x38;
	[tilespmem:$0x1EC00] =	vst v63  }
0xe3: {  	s20 =	sadd.s32 $0x166A8, s6;
	s23 =	sadd.s32 $0x50, s8  }
0xe4: {  	[hbm4b:s23+s3] =	stream.linear.scatter [tilespmem:s20], [sflag:$0x9], $0x80, $0x38;
	[tilespmem:$0x1EC00] =	vst v63  }
0xe5: {  	s26 =	sadd.s32 $0x16730, s6;
	s30 =	sadd.s32 $0x60, s8  }
0xe6: {  	[hbm4b:s30+s3] =	stream.linear.scatter [tilespmem:s26], [sflag:$0x9], $0x80, $0x38;
	[tilespmem:$0x1EC00] =	vst v63  }
0xe7: {  	s7 =	sadd.s32 $0x167B8, s6;
	s6 =	simm.s32 @!p0 $0xA;
	s8 =	sadd.s32 $0x70, s8  }
0xe8: {  	[hbm4b:s8+s3] =	stream.linear.scatter [tilespmem:s7], [sflag:$0x9], $0x80, $0x38;
	[tilespmem:$0x1EC00] =	vst v63  }
0xe9: {  	_ =	swait.ge @!p0 [sflag:s6], $0x2000  }
0xea: {  	[sflag:s6] =	ssyncset.done @!p0 $0x0  }
0xeb: {  	s18 =	simm.s32 $0x3;
	s8 =	simm.s32 $0x84F0;
	[sflag:s6] =	ssyncadd.s32 @!p0 $0xFFFFE000  }
0xec: {  	v4 =	vmov s18;
	v5 =	vld [tilespmem:s8+$0xFFFFFFD0]  }
0xed: {  	v9 =	vand.u32 $0x7F, v4  }
0xee: {  	s20 =	simm.s32 $0x0;
	v4 =	vadd.s32 v0, v9  }
0xef: {  	s23 =	simm.s32 $0x1;
	v6 =	vmov s20;
	s26 =	simm.s32 $0x2;
	v7 =	vld [tilespmem:s8+$0xFFFFFF10]  }
0xf0: {  	v8 =	vand.u32 $0x7C, v6;
	v6 =	vmov s23;
	v11 =	vmov s26;
	v10 =	vld [tilespmem:s8+$0xFFFFFF50]  }
0xf1: {  	v12 =	vadd.s32 v0, v8;
	v15 =	vand.u32 $0x7D, v6;
	v6 =	vld [tilespmem:s8+$0xFFFFFF90];
	v5 =	vmul.f32 $8.000000000e+00, v5  }
0xf2: {  	v13 =	vadd.s32 v0, v15;
	v17 =	vand.u32 $0x7E, v11  }
0xf3: {  	v11 =	vadd.s32 v0, v17;
	[tilespmem:v4+s22+$0x0] =	vst.idx.msk $0xffff, v5  }
0xf4: {  	v4 =	vmul.f32 $8.000000000e+00, v7;
	v5 =	vld [tilespmem:s8+$0xFFFFFFE0]  }
0xf5: {  	v7 =	vmul.f32 $8.000000000e+00, v10  }
0xf6: {  	[tilespmem:v12+s22+$0x0] =	vst.idx.msk $0xffff, v4;
	v4 =	vmul.f32 $8.000000000e+00, v6;
	v6 =	vadd.s32 v1, v9  }
0xf7: {  	[tilespmem:v13+s22+$0x0] =	vst.idx.msk $0xffff, v7;
	v10 =	vld [tilespmem:s8+$0xFFFFFF20]  }
0xf8: {  	v7 =	vld [tilespmem:s8+$0xFFFFFF60];
	[tilespmem:v11+s22+$0x0] =	vst.idx.msk $0xffff, v4  }
0xf9: {  	v11 =	vld [tilespmem:s8+$0xFFFFFFA0];
	v4 =	vmul.f32 $8.000000000e+00, v5  }
0xfa: {  	s18 =	simm.s32 $0x7;
	s30 =	simm.s32 $0x4;
	s6 =	simm.s32 $0x85F0;
	v12 =	vadd.s32 v1, v15  }
0xfb: {  	v14 =	vld [tilespmem:s6+$0xFFFFFFD0];
	v13 =	vadd.s32 v1, v17;
	v5 =	vmov s30;
	[tilespmem:v6+s22+$0x0] =	vst.idx.msk $0xffff, v4;
	v6 =	vmov s18  }
0xfc: {  	v16 =	vadd.s32 v1, v8;
	v4 =	vand.u32 $0x7C, v5;
	v5 =	vand.u32 $0x7F, v6;
	v18 =	vld [tilespmem:s8+$0xFFFFFFF0]  }
0xfd: {  	v22 =	vadd.s32 v2, v9;
	s23 =	simm.s32 $0x5;
	v19 =	vld [tilespmem:s6+$0xFFFFFF10];
	v6 =	vmul.f32 $8.000000000e+00, v7;
	v20 =	vadd.s32 v0, v5  }
0xfe: {  	s26 =	simm.s32 $0x6;
	v21 =	vld [tilespmem:s6+$0xFFFFFF50];
	v10 =	vmul.f32 $8.000000000e+00, v10;
	v7 =	vmul.f32 $8.000000000e+00, v11;
	v11 =	vmov s23  }
0xff: {  	v23 =	vadd.s32 v0, v4;
	[tilespmem:v12+s22+$0x0] =	vst.idx.msk $0xffff, v6;
	v12 =	vmov s26;
	v6 =	vand.u32 $0x7D, v11;
	v11 =	vld [tilespmem:s6+$0xFFFFFF90]  }
0x100: {  	[tilespmem:v13+s22+$0x0] =	vst.idx.msk $0xffff, v7;
	v13 =	vadd.s32 v0, v6;
	v7 =	vand.u32 $0x7E, v12;
	v12 =	vmul.f32 $8.000000000e+00, v14;
	v14 =	vld [tilespmem:s8+$0xFFFFFF70]  }
0x101: {  	[tilespmem:v16+s22+$0x0] =	vst.idx.msk $0xffff, v10;
	v10 =	vadd.s32 v0, v7;
	v16 =	vld [tilespmem:s8+$0xFFFFFFB0];
	v18 =	vmul.f32 $8.000000000e+00, v18  }
0x102: {  	v19 =	vmul.f32 $8.000000000e+00, v19;
	[tilespmem:v20+s22+$0x0] =	vst.idx.msk $0xffff, v12;
	v12 =	vld [tilespmem:s8+$0xFFFFFF30];
	v20 =	vadd.s32 v2, v15  }
0x103: {  	v25 =	vadd.s32 v2, v17;
	v21 =	vmul.f32 $8.000000000e+00, v21;
	v24 =	vld [tilespmem:s6+$0xFFFFFFE0];
	[tilespmem:v22+s22+$0x0] =	vst.idx.msk $0xffff, v18  }
0x104: {  	[tilespmem:v23+s22+$0x0] =	vst.idx.msk $0xffff, v19;
	v19 =	vadd.s32 v2, v8;
	v11 =	vmul.f32 $8.000000000e+00, v11;
	v22 =	vld [tilespmem:s8+$0x0]  }
0x105: {  	v23 =	vld [tilespmem:s6+$0xFFFFFF20];
	[tilespmem:v13+s22+$0x0] =	vst.idx.msk $0xffff, v21;
	v21 =	vadd.s32 v1, v5;
	v14 =	vmul.f32 $8.000000000e+00, v14  }
0x106: {  	v27 =	vadd.s32 v3, v9;
	v26 =	vld [tilespmem:s6+$0xFFFFFF60];
	[tilespmem:v10+s22+$0x0] =	vst.idx.msk $0xffff, v11;
	v10 =	vmul.f32 $8.000000000e+00, v16  }
0x107: {  	v18 =	vadd.s32 v1, v4;
	v13 =	vld [tilespmem:s6+$0xFFFFFFA0];
	v9 =	vmul.f32 $8.000000000e+00, v12;
	[tilespmem:v20+s22+$0x0] =	vst.idx.msk $0xffff, v14  }
0x108: {  	s23 =	simm.s32 $0x8;
	v16 =	vadd.s32 v1, v6;
	[tilespmem:v25+s22+$0x0] =	vst.idx.msk $0xffff, v10;
	v14 =	vmul.f32 $8.000000000e+00, v24;
	v12 =	vld [tilespmem:s8+$0xFFFFFF80]  }
0x109: {  	v20 =	vmov s23;
	v10 =	vadd.s32 v1, v7;
	v11 =	vld [tilespmem:s8+$0xFFFFFFC0];
	[tilespmem:v19+s22+$0x0] =	vst.idx.msk $0xffff, v9;
	v63 =	vmul.f32 $8.000000000e+00, v22  }
0x10a: {  	s20 =	simm.s32 $0x86F0;
	s30 =	simm.s32 $0xB;
	v15 =	vadd.s32 v3, v15;
	v9 =	vand.u32 $0x7C, v20;
	v20 =	vmul.f32 $8.000000000e+00, v23;
	[tilespmem:v21+s22+$0x0] =	vst.idx.msk $0xffff, v14;
	v14 =	vld [tilespmem:s8+$0xFFFFFF40]  }
0x10b: {  	v17 =	vadd.s32 v3, v17;
	s26 =	simm.s32 $0xC;
	v22 =	vmov s30;
	v19 =	vld [tilespmem:s20+$0xFFFFFFD0];
	s8 =	sor.u32 $0x1, s17;
	v21 =	vmul.f32 $8.000000000e+00, v26;
	[tilespmem:v27+s22+$0x0] =	vst.idx.msk $0xffff, v63  }
.LBB2_11:
0x10c: {  	p1 =	slt.u32 s26, $0x7C;
	s7 =	sadd.s32 $0x1, s23;
	v22 =	vand.u32 $0x7F, v22;
	[tilespmem:v18+s22+$0x0] =	vst.idx.msk $0xffff, v20;
	v13 =	vmul.f32 $8.000000000e+00, v13;
	v18 =	vld [tilespmem:s6+$0xFFFFFFF0];
	v20 =	vadd.s32 v3, v8;
	v8 =	vmovc v4  }
0x10d: {  	v4 =	vmovc v9;
	v23 =	vld [tilespmem:s20+$0xFFFFFF10];
	v24 =	vmov s7;
	s7 =	sadd.s32 $0x2, s23;
	v25 =	vadd.s32 v0, v22;
	[tilespmem:v16+s22+$0x0] =	vst.idx.msk $0xffff, v21;
	v12 =	vmul.f32 $8.000000000e+00, v12;
	s23 =	smov.u32 s26  }
0x10e: {  	v9 =	vld [tilespmem:s20+$0xFFFFFF50];
	v16 =	vmov s7;
	[tilespmem:v10+s22+$0x0] =	vst.idx.msk $0xffff, v13;
	v10 =	vadd.s32 v2, v5;
	v11 =	vmul.f32 $8.000000000e+00, v11  }
0x10f: {  	v13 =	vadd.s32 v0, v4;
	v21 =	vand.u32 $0x7D, v24;
	v24 =	vld [tilespmem:s20+$0xFFFFFF90];
	v14 =	vmul.f32 $8.000000000e+00, v14;
	[tilespmem:v15+s22+$0x0] =	vst.idx.msk $0xffff, v12  }
0x110: {  	v12 =	vadd.s32 v0, v21;
	v26 =	vand.u32 $0x7E, v16;
	v15 =	vmul.f32 $8.000000000e+00, v19;
	v16 =	vld [tilespmem:s6+$0xFFFFFF70];
	[tilespmem:v17+s22+$0x0] =	vst.idx.msk $0xffff, v11  }
0x111: {  	v11 =	vadd.s32 v0, v26;
	v17 =	vld [tilespmem:s6+$0xFFFFFFB0];
	v18 =	vmul.f32 $8.000000000e+00, v18;
	[tilespmem:v20+s22+$0x0] =	vst.idx.msk $0xffff, v14  }
0x112: {  	v19 =	vadd.s32 v2, v6;
	v14 =	vmul.f32 $8.000000000e+00, v23;
	[tilespmem:v25+s22+$0x0] =	vst.idx.msk $0xffff, v15;
	v15 =	vld [tilespmem:s6+$0xFFFFFF30]  }
0x113: {  	v23 =	vadd.s32 v2, v7;
	v9 =	vmul.f32 $8.000000000e+00, v9;
	v20 =	vld [tilespmem:s20+$0xFFFFFFE0];
	[tilespmem:v10+s22+$0x0] =	vst.idx.msk $0xffff, v18  }
0x114: {  	[tilespmem:v13+s22+$0x0] =	vst.idx.msk $0xffff, v14;
	v10 =	vmul.f32 $8.000000000e+00, v24;
	v14 =	vadd.s32 v2, v8;
	v24 =	vld [tilespmem:s6+$0x0]  }
0x115: {  	v27 =	vadd.s32 v1, v22;
	v25 =	vld [tilespmem:s20+$0xFFFFFF20];
	[tilespmem:v12+s22+$0x0] =	vst.idx.msk $0xffff, v9;
	v9 =	vmul.f32 $8.000000000e+00, v16  }
0x116: {  	v29 =	vadd.s32 v3, v5;
	v5 =	vmov v22;
	v28 =	vld [tilespmem:s20+$0xFFFFFF60];
	[tilespmem:v11+s22+$0x0] =	vst.idx.msk $0xffff, v10;
	v10 =	vmul.f32 $8.000000000e+00, v17  }
.Ltmp4:
0x117: {  	v18 =	vadd.s32 v1, v4;
	v13 =	vld [tilespmem:s20+$0xFFFFFFA0];
	v11 =	vmul.f32 $8.000000000e+00, v15;
	[tilespmem:v19+s22+$0x0] =	vst.idx.msk $0xffff, v9;
	(pc) =	sbr.rel @p1 .LBB2_11-.Ltmp4, $4  }
0x118: {  	v16 =	vadd.s32 v1, v21;
	v15 =	vmul.f32 $8.000000000e+00, v20;
	v12 =	vld [tilespmem:s6+$0xFFFFFF80];
	[tilespmem:v23+s22+$0x0] =	vst.idx.msk $0xffff, v10  }
0x119: {  	v9 =	vmov s26;
	v10 =	vadd.s32 v1, v26;
	[tilespmem:v14+s22+$0x0] =	vst.idx.msk $0xffff, v11;
	v11 =	vld [tilespmem:s6+$0xFFFFFFC0];
	v23 =	vmul.f32 $8.000000000e+00, v24  }
0x11a: {  	s7 =	sadd.s32 $0x3, s26;
	v9 =	vand.u32 $0x7C, v9;
	v20 =	vmul.f32 $8.000000000e+00, v25;
	[tilespmem:v27+s22+$0x0] =	vst.idx.msk $0xffff, v15;
	v14 =	vld [tilespmem:s6+$0xFFFFFF40];
	v15 =	vadd.s32 v3, v6;
	v6 =	vmovc v21;
	s6 =	smov.u32 s20;
	s20 =	sadd.s32 $0x100, s20  }
0x11b: {  	v22 =	vmov s7;
	v17 =	vadd.s32 v3, v7;
	v7 =	vmovc v26;
	s26 =	sadd.s32 $0x4, s26;
	v19 =	vld [tilespmem:s20+$0xFFFFFFD0];
	v21 =	vmul.f32 $8.000000000e+00, v28;
	[tilespmem:v29+s22+$0x0] =	vst.idx.msk $0xffff, v23  }
0x11c: {  	s7 =	sadd.s32 $0x1, s23;
	v22 =	vand.u32 $0x7F, v22;
	v28 =	vld [tilespmem:s20+$0xFFFFFF10]  }
0x11d: {  	s26 =	sadd.s32 $0x2, s23;
	v24 =	vld [tilespmem:s20+$0xFFFFFF50];
	v23 =	vmov s7;
	v25 =	vadd.s32 v0, v22  }
0x11e: {  	v27 =	vld [tilespmem:s20+$0xFFFFFF90];
	v51 =	vadd.s32 v0, v9;
	v26 =	vmov s26;
	v23 =	vand.u32 $0x7D, v23  }
0x11f: {  	v26 =	vand.u32 $0x7E, v26;
	v29 =	vadd.s32 v0, v23  }
0x120: {  	[tilespmem:v18+s22+$0x0] =	vst.idx.msk $0xffff, v20;
	v30 =	vadd.s32 v0, v26;
	v19 =	vmul.f32 $8.000000000e+00, v19  }
0x121: {  	[tilespmem:v16+s22+$0x0] =	vst.idx.msk $0xffff, v21;
	v54 =	vmul.f32 $8.000000000e+00, v28  }
0x122: {  	v52 =	vmul.f32 $8.000000000e+00, v24;
	[tilespmem:v25+s22+$0x0] =	vst.idx.msk $0xffff, v19  }
0x123: {  	v53 =	vmul.f32 $8.000000000e+00, v27;
	v55 =	vld [tilespmem:s20+$0xFFFFFFE0];
	[tilespmem:v51+s22+$0x0] =	vst.idx.msk $0xffff, v54  }
0x124: {  	v13 =	vmul.f32 $8.000000000e+00, v13;
	v8 =	vadd.s32 v3, v8;
	[tilespmem:v29+s22+$0x0] =	vst.idx.msk $0xffff, v52;
	v59 =	vld [tilespmem:s20+$0xFFFFFF20]  }
0x125: {  	v12 =	vmul.f32 $8.000000000e+00, v12;
	v57 =	vadd.s32 v1, v22;
	[tilespmem:v30+s22+$0x0] =	vst.idx.msk $0xffff, v53;
	v56 =	vld [tilespmem:s20+$0xFFFFFF60]  }
0x126: {  	[tilespmem:v10+s22+$0x0] =	vst.idx.msk $0xffff, v13;
	v58 =	vmul.f32 $8.000000000e+00, v11;
	v28 =	vadd.s32 v1, v9;
	v19 =	vld [tilespmem:s20+$0xFFFFFFA0]  }
0x127: {  	v61 =	vld [tilespmem:s6+$0xFFFFFFF0];
	v60 =	vadd.s32 v1, v23;
	v14 =	vmul.f32 $8.000000000e+00, v14;
	[tilespmem:v15+s22+$0x0] =	vst.idx.msk $0xffff, v12  }
0x128: {  	v32 =	vld [tilespmem:s6+$0xFFFFFF30];
	v62 =	vadd.s32 v1, v26;
	[tilespmem:v17+s22+$0x0] =	vst.idx.msk $0xffff, v58;
	v16 =	vmul.f32 $8.000000000e+00, v55  }
0x129: {  	[tilespmem:v8+s22+$0x0] =	vst.idx.msk $0xffff, v14;
	v29 =	vadd.s32 v2, v5;
	v30 =	vld [tilespmem:s6+$0xFFFFFFB0];
	v11 =	vmul.f32 $8.000000000e+00, v59  }
0x12a: {  	v38 =	vadd.s32 v2, v4;
	v63 =	vld [tilespmem:s6+$0xFFFFFF70];
	v31 =	vmul.f32 $8.000000000e+00, v56;
	[tilespmem:v57+s22+$0x0] =	vst.idx.msk $0xffff, v16  }
0x12b: {  	v35 =	vadd.s32 v2, v7;
	v34 =	vmul.f32 $8.000000000e+00, v19;
	v36 =	vld [tilespmem:s20+$0xFFFFFFF0];
	[tilespmem:v28+s22+$0x0] =	vst.idx.msk $0xffff, v11  }
0x12c: {  	v33 =	vadd.s32 v2, v6;
	v37 =	vmul.f32 $8.000000000e+00, v61;
	[tilespmem:v60+s22+$0x0] =	vst.idx.msk $0xffff, v31;
	v43 =	vld [tilespmem:s20+$0xFFFFFF30]  }
0x12d: {  	v40 =	vadd.s32 v2, v22;
	v14 =	vmul.f32 $8.000000000e+00, v32;
	[tilespmem:v62+s22+$0x0] =	vst.idx.msk $0xffff, v34;
	v39 =	vld [tilespmem:s20+$0xFFFFFF70]  }
0x12e: {  	v48 =	vadd.s32 v2, v9;
	[tilespmem:v29+s22+$0x0] =	vst.idx.msk $0xffff, v37;
	v42 =	vmul.f32 $8.000000000e+00, v30;
	v41 =	vld [tilespmem:s20+$0xFFFFFFB0]  }
0x12f: {  	v44 =	vadd.s32 v2, v23;
	v15 =	vmul.f32 $8.000000000e+00, v63;
	[tilespmem:v38+s22+$0x0] =	vst.idx.msk $0xffff, v14;
	v45 =	vld [tilespmem:s6+$0x0]  }
0x130: {  	v46 =	vadd.s32 v2, v26;
	v14 =	vld [tilespmem:s6+$0xFFFFFF40];
	[tilespmem:v35+s22+$0x0] =	vst.idx.msk $0xffff, v42;
	v47 =	vmul.f32 $8.000000000e+00, v36  }
0x131: {  	v5 =	vadd.s32 v3, v5;
	[tilespmem:v33+s22+$0x0] =	vst.idx.msk $0xffff, v15;
	v49 =	vld [tilespmem:s6+$0xFFFFFFC0];
	v53 =	vmul.f32 $8.000000000e+00, v43  }
0x132: {  	v4 =	vadd.s32 v3, v4;
	v21 =	vld [tilespmem:s6+$0xFFFFFF80];
	v12 =	vmul.f32 $8.000000000e+00, v39;
	[tilespmem:v40+s22+$0x0] =	vst.idx.msk $0xffff, v47  }
0x133: {  	v52 =	vadd.s32 v3, v7;
	v51 =	vmul.f32 $8.000000000e+00, v41;
	v10 =	vld [tilespmem:s20+$0x0];
	[tilespmem:v48+s22+$0x0] =	vst.idx.msk $0xffff, v53  }
0x134: {  	v50 =	vadd.s32 v3, v6;
	v54 =	vmul.f32 $8.000000000e+00, v45;
	[tilespmem:v44+s22+$0x0] =	vst.idx.msk $0xffff, v12;
	v59 =	vld [tilespmem:s20+$0xFFFFFF40]  }
0x135: {  	v57 =	vadd.s32 v3, v22;
	v14 =	vmul.f32 $8.000000000e+00, v14;
	[tilespmem:v46+s22+$0x0] =	vst.idx.msk $0xffff, v51;
	v55 =	vld [tilespmem:s20+$0xFFFFFF80]  }
0x136: {  	v62 =	vadd.s32 v3, v9;
	[tilespmem:v5+s22+$0x0] =	vst.idx.msk $0xffff, v54;
	v5 =	vmul.f32 $8.000000000e+00, v49;
	v58 =	vld [tilespmem:s20+$0xFFFFFFC0]  }
0x137: {  	v56 =	vmul.f32 $8.000000000e+00, v21;
	v60 =	vadd.s32 v3, v23;
	[tilespmem:v4+s22+$0x0] =	vst.idx.msk $0xffff, v14  }
0x138: {  	v61 =	vadd.s32 v3, v26;
	[tilespmem:v52+s22+$0x0] =	vst.idx.msk $0xffff, v5;
	v5 =	vmul.f32 $8.000000000e+00, v10  }
0x139: {  	[tilespmem:v50+s22+$0x0] =	vst.idx.msk $0xffff, v56;
	v63 =	vmul.f32 $8.000000000e+00, v59  }
0x13a: {  	v4 =	vmul.f32 $8.000000000e+00, v55;
	[tilespmem:v57+s22+$0x0] =	vst.idx.msk $0xffff, v5  }
0x13b: {  	s6 =	sor.u32 $0x5, s17;
	v5 =	vmul.f32 $8.000000000e+00, v58;
	[tilespmem:v62+s22+$0x0] =	vst.idx.msk $0xffff, v63  }
0x13c: {  	s18 =	sshll.u32 s6, $0x7;
	s20 =	sadd.s32 s4, s8;
	[tilespmem:v60+s22+$0x0] =	vst.idx.msk $0xffff, v4  }
0x13d: {  	s7 =	sand.u32 $0x3FFFFF80, s18;
	s18 =	simm.s32 $0x10400;
	s8 =	sshll.u32 s20, $0x7;
	[tilespmem:v61+s22+$0x0] =	vst.idx.msk $0xffff, v5  }
0x13e: {  	[tilespmem:s18], [sflag:$0x6] =	stream.indirect.gather [hbm4b:s5+s11], $0x40, s7, s11, $0xb8;
	[tilespmem:$0x1EC00] =	vst v63  }
0x13f: {  	s8 =	sand.u32 $0xC80, s8;
	s7 =	sshll.u32 s20, $0xA;
	_ =	swait.ge [sflag:s24], $0x2000  }
0x140: {  	s8 =	sadd.s32 s2, s8;
	s7 =	sand.u32 $0xFFF8000, s7;
	[sflag:s24] =	ssyncset.done $0x0  }
0x141: {  	s23 =	simm.s32 $0x18600;
	s7 =	sadd.s32 s7, s8;
	[sflag:s24] =	ssyncadd.s32 $0xFFFFE000  }
0x142: {  	[hbm4b:s7+s3] =	stream.linear.scatter [tilespmem:s23], [sflag:$0xA], $0x80, $0x38;
	[tilespmem:$0x1EC00] =	vst v63  }
0x143: {  	s26 =	simm.s32 $0x18688;
	s18 =	sadd.s32 $0x10, s7  }
0x144: {  	[hbm4b:s18+s3] =	stream.linear.scatter [tilespmem:s26], [sflag:$0xA], $0x80, $0x38;
	[tilespmem:$0x1EC00] =	vst v63  }
0x145: {  	s20 =	simm.s32 $0x18710;
	s23 =	sadd.s32 $0x20, s7  }
0x146: {  	[hbm4b:s23+s3] =	stream.linear.scatter [tilespmem:s20], [sflag:$0xA], $0x80, $0x38;
	[tilespmem:$0x1EC00] =	vst v63  }
0x147: {  	s26 =	simm.s32 $0x18798;
	s18 =	sadd.s32 $0x30, s7  }
0x148: {  	[hbm4b:s18+s3] =	stream.linear.scatter [tilespmem:s26], [sflag:$0xA], $0x80, $0x38;
	[tilespmem:$0x1EC00] =	vst v63  }
0x149: {  	s20 =	simm.s32 $0x18820;
	s23 =	sadd.s32 $0x40, s7  }
0x14a: {  	[hbm4b:s23+s3] =	stream.linear.scatter [tilespmem:s20], [sflag:$0xA], $0x80, $0x38;
	[tilespmem:$0x1EC00] =	vst v63  }
0x14b: {  	s8 =	simm.s32 $0x440;
	s26 =	simm.s32 $0x188A8;
	s18 =	sadd.s32 $0x50, s7  }
0x14c: {  	[hbm4b:s18+s3] =	stream.linear.scatter [tilespmem:s26], [sflag:$0xA], $0x80, $0x38;
	[tilespmem:$0x1EC00] =	vst v63  }
0x14d: {  	s30 =	sadd.s32 $0x70, s7;
	s23 =	simm.s32 $0x18930;
	s26 =	sadd.s32 $0x60, s7  }
0x14e: {  	[hbm4b:s26+s3] =	stream.linear.scatter [tilespmem:s23], [sflag:$0xA], $0x80, $0x38;
	[tilespmem:$0x1EC00] =	vst v63  }
0x14f: {  	s20 =	sadd.s32 $0x1000, s7;
	s23 =	simm.s32 $0x2200;
	s26 =	simm.s32 $0x189B8  }
.LBB2_13:
0x150: {  	[hbm4b:s30+s3] =	stream.linear.scatter [tilespmem:s26], [sflag:$0xA], $0x80, $0x38;
	[tilespmem:$0x1EC00] =	vst v63  }
0x151: {  	s7 =	smov.u32 s8;
	s8 =	smov.u32 s23  }
0x152: {  	s18 =	sadd.s32 $0x1100, s23;
	s8 =	sshra.s32 s8, $0x2;
	s26 =	sadd.s32 $0x18600, s7  }
0x153: {  	[hbm4b:s20+s3] =	stream.linear.scatter [tilespmem:s26], [sflag:$0xA], $0x80, $0x38;
	[tilespmem:$0x1EC00] =	vst v63  }
0x154: {  	p1 =	sne.s32 s23, $0x7700;
	s23 =	sadd.s32 $0x18688, s7;
	s26 =	sadd.s32 $0x10, s20  }
0x155: {  	[hbm4b:s26+s3] =	stream.linear.scatter [tilespmem:s23], [sflag:$0xA], $0x80, $0x38;
	[tilespmem:$0x1EC00] =	vst v63  }
0x156: {  	s23 =	sadd.s32 $0x18710, s7;
	s26 =	sadd.s32 $0x20, s20  }
0x157: {  	[hbm4b:s26+s3] =	stream.linear.scatter [tilespmem:s23], [sflag:$0xA], $0x80, $0x38;
	[tilespmem:$0x1EC00] =	vst v63  }
0x158: {  	s23 =	sadd.s32 $0x18798, s7;
	s26 =	sadd.s32 $0x30, s20  }
0x159: {  	[hbm4b:s26+s3] =	stream.linear.scatter [tilespmem:s23], [sflag:$0xA], $0x80, $0x38;
	[tilespmem:$0x1EC00] =	vst v63  }
0x15a: {  	s23 =	sadd.s32 $0x18820, s7;
	s26 =	sadd.s32 $0x40, s20  }
0x15b: {  	[hbm4b:s26+s3] =	stream.linear.scatter [tilespmem:s23], [sflag:$0xA], $0x80, $0x38;
	[tilespmem:$0x1EC00] =	vst v63  }
.Ltmp5:
0x15c: {  	s23 =	sadd.s32 $0x188A8, s7;
	s26 =	sadd.s32 $0x50, s20;
	(pc) =	sbr.rel @p1 .LBB2_13-.Ltmp5, $4  }
0x15d: {  	[hbm4b:s26+s3] =	stream.linear.scatter [tilespmem:s23], [sflag:$0xA], $0x80, $0x38;
	[tilespmem:$0x1EC00] =	vst v63  }
0x15e: {  	s30 =	sadd.s32 $0x70, s20;
	s23 =	sadd.s32 $0x18930, s7;
	s26 =	sadd.s32 $0x60, s20  }
0x15f: {  	[hbm4b:s26+s3] =	stream.linear.scatter [tilespmem:s23], [sflag:$0xA], $0x80, $0x38;
	[tilespmem:$0x1EC00] =	vst v63  }
0x160: {  	s20 =	sadd.s32 $0x1000, s20;
	s26 =	sadd.s32 $0x189B8, s7;
	s23 =	smov.u32 s18  }
0x161: {  	[hbm4b:s30+s3] =	stream.linear.scatter [tilespmem:s26], [sflag:$0xA], $0x80, $0x38;
	[tilespmem:$0x1EC00] =	vst v63  }
0x162: {  	s7 =	sadd.s32 $0x18600, s8  }
0x163: {  	[hbm4b:s20+s3] =	stream.linear.scatter [tilespmem:s7], [sflag:$0xA], $0x80, $0x38;
	[tilespmem:$0x1EC00] =	vst v63  }
0x164: {  	s26 =	sadd.s32 $0x18688, s8;
	s18 =	sadd.s32 $0x10, s20  }
0x165: {  	[hbm4b:s18+s3] =	stream.linear.scatter [tilespmem:s26], [sflag:$0xA], $0x80, $0x38;
	[tilespmem:$0x1EC00] =	vst v63  }
0x166: {  	s23 =	sadd.s32 $0x18710, s8;
	s26 =	sadd.s32 $0x20, s20  }
0x167: {  	[hbm4b:s26+s3] =	stream.linear.scatter [tilespmem:s23], [sflag:$0xA], $0x80, $0x38;
	[tilespmem:$0x1EC00] =	vst v63  }
0x168: {  	s23 =	sadd.s32 $0x18798, s8;
	s26 =	sadd.s32 $0x30, s20  }
0x169: {  	[hbm4b:s26+s3] =	stream.linear.scatter [tilespmem:s23], [sflag:$0xA], $0x80, $0x38;
	[tilespmem:$0x1EC00] =	vst v63  }
0x16a: {  	s23 =	sadd.s32 $0x18820, s8;
	s26 =	sadd.s32 $0x40, s20  }
0x16b: {  	[hbm4b:s26+s3] =	stream.linear.scatter [tilespmem:s23], [sflag:$0xA], $0x80, $0x38;
	[tilespmem:$0x1EC00] =	vst v63  }
0x16c: {  	s23 =	sadd.s32 $0x188A8, s8;
	s26 =	sadd.s32 $0x50, s20  }
0x16d: {  	[hbm4b:s26+s3] =	stream.linear.scatter [tilespmem:s23], [sflag:$0xA], $0x80, $0x38;
	[tilespmem:$0x1EC00] =	vst v63  }
0x16e: {  	s23 =	sadd.s32 $0x18930, s8;
	s26 =	sadd.s32 $0x60, s20  }
0x16f: {  	[hbm4b:s26+s3] =	stream.linear.scatter [tilespmem:s23], [sflag:$0xA], $0x80, $0x38;
	[tilespmem:$0x1EC00] =	vst v63  }
0x170: {  	s7 =	simm.s32 @!p0 $0xB;
	s18 =	sadd.s32 $0x189B8, s8;
	s20 =	sadd.s32 $0x70, s20  }
0x171: {  	[hbm4b:s20+s3] =	stream.linear.scatter [tilespmem:s18], [sflag:$0xA], $0x80, $0x38;
	[tilespmem:$0x1EC00] =	vst v63  }
0x172: {  	_ =	swait.ge @!p0 [sflag:s7], $0x2000  }
0x173: {  	[sflag:s7] =	ssyncset.done @!p0 $0x0  }
0x174: {  	s23 =	simm.s32 $0x3;
	s20 =	simm.s32 $0xA4F0;
	[sflag:s7] =	ssyncadd.s32 @!p0 $0xFFFFE000  }
0x175: {  	v4 =	vmov s23;
	v5 =	vld [tilespmem:s20+$0xFFFFFFD0]  }
0x176: {  	v9 =	vand.u32 $0x7F, v4  }
0x177: {  	s26 =	simm.s32 $0x0;
	v4 =	vadd.s32 v0, v9  }
0x178: {  	s8 =	simm.s32 $0x1;
	v6 =	vmov s26;
	s18 =	simm.s32 $0x2;
	v7 =	vld [tilespmem:s20+$0xFFFFFF10]  }
0x179: {  	v8 =	vand.u32 $0x7C, v6;
	v6 =	vmov s8;
	v11 =	vmov s18;
	v10 =	vld [tilespmem:s20+$0xFFFFFF50]  }
0x17a: {  	v12 =	vadd.s32 v0, v8;
	v15 =	vand.u32 $0x7D, v6;
	v6 =	vld [tilespmem:s20+$0xFFFFFF90];
	v5 =	vmul.f32 $8.000000000e+00, v5  }
0x17b: {  	v13 =	vadd.s32 v0, v15;
	v17 =	vand.u32 $0x7E, v11  }
0x17c: {  	v11 =	vadd.s32 v0, v17;
	[tilespmem:v4+s25+$0x0] =	vst.idx.msk $0xffff, v5  }
0x17d: {  	v4 =	vmul.f32 $8.000000000e+00, v7;
	v5 =	vld [tilespmem:s20+$0xFFFFFFE0]  }
0x17e: {  	v7 =	vmul.f32 $8.000000000e+00, v10  }
0x17f: {  	[tilespmem:v12+s25+$0x0] =	vst.idx.msk $0xffff, v4;
	v4 =	vmul.f32 $8.000000000e+00, v6;
	v6 =	vadd.s32 v1, v9  }
0x180: {  	[tilespmem:v13+s25+$0x0] =	vst.idx.msk $0xffff, v7;
	v10 =	vld [tilespmem:s20+$0xFFFFFF20]  }
0x181: {  	v7 =	vld [tilespmem:s20+$0xFFFFFF60];
	[tilespmem:v11+s25+$0x0] =	vst.idx.msk $0xffff, v4  }
0x182: {  	v11 =	vld [tilespmem:s20+$0xFFFFFFA0];
	v4 =	vmul.f32 $8.000000000e+00, v5  }
0x183: {  	s23 =	simm.s32 $0x4;
	s26 =	simm.s32 $0x7;
	s8 =	simm.s32 $0xA5F0;
	v12 =	vadd.s32 v1, v15  }
0x184: {  	v14 =	vld [tilespmem:s8+$0xFFFFFFD0];
	v13 =	vadd.s32 v1, v17;
	v5 =	vmov s23;
	[tilespmem:v6+s25+$0x0] =	vst.idx.msk $0xffff, v4;
	v6 =	vmov s26  }
0x185: {  	v16 =	vadd.s32 v1, v8;
	v4 =	vand.u32 $0x7C, v5;
	v5 =	vand.u32 $0x7F, v6;
	v18 =	vld [tilespmem:s20+$0xFFFFFFF0]  }
0x186: {  	v22 =	vadd.s32 v2, v9;
	v19 =	vld [tilespmem:s8+$0xFFFFFF10];
	s23 =	simm.s32 $0x5;
	v6 =	vmul.f32 $8.000000000e+00, v7;
	v20 =	vadd.s32 v0, v5  }
0x187: {  	v21 =	vld [tilespmem:s8+$0xFFFFFF50];
	v10 =	vmul.f32 $8.000000000e+00, v10;
	s26 =	simm.s32 $0x6;
	v7 =	vmul.f32 $8.000000000e+00, v11;
	v11 =	vmov s23  }
0x188: {  	v23 =	vadd.s32 v0, v4;
	[tilespmem:v12+s25+$0x0] =	vst.idx.msk $0xffff, v6;
	v12 =	vmov s26;
	v6 =	vand.u32 $0x7D, v11;
	v11 =	vld [tilespmem:s8+$0xFFFFFF90]  }
0x189: {  	[tilespmem:v13+s25+$0x0] =	vst.idx.msk $0xffff, v7;
	v13 =	vadd.s32 v0, v6;
	v7 =	vand.u32 $0x7E, v12;
	v12 =	vmul.f32 $8.000000000e+00, v14;
	v14 =	vld [tilespmem:s20+$0xFFFFFF70]  }
0x18a: {  	[tilespmem:v16+s25+$0x0] =	vst.idx.msk $0xffff, v10;
	v10 =	vadd.s32 v0, v7;
	v16 =	vld [tilespmem:s20+$0xFFFFFFB0];
	v18 =	vmul.f32 $8.000000000e+00, v18  }
0x18b: {  	v19 =	vmul.f32 $8.000000000e+00, v19;
	[tilespmem:v20+s25+$0x0] =	vst.idx.msk $0xffff, v12;
	v12 =	vld [tilespmem:s20+$0xFFFFFF30];
	v20 =	vadd.s32 v2, v15  }
0x18c: {  	v25 =	vadd.s32 v2, v17;
	v21 =	vmul.f32 $8.000000000e+00, v21;
	v24 =	vld [tilespmem:s8+$0xFFFFFFE0];
	[tilespmem:v22+s25+$0x0] =	vst.idx.msk $0xffff, v18  }
0x18d: {  	[tilespmem:v23+s25+$0x0] =	vst.idx.msk $0xffff, v19;
	v19 =	vadd.s32 v2, v8;
	v11 =	vmul.f32 $8.000000000e+00, v11;
	v22 =	vld [tilespmem:s20+$0x0]  }
0x18e: {  	v23 =	vld [tilespmem:s8+$0xFFFFFF20];
	[tilespmem:v13+s25+$0x0] =	vst.idx.msk $0xffff, v21;
	v21 =	vadd.s32 v1, v5;
	v14 =	vmul.f32 $8.000000000e+00, v14  }
0x18f: {  	v27 =	vadd.s32 v3, v9;
	v26 =	vld [tilespmem:s8+$0xFFFFFF60];
	[tilespmem:v10+s25+$0x0] =	vst.idx.msk $0xffff, v11;
	v10 =	vmul.f32 $8.000000000e+00, v16  }
0x190: {  	v18 =	vadd.s32 v1, v4;
	v13 =	vld [tilespmem:s8+$0xFFFFFFA0];
	v9 =	vmul.f32 $8.000000000e+00, v12;
	[tilespmem:v20+s25+$0x0] =	vst.idx.msk $0xffff, v14  }
0x191: {  	s26 =	simm.s32 $0x8;
	v16 =	vadd.s32 v1, v6;
	[tilespmem:v25+s25+$0x0] =	vst.idx.msk $0xffff, v10;
	v14 =	vmul.f32 $8.000000000e+00, v24;
	v12 =	vld [tilespmem:s20+$0xFFFFFF80]  }
0x192: {  	v20 =	vmov s26;
	v10 =	vadd.s32 v1, v7;
	v11 =	vld [tilespmem:s20+$0xFFFFFFC0];
	[tilespmem:v19+s25+$0x0] =	vst.idx.msk $0xffff, v9;
	v63 =	vmul.f32 $8.000000000e+00, v22  }
0x193: {  	s18 =	simm.s32 $0xB;
	s23 =	simm.s32 $0xA6F0;
	v15 =	vadd.s32 v3, v15;
	v9 =	vand.u32 $0x7C, v20;
	v20 =	vmul.f32 $8.000000000e+00, v23;
	[tilespmem:v21+s25+$0x0] =	vst.idx.msk $0xffff, v14;
	v14 =	vld [tilespmem:s20+$0xFFFFFF40]  }
0x194: {  	s30 =	simm.s32 $0xC;
	v17 =	vadd.s32 v3, v17;
	v22 =	vmov s18;
	v19 =	vld [tilespmem:s23+$0xFFFFFFD0];
	s20 =	sor.u32 $0x2, s17;
	v21 =	vmul.f32 $8.000000000e+00, v26;
	[tilespmem:v27+s25+$0x0] =	vst.idx.msk $0xffff, v63  }
.LBB2_15:
0x195: {  	p1 =	slt.u32 s30, $0x7C;
	s7 =	sadd.s32 $0x1, s26;
	v22 =	vand.u32 $0x7F, v22;
	[tilespmem:v18+s25+$0x0] =	vst.idx.msk $0xffff, v20;
	v13 =	vmul.f32 $8.000000000e+00, v13;
	v18 =	vld [tilespmem:s8+$0xFFFFFFF0];
	v20 =	vadd.s32 v3, v8;
	v8 =	vmovc v4  }
0x196: {  	v4 =	vmovc v9;
	v23 =	vld [tilespmem:s23+$0xFFFFFF10];
	v24 =	vmov s7;
	s7 =	sadd.s32 $0x2, s26;
	v25 =	vadd.s32 v0, v22;
	[tilespmem:v16+s25+$0x0] =	vst.idx.msk $0xffff, v21;
	v12 =	vmul.f32 $8.000000000e+00, v12;
	s26 =	smov.u32 s30  }
0x197: {  	v9 =	vld [tilespmem:s23+$0xFFFFFF50];
	v16 =	vmov s7;
	[tilespmem:v10+s25+$0x0] =	vst.idx.msk $0xffff, v13;
	v10 =	vadd.s32 v2, v5;
	v11 =	vmul.f32 $8.000000000e+00, v11  }
0x198: {  	v13 =	vadd.s32 v0, v4;
	v21 =	vand.u32 $0x7D, v24;
	v24 =	vld [tilespmem:s23+$0xFFFFFF90];
	v14 =	vmul.f32 $8.000000000e+00, v14;
	[tilespmem:v15+s25+$0x0] =	vst.idx.msk $0xffff, v12  }
0x199: {  	v12 =	vadd.s32 v0, v21;
	v26 =	vand.u32 $0x7E, v16;
	v15 =	vmul.f32 $8.000000000e+00, v19;
	v16 =	vld [tilespmem:s8+$0xFFFFFF70];
	[tilespmem:v17+s25+$0x0] =	vst.idx.msk $0xffff, v11  }
0x19a: {  	v11 =	vadd.s32 v0, v26;
	v17 =	vld [tilespmem:s8+$0xFFFFFFB0];
	v18 =	vmul.f32 $8.000000000e+00, v18;
	[tilespmem:v20+s25+$0x0] =	vst.idx.msk $0xffff, v14  }
0x19b: {  	v19 =	vadd.s32 v2, v6;
	v14 =	vmul.f32 $8.000000000e+00, v23;
	[tilespmem:v25+s25+$0x0] =	vst.idx.msk $0xffff, v15;
	v15 =	vld [tilespmem:s8+$0xFFFFFF30]  }
0x19c: {  	v23 =	vadd.s32 v2, v7;
	v9 =	vmul.f32 $8.000000000e+00, v9;
	v20 =	vld [tilespmem:s23+$0xFFFFFFE0];
	[tilespmem:v10+s25+$0x0] =	vst.idx.msk $0xffff, v18  }
0x19d: {  	[tilespmem:v13+s25+$0x0] =	vst.idx.msk $0xffff, v14;
	v10 =	vmul.f32 $8.000000000e+00, v24;
	v14 =	vadd.s32 v2, v8;
	v24 =	vld [tilespmem:s8+$0x0]  }
0x19e: {  	v27 =	vadd.s32 v1, v22;
	v25 =	vld [tilespmem:s23+$0xFFFFFF20];
	[tilespmem:v12+s25+$0x0] =	vst.idx.msk $0xffff, v9;
	v9 =	vmul.f32 $8.000000000e+00, v16  }
0x19f: {  	v29 =	vadd.s32 v3, v5;
	v5 =	vmov v22;
	v28 =	vld [tilespmem:s23+$0xFFFFFF60];
	[tilespmem:v11+s25+$0x0] =	vst.idx.msk $0xffff, v10;
	v10 =	vmul.f32 $8.000000000e+00, v17  }
.Ltmp6:
0x1a0: {  	v18 =	vadd.s32 v1, v4;
	v13 =	vld [tilespmem:s23+$0xFFFFFFA0];
	v11 =	vmul.f32 $8.000000000e+00, v15;
	[tilespmem:v19+s25+$0x0] =	vst.idx.msk $0xffff, v9;
	(pc) =	sbr.rel @p1 .LBB2_15-.Ltmp6, $4  }
0x1a1: {  	v16 =	vadd.s32 v1, v21;
	v15 =	vmul.f32 $8.000000000e+00, v20;
	v12 =	vld [tilespmem:s8+$0xFFFFFF80];
	[tilespmem:v23+s25+$0x0] =	vst.idx.msk $0xffff, v10  }
0x1a2: {  	v9 =	vmov s30;
	v10 =	vadd.s32 v1, v26;
	[tilespmem:v14+s25+$0x0] =	vst.idx.msk $0xffff, v11;
	v11 =	vld [tilespmem:s8+$0xFFFFFFC0];
	v23 =	vmul.f32 $8.000000000e+00, v24  }
0x1a3: {  	s7 =	sadd.s32 $0x3, s30;
	v9 =	vand.u32 $0x7C, v9;
	v20 =	vmul.f32 $8.000000000e+00, v25;
	[tilespmem:v27+s25+$0x0] =	vst.idx.msk $0xffff, v15;
	v14 =	vld [tilespmem:s8+$0xFFFFFF40];
	v15 =	vadd.s32 v3, v6;
	v6 =	vmovc v21;
	s8 =	smov.u32 s23;
	s23 =	sadd.s32 $0x100, s23  }
0x1a4: {  	v22 =	vmov s7;
	v17 =	vadd.s32 v3, v7;
	v7 =	vmovc v26;
	s30 =	sadd.s32 $0x4, s30;
	v19 =	vld [tilespmem:s23+$0xFFFFFFD0];
	v21 =	vmul.f32 $8.000000000e+00, v28;
	[tilespmem:v29+s25+$0x0] =	vst.idx.msk $0xffff, v23  }
0x1a5: {  	s7 =	sadd.s32 $0x1, s26;
	v22 =	vand.u32 $0x7F, v22;
	v28 =	vld [tilespmem:s23+$0xFFFFFF10]  }
0x1a6: {  	s26 =	sadd.s32 $0x2, s26;
	v24 =	vld [tilespmem:s23+$0xFFFFFF50];
	v23 =	vmov s7;
	v25 =	vadd.s32 v0, v22  }
0x1a7: {  	v27 =	vld [tilespmem:s23+$0xFFFFFF90];
	v51 =	vadd.s32 v0, v9;
	v26 =	vmov s26;
	v23 =	vand.u32 $0x7D, v23  }
0x1a8: {  	v26 =	vand.u32 $0x7E, v26;
	v29 =	vadd.s32 v0, v23  }
0x1a9: {  	[tilespmem:v18+s25+$0x0] =	vst.idx.msk $0xffff, v20;
	v30 =	vadd.s32 v0, v26;
	v19 =	vmul.f32 $8.000000000e+00, v19  }
0x1aa: {  	[tilespmem:v16+s25+$0x0] =	vst.idx.msk $0xffff, v21;
	v54 =	vmul.f32 $8.000000000e+00, v28  }
0x1ab: {  	v52 =	vmul.f32 $8.000000000e+00, v24;
	[tilespmem:v25+s25+$0x0] =	vst.idx.msk $0xffff, v19  }
0x1ac: {  	v53 =	vmul.f32 $8.000000000e+00, v27;
	v55 =	vld [tilespmem:s23+$0xFFFFFFE0];
	[tilespmem:v51+s25+$0x0] =	vst.idx.msk $0xffff, v54  }
0x1ad: {  	v13 =	vmul.f32 $8.000000000e+00, v13;
	v8 =	vadd.s32 v3, v8;
	[tilespmem:v29+s25+$0x0] =	vst.idx.msk $0xffff, v52;
	v59 =	vld [tilespmem:s23+$0xFFFFFF20]  }
0x1ae: {  	v12 =	vmul.f32 $8.000000000e+00, v12;
	v57 =	vadd.s32 v1, v22;
	[tilespmem:v30+s25+$0x0] =	vst.idx.msk $0xffff, v53;
	v56 =	vld [tilespmem:s23+$0xFFFFFF60]  }
0x1af: {  	[tilespmem:v10+s25+$0x0] =	vst.idx.msk $0xffff, v13;
	v58 =	vmul.f32 $8.000000000e+00, v11;
	v28 =	vadd.s32 v1, v9;
	v19 =	vld [tilespmem:s23+$0xFFFFFFA0]  }
0x1b0: {  	v61 =	vld [tilespmem:s8+$0xFFFFFFF0];
	v60 =	vadd.s32 v1, v23;
	v14 =	vmul.f32 $8.000000000e+00, v14;
	[tilespmem:v15+s25+$0x0] =	vst.idx.msk $0xffff, v12  }
0x1b1: {  	v32 =	vld [tilespmem:s8+$0xFFFFFF30];
	v62 =	vadd.s32 v1, v26;
	[tilespmem:v17+s25+$0x0] =	vst.idx.msk $0xffff, v58;
	v16 =	vmul.f32 $8.000000000e+00, v55  }
0x1b2: {  	[tilespmem:v8+s25+$0x0] =	vst.idx.msk $0xffff, v14;
	v29 =	vadd.s32 v2, v5;
	v30 =	vld [tilespmem:s8+$0xFFFFFFB0];
	v11 =	vmul.f32 $8.000000000e+00, v59  }
0x1b3: {  	v38 =	vadd.s32 v2, v4;
	v63 =	vld [tilespmem:s8+$0xFFFFFF70];
	v31 =	vmul.f32 $8.000000000e+00, v56;
	[tilespmem:v57+s25+$0x0] =	vst.idx.msk $0xffff, v16  }
0x1b4: {  	v35 =	vadd.s32 v2, v7;
	v34 =	vmul.f32 $8.000000000e+00, v19;
	v36 =	vld [tilespmem:s23+$0xFFFFFFF0];
	[tilespmem:v28+s25+$0x0] =	vst.idx.msk $0xffff, v11  }
0x1b5: {  	v33 =	vadd.s32 v2, v6;
	v37 =	vmul.f32 $8.000000000e+00, v61;
	[tilespmem:v60+s25+$0x0] =	vst.idx.msk $0xffff, v31;
	v43 =	vld [tilespmem:s23+$0xFFFFFF30]  }
0x1b6: {  	v40 =	vadd.s32 v2, v22;
	v14 =	vmul.f32 $8.000000000e+00, v32;
	[tilespmem:v62+s25+$0x0] =	vst.idx.msk $0xffff, v34;
	v39 =	vld [tilespmem:s23+$0xFFFFFF70]  }
0x1b7: {  	v48 =	vadd.s32 v2, v9;
	[tilespmem:v29+s25+$0x0] =	vst.idx.msk $0xffff, v37;
	v42 =	vmul.f32 $8.000000000e+00, v30;
	v41 =	vld [tilespmem:s23+$0xFFFFFFB0]  }
0x1b8: {  	v44 =	vadd.s32 v2, v23;
	v15 =	vmul.f32 $8.000000000e+00, v63;
	[tilespmem:v38+s25+$0x0] =	vst.idx.msk $0xffff, v14;
	v45 =	vld [tilespmem:s8+$0x0]  }
0x1b9: {  	v46 =	vadd.s32 v2, v26;
	v14 =	vld [tilespmem:s8+$0xFFFFFF40];
	[tilespmem:v35+s25+$0x0] =	vst.idx.msk $0xffff, v42;
	v47 =	vmul.f32 $8.000000000e+00, v36  }
0x1ba: {  	v5 =	vadd.s32 v3, v5;
	[tilespmem:v33+s25+$0x0] =	vst.idx.msk $0xffff, v15;
	v49 =	vld [tilespmem:s8+$0xFFFFFFC0];
	v53 =	vmul.f32 $8.000000000e+00, v43  }
0x1bb: {  	v4 =	vadd.s32 v3, v4;
	v21 =	vld [tilespmem:s8+$0xFFFFFF80];
	v12 =	vmul.f32 $8.000000000e+00, v39;
	[tilespmem:v40+s25+$0x0] =	vst.idx.msk $0xffff, v47  }
0x1bc: {  	v52 =	vadd.s32 v3, v7;
	v51 =	vmul.f32 $8.000000000e+00, v41;
	v10 =	vld [tilespmem:s23+$0x0];
	[tilespmem:v48+s25+$0x0] =	vst.idx.msk $0xffff, v53  }
0x1bd: {  	v50 =	vadd.s32 v3, v6;
	v54 =	vmul.f32 $8.000000000e+00, v45;
	[tilespmem:v44+s25+$0x0] =	vst.idx.msk $0xffff, v12;
	v59 =	vld [tilespmem:s23+$0xFFFFFF40]  }
0x1be: {  	v57 =	vadd.s32 v3, v22;
	v14 =	vmul.f32 $8.000000000e+00, v14;
	[tilespmem:v46+s25+$0x0] =	vst.idx.msk $0xffff, v51;
	v55 =	vld [tilespmem:s23+$0xFFFFFF80]  }
0x1bf: {  	v62 =	vadd.s32 v3, v9;
	[tilespmem:v5+s25+$0x0] =	vst.idx.msk $0xffff, v54;
	v5 =	vmul.f32 $8.000000000e+00, v49;
	v58 =	vld [tilespmem:s23+$0xFFFFFFC0]  }
0x1c0: {  	v56 =	vmul.f32 $8.000000000e+00, v21;
	v60 =	vadd.s32 v3, v23;
	[tilespmem:v4+s25+$0x0] =	vst.idx.msk $0xffff, v14  }
0x1c1: {  	v61 =	vadd.s32 v3, v26;
	[tilespmem:v52+s25+$0x0] =	vst.idx.msk $0xffff, v5;
	v5 =	vmul.f32 $8.000000000e+00, v10  }
0x1c2: {  	[tilespmem:v50+s25+$0x0] =	vst.idx.msk $0xffff, v56;
	v63 =	vmul.f32 $8.000000000e+00, v59  }
0x1c3: {  	v4 =	vmul.f32 $8.000000000e+00, v55;
	[tilespmem:v57+s25+$0x0] =	vst.idx.msk $0xffff, v5  }
0x1c4: {  	s8 =	sor.u32 $0x6, s17;
	v5 =	vmul.f32 $8.000000000e+00, v58;
	[tilespmem:v62+s25+$0x0] =	vst.idx.msk $0xffff, v63  }
0x1c5: {  	s18 =	sshll.u32 s8, $0x7;
	s23 =	sadd.s32 s4, s20;
	[tilespmem:v60+s25+$0x0] =	vst.idx.msk $0xffff, v4  }
0x1c6: {  	s7 =	sand.u32 $0x3FFFFF80, s18;
	s18 =	simm.s32 $0x12400;
	s26 =	sshll.u32 s23, $0x7;
	[tilespmem:v61+s25+$0x0] =	vst.idx.msk $0xffff, v5  }
0x1c7: {  	[tilespmem:s18], [sflag:$0x7] =	stream.indirect.gather [hbm4b:s5+s11], $0x40, s7, s11, $0xb8;
	[tilespmem:$0x1EC00] =	vst v63  }
0x1c8: {  	s7 =	sshll.u32 s23, $0xA;
	s18 =	sand.u32 $0xD00, s26;
	_ =	swait.ge [sflag:s28], $0x2000  }
0x1c9: {  	s7 =	sand.u32 $0xFFF8000, s7;
	s18 =	sadd.s32 s2, s18;
	[sflag:s28] =	ssyncset.done $0x0  }
0x1ca: {  	s20 =	simm.s32 $0x1A800;
	s18 =	sadd.s32 s7, s18;
	[sflag:s28] =	ssyncadd.s32 $0xFFFFE000  }
0x1cb: {  	[hbm4b:s18+s3] =	stream.linear.scatter [tilespmem:s20], [sflag:$0xB], $0x80, $0x38;
	[tilespmem:$0x1EC00] =	vst v63  }
0x1cc: {  	s23 =	simm.s32 $0x1A888;
	s26 =	sadd.s32 $0x10, s18  }
0x1cd: {  	[hbm4b:s26+s3] =	stream.linear.scatter [tilespmem:s23], [sflag:$0xB], $0x80, $0x38;
	[tilespmem:$0x1EC00] =	vst v63  }
0x1ce: {  	s23 =	simm.s32 $0x1A910;
	s26 =	sadd.s32 $0x20, s18  }
0x1cf: {  	[hbm4b:s26+s3] =	stream.linear.scatter [tilespmem:s23], [sflag:$0xB], $0x80, $0x38;
	[tilespmem:$0x1EC00] =	vst v63  }
0x1d0: {  	s23 =	simm.s32 $0x1A998;
	s26 =	sadd.s32 $0x30, s18  }
0x1d1: {  	[hbm4b:s26+s3] =	stream.linear.scatter [tilespmem:s23], [sflag:$0xB], $0x80, $0x38;
	[tilespmem:$0x1EC00] =	vst v63  }
0x1d2: {  	s23 =	simm.s32 $0x1AA20;
	s26 =	sadd.s32 $0x40, s18  }
0x1d3: {  	[hbm4b:s26+s3] =	stream.linear.scatter [tilespmem:s23], [sflag:$0xB], $0x80, $0x38;
	[tilespmem:$0x1EC00] =	vst v63  }
0x1d4: {  	s30 =	simm.s32 $0x1ABB8;
	s23 =	simm.s32 $0x1AAA8;
	s26 =	sadd.s32 $0x50, s18  }
0x1d5: {  	[hbm4b:s26+s3] =	stream.linear.scatter [tilespmem:s23], [sflag:$0xB], $0x80, $0x38;
	[tilespmem:$0x1EC00] =	vst v63  }
0x1d6: {  	s7 =	sadd.s32 $0x70, s18;
	s23 =	simm.s32 $0x1AB30;
	s26 =	sadd.s32 $0x60, s18  }
0x1d7: {  	[hbm4b:s26+s3] =	stream.linear.scatter [tilespmem:s23], [sflag:$0xB], $0x80, $0x38;
	[tilespmem:$0x1EC00] =	vst v63  }
0x1d8: {  	s20 =	simm.s32 $0x440;
	s26 =	simm.s32 $0x2200;
	s23 =	sadd.s32 $0x1000, s18  }
.LBB2_17:
0x1d9: {  	[hbm4b:s7+s3] =	stream.linear.scatter [tilespmem:s30], [sflag:$0xB], $0x80, $0x38;
	[tilespmem:$0x1EC00] =	vst v63  }
0x1da: {  	s7 =	smov.u32 s20;
	s18 =	smov.u32 s26  }
0x1db: {  	s20 =	sshra.s32 s18, $0x2;
	s18 =	sadd.s32 $0x1100, s26;
	s30 =	sadd.s32 $0x1A800, s7  }
0x1dc: {  	[hbm4b:s23+s3] =	stream.linear.scatter [tilespmem:s30], [sflag:$0xB], $0x80, $0x38;
	[tilespmem:$0x1EC00] =	vst v63  }
0x1dd: {  	p1 =	sne.s32 s26, $0x7700;
	s26 =	sadd.s32 $0x1A888, s7;
	s30 =	sadd.s32 $0x10, s23  }
0x1de: {  	[hbm4b:s30+s3] =	stream.linear.scatter [tilespmem:s26], [sflag:$0xB], $0x80, $0x38;
	[tilespmem:$0x1EC00] =	vst v63  }
0x1df: {  	s26 =	sadd.s32 $0x1A910, s7;
	s30 =	sadd.s32 $0x20, s23  }
0x1e0: {  	[hbm4b:s30+s3] =	stream.linear.scatter [tilespmem:s26], [sflag:$0xB], $0x80, $0x38;
	[tilespmem:$0x1EC00] =	vst v63  }
0x1e1: {  	s26 =	sadd.s32 $0x1A998, s7;
	s30 =	sadd.s32 $0x30, s23  }
0x1e2: {  	[hbm4b:s30+s3] =	stream.linear.scatter [tilespmem:s26], [sflag:$0xB], $0x80, $0x38;
	[tilespmem:$0x1EC00] =	vst v63  }
0x1e3: {  	s26 =	sadd.s32 $0x1AA20, s7;
	s30 =	sadd.s32 $0x40, s23  }
0x1e4: {  	[hbm4b:s30+s3] =	stream.linear.scatter [tilespmem:s26], [sflag:$0xB], $0x80, $0x38;
	[tilespmem:$0x1EC00] =	vst v63  }
0x1e5: {  	s26 =	sadd.s32 $0x1AAA8, s7;
	s30 =	sadd.s32 $0x50, s23  }
0x1e6: {  	[hbm4b:s30+s3] =	stream.linear.scatter [tilespmem:s26], [sflag:$0xB], $0x80, $0x38;
	[tilespmem:$0x1EC00] =	vst v63  }
.Ltmp7:
0x1e7: {  	_ = 	snop;
	(pc) =	sbr.rel @p1 .LBB2_17-.Ltmp7, $4  }
0x1e8: {  	s26 =	sadd.s32 $0x1AB30, s7;
	s30 =	sadd.s32 $0x60, s23  }
0x1e9: {  	[hbm4b:s30+s3] =	stream.linear.scatter [tilespmem:s26], [sflag:$0xB], $0x80, $0x38;
	[tilespmem:$0x1EC00] =	vst v63  }
0x1ea: {  	s30 =	sadd.s32 $0x1ABB8, s7  }
0x1eb: {  	s7 =	sadd.s32 $0x70, s23;
	s23 =	sadd.s32 $0x1000, s23;
	s26 =	smov.u32 s18  }
0x1ec: {  	[hbm4b:s7+s3] =	stream.linear.scatter [tilespmem:s30], [sflag:$0xB], $0x80, $0x38;
	[tilespmem:$0x1EC00] =	vst v63  }
0x1ed: {  	s18 =	sadd.s32 $0x1A800, s20  }
0x1ee: {  	[hbm4b:s23+s3] =	stream.linear.scatter [tilespmem:s18], [sflag:$0xB], $0x80, $0x38;
	[tilespmem:$0x1EC00] =	vst v63  }
0x1ef: {  	s26 =	sadd.s32 $0x1A888, s20;
	s18 =	sadd.s32 $0x10, s23  }
0x1f0: {  	[hbm4b:s18+s3] =	stream.linear.scatter [tilespmem:s26], [sflag:$0xB], $0x80, $0x38;
	[tilespmem:$0x1EC00] =	vst v63  }
0x1f1: {  	s18 =	sadd.s32 $0x1A910, s20;
	s26 =	sadd.s32 $0x20, s23  }
0x1f2: {  	[hbm4b:s26+s3] =	stream.linear.scatter [tilespmem:s18], [sflag:$0xB], $0x80, $0x38;
	[tilespmem:$0x1EC00] =	vst v63  }
0x1f3: {  	s18 =	sadd.s32 $0x1A998, s20;
	s26 =	sadd.s32 $0x30, s23  }
0x1f4: {  	[hbm4b:s26+s3] =	stream.linear.scatter [tilespmem:s18], [sflag:$0xB], $0x80, $0x38;
	[tilespmem:$0x1EC00] =	vst v63  }
0x1f5: {  	s18 =	sadd.s32 $0x1AA20, s20;
	s26 =	sadd.s32 $0x40, s23  }
0x1f6: {  	[hbm4b:s26+s3] =	stream.linear.scatter [tilespmem:s18], [sflag:$0xB], $0x80, $0x38;
	[tilespmem:$0x1EC00] =	vst v63  }
0x1f7: {  	s18 =	sadd.s32 $0x1AAA8, s20;
	s26 =	sadd.s32 $0x50, s23  }
0x1f8: {  	[hbm4b:s26+s3] =	stream.linear.scatter [tilespmem:s18], [sflag:$0xB], $0x80, $0x38;
	[tilespmem:$0x1EC00] =	vst v63  }
0x1f9: {  	s18 =	sadd.s32 $0x1AB30, s20;
	s26 =	sadd.s32 $0x60, s23  }
0x1fa: {  	[hbm4b:s26+s3] =	stream.linear.scatter [tilespmem:s18], [sflag:$0xB], $0x80, $0x38;
	[tilespmem:$0x1EC00] =	vst v63  }
0x1fb: {  	s7 =	simm.s32 @!p0 $0xC;
	s20 =	sadd.s32 $0x1ABB8, s20;
	s23 =	sadd.s32 $0x70, s23  }
0x1fc: {  	[hbm4b:s23+s3] =	stream.linear.scatter [tilespmem:s20], [sflag:$0xB], $0x80, $0x38;
	[tilespmem:$0x1EC00] =	vst v63  }
0x1fd: {  	_ =	swait.ge @!p0 [sflag:s7], $0x2000  }
0x1fe: {  	[sflag:s7] =	ssyncset.done @!p0 $0x0  }
0x1ff: {  	s26 =	simm.s32 $0x3;
	s23 =	simm.s32 $0xC4F0;
	[sflag:s7] =	ssyncadd.s32 @!p0 $0xFFFFE000  }
0x200: {  	v4 =	vmov s26;
	v5 =	vld [tilespmem:s23+$0xFFFFFFD0]  }
0x201: {  	v9 =	vand.u32 $0x7F, v4  }
0x202: {  	s18 =	simm.s32 $0x0;
	v4 =	vadd.s32 v0, v9  }
0x203: {  	v6 =	vmov s18;
	s26 =	simm.s32 $0x2;
	s20 =	simm.s32 $0x1;
	v7 =	vld [tilespmem:s23+$0xFFFFFF10]  }
0x204: {  	v8 =	vand.u32 $0x7C, v6;
	v11 =	vmov s26;
	v6 =	vmov s20;
	v10 =	vld [tilespmem:s23+$0xFFFFFF50]  }
0x205: {  	v12 =	vadd.s32 v0, v8;
	v15 =	vand.u32 $0x7D, v6;
	v6 =	vld [tilespmem:s23+$0xFFFFFF90];
	v5 =	vmul.f32 $8.000000000e+00, v5  }
0x206: {  	v17 =	vand.u32 $0x7E, v11;
	v13 =	vadd.s32 v0, v15  }
0x207: {  	v11 =	vadd.s32 v0, v17;
	[tilespmem:v4+s29+$0x0] =	vst.idx.msk $0xffff, v5  }
0x208: {  	v4 =	vmul.f32 $8.000000000e+00, v7;
	v5 =	vld [tilespmem:s23+$0xFFFFFFE0]  }
0x209: {  	v7 =	vmul.f32 $8.000000000e+00, v10  }
0x20a: {  	[tilespmem:v12+s29+$0x0] =	vst.idx.msk $0xffff, v4;
	v4 =	vmul.f32 $8.000000000e+00, v6;
	v6 =	vadd.s32 v1, v9  }
0x20b: {  	[tilespmem:v13+s29+$0x0] =	vst.idx.msk $0xffff, v7;
	v10 =	vld [tilespmem:s23+$0xFFFFFF20]  }
0x20c: {  	v7 =	vld [tilespmem:s23+$0xFFFFFF60];
	[tilespmem:v11+s29+$0x0] =	vst.idx.msk $0xffff, v4  }
0x20d: {  	v11 =	vld [tilespmem:s23+$0xFFFFFFA0];
	v4 =	vmul.f32 $8.000000000e+00, v5  }
0x20e: {  	s18 =	simm.s32 $0x4;
	s26 =	simm.s32 $0x7;
	s20 =	simm.s32 $0xC5F0;
	v12 =	vadd.s32 v1, v15  }
0x20f: {  	v14 =	vld [tilespmem:s20+$0xFFFFFFD0];
	v13 =	vadd.s32 v1, v17;
	v5 =	vmov s18;
	[tilespmem:v6+s29+$0x0] =	vst.idx.msk $0xffff, v4;
	v6 =	vmov s26  }
0x210: {  	v16 =	vadd.s32 v1, v8;
	v4 =	vand.u32 $0x7C, v5;
	v5 =	vand.u32 $0x7F, v6;
	v18 =	vld [tilespmem:s23+$0xFFFFFFF0]  }
0x211: {  	v22 =	vadd.s32 v2, v9;
	v19 =	vld [tilespmem:s20+$0xFFFFFF10];
	s18 =	simm.s32 $0x5;
	v6 =	vmul.f32 $8.000000000e+00, v7;
	v20 =	vadd.s32 v0, v5  }
0x212: {  	v21 =	vld [tilespmem:s20+$0xFFFFFF50];
	v10 =	vmul.f32 $8.000000000e+00, v10;
	s26 =	simm.s32 $0x6;
	v7 =	vmul.f32 $8.000000000e+00, v11;
	v11 =	vmov s18  }
0x213: {  	v23 =	vadd.s32 v0, v4;
	[tilespmem:v12+s29+$0x0] =	vst.idx.msk $0xffff, v6;
	v12 =	vmov s26;
	v6 =	vand.u32 $0x7D, v11;
	v11 =	vld [tilespmem:s20+$0xFFFFFF90]  }
0x214: {  	[tilespmem:v13+s29+$0x0] =	vst.idx.msk $0xffff, v7;
	v13 =	vadd.s32 v0, v6;
	v7 =	vand.u32 $0x7E, v12;
	v12 =	vmul.f32 $8.000000000e+00, v14;
	v14 =	vld [tilespmem:s23+$0xFFFFFF70]  }
0x215: {  	[tilespmem:v16+s29+$0x0] =	vst.idx.msk $0xffff, v10;
	v10 =	vadd.s32 v0, v7;
	v16 =	vld [tilespmem:s23+$0xFFFFFFB0];
	v18 =	vmul.f32 $8.000000000e+00, v18  }
0x216: {  	v19 =	vmul.f32 $8.000000000e+00, v19;
	[tilespmem:v20+s29+$0x0] =	vst.idx.msk $0xffff, v12;
	v12 =	vld [tilespmem:s23+$0xFFFFFF30];
	v20 =	vadd.s32 v2, v15  }
0x217: {  	v25 =	vadd.s32 v2, v17;
	v21 =	vmul.f32 $8.000000000e+00, v21;
	v24 =	vld [tilespmem:s20+$0xFFFFFFE0];
	[tilespmem:v22+s29+$0x0] =	vst.idx.msk $0xffff, v18  }
0x218: {  	[tilespmem:v23+s29+$0x0] =	vst.idx.msk $0xffff, v19;
	v19 =	vadd.s32 v2, v8;
	v11 =	vmul.f32 $8.000000000e+00, v11;
	v22 =	vld [tilespmem:s23+$0x0]  }
0x219: {  	v23 =	vld [tilespmem:s20+$0xFFFFFF20];
	[tilespmem:v13+s29+$0x0] =	vst.idx.msk $0xffff, v21;
	v21 =	vadd.s32 v1, v5;
	v14 =	vmul.f32 $8.000000000e+00, v14  }
0x21a: {  	v27 =	vadd.s32 v3, v9;
	v26 =	vld [tilespmem:s20+$0xFFFFFF60];
	[tilespmem:v10+s29+$0x0] =	vst.idx.msk $0xffff, v11;
	v10 =	vmul.f32 $8.000000000e+00, v16  }
0x21b: {  	v18 =	vadd.s32 v1, v4;
	v13 =	vld [tilespmem:s20+$0xFFFFFFA0];
	v9 =	vmul.f32 $8.000000000e+00, v12;
	[tilespmem:v20+s29+$0x0] =	vst.idx.msk $0xffff, v14  }
0x21c: {  	s30 =	simm.s32 $0x8;
	v16 =	vadd.s32 v1, v6;
	[tilespmem:v25+s29+$0x0] =	vst.idx.msk $0xffff, v10;
	v14 =	vmul.f32 $8.000000000e+00, v24;
	v12 =	vld [tilespmem:s23+$0xFFFFFF80]  }
0x21d: {  	v20 =	vmov s30;
	v10 =	vadd.s32 v1, v7;
	v11 =	vld [tilespmem:s23+$0xFFFFFFC0];
	[tilespmem:v19+s29+$0x0] =	vst.idx.msk $0xffff, v9;
	v63 =	vmul.f32 $8.000000000e+00, v22  }
0x21e: {  	s18 =	simm.s32 $0xB;
	s26 =	simm.s32 $0xC6F0;
	v15 =	vadd.s32 v3, v15;
	v9 =	vand.u32 $0x7C, v20;
	v20 =	vmul.f32 $8.000000000e+00, v23;
	[tilespmem:v21+s29+$0x0] =	vst.idx.msk $0xffff, v14;
	v14 =	vld [tilespmem:s23+$0xFFFFFF40]  }
0x21f: {  	v17 =	vadd.s32 v3, v17;
	v22 =	vmov s18;
	v19 =	vld [tilespmem:s26+$0xFFFFFFD0];
	s23 =	sor.u32 $0x3, s17;
	s17 =	simm.s32 $0xC;
	v21 =	vmul.f32 $8.000000000e+00, v26;
	[tilespmem:v27+s29+$0x0] =	vst.idx.msk $0xffff, v63  }
.LBB2_19:
0x220: {  	p0 =	slt.u32 s17, $0x7C;
	s7 =	sadd.s32 $0x1, s30;
	v22 =	vand.u32 $0x7F, v22;
	[tilespmem:v18+s29+$0x0] =	vst.idx.msk $0xffff, v20;
	v13 =	vmul.f32 $8.000000000e+00, v13;
	v18 =	vld [tilespmem:s20+$0xFFFFFFF0];
	v20 =	vadd.s32 v3, v8;
	v8 =	vmovc v4  }
0x221: {  	v4 =	vmovc v9;
	v23 =	vld [tilespmem:s26+$0xFFFFFF10];
	v24 =	vmov s7;
	s7 =	sadd.s32 $0x2, s30;
	v25 =	vadd.s32 v0, v22;
	[tilespmem:v16+s29+$0x0] =	vst.idx.msk $0xffff, v21;
	v12 =	vmul.f32 $8.000000000e+00, v12;
	s30 =	smov.u32 s17  }
0x222: {  	v9 =	vld [tilespmem:s26+$0xFFFFFF50];
	v16 =	vmov s7;
	[tilespmem:v10+s29+$0x0] =	vst.idx.msk $0xffff, v13;
	v10 =	vadd.s32 v2, v5;
	v11 =	vmul.f32 $8.000000000e+00, v11  }
0x223: {  	v13 =	vadd.s32 v0, v4;
	v21 =	vand.u32 $0x7D, v24;
	v24 =	vld [tilespmem:s26+$0xFFFFFF90];
	v14 =	vmul.f32 $8.000000000e+00, v14;
	[tilespmem:v15+s29+$0x0] =	vst.idx.msk $0xffff, v12  }
0x224: {  	v12 =	vadd.s32 v0, v21;
	v26 =	vand.u32 $0x7E, v16;
	v15 =	vmul.f32 $8.000000000e+00, v19;
	v16 =	vld [tilespmem:s20+$0xFFFFFF70];
	[tilespmem:v17+s29+$0x0] =	vst.idx.msk $0xffff, v11  }
0x225: {  	v11 =	vadd.s32 v0, v26;
	v17 =	vld [tilespmem:s20+$0xFFFFFFB0];
	v18 =	vmul.f32 $8.000000000e+00, v18;
	[tilespmem:v20+s29+$0x0] =	vst.idx.msk $0xffff, v14  }
0x226: {  	v19 =	vadd.s32 v2, v6;
	v14 =	vmul.f32 $8.000000000e+00, v23;
	[tilespmem:v25+s29+$0x0] =	vst.idx.msk $0xffff, v15;
	v15 =	vld [tilespmem:s20+$0xFFFFFF30]  }
0x227: {  	v23 =	vadd.s32 v2, v7;
	v9 =	vmul.f32 $8.000000000e+00, v9;
	v20 =	vld [tilespmem:s26+$0xFFFFFFE0];
	[tilespmem:v10+s29+$0x0] =	vst.idx.msk $0xffff, v18  }
0x228: {  	[tilespmem:v13+s29+$0x0] =	vst.idx.msk $0xffff, v14;
	v10 =	vmul.f32 $8.000000000e+00, v24;
	v14 =	vadd.s32 v2, v8;
	v24 =	vld [tilespmem:s20+$0x0]  }
0x229: {  	v27 =	vadd.s32 v1, v22;
	v25 =	vld [tilespmem:s26+$0xFFFFFF20];
	[tilespmem:v12+s29+$0x0] =	vst.idx.msk $0xffff, v9;
	v9 =	vmul.f32 $8.000000000e+00, v16  }
0x22a: {  	v29 =	vadd.s32 v3, v5;
	v5 =	vmov v22;
	v28 =	vld [tilespmem:s26+$0xFFFFFF60];
	[tilespmem:v11+s29+$0x0] =	vst.idx.msk $0xffff, v10;
	v10 =	vmul.f32 $8.000000000e+00, v17  }
.Ltmp8:
0x22b: {  	v18 =	vadd.s32 v1, v4;
	v13 =	vld [tilespmem:s26+$0xFFFFFFA0];
	v11 =	vmul.f32 $8.000000000e+00, v15;
	[tilespmem:v19+s29+$0x0] =	vst.idx.msk $0xffff, v9;
	(pc) =	sbr.rel @p0 .LBB2_19-.Ltmp8, $4  }
0x22c: {  	v16 =	vadd.s32 v1, v21;
	v15 =	vmul.f32 $8.000000000e+00, v20;
	v12 =	vld [tilespmem:s20+$0xFFFFFF80];
	[tilespmem:v23+s29+$0x0] =	vst.idx.msk $0xffff, v10  }
0x22d: {  	v9 =	vmov s17;
	v10 =	vadd.s32 v1, v26;
	[tilespmem:v14+s29+$0x0] =	vst.idx.msk $0xffff, v11;
	v11 =	vld [tilespmem:s20+$0xFFFFFFC0];
	v23 =	vmul.f32 $8.000000000e+00, v24  }
0x22e: {  	s7 =	sadd.s32 $0x3, s17;
	v9 =	vand.u32 $0x7C, v9;
	v20 =	vmul.f32 $8.000000000e+00, v25;
	[tilespmem:v27+s29+$0x0] =	vst.idx.msk $0xffff, v15;
	v14 =	vld [tilespmem:s20+$0xFFFFFF40];
	v15 =	vadd.s32 v3, v6;
	v6 =	vmovc v21;
	s20 =	smov.u32 s26;
	s26 =	sadd.s32 $0x100, s26  }
0x22f: {  	v22 =	vmov s7;
	v17 =	vadd.s32 v3, v7;
	v7 =	vmovc v26;
	s17 =	sadd.s32 $0x4, s17;
	v19 =	vld [tilespmem:s26+$0xFFFFFFD0];
	v21 =	vmul.f32 $8.000000000e+00, v28;
	[tilespmem:v29+s29+$0x0] =	vst.idx.msk $0xffff, v23  }
0x230: {  	s7 =	sadd.s32 $0x1, s30;
	v22 =	vand.u32 $0x7F, v22;
	v28 =	vld [tilespmem:s26+$0xFFFFFF10]  }
0x231: {  	s18 =	sadd.s32 $0x2, s30;
	v24 =	vld [tilespmem:s26+$0xFFFFFF50];
	v23 =	vmov s7;
	v25 =	vadd.s32 v0, v22  }
0x232: {  	v27 =	vld [tilespmem:s26+$0xFFFFFF90];
	v51 =	vadd.s32 v0, v9;
	v26 =	vmov s18;
	v23 =	vand.u32 $0x7D, v23  }
0x233: {  	v26 =	vand.u32 $0x7E, v26;
	v29 =	vadd.s32 v0, v23  }
0x234: {  	[tilespmem:v18+s29+$0x0] =	vst.idx.msk $0xffff, v20;
	v30 =	vadd.s32 v0, v26;
	v19 =	vmul.f32 $8.000000000e+00, v19  }
0x235: {  	[tilespmem:v16+s29+$0x0] =	vst.idx.msk $0xffff, v21;
	v54 =	vmul.f32 $8.000000000e+00, v28  }
0x236: {  	v52 =	vmul.f32 $8.000000000e+00, v24;
	[tilespmem:v25+s29+$0x0] =	vst.idx.msk $0xffff, v19  }
0x237: {  	v53 =	vmul.f32 $8.000000000e+00, v27;
	v55 =	vld [tilespmem:s26+$0xFFFFFFE0];
	[tilespmem:v51+s29+$0x0] =	vst.idx.msk $0xffff, v54  }
0x238: {  	v13 =	vmul.f32 $8.000000000e+00, v13;
	v8 =	vadd.s32 v3, v8;
	[tilespmem:v29+s29+$0x0] =	vst.idx.msk $0xffff, v52;
	v59 =	vld [tilespmem:s26+$0xFFFFFF20]  }
0x239: {  	v12 =	vmul.f32 $8.000000000e+00, v12;
	v57 =	vadd.s32 v1, v22;
	[tilespmem:v30+s29+$0x0] =	vst.idx.msk $0xffff, v53;
	v56 =	vld [tilespmem:s26+$0xFFFFFF60]  }
0x23a: {  	[tilespmem:v10+s29+$0x0] =	vst.idx.msk $0xffff, v13;
	v58 =	vmul.f32 $8.000000000e+00, v11;
	v28 =	vadd.s32 v1, v9;
	v19 =	vld [tilespmem:s26+$0xFFFFFFA0]  }
0x23b: {  	v61 =	vld [tilespmem:s20+$0xFFFFFFF0];
	v60 =	vadd.s32 v1, v23;
	v14 =	vmul.f32 $8.000000000e+00, v14;
	[tilespmem:v15+s29+$0x0] =	vst.idx.msk $0xffff, v12  }
0x23c: {  	v32 =	vld [tilespmem:s20+$0xFFFFFF30];
	v62 =	vadd.s32 v1, v26;
	[tilespmem:v17+s29+$0x0] =	vst.idx.msk $0xffff, v58;
	v16 =	vmul.f32 $8.000000000e+00, v55  }
0x23d: {  	[tilespmem:v8+s29+$0x0] =	vst.idx.msk $0xffff, v14;
	v29 =	vadd.s32 v2, v5;
	v30 =	vld [tilespmem:s20+$0xFFFFFFB0];
	v11 =	vmul.f32 $8.000000000e+00, v59  }
0x23e: {  	v38 =	vadd.s32 v2, v4;
	v63 =	vld [tilespmem:s20+$0xFFFFFF70];
	v31 =	vmul.f32 $8.000000000e+00, v56;
	[tilespmem:v57+s29+$0x0] =	vst.idx.msk $0xffff, v16  }
0x23f: {  	v35 =	vadd.s32 v2, v7;
	v34 =	vmul.f32 $8.000000000e+00, v19;
	v36 =	vld [tilespmem:s26+$0xFFFFFFF0];
	[tilespmem:v28+s29+$0x0] =	vst.idx.msk $0xffff, v11  }
0x240: {  	v33 =	vadd.s32 v2, v6;
	v37 =	vmul.f32 $8.000000000e+00, v61;
	[tilespmem:v60+s29+$0x0] =	vst.idx.msk $0xffff, v31;
	v43 =	vld [tilespmem:s26+$0xFFFFFF30]  }
0x241: {  	v40 =	vadd.s32 v2, v22;
	v14 =	vmul.f32 $8.000000000e+00, v32;
	[tilespmem:v62+s29+$0x0] =	vst.idx.msk $0xffff, v34;
	v39 =	vld [tilespmem:s26+$0xFFFFFF70]  }
0x242: {  	v48 =	vadd.s32 v2, v9;
	[tilespmem:v29+s29+$0x0] =	vst.idx.msk $0xffff, v37;
	v42 =	vmul.f32 $8.000000000e+00, v30;
	v41 =	vld [tilespmem:s26+$0xFFFFFFB0]  }
0x243: {  	v44 =	vadd.s32 v2, v23;
	v15 =	vmul.f32 $8.000000000e+00, v63;
	[tilespmem:v38+s29+$0x0] =	vst.idx.msk $0xffff, v14;
	v45 =	vld [tilespmem:s20+$0x0]  }
0x244: {  	v46 =	vadd.s32 v2, v26;
	v14 =	vld [tilespmem:s20+$0xFFFFFF40];
	[tilespmem:v35+s29+$0x0] =	vst.idx.msk $0xffff, v42;
	v47 =	vmul.f32 $8.000000000e+00, v36  }
0x245: {  	v5 =	vadd.s32 v3, v5;
	[tilespmem:v33+s29+$0x0] =	vst.idx.msk $0xffff, v15;
	v49 =	vld [tilespmem:s20+$0xFFFFFFC0];
	v53 =	vmul.f32 $8.000000000e+00, v43  }
0x246: {  	v4 =	vadd.s32 v3, v4;
	v21 =	vld [tilespmem:s20+$0xFFFFFF80];
	v12 =	vmul.f32 $8.000000000e+00, v39;
	[tilespmem:v40+s29+$0x0] =	vst.idx.msk $0xffff, v47  }
0x247: {  	v52 =	vadd.s32 v3, v7;
	v51 =	vmul.f32 $8.000000000e+00, v41;
	v10 =	vld [tilespmem:s26+$0x0];
	[tilespmem:v48+s29+$0x0] =	vst.idx.msk $0xffff, v53  }
0x248: {  	v50 =	vadd.s32 v3, v6;
	v54 =	vmul.f32 $8.000000000e+00, v45;
	[tilespmem:v44+s29+$0x0] =	vst.idx.msk $0xffff, v12;
	v59 =	vld [tilespmem:s26+$0xFFFFFF40]  }
0x249: {  	v57 =	vadd.s32 v3, v22;
	v14 =	vmul.f32 $8.000000000e+00, v14;
	[tilespmem:v46+s29+$0x0] =	vst.idx.msk $0xffff, v51;
	v55 =	vld [tilespmem:s26+$0xFFFFFF80]  }
0x24a: {  	v62 =	vadd.s32 v3, v9;
	[tilespmem:v5+s29+$0x0] =	vst.idx.msk $0xffff, v54;
	v5 =	vmul.f32 $8.000000000e+00, v49;
	v58 =	vld [tilespmem:s26+$0xFFFFFFC0]  }
0x24b: {  	v56 =	vmul.f32 $8.000000000e+00, v21;
	v60 =	vadd.s32 v3, v23;
	[tilespmem:v4+s29+$0x0] =	vst.idx.msk $0xffff, v14  }
0x24c: {  	v61 =	vadd.s32 v3, v26;
	[tilespmem:v52+s29+$0x0] =	vst.idx.msk $0xffff, v5;
	v5 =	vmul.f32 $8.000000000e+00, v10  }
0x24d: {  	[tilespmem:v50+s29+$0x0] =	vst.idx.msk $0xffff, v56;
	v63 =	vmul.f32 $8.000000000e+00, v59  }
0x24e: {  	v4 =	vmul.f32 $8.000000000e+00, v55;
	[tilespmem:v57+s29+$0x0] =	vst.idx.msk $0xffff, v5  }
0x24f: {  	s20 =	sshll.u32 s9, $0xA;
	v5 =	vmul.f32 $8.000000000e+00, v58;
	[tilespmem:v62+s29+$0x0] =	vst.idx.msk $0xffff, v63  }
0x250: {  	s23 =	sadd.s32 s4, s23;
	s17 =	sand.u32 $0x3FFFFC00, s20;
	[tilespmem:v60+s29+$0x0] =	vst.idx.msk $0xffff, v4  }
0x251: {  	s18 =	simm.s32 $0x14400;
	s7 =	sor.u32 $0x380, s17;
	s26 =	sshll.u32 s23, $0x7;
	[tilespmem:v61+s29+$0x0] =	vst.idx.msk $0xffff, v5  }
0x252: {  	[tilespmem:s18], [sflag:$0x8] =	stream.indirect.gather [hbm4b:s5+s11], $0x40, s7, s11, $0xb8;
	[tilespmem:$0x1EC00] =	vst v63  }
0x253: {  	s7 =	sshll.u32 s23, $0xA;
	s18 =	sand.u32 $0xD80, s26;
	_ =	swait.ge [sflag:s31], $0x2000  }
0x254: {  	s7 =	sand.u32 $0xFFF8000, s7;
	s18 =	sadd.s32 s2, s18;
	[sflag:s31] =	ssyncset.done $0x0  }
0x255: {  	s20 =	simm.s32 $0x1CA00;
	s18 =	sadd.s32 s7, s18;
	[sflag:s31] =	ssyncadd.s32 $0xFFFFE000  }
0x256: {  	[hbm4b:s18+s3] =	stream.linear.scatter [tilespmem:s20], [sflag:$0xC], $0x80, $0x38;
	[tilespmem:$0x1EC00] =	vst v63  }
0x257: {  	s23 =	simm.s32 $0x1CA88;
	s26 =	sadd.s32 $0x10, s18  }
0x258: {  	[hbm4b:s26+s3] =	stream.linear.scatter [tilespmem:s23], [sflag:$0xC], $0x80, $0x38;
	[tilespmem:$0x1EC00] =	vst v63  }
0x259: {  	s23 =	simm.s32 $0x1CB10;
	s26 =	sadd.s32 $0x20, s18  }
0x25a: {  	[hbm4b:s26+s3] =	stream.linear.scatter [tilespmem:s23], [sflag:$0xC], $0x80, $0x38;
	[tilespmem:$0x1EC00] =	vst v63  }
0x25b: {  	s23 =	simm.s32 $0x1CB98;
	s26 =	sadd.s32 $0x30, s18  }
0x25c: {  	[hbm4b:s26+s3] =	stream.linear.scatter [tilespmem:s23], [sflag:$0xC], $0x80, $0x38;
	[tilespmem:$0x1EC00] =	vst v63  }
0x25d: {  	s23 =	simm.s32 $0x1CC20;
	s26 =	sadd.s32 $0x40, s18  }
0x25e: {  	[hbm4b:s26+s3] =	stream.linear.scatter [tilespmem:s23], [sflag:$0xC], $0x80, $0x38;
	[tilespmem:$0x1EC00] =	vst v63  }
0x25f: {  	s30 =	simm.s32 $0x1CDB8;
	s23 =	simm.s32 $0x1CCA8;
	s26 =	sadd.s32 $0x50, s18  }
0x260: {  	[hbm4b:s26+s3] =	stream.linear.scatter [tilespmem:s23], [sflag:$0xC], $0x80, $0x38;
	[tilespmem:$0x1EC00] =	vst v63  }
0x261: {  	s7 =	sadd.s32 $0x70, s18;
	s23 =	simm.s32 $0x1CD30;
	s26 =	sadd.s32 $0x60, s18  }
0x262: {  	[hbm4b:s26+s3] =	stream.linear.scatter [tilespmem:s23], [sflag:$0xC], $0x80, $0x38;
	[tilespmem:$0x1EC00] =	vst v63  }
0x263: {  	s20 =	simm.s32 $0x440;
	s26 =	simm.s32 $0x2200;
	s23 =	sadd.s32 $0x1000, s18  }
.LBB2_21:
0x264: {  	[hbm4b:s7+s3] =	stream.linear.scatter [tilespmem:s30], [sflag:$0xC], $0x80, $0x38;
	[tilespmem:$0x1EC00] =	vst v63  }
0x265: {  	s7 =	smov.u32 s20;
	s18 =	smov.u32 s26  }
0x266: {  	s20 =	sshra.s32 s18, $0x2;
	s18 =	sadd.s32 $0x1100, s26;
	s30 =	sadd.s32 $0x1CA00, s7  }
0x267: {  	[hbm4b:s23+s3] =	stream.linear.scatter [tilespmem:s30], [sflag:$0xC], $0x80, $0x38;
	[tilespmem:$0x1EC00] =	vst v63  }
0x268: {  	p0 =	sne.s32 s26, $0x7700;
	s26 =	sadd.s32 $0x1CA88, s7;
	s30 =	sadd.s32 $0x10, s23  }
0x269: {  	[hbm4b:s30+s3] =	stream.linear.scatter [tilespmem:s26], [sflag:$0xC], $0x80, $0x38;
	[tilespmem:$0x1EC00] =	vst v63  }
0x26a: {  	s26 =	sadd.s32 $0x1CB10, s7;
	s30 =	sadd.s32 $0x20, s23  }
0x26b: {  	[hbm4b:s30+s3] =	stream.linear.scatter [tilespmem:s26], [sflag:$0xC], $0x80, $0x38;
	[tilespmem:$0x1EC00] =	vst v63  }
0x26c: {  	s26 =	sadd.s32 $0x1CB98, s7;
	s30 =	sadd.s32 $0x30, s23  }
0x26d: {  	[hbm4b:s30+s3] =	stream.linear.scatter [tilespmem:s26], [sflag:$0xC], $0x80, $0x38;
	[tilespmem:$0x1EC00] =	vst v63  }
0x26e: {  	s26 =	sadd.s32 $0x1CC20, s7;
	s30 =	sadd.s32 $0x40, s23  }
0x26f: {  	[hbm4b:s30+s3] =	stream.linear.scatter [tilespmem:s26], [sflag:$0xC], $0x80, $0x38;
	[tilespmem:$0x1EC00] =	vst v63  }
0x270: {  	s26 =	sadd.s32 $0x1CCA8, s7;
	s30 =	sadd.s32 $0x50, s23  }
0x271: {  	[hbm4b:s30+s3] =	stream.linear.scatter [tilespmem:s26], [sflag:$0xC], $0x80, $0x38;
	[tilespmem:$0x1EC00] =	vst v63  }
.Ltmp9:
0x272: {  	_ = 	snop;
	(pc) =	sbr.rel @p0 .LBB2_21-.Ltmp9, $4  }
0x273: {  	s26 =	sadd.s32 $0x1CD30, s7;
	s30 =	sadd.s32 $0x60, s23  }
0x274: {  	[hbm4b:s30+s3] =	stream.linear.scatter [tilespmem:s26], [sflag:$0xC], $0x80, $0x38;
	[tilespmem:$0x1EC00] =	vst v63  }
0x275: {  	s30 =	sadd.s32 $0x1CDB8, s7  }
0x276: {  	s7 =	sadd.s32 $0x70, s23;
	s23 =	sadd.s32 $0x1000, s23;
	s26 =	smov.u32 s18  }
0x277: {  	[hbm4b:s7+s3] =	stream.linear.scatter [tilespmem:s30], [sflag:$0xC], $0x80, $0x38;
	[tilespmem:$0x1EC00] =	vst v63  }
0x278: {  	s18 =	sadd.s32 $0x1CA00, s20  }
0x279: {  	[hbm4b:s23+s3] =	stream.linear.scatter [tilespmem:s18], [sflag:$0xC], $0x80, $0x38;
	[tilespmem:$0x1EC00] =	vst v63  }
0x27a: {  	s26 =	sadd.s32 $0x1CA88, s20;
	s18 =	sadd.s32 $0x10, s23  }
0x27b: {  	[hbm4b:s18+s3] =	stream.linear.scatter [tilespmem:s26], [sflag:$0xC], $0x80, $0x38;
	[tilespmem:$0x1EC00] =	vst v63  }
0x27c: {  	s18 =	sadd.s32 $0x1CB10, s20;
	s26 =	sadd.s32 $0x20, s23  }
0x27d: {  	[hbm4b:s26+s3] =	stream.linear.scatter [tilespmem:s18], [sflag:$0xC], $0x80, $0x38;
	[tilespmem:$0x1EC00] =	vst v63  }
0x27e: {  	s18 =	sadd.s32 $0x1CB98, s20;
	s26 =	sadd.s32 $0x30, s23  }
0x27f: {  	[hbm4b:s26+s3] =	stream.linear.scatter [tilespmem:s18], [sflag:$0xC], $0x80, $0x38;
	[tilespmem:$0x1EC00] =	vst v63  }
0x280: {  	s18 =	sadd.s32 $0x1CC20, s20;
	s26 =	sadd.s32 $0x40, s23  }
0x281: {  	[hbm4b:s26+s3] =	stream.linear.scatter [tilespmem:s18], [sflag:$0xC], $0x80, $0x38;
	[tilespmem:$0x1EC00] =	vst v63  }
0x282: {  	s18 =	sadd.s32 $0x1CCA8, s20;
	s26 =	sadd.s32 $0x50, s23  }
0x283: {  	[hbm4b:s26+s3] =	stream.linear.scatter [tilespmem:s18], [sflag:$0xC], $0x80, $0x38;
	[tilespmem:$0x1EC00] =	vst v63  }
0x284: {  	s18 =	sadd.s32 $0x1CD30, s20;
	s26 =	sadd.s32 $0x60, s23  }
0x285: {  	[hbm4b:s26+s3] =	stream.linear.scatter [tilespmem:s18], [sflag:$0xC], $0x80, $0x38;
	[tilespmem:$0x1EC00] =	vst v63  }
0x286: {  	s18 =	sadd.s32 $0x1CDB8, s20;
	s20 =	sadd.s32 $0x70, s23  }
0x287: {  	[hbm4b:s20+s3] =	stream.linear.scatter [tilespmem:s18], [sflag:$0xC], $0x80, $0x38;
	[tilespmem:$0x1EC00] =	vst v63  }
0x288: {  	_ =	swait.ge [sflag:s1], $0x2000  }
0x289: {  	[sflag:s1] =	ssyncset.done $0x0  }
0x28a: {  	s30 =	simm.s32 $0xE4F0;
	s23 =	simm.s32 $0x3;
	[sflag:s1] =	ssyncadd.s32 $0xFFFFE000  }
0x28b: {  	v4 =	vmov s23;
	v5 =	vld [tilespmem:s30+$0xFFFFFFD0]  }
0x28c: {  	v9 =	vand.u32 $0x7F, v4  }
0x28d: {  	s26 =	simm.s32 $0x0;
	v4 =	vadd.s32 v0, v9  }
0x28e: {  	v6 =	vmov s26;
	s18 =	simm.s32 $0x1;
	s20 =	simm.s32 $0x2;
	v7 =	vld [tilespmem:s30+$0xFFFFFF10]  }
0x28f: {  	v8 =	vand.u32 $0x7C, v6;
	v6 =	vmov s18;
	v11 =	vmov s20;
	v10 =	vld [tilespmem:s30+$0xFFFFFF50]  }
0x290: {  	v12 =	vadd.s32 v0, v8;
	v15 =	vand.u32 $0x7D, v6;
	v6 =	vld [tilespmem:s30+$0xFFFFFF90];
	v5 =	vmul.f32 $8.000000000e+00, v5  }
0x291: {  	v17 =	vand.u32 $0x7E, v11;
	v13 =	vadd.s32 v0, v15  }
0x292: {  	v11 =	vadd.s32 v0, v17;
	[tilespmem:v4+s19+$0x0] =	vst.idx.msk $0xffff, v5  }
0x293: {  	v4 =	vmul.f32 $8.000000000e+00, v7;
	v5 =	vld [tilespmem:s30+$0xFFFFFFE0]  }
0x294: {  	v7 =	vmul.f32 $8.000000000e+00, v10  }
0x295: {  	[tilespmem:v12+s19+$0x0] =	vst.idx.msk $0xffff, v4;
	v4 =	vmul.f32 $8.000000000e+00, v6;
	v6 =	vadd.s32 v1, v9  }
0x296: {  	[tilespmem:v13+s19+$0x0] =	vst.idx.msk $0xffff, v7;
	v10 =	vld [tilespmem:s30+$0xFFFFFF20]  }
0x297: {  	v7 =	vld [tilespmem:s30+$0xFFFFFF60];
	[tilespmem:v11+s19+$0x0] =	vst.idx.msk $0xffff, v4  }
0x298: {  	v11 =	vld [tilespmem:s30+$0xFFFFFFA0];
	v4 =	vmul.f32 $8.000000000e+00, v5  }
0x299: {  	s23 =	simm.s32 $0x4;
	s26 =	simm.s32 $0x7;
	s20 =	simm.s32 $0xE5F0;
	v12 =	vadd.s32 v1, v15  }
0x29a: {  	v14 =	vld [tilespmem:s20+$0xFFFFFFD0];
	v13 =	vadd.s32 v1, v17;
	v5 =	vmov s23;
	[tilespmem:v6+s19+$0x0] =	vst.idx.msk $0xffff, v4;
	v6 =	vmov s26  }
0x29b: {  	v16 =	vadd.s32 v1, v8;
	v4 =	vand.u32 $0x7C, v5;
	v5 =	vand.u32 $0x7F, v6;
	v18 =	vld [tilespmem:s30+$0xFFFFFFF0]  }
0x29c: {  	v22 =	vadd.s32 v2, v9;
	v19 =	vld [tilespmem:s20+$0xFFFFFF10];
	s23 =	simm.s32 $0x5;
	v6 =	vmul.f32 $8.000000000e+00, v7;
	v20 =	vadd.s32 v0, v5  }
0x29d: {  	v21 =	vld [tilespmem:s20+$0xFFFFFF50];
	v10 =	vmul.f32 $8.000000000e+00, v10;
	s26 =	simm.s32 $0x6;
	v7 =	vmul.f32 $8.000000000e+00, v11;
	v11 =	vmov s23  }
0x29e: {  	v23 =	vadd.s32 v0, v4;
	[tilespmem:v12+s19+$0x0] =	vst.idx.msk $0xffff, v6;
	v12 =	vmov s26;
	v6 =	vand.u32 $0x7D, v11;
	v11 =	vld [tilespmem:s20+$0xFFFFFF90]  }
0x29f: {  	[tilespmem:v13+s19+$0x0] =	vst.idx.msk $0xffff, v7;
	v13 =	vadd.s32 v0, v6;
	v7 =	vand.u32 $0x7E, v12;
	v12 =	vmul.f32 $8.000000000e+00, v14;
	v14 =	vld [tilespmem:s30+$0xFFFFFF70]  }
0x2a0: {  	[tilespmem:v16+s19+$0x0] =	vst.idx.msk $0xffff, v10;
	v10 =	vadd.s32 v0, v7;
	v16 =	vld [tilespmem:s30+$0xFFFFFFB0];
	v18 =	vmul.f32 $8.000000000e+00, v18  }
0x2a1: {  	v19 =	vmul.f32 $8.000000000e+00, v19;
	[tilespmem:v20+s19+$0x0] =	vst.idx.msk $0xffff, v12;
	v12 =	vld [tilespmem:s30+$0xFFFFFF30];
	v20 =	vadd.s32 v2, v15  }
0x2a2: {  	v25 =	vadd.s32 v2, v17;
	v21 =	vmul.f32 $8.000000000e+00, v21;
	v24 =	vld [tilespmem:s20+$0xFFFFFFE0];
	[tilespmem:v22+s19+$0x0] =	vst.idx.msk $0xffff, v18  }
0x2a3: {  	[tilespmem:v23+s19+$0x0] =	vst.idx.msk $0xffff, v19;
	v19 =	vadd.s32 v2, v8;
	v11 =	vmul.f32 $8.000000000e+00, v11;
	v22 =	vld [tilespmem:s30+$0x0]  }
0x2a4: {  	v23 =	vld [tilespmem:s20+$0xFFFFFF20];
	[tilespmem:v13+s19+$0x0] =	vst.idx.msk $0xffff, v21;
	v21 =	vadd.s32 v1, v5;
	v14 =	vmul.f32 $8.000000000e+00, v14  }
0x2a5: {  	v27 =	vadd.s32 v3, v9;
	v26 =	vld [tilespmem:s20+$0xFFFFFF60];
	[tilespmem:v10+s19+$0x0] =	vst.idx.msk $0xffff, v11;
	v10 =	vmul.f32 $8.000000000e+00, v16  }
0x2a6: {  	v18 =	vadd.s32 v1, v4;
	v13 =	vld [tilespmem:s20+$0xFFFFFFA0];
	v9 =	vmul.f32 $8.000000000e+00, v12;
	[tilespmem:v20+s19+$0x0] =	vst.idx.msk $0xffff, v14  }
0x2a7: {  	s26 =	simm.s32 $0x8;
	v16 =	vadd.s32 v1, v6;
	[tilespmem:v25+s19+$0x0] =	vst.idx.msk $0xffff, v10;
	v14 =	vmul.f32 $8.000000000e+00, v24;
	v12 =	vld [tilespmem:s30+$0xFFFFFF80]  }
0x2a8: {  	v20 =	vmov s26;
	v10 =	vadd.s32 v1, v7;
	v11 =	vld [tilespmem:s30+$0xFFFFFFC0];
	[tilespmem:v19+s19+$0x0] =	vst.idx.msk $0xffff, v9;
	v63 =	vmul.f32 $8.000000000e+00, v22  }
0x2a9: {  	s18 =	simm.s32 $0xB;
	s23 =	simm.s32 $0xE6F0;
	v15 =	vadd.s32 v3, v15;
	v9 =	vand.u32 $0x7C, v20;
	v20 =	vmul.f32 $8.000000000e+00, v23;
	[tilespmem:v21+s19+$0x0] =	vst.idx.msk $0xffff, v14;
	v14 =	vld [tilespmem:s30+$0xFFFFFF40]  }
0x2aa: {  	v17 =	vadd.s32 v3, v17;
	v22 =	vmov s18;
	v19 =	vld [tilespmem:s23+$0xFFFFFFD0];
	s30 =	simm.s32 $0xC;
	v21 =	vmul.f32 $8.000000000e+00, v26;
	[tilespmem:v27+s19+$0x0] =	vst.idx.msk $0xffff, v63  }
.LBB2_23:
0x2ab: {  	p0 =	slt.u32 s30, $0x7C;
	s7 =	sadd.s32 $0x1, s26;
	v22 =	vand.u32 $0x7F, v22;
	[tilespmem:v18+s19+$0x0] =	vst.idx.msk $0xffff, v20;
	v13 =	vmul.f32 $8.000000000e+00, v13;
	v18 =	vld [tilespmem:s20+$0xFFFFFFF0];
	v20 =	vadd.s32 v3, v8;
	v8 =	vmovc v4  }
0x2ac: {  	v4 =	vmovc v9;
	v23 =	vld [tilespmem:s23+$0xFFFFFF10];
	v24 =	vmov s7;
	s7 =	sadd.s32 $0x2, s26;
	v25 =	vadd.s32 v0, v22;
	[tilespmem:v16+s19+$0x0] =	vst.idx.msk $0xffff, v21;
	v12 =	vmul.f32 $8.000000000e+00, v12;
	s26 =	smov.u32 s30  }
0x2ad: {  	v9 =	vld [tilespmem:s23+$0xFFFFFF50];
	v16 =	vmov s7;
	[tilespmem:v10+s19+$0x0] =	vst.idx.msk $0xffff, v13;
	v10 =	vadd.s32 v2, v5;
	v11 =	vmul.f32 $8.000000000e+00, v11  }
0x2ae: {  	v13 =	vadd.s32 v0, v4;
	v21 =	vand.u32 $0x7D, v24;
	v24 =	vld [tilespmem:s23+$0xFFFFFF90];
	v14 =	vmul.f32 $8.000000000e+00, v14;
	[tilespmem:v15+s19+$0x0] =	vst.idx.msk $0xffff, v12  }
0x2af: {  	v12 =	vadd.s32 v0, v21;
	v26 =	vand.u32 $0x7E, v16;
	v15 =	vmul.f32 $8.000000000e+00, v19;
	v16 =	vld [tilespmem:s20+$0xFFFFFF70];
	[tilespmem:v17+s19+$0x0] =	vst.idx.msk $0xffff, v11  }
0x2b0: {  	v11 =	vadd.s32 v0, v26;
	v17 =	vld [tilespmem:s20+$0xFFFFFFB0];
	v18 =	vmul.f32 $8.000000000e+00, v18;
	[tilespmem:v20+s19+$0x0] =	vst.idx.msk $0xffff, v14  }
0x2b1: {  	v19 =	vadd.s32 v2, v6;
	v14 =	vmul.f32 $8.000000000e+00, v23;
	[tilespmem:v25+s19+$0x0] =	vst.idx.msk $0xffff, v15;
	v15 =	vld [tilespmem:s20+$0xFFFFFF30]  }
0x2b2: {  	v23 =	vadd.s32 v2, v7;
	v9 =	vmul.f32 $8.000000000e+00, v9;
	v20 =	vld [tilespmem:s23+$0xFFFFFFE0];
	[tilespmem:v10+s19+$0x0] =	vst.idx.msk $0xffff, v18  }
0x2b3: {  	[tilespmem:v13+s19+$0x0] =	vst.idx.msk $0xffff, v14;
	v10 =	vmul.f32 $8.000000000e+00, v24;
	v14 =	vadd.s32 v2, v8;
	v24 =	vld [tilespmem:s20+$0x0]  }
0x2b4: {  	v27 =	vadd.s32 v1, v22;
	v25 =	vld [tilespmem:s23+$0xFFFFFF20];
	[tilespmem:v12+s19+$0x0] =	vst.idx.msk $0xffff, v9;
	v9 =	vmul.f32 $8.000000000e+00, v16  }
0x2b5: {  	v29 =	vadd.s32 v3, v5;
	v5 =	vmov v22;
	v28 =	vld [tilespmem:s23+$0xFFFFFF60];
	[tilespmem:v11+s19+$0x0] =	vst.idx.msk $0xffff, v10;
	v10 =	vmul.f32 $8.000000000e+00, v17  }
.Ltmp10:
0x2b6: {  	v18 =	vadd.s32 v1, v4;
	v13 =	vld [tilespmem:s23+$0xFFFFFFA0];
	v11 =	vmul.f32 $8.000000000e+00, v15;
	[tilespmem:v19+s19+$0x0] =	vst.idx.msk $0xffff, v9;
	(pc) =	sbr.rel @p0 .LBB2_23-.Ltmp10, $4  }
0x2b7: {  	v16 =	vadd.s32 v1, v21;
	v15 =	vmul.f32 $8.000000000e+00, v20;
	v12 =	vld [tilespmem:s20+$0xFFFFFF80];
	[tilespmem:v23+s19+$0x0] =	vst.idx.msk $0xffff, v10  }
0x2b8: {  	v9 =	vmov s30;
	v10 =	vadd.s32 v1, v26;
	[tilespmem:v14+s19+$0x0] =	vst.idx.msk $0xffff, v11;
	v11 =	vld [tilespmem:s20+$0xFFFFFFC0];
	v23 =	vmul.f32 $8.000000000e+00, v24  }
0x2b9: {  	s7 =	sadd.s32 $0x3, s30;
	v9 =	vand.u32 $0x7C, v9;
	v20 =	vmul.f32 $8.000000000e+00, v25;
	[tilespmem:v27+s19+$0x0] =	vst.idx.msk $0xffff, v15;
	v14 =	vld [tilespmem:s20+$0xFFFFFF40];
	v15 =	vadd.s32 v3, v6;
	v6 =	vmovc v21;
	s20 =	smov.u32 s23;
	s23 =	sadd.s32 $0x100, s23  }
0x2ba: {  	v22 =	vmov s7;
	v17 =	vadd.s32 v3, v7;
	v7 =	vmovc v26;
	s30 =	sadd.s32 $0x4, s30;
	v19 =	vld [tilespmem:s23+$0xFFFFFFD0];
	v21 =	vmul.f32 $8.000000000e+00, v28;
	[tilespmem:v29+s19+$0x0] =	vst.idx.msk $0xffff, v23  }
0x2bb: {  	s7 =	sadd.s32 $0x1, s26;
	v22 =	vand.u32 $0x7F, v22;
	v28 =	vld [tilespmem:s23+$0xFFFFFF10]  }
0x2bc: {  	s30 =	sadd.s32 $0x2, s26;
	v24 =	vld [tilespmem:s23+$0xFFFFFF50];
	v23 =	vmov s7;
	v25 =	vadd.s32 v0, v22  }
0x2bd: {  	v27 =	vld [tilespmem:s23+$0xFFFFFF90];
	v51 =	vadd.s32 v0, v9;
	v26 =	vmov s30;
	v23 =	vand.u32 $0x7D, v23  }
0x2be: {  	v26 =	vand.u32 $0x7E, v26;
	v29 =	vadd.s32 v0, v23  }
0x2bf: {  	[tilespmem:v18+s19+$0x0] =	vst.idx.msk $0xffff, v20;
	v30 =	vadd.s32 v0, v26;
	v19 =	vmul.f32 $8.000000000e+00, v19  }
0x2c0: {  	[tilespmem:v16+s19+$0x0] =	vst.idx.msk $0xffff, v21;
	v54 =	vmul.f32 $8.000000000e+00, v28  }
0x2c1: {  	v52 =	vmul.f32 $8.000000000e+00, v24;
	[tilespmem:v25+s19+$0x0] =	vst.idx.msk $0xffff, v19  }
0x2c2: {  	v53 =	vmul.f32 $8.000000000e+00, v27;
	v55 =	vld [tilespmem:s23+$0xFFFFFFE0];
	[tilespmem:v51+s19+$0x0] =	vst.idx.msk $0xffff, v54  }
0x2c3: {  	v13 =	vmul.f32 $8.000000000e+00, v13;
	v8 =	vadd.s32 v3, v8;
	[tilespmem:v29+s19+$0x0] =	vst.idx.msk $0xffff, v52;
	v59 =	vld [tilespmem:s23+$0xFFFFFF20]  }
0x2c4: {  	v12 =	vmul.f32 $8.000000000e+00, v12;
	v57 =	vadd.s32 v1, v22;
	[tilespmem:v30+s19+$0x0] =	vst.idx.msk $0xffff, v53;
	v56 =	vld [tilespmem:s23+$0xFFFFFF60]  }
0x2c5: {  	[tilespmem:v10+s19+$0x0] =	vst.idx.msk $0xffff, v13;
	v58 =	vmul.f32 $8.000000000e+00, v11;
	v28 =	vadd.s32 v1, v9;
	v19 =	vld [tilespmem:s23+$0xFFFFFFA0]  }
0x2c6: {  	v61 =	vld [tilespmem:s20+$0xFFFFFFF0];
	v60 =	vadd.s32 v1, v23;
	v14 =	vmul.f32 $8.000000000e+00, v14;
	[tilespmem:v15+s19+$0x0] =	vst.idx.msk $0xffff, v12  }
0x2c7: {  	v32 =	vld [tilespmem:s20+$0xFFFFFF30];
	v62 =	vadd.s32 v1, v26;
	[tilespmem:v17+s19+$0x0] =	vst.idx.msk $0xffff, v58;
	v16 =	vmul.f32 $8.000000000e+00, v55  }
0x2c8: {  	[tilespmem:v8+s19+$0x0] =	vst.idx.msk $0xffff, v14;
	v29 =	vadd.s32 v2, v5;
	v30 =	vld [tilespmem:s20+$0xFFFFFFB0];
	v11 =	vmul.f32 $8.000000000e+00, v59  }
0x2c9: {  	v38 =	vadd.s32 v2, v4;
	v63 =	vld [tilespmem:s20+$0xFFFFFF70];
	v31 =	vmul.f32 $8.000000000e+00, v56;
	[tilespmem:v57+s19+$0x0] =	vst.idx.msk $0xffff, v16  }
0x2ca: {  	v35 =	vadd.s32 v2, v7;
	v34 =	vmul.f32 $8.000000000e+00, v19;
	v36 =	vld [tilespmem:s23+$0xFFFFFFF0];
	[tilespmem:v28+s19+$0x0] =	vst.idx.msk $0xffff, v11  }
0x2cb: {  	v33 =	vadd.s32 v2, v6;
	v37 =	vmul.f32 $8.000000000e+00, v61;
	[tilespmem:v60+s19+$0x0] =	vst.idx.msk $0xffff, v31;
	v43 =	vld [tilespmem:s23+$0xFFFFFF30]  }
0x2cc: {  	v40 =	vadd.s32 v2, v22;
	v14 =	vmul.f32 $8.000000000e+00, v32;
	[tilespmem:v62+s19+$0x0] =	vst.idx.msk $0xffff, v34;
	v39 =	vld [tilespmem:s23+$0xFFFFFF70]  }
0x2cd: {  	v48 =	vadd.s32 v2, v9;
	[tilespmem:v29+s19+$0x0] =	vst.idx.msk $0xffff, v37;
	v42 =	vmul.f32 $8.000000000e+00, v30;
	v41 =	vld [tilespmem:s23+$0xFFFFFFB0]  }
0x2ce: {  	v44 =	vadd.s32 v2, v23;
	v15 =	vmul.f32 $8.000000000e+00, v63;
	[tilespmem:v38+s19+$0x0] =	vst.idx.msk $0xffff, v14;
	v45 =	vld [tilespmem:s20+$0x0]  }
0x2cf: {  	v46 =	vadd.s32 v2, v26;
	v14 =	vld [tilespmem:s20+$0xFFFFFF40];
	[tilespmem:v35+s19+$0x0] =	vst.idx.msk $0xffff, v42;
	v47 =	vmul.f32 $8.000000000e+00, v36  }
0x2d0: {  	v5 =	vadd.s32 v3, v5;
	[tilespmem:v33+s19+$0x0] =	vst.idx.msk $0xffff, v15;
	v49 =	vld [tilespmem:s20+$0xFFFFFFC0];
	v53 =	vmul.f32 $8.000000000e+00, v43  }
0x2d1: {  	v4 =	vadd.s32 v3, v4;
	v21 =	vld [tilespmem:s20+$0xFFFFFF80];
	v12 =	vmul.f32 $8.000000000e+00, v39;
	[tilespmem:v40+s19+$0x0] =	vst.idx.msk $0xffff, v47  }
0x2d2: {  	v52 =	vadd.s32 v3, v7;
	v51 =	vmul.f32 $8.000000000e+00, v41;
	v10 =	vld [tilespmem:s23+$0x0];
	[tilespmem:v48+s19+$0x0] =	vst.idx.msk $0xffff, v53  }
0x2d3: {  	v50 =	vadd.s32 v3, v6;
	v54 =	vmul.f32 $8.000000000e+00, v45;
	[tilespmem:v44+s19+$0x0] =	vst.idx.msk $0xffff, v12;
	v59 =	vld [tilespmem:s23+$0xFFFFFF40]  }
0x2d4: {  	v57 =	vadd.s32 v3, v22;
	v14 =	vmul.f32 $8.000000000e+00, v14;
	[tilespmem:v46+s19+$0x0] =	vst.idx.msk $0xffff, v51;
	v55 =	vld [tilespmem:s23+$0xFFFFFF80]  }
0x2d5: {  	v62 =	vadd.s32 v3, v9;
	[tilespmem:v5+s19+$0x0] =	vst.idx.msk $0xffff, v54;
	v5 =	vmul.f32 $8.000000000e+00, v49;
	v58 =	vld [tilespmem:s23+$0xFFFFFFC0]  }
0x2d6: {  	v56 =	vmul.f32 $8.000000000e+00, v21;
	v60 =	vadd.s32 v3, v23;
	[tilespmem:v4+s19+$0x0] =	vst.idx.msk $0xffff, v14  }
0x2d7: {  	v61 =	vadd.s32 v3, v26;
	[tilespmem:v52+s19+$0x0] =	vst.idx.msk $0xffff, v5;
	v5 =	vmul.f32 $8.000000000e+00, v10  }
0x2d8: {  	[tilespmem:v50+s19+$0x0] =	vst.idx.msk $0xffff, v56;
	v63 =	vmul.f32 $8.000000000e+00, v59  }
0x2d9: {  	v4 =	vmul.f32 $8.000000000e+00, v55;
	[tilespmem:v57+s19+$0x0] =	vst.idx.msk $0xffff, v5  }
0x2da: {  	v5 =	vmul.f32 $8.000000000e+00, v58;
	[tilespmem:v62+s19+$0x0] =	vst.idx.msk $0xffff, v63  }
0x2db: {  	p0 =	seq.s32 s9, $0x18;
	[tilespmem:v60+s19+$0x0] =	vst.idx.msk $0xffff, v4  }
0x2dc: {  	s7 =	sadd.s32 @!p0 $0x400, s17;
	s18 =	simm.s32 @!p0 $0x80;
	s20 =	simm.s32 @!p0 $0x6400;
	[tilespmem:v61+s19+$0x0] =	vst.idx.msk $0xffff, v5  }
0x2dd: {  	[tilespmem:s20], [sflag:$0x1] =	stream.indirect.gather @!p0 [hbm4b:s5+s18], $0x40, s7, s18, $0xb8;
	[tilespmem:$0x1EC00] =	vst v63  }
0x2de: {  	s18 =	sadd.s32 s4, s10  }
0x2df: {  	s10 =	sshll.u32 s18, $0x7  }
0x2e0: {  	_ =	swait.ge [sflag:s0], $0x2000;
	s7 =	sshll.u32 s18, $0xA;
	s10 =	sand.u32 $0xE00, s10  }
0x2e1: {  	[sflag:s0] =	ssyncset.done $0x0;
	s7 =	sand.u32 $0xFFF8000, s7;
	s10 =	sadd.s32 s2, s10  }
0x2e2: {  	s20 =	simm.s32 $0x16400;
	[sflag:s0] =	ssyncadd.s32 $0xFFFFE000;
	s18 =	sadd.s32 s7, s10  }
0x2e3: {  	[hbm4b:s18+s3] =	stream.linear.scatter [tilespmem:s20], [sflag:$0x9], $0x80, $0x38;
	[tilespmem:$0x1EC00] =	vst v63  }
0x2e4: {  	s23 =	simm.s32 $0x16488;
	s10 =	sadd.s32 $0x10, s18  }
0x2e5: {  	[hbm4b:s10+s3] =	stream.linear.scatter [tilespmem:s23], [sflag:$0x9], $0x80, $0x38;
	[tilespmem:$0x1EC00] =	vst v63  }
0x2e6: {  	s26 =	simm.s32 $0x16510;
	s30 =	sadd.s32 $0x20, s18  }
0x2e7: {  	[hbm4b:s30+s3] =	stream.linear.scatter [tilespmem:s26], [sflag:$0x9], $0x80, $0x38;
	[tilespmem:$0x1EC00] =	vst v63  }
0x2e8: {  	s20 =	simm.s32 $0x16598;
	s23 =	sadd.s32 $0x30, s18  }
0x2e9: {  	[hbm4b:s23+s3] =	stream.linear.scatter [tilespmem:s20], [sflag:$0x9], $0x80, $0x38;
	[tilespmem:$0x1EC00] =	vst v63  }
0x2ea: {  	s26 =	simm.s32 $0x16620;
	s30 =	sadd.s32 $0x40, s18  }
0x2eb: {  	[hbm4b:s30+s3] =	stream.linear.scatter [tilespmem:s26], [sflag:$0x9], $0x80, $0x38;
	[tilespmem:$0x1EC00] =	vst v63  }
0x2ec: {  	s7 =	sadd.s32 $0x70, s18;
	s20 =	simm.s32 $0x166A8;
	s23 =	sadd.s32 $0x50, s18  }
0x2ed: {  	[hbm4b:s23+s3] =	stream.linear.scatter [tilespmem:s20], [sflag:$0x9], $0x80, $0x38;
	[tilespmem:$0x1EC00] =	vst v63  }
0x2ee: {  	s10 =	simm.s32 $0x440;
	s26 =	simm.s32 $0x16730;
	s30 =	sadd.s32 $0x60, s18  }
0x2ef: {  	[hbm4b:s30+s3] =	stream.linear.scatter [tilespmem:s26], [sflag:$0x9], $0x80, $0x38;
	[tilespmem:$0x1EC00] =	vst v63  }
0x2f0: {  	s23 =	simm.s32 $0x2200;
	s20 =	sadd.s32 $0x1000, s18;
	s26 =	simm.s32 $0x167B8  }
.LBB2_25:
0x2f1: {  	[hbm4b:s7+s3] =	stream.linear.scatter [tilespmem:s26], [sflag:$0x9], $0x80, $0x38;
	[tilespmem:$0x1EC00] =	vst v63  }
0x2f2: {  	s7 =	smov.u32 s10;
	s10 =	smov.u32 s23  }
0x2f3: {  	s18 =	sadd.s32 $0x1100, s23;
	s10 =	sshra.s32 s10, $0x2;
	s26 =	sadd.s32 $0x16400, s7  }
0x2f4: {  	[hbm4b:s20+s3] =	stream.linear.scatter [tilespmem:s26], [sflag:$0x9], $0x80, $0x38;
	[tilespmem:$0x1EC00] =	vst v63  }
0x2f5: {  	p1 =	sne.s32 s23, $0x7700;
	s23 =	sadd.s32 $0x16488, s7;
	s26 =	sadd.s32 $0x10, s20  }
0x2f6: {  	[hbm4b:s26+s3] =	stream.linear.scatter [tilespmem:s23], [sflag:$0x9], $0x80, $0x38;
	[tilespmem:$0x1EC00] =	vst v63  }
0x2f7: {  	s23 =	sadd.s32 $0x16510, s7;
	s26 =	sadd.s32 $0x20, s20  }
0x2f8: {  	[hbm4b:s26+s3] =	stream.linear.scatter [tilespmem:s23], [sflag:$0x9], $0x80, $0x38;
	[tilespmem:$0x1EC00] =	vst v63  }
0x2f9: {  	s23 =	sadd.s32 $0x16598, s7;
	s26 =	sadd.s32 $0x30, s20  }
0x2fa: {  	[hbm4b:s26+s3] =	stream.linear.scatter [tilespmem:s23], [sflag:$0x9], $0x80, $0x38;
	[tilespmem:$0x1EC00] =	vst v63  }
0x2fb: {  	s23 =	sadd.s32 $0x16620, s7;
	s26 =	sadd.s32 $0x40, s20  }
0x2fc: {  	[hbm4b:s26+s3] =	stream.linear.scatter [tilespmem:s23], [sflag:$0x9], $0x80, $0x38;
	[tilespmem:$0x1EC00] =	vst v63  }
0x2fd: {  	s23 =	sadd.s32 $0x166A8, s7;
	s26 =	sadd.s32 $0x50, s20  }
0x2fe: {  	[hbm4b:s26+s3] =	stream.linear.scatter [tilespmem:s23], [sflag:$0x9], $0x80, $0x38;
	[tilespmem:$0x1EC00] =	vst v63  }
.Ltmp11:
0x2ff: {  	_ = 	snop;
	(pc) =	sbr.rel @p1 .LBB2_25-.Ltmp11, $4  }
0x300: {  	s23 =	sadd.s32 $0x16730, s7;
	s26 =	sadd.s32 $0x60, s20  }
0x301: {  	[hbm4b:s26+s3] =	stream.linear.scatter [tilespmem:s23], [sflag:$0x9], $0x80, $0x38;
	[tilespmem:$0x1EC00] =	vst v63  }
0x302: {  	s26 =	sadd.s32 $0x167B8, s7  }
0x303: {  	s7 =	sadd.s32 $0x70, s20;
	s20 =	sadd.s32 $0x1000, s20;
	s23 =	smov.u32 s18  }
0x304: {  	[hbm4b:s7+s3] =	stream.linear.scatter [tilespmem:s26], [sflag:$0x9], $0x80, $0x38;
	[tilespmem:$0x1EC00] =	vst v63  }
0x305: {  	s18 =	sadd.s32 $0x16400, s10  }
0x306: {  	[hbm4b:s20+s3] =	stream.linear.scatter [tilespmem:s18], [sflag:$0x9], $0x80, $0x38;
	[tilespmem:$0x1EC00] =	vst v63  }
0x307: {  	s23 =	sadd.s32 $0x16488, s10;
	s18 =	sadd.s32 $0x10, s20  }
0x308: {  	[hbm4b:s18+s3] =	stream.linear.scatter [tilespmem:s23], [sflag:$0x9], $0x80, $0x38;
	[tilespmem:$0x1EC00] =	vst v63  }
0x309: {  	s26 =	sadd.s32 $0x16510, s10;
	s30 =	sadd.s32 $0x20, s20  }
0x30a: {  	[hbm4b:s30+s3] =	stream.linear.scatter [tilespmem:s26], [sflag:$0x9], $0x80, $0x38;
	[tilespmem:$0x1EC00] =	vst v63  }
0x30b: {  	s18 =	sadd.s32 $0x16598, s10;
	s23 =	sadd.s32 $0x30, s20  }
0x30c: {  	[hbm4b:s23+s3] =	stream.linear.scatter [tilespmem:s18], [sflag:$0x9], $0x80, $0x38;
	[tilespmem:$0x1EC00] =	vst v63  }
0x30d: {  	s26 =	sadd.s32 $0x16620, s10;
	s30 =	sadd.s32 $0x40, s20  }
0x30e: {  	[hbm4b:s30+s3] =	stream.linear.scatter [tilespmem:s26], [sflag:$0x9], $0x80, $0x38;
	[tilespmem:$0x1EC00] =	vst v63  }
0x30f: {  	s18 =	sadd.s32 $0x166A8, s10;
	s23 =	sadd.s32 $0x50, s20  }
0x310: {  	[hbm4b:s23+s3] =	stream.linear.scatter [tilespmem:s18], [sflag:$0x9], $0x80, $0x38;
	[tilespmem:$0x1EC00] =	vst v63  }
0x311: {  	s26 =	sadd.s32 $0x16730, s10;
	s30 =	sadd.s32 $0x60, s20  }
0x312: {  	[hbm4b:s30+s3] =	stream.linear.scatter [tilespmem:s26], [sflag:$0x9], $0x80, $0x38;
	[tilespmem:$0x1EC00] =	vst v63  }
0x313: {  	s23 =	sadd.s32 $0x167B8, s10;
	s26 =	sadd.s32 $0x70, s20  }
0x314: {  	[hbm4b:s26+s3] =	stream.linear.scatter [tilespmem:s23], [sflag:$0x9], $0x80, $0x38;
	[tilespmem:$0x1EC00] =	vst v63  }
0x315: {  	_ =	swait.ge [sflag:s12], $0x2000  }
0x316: {  	[sflag:s12] =	ssyncset.done $0x0  }
0x317: {  	s30 =	simm.s32 $0x3;
	s26 =	simm.s32 $0x104F0;
	[sflag:s12] =	ssyncadd.s32 $0xFFFFE000  }
0x318: {  	v4 =	vmov s30;
	v5 =	vld [tilespmem:s26+$0xFFFFFFD0]  }
0x319: {  	v9 =	vand.u32 $0x7F, v4  }
0x31a: {  	s10 =	simm.s32 $0x0;
	v4 =	vadd.s32 v0, v9  }
0x31b: {  	s18 =	simm.s32 $0x1;
	v6 =	vmov s10;
	s20 =	simm.s32 $0x2;
	v7 =	vld [tilespmem:s26+$0xFFFFFF10]  }
0x31c: {  	v8 =	vand.u32 $0x7C, v6;
	v6 =	vmov s18;
	v11 =	vmov s20;
	v10 =	vld [tilespmem:s26+$0xFFFFFF50]  }
0x31d: {  	v12 =	vadd.s32 v0, v8;
	v15 =	vand.u32 $0x7D, v6;
	v6 =	vld [tilespmem:s26+$0xFFFFFF90];
	v5 =	vmul.f32 $8.000000000e+00, v5  }
0x31e: {  	v13 =	vadd.s32 v0, v15;
	v17 =	vand.u32 $0x7E, v11  }
0x31f: {  	v11 =	vadd.s32 v0, v17;
	[tilespmem:v4+s22+$0x0] =	vst.idx.msk $0xffff, v5  }
0x320: {  	v4 =	vmul.f32 $8.000000000e+00, v7;
	v5 =	vld [tilespmem:s26+$0xFFFFFFE0]  }
0x321: {  	v7 =	vmul.f32 $8.000000000e+00, v10  }
0x322: {  	[tilespmem:v12+s22+$0x0] =	vst.idx.msk $0xffff, v4;
	v4 =	vmul.f32 $8.000000000e+00, v6;
	v6 =	vadd.s32 v1, v9  }
0x323: {  	[tilespmem:v13+s22+$0x0] =	vst.idx.msk $0xffff, v7;
	v10 =	vld [tilespmem:s26+$0xFFFFFF20]  }
0x324: {  	v7 =	vld [tilespmem:s26+$0xFFFFFF60];
	[tilespmem:v11+s22+$0x0] =	vst.idx.msk $0xffff, v4  }
0x325: {  	v11 =	vld [tilespmem:s26+$0xFFFFFFA0];
	v4 =	vmul.f32 $8.000000000e+00, v5  }
0x326: {  	s10 =	simm.s32 $0x105F0;
	s30 =	simm.s32 $0x7;
	s23 =	simm.s32 $0x4;
	v12 =	vadd.s32 v1, v15  }
0x327: {  	v14 =	vld [tilespmem:s10+$0xFFFFFFD0];
	v13 =	vadd.s32 v1, v17;
	v5 =	vmov s23;
	[tilespmem:v6+s22+$0x0] =	vst.idx.msk $0xffff, v4;
	v6 =	vmov s30  }
0x328: {  	v16 =	vadd.s32 v1, v8;
	v4 =	vand.u32 $0x7C, v5;
	v5 =	vand.u32 $0x7F, v6;
	v18 =	vld [tilespmem:s26+$0xFFFFFFF0]  }
0x329: {  	s20 =	simm.s32 $0x5;
	v22 =	vadd.s32 v2, v9;
	v19 =	vld [tilespmem:s10+$0xFFFFFF10];
	v6 =	vmul.f32 $8.000000000e+00, v7;
	v20 =	vadd.s32 v0, v5  }
0x32a: {  	v21 =	vld [tilespmem:s10+$0xFFFFFF50];
	s23 =	simm.s32 $0x6;
	v10 =	vmul.f32 $8.000000000e+00, v10;
	v7 =	vmul.f32 $8.000000000e+00, v11;
	v11 =	vmov s20  }
0x32b: {  	v23 =	vadd.s32 v0, v4;
	[tilespmem:v12+s22+$0x0] =	vst.idx.msk $0xffff, v6;
	v12 =	vmov s23;
	v6 =	vand.u32 $0x7D, v11;
	v11 =	vld [tilespmem:s10+$0xFFFFFF90]  }
0x32c: {  	[tilespmem:v13+s22+$0x0] =	vst.idx.msk $0xffff, v7;
	v13 =	vadd.s32 v0, v6;
	v7 =	vand.u32 $0x7E, v12;
	v12 =	vmul.f32 $8.000000000e+00, v14;
	v14 =	vld [tilespmem:s26+$0xFFFFFF70]  }
0x32d: {  	[tilespmem:v16+s22+$0x0] =	vst.idx.msk $0xffff, v10;
	v10 =	vadd.s32 v0, v7;
	v16 =	vld [tilespmem:s26+$0xFFFFFFB0];
	v18 =	vmul.f32 $8.000000000e+00, v18  }
0x32e: {  	v19 =	vmul.f32 $8.000000000e+00, v19;
	[tilespmem:v20+s22+$0x0] =	vst.idx.msk $0xffff, v12;
	v12 =	vld [tilespmem:s26+$0xFFFFFF30];
	v20 =	vadd.s32 v2, v15  }
0x32f: {  	v25 =	vadd.s32 v2, v17;
	v21 =	vmul.f32 $8.000000000e+00, v21;
	v24 =	vld [tilespmem:s10+$0xFFFFFFE0];
	[tilespmem:v22+s22+$0x0] =	vst.idx.msk $0xffff, v18  }
0x330: {  	[tilespmem:v23+s22+$0x0] =	vst.idx.msk $0xffff, v19;
	v19 =	vadd.s32 v2, v8;
	v11 =	vmul.f32 $8.000000000e+00, v11;
	v22 =	vld [tilespmem:s26+$0x0]  }
0x331: {  	v23 =	vld [tilespmem:s10+$0xFFFFFF20];
	[tilespmem:v13+s22+$0x0] =	vst.idx.msk $0xffff, v21;
	v21 =	vadd.s32 v1, v5;
	v14 =	vmul.f32 $8.000000000e+00, v14  }
0x332: {  	v27 =	vadd.s32 v3, v9;
	v26 =	vld [tilespmem:s10+$0xFFFFFF60];
	[tilespmem:v10+s22+$0x0] =	vst.idx.msk $0xffff, v11;
	v10 =	vmul.f32 $8.000000000e+00, v16  }
0x333: {  	v18 =	vadd.s32 v1, v4;
	v13 =	vld [tilespmem:s10+$0xFFFFFFA0];
	v9 =	vmul.f32 $8.000000000e+00, v12;
	[tilespmem:v20+s22+$0x0] =	vst.idx.msk $0xffff, v14  }
0x334: {  	s23 =	simm.s32 $0x8;
	v16 =	vadd.s32 v1, v6;
	[tilespmem:v25+s22+$0x0] =	vst.idx.msk $0xffff, v10;
	v14 =	vmul.f32 $8.000000000e+00, v24;
	v12 =	vld [tilespmem:s26+$0xFFFFFF80]  }
0x335: {  	v20 =	vmov s23;
	v10 =	vadd.s32 v1, v7;
	v11 =	vld [tilespmem:s26+$0xFFFFFFC0];
	[tilespmem:v19+s22+$0x0] =	vst.idx.msk $0xffff, v9;
	v63 =	vmul.f32 $8.000000000e+00, v22  }
0x336: {  	s30 =	simm.s32 $0xB;
	s20 =	simm.s32 $0x106F0;
	v15 =	vadd.s32 v3, v15;
	v9 =	vand.u32 $0x7C, v20;
	v20 =	vmul.f32 $8.000000000e+00, v23;
	[tilespmem:v21+s22+$0x0] =	vst.idx.msk $0xffff, v14;
	v14 =	vld [tilespmem:s26+$0xFFFFFF40]  }
0x337: {  	v17 =	vadd.s32 v3, v17;
	v22 =	vmov s30;
	v19 =	vld [tilespmem:s20+$0xFFFFFFD0];
	s26 =	simm.s32 $0xC;
	v21 =	vmul.f32 $8.000000000e+00, v26;
	[tilespmem:v27+s22+$0x0] =	vst.idx.msk $0xffff, v63  }
.LBB2_27:
0x338: {  	p1 =	slt.u32 s26, $0x7C;
	s7 =	sadd.s32 $0x1, s23;
	v22 =	vand.u32 $0x7F, v22;
	[tilespmem:v18+s22+$0x0] =	vst.idx.msk $0xffff, v20;
	v13 =	vmul.f32 $8.000000000e+00, v13;
	v18 =	vld [tilespmem:s10+$0xFFFFFFF0];
	v20 =	vadd.s32 v3, v8;
	v8 =	vmovc v4  }
0x339: {  	v4 =	vmovc v9;
	v23 =	vld [tilespmem:s20+$0xFFFFFF10];
	v24 =	vmov s7;
	s7 =	sadd.s32 $0x2, s23;
	v25 =	vadd.s32 v0, v22;
	[tilespmem:v16+s22+$0x0] =	vst.idx.msk $0xffff, v21;
	v12 =	vmul.f32 $8.000000000e+00, v12;
	s23 =	smov.u32 s26  }
0x33a: {  	v9 =	vld [tilespmem:s20+$0xFFFFFF50];
	v16 =	vmov s7;
	[tilespmem:v10+s22+$0x0] =	vst.idx.msk $0xffff, v13;
	v10 =	vadd.s32 v2, v5;
	v11 =	vmul.f32 $8.000000000e+00, v11  }
0x33b: {  	v13 =	vadd.s32 v0, v4;
	v21 =	vand.u32 $0x7D, v24;
	v24 =	vld [tilespmem:s20+$0xFFFFFF90];
	v14 =	vmul.f32 $8.000000000e+00, v14;
	[tilespmem:v15+s22+$0x0] =	vst.idx.msk $0xffff, v12  }
0x33c: {  	v12 =	vadd.s32 v0, v21;
	v26 =	vand.u32 $0x7E, v16;
	v15 =	vmul.f32 $8.000000000e+00, v19;
	v16 =	vld [tilespmem:s10+$0xFFFFFF70];
	[tilespmem:v17+s22+$0x0] =	vst.idx.msk $0xffff, v11  }
0x33d: {  	v11 =	vadd.s32 v0, v26;
	v17 =	vld [tilespmem:s10+$0xFFFFFFB0];
	v18 =	vmul.f32 $8.000000000e+00, v18;
	[tilespmem:v20+s22+$0x0] =	vst.idx.msk $0xffff, v14  }
0x33e: {  	v19 =	vadd.s32 v2, v6;
	v14 =	vmul.f32 $8.000000000e+00, v23;
	[tilespmem:v25+s22+$0x0] =	vst.idx.msk $0xffff, v15;
	v15 =	vld [tilespmem:s10+$0xFFFFFF30]  }
0x33f: {  	v23 =	vadd.s32 v2, v7;
	v9 =	vmul.f32 $8.000000000e+00, v9;
	v20 =	vld [tilespmem:s20+$0xFFFFFFE0];
	[tilespmem:v10+s22+$0x0] =	vst.idx.msk $0xffff, v18  }
0x340: {  	[tilespmem:v13+s22+$0x0] =	vst.idx.msk $0xffff, v14;
	v10 =	vmul.f32 $8.000000000e+00, v24;
	v14 =	vadd.s32 v2, v8;
	v24 =	vld [tilespmem:s10+$0x0]  }
0x341: {  	v27 =	vadd.s32 v1, v22;
	v25 =	vld [tilespmem:s20+$0xFFFFFF20];
	[tilespmem:v12+s22+$0x0] =	vst.idx.msk $0xffff, v9;
	v9 =	vmul.f32 $8.000000000e+00, v16  }
0x342: {  	v29 =	vadd.s32 v3, v5;
	v5 =	vmov v22;
	v28 =	vld [tilespmem:s20+$0xFFFFFF60];
	[tilespmem:v11+s22+$0x0] =	vst.idx.msk $0xffff, v10;
	v10 =	vmul.f32 $8.000000000e+00, v17  }
.Ltmp12:
0x343: {  	v18 =	vadd.s32 v1, v4;
	v13 =	vld [tilespmem:s20+$0xFFFFFFA0];
	v11 =	vmul.f32 $8.000000000e+00, v15;
	[tilespmem:v19+s22+$0x0] =	vst.idx.msk $0xffff, v9;
	(pc) =	sbr.rel @p1 .LBB2_27-.Ltmp12, $4  }
0x344: {  	v16 =	vadd.s32 v1, v21;
	v15 =	vmul.f32 $8.000000000e+00, v20;
	v12 =	vld [tilespmem:s10+$0xFFFFFF80];
	[tilespmem:v23+s22+$0x0] =	vst.idx.msk $0xffff, v10  }
0x345: {  	v9 =	vmov s26;
	v10 =	vadd.s32 v1, v26;
	[tilespmem:v14+s22+$0x0] =	vst.idx.msk $0xffff, v11;
	v11 =	vld [tilespmem:s10+$0xFFFFFFC0];
	v23 =	vmul.f32 $8.000000000e+00, v24  }
0x346: {  	s7 =	sadd.s32 $0x3, s26;
	v9 =	vand.u32 $0x7C, v9;
	v20 =	vmul.f32 $8.000000000e+00, v25;
	[tilespmem:v27+s22+$0x0] =	vst.idx.msk $0xffff, v15;
	v14 =	vld [tilespmem:s10+$0xFFFFFF40];
	v15 =	vadd.s32 v3, v6;
	v6 =	vmovc v21;
	s10 =	smov.u32 s20;
	s20 =	sadd.s32 $0x100, s20  }
0x347: {  	v22 =	vmov s7;
	v17 =	vadd.s32 v3, v7;
	v7 =	vmovc v26;
	s26 =	sadd.s32 $0x4, s26;
	v19 =	vld [tilespmem:s20+$0xFFFFFFD0];
	v21 =	vmul.f32 $8.000000000e+00, v28;
	[tilespmem:v29+s22+$0x0] =	vst.idx.msk $0xffff, v23  }
0x348: {  	s7 =	sadd.s32 $0x1, s23;
	v22 =	vand.u32 $0x7F, v22;
	v28 =	vld [tilespmem:s20+$0xFFFFFF10]  }
0x349: {  	s26 =	sadd.s32 $0x2, s23;
	v24 =	vld [tilespmem:s20+$0xFFFFFF50];
	v23 =	vmov s7;
	v25 =	vadd.s32 v0, v22  }
0x34a: {  	v27 =	vld [tilespmem:s20+$0xFFFFFF90];
	v51 =	vadd.s32 v0, v9;
	v26 =	vmov s26;
	v23 =	vand.u32 $0x7D, v23  }
0x34b: {  	v26 =	vand.u32 $0x7E, v26;
	v29 =	vadd.s32 v0, v23  }
0x34c: {  	[tilespmem:v18+s22+$0x0] =	vst.idx.msk $0xffff, v20;
	v30 =	vadd.s32 v0, v26;
	v19 =	vmul.f32 $8.000000000e+00, v19  }
0x34d: {  	[tilespmem:v16+s22+$0x0] =	vst.idx.msk $0xffff, v21;
	v54 =	vmul.f32 $8.000000000e+00, v28  }
0x34e: {  	v52 =	vmul.f32 $8.000000000e+00, v24;
	[tilespmem:v25+s22+$0x0] =	vst.idx.msk $0xffff, v19  }
0x34f: {  	v53 =	vmul.f32 $8.000000000e+00, v27;
	v55 =	vld [tilespmem:s20+$0xFFFFFFE0];
	[tilespmem:v51+s22+$0x0] =	vst.idx.msk $0xffff, v54  }
0x350: {  	v13 =	vmul.f32 $8.000000000e+00, v13;
	v8 =	vadd.s32 v3, v8;
	[tilespmem:v29+s22+$0x0] =	vst.idx.msk $0xffff, v52;
	v59 =	vld [tilespmem:s20+$0xFFFFFF20]  }
0x351: {  	v12 =	vmul.f32 $8.000000000e+00, v12;
	v57 =	vadd.s32 v1, v22;
	[tilespmem:v30+s22+$0x0] =	vst.idx.msk $0xffff, v53;
	v56 =	vld [tilespmem:s20+$0xFFFFFF60]  }
0x352: {  	[tilespmem:v10+s22+$0x0] =	vst.idx.msk $0xffff, v13;
	v58 =	vmul.f32 $8.000000000e+00, v11;
	v28 =	vadd.s32 v1, v9;
	v19 =	vld [tilespmem:s20+$0xFFFFFFA0]  }
0x353: {  	v61 =	vld [tilespmem:s10+$0xFFFFFFF0];
	v60 =	vadd.s32 v1, v23;
	v14 =	vmul.f32 $8.000000000e+00, v14;
	[tilespmem:v15+s22+$0x0] =	vst.idx.msk $0xffff, v12  }
0x354: {  	v32 =	vld [tilespmem:s10+$0xFFFFFF30];
	v62 =	vadd.s32 v1, v26;
	[tilespmem:v17+s22+$0x0] =	vst.idx.msk $0xffff, v58;
	v16 =	vmul.f32 $8.000000000e+00, v55  }
0x355: {  	[tilespmem:v8+s22+$0x0] =	vst.idx.msk $0xffff, v14;
	v29 =	vadd.s32 v2, v5;
	v30 =	vld [tilespmem:s10+$0xFFFFFFB0];
	v11 =	vmul.f32 $8.000000000e+00, v59  }
0x356: {  	v38 =	vadd.s32 v2, v4;
	v63 =	vld [tilespmem:s10+$0xFFFFFF70];
	v31 =	vmul.f32 $8.000000000e+00, v56;
	[tilespmem:v57+s22+$0x0] =	vst.idx.msk $0xffff, v16  }
0x357: {  	v35 =	vadd.s32 v2, v7;
	v34 =	vmul.f32 $8.000000000e+00, v19;
	v36 =	vld [tilespmem:s20+$0xFFFFFFF0];
	[tilespmem:v28+s22+$0x0] =	vst.idx.msk $0xffff, v11  }
0x358: {  	v33 =	vadd.s32 v2, v6;
	v37 =	vmul.f32 $8.000000000e+00, v61;
	[tilespmem:v60+s22+$0x0] =	vst.idx.msk $0xffff, v31;
	v43 =	vld [tilespmem:s20+$0xFFFFFF30]  }
0x359: {  	v40 =	vadd.s32 v2, v22;
	v14 =	vmul.f32 $8.000000000e+00, v32;
	[tilespmem:v62+s22+$0x0] =	vst.idx.msk $0xffff, v34;
	v39 =	vld [tilespmem:s20+$0xFFFFFF70]  }
0x35a: {  	v48 =	vadd.s32 v2, v9;
	[tilespmem:v29+s22+$0x0] =	vst.idx.msk $0xffff, v37;
	v42 =	vmul.f32 $8.000000000e+00, v30;
	v41 =	vld [tilespmem:s20+$0xFFFFFFB0]  }
0x35b: {  	v44 =	vadd.s32 v2, v23;
	v15 =	vmul.f32 $8.000000000e+00, v63;
	[tilespmem:v38+s22+$0x0] =	vst.idx.msk $0xffff, v14;
	v45 =	vld [tilespmem:s10+$0x0]  }
0x35c: {  	v46 =	vadd.s32 v2, v26;
	v14 =	vld [tilespmem:s10+$0xFFFFFF40];
	[tilespmem:v35+s22+$0x0] =	vst.idx.msk $0xffff, v42;
	v47 =	vmul.f32 $8.000000000e+00, v36  }
0x35d: {  	v5 =	vadd.s32 v3, v5;
	[tilespmem:v33+s22+$0x0] =	vst.idx.msk $0xffff, v15;
	v49 =	vld [tilespmem:s10+$0xFFFFFFC0];
	v53 =	vmul.f32 $8.000000000e+00, v43  }
0x35e: {  	v4 =	vadd.s32 v3, v4;
	v21 =	vld [tilespmem:s10+$0xFFFFFF80];
	v12 =	vmul.f32 $8.000000000e+00, v39;
	[tilespmem:v40+s22+$0x0] =	vst.idx.msk $0xffff, v47  }
0x35f: {  	v52 =	vadd.s32 v3, v7;
	v51 =	vmul.f32 $8.000000000e+00, v41;
	v10 =	vld [tilespmem:s20+$0x0];
	[tilespmem:v48+s22+$0x0] =	vst.idx.msk $0xffff, v53  }
0x360: {  	v50 =	vadd.s32 v3, v6;
	v54 =	vmul.f32 $8.000000000e+00, v45;
	[tilespmem:v44+s22+$0x0] =	vst.idx.msk $0xffff, v12;
	v59 =	vld [tilespmem:s20+$0xFFFFFF40]  }
0x361: {  	v57 =	vadd.s32 v3, v22;
	v14 =	vmul.f32 $8.000000000e+00, v14;
	[tilespmem:v46+s22+$0x0] =	vst.idx.msk $0xffff, v51;
	v55 =	vld [tilespmem:s20+$0xFFFFFF80]  }
0x362: {  	v62 =	vadd.s32 v3, v9;
	[tilespmem:v5+s22+$0x0] =	vst.idx.msk $0xffff, v54;
	v5 =	vmul.f32 $8.000000000e+00, v49;
	v58 =	vld [tilespmem:s20+$0xFFFFFFC0]  }
0x363: {  	v56 =	vmul.f32 $8.000000000e+00, v21;
	v60 =	vadd.s32 v3, v23;
	[tilespmem:v4+s22+$0x0] =	vst.idx.msk $0xffff, v14  }
0x364: {  	v61 =	vadd.s32 v3, v26;
	[tilespmem:v52+s22+$0x0] =	vst.idx.msk $0xffff, v5;
	v5 =	vmul.f32 $8.000000000e+00, v10  }
0x365: {  	[tilespmem:v50+s22+$0x0] =	vst.idx.msk $0xffff, v56;
	v63 =	vmul.f32 $8.000000000e+00, v59  }
0x366: {  	v4 =	vmul.f32 $8.000000000e+00, v55;
	[tilespmem:v57+s22+$0x0] =	vst.idx.msk $0xffff, v5  }
0x367: {  	v5 =	vmul.f32 $8.000000000e+00, v58;
	[tilespmem:v62+s22+$0x0] =	vst.idx.msk $0xffff, v63  }
0x368: {  	s18 =	simm.s32 @!p0 $0x8400;
	s6 =	sadd.s32 s4, s6;
	[tilespmem:v60+s22+$0x0] =	vst.idx.msk $0xffff, v4  }
0x369: {  	s7 =	sadd.s32 @!p0 $0x480, s17;
	s30 =	sshll.u32 s6, $0x7;
	s10 =	simm.s32 @!p0 $0x80;
	[tilespmem:v61+s22+$0x0] =	vst.idx.msk $0xffff, v5  }
0x36a: {  	[tilespmem:s18], [sflag:$0x2] =	stream.indirect.gather @!p0 [hbm4b:s5+s10], $0x40, s7, s10, $0xb8;
	[tilespmem:$0x1EC00] =	vst v63  }
0x36b: {  	s6 =	sshll.u32 s6, $0xA;
	s7 =	sand.u32 $0xE80, s30;
	_ =	swait.ge [sflag:s13], $0x2000  }
0x36c: {  	s6 =	sand.u32 $0xFFF8000, s6;
	s7 =	sadd.s32 s2, s7;
	[sflag:s13] =	ssyncset.done $0x0  }
0x36d: {  	s10 =	sadd.s32 s6, s7;
	s7 =	simm.s32 $0x18600;
	[sflag:s13] =	ssyncadd.s32 $0xFFFFE000  }
0x36e: {  	[hbm4b:s10+s3] =	stream.linear.scatter [tilespmem:s7], [sflag:$0xA], $0x80, $0x38;
	[tilespmem:$0x1EC00] =	vst v63  }
0x36f: {  	s18 =	simm.s32 $0x18688;
	s7 =	sadd.s32 $0x10, s10  }
0x370: {  	[hbm4b:s7+s3] =	stream.linear.scatter [tilespmem:s18], [sflag:$0xA], $0x80, $0x38;
	[tilespmem:$0x1EC00] =	vst v63  }
0x371: {  	s26 =	simm.s32 $0x18798;
	s20 =	simm.s32 $0x18710;
	s23 =	sadd.s32 $0x20, s10  }
0x372: {  	[hbm4b:s23+s3] =	stream.linear.scatter [tilespmem:s20], [sflag:$0xA], $0x80, $0x38;
	[tilespmem:$0x1EC00] =	vst v63  }
0x373: {  	s6 =	simm.s32 $0x440;
	s30 =	sadd.s32 $0x30, s10;
	s7 =	simm.s32 $0x18820  }
0x374: {  	[hbm4b:s30+s3] =	stream.linear.scatter [tilespmem:s26], [sflag:$0xA], $0x80, $0x38;
	[tilespmem:$0x1EC00] =	vst v63  }
0x375: {  	s18 =	sadd.s32 $0x40, s10;
	s20 =	simm.s32 $0x188A8;
	s23 =	sadd.s32 $0x50, s10  }
0x376: {  	[hbm4b:s18+s3] =	stream.linear.scatter [tilespmem:s7], [sflag:$0xA], $0x80, $0x38;
	[tilespmem:$0x1EC00] =	vst v63  }
0x377: {  	s26 =	simm.s32 $0x18930;
	s30 =	sadd.s32 $0x60, s10;
	s7 =	sadd.s32 $0x70, s10  }
0x378: {  	[hbm4b:s23+s3] =	stream.linear.scatter [tilespmem:s20], [sflag:$0xA], $0x80, $0x38;
	[tilespmem:$0x1EC00] =	vst v63  }
0x379: {  	s10 =	sadd.s32 $0x1000, s10;
	s20 =	simm.s32 $0x2200;
	s23 =	simm.s32 $0x189B8  }
0x37a: {  	[hbm4b:s30+s3] =	stream.linear.scatter [tilespmem:s26], [sflag:$0xA], $0x80, $0x38;
	[tilespmem:$0x1EC00] =	vst v63  }
.LBB2_29:
0x37b: {  	[hbm4b:s7+s3] =	stream.linear.scatter [tilespmem:s23], [sflag:$0xA], $0x80, $0x38;
	[tilespmem:$0x1EC00] =	vst v63  }
0x37c: {  	s7 =	smov.u32 s6;
	s6 =	smov.u32 s20  }
0x37d: {  	s18 =	sadd.s32 $0x1100, s20;
	s6 =	sshra.s32 s6, $0x2;
	s23 =	sadd.s32 $0x18600, s7  }
0x37e: {  	[hbm4b:s10+s3] =	stream.linear.scatter [tilespmem:s23], [sflag:$0xA], $0x80, $0x38;
	[tilespmem:$0x1EC00] =	vst v63  }
0x37f: {  	p1 =	sne.s32 s20, $0x7700;
	s20 =	sadd.s32 $0x18688, s7;
	s23 =	sadd.s32 $0x10, s10  }
0x380: {  	[hbm4b:s23+s3] =	stream.linear.scatter [tilespmem:s20], [sflag:$0xA], $0x80, $0x38;
	[tilespmem:$0x1EC00] =	vst v63  }
0x381: {  	s20 =	sadd.s32 $0x18710, s7;
	s23 =	sadd.s32 $0x20, s10  }
0x382: {  	[hbm4b:s23+s3] =	stream.linear.scatter [tilespmem:s20], [sflag:$0xA], $0x80, $0x38;
	[tilespmem:$0x1EC00] =	vst v63  }
0x383: {  	s20 =	sadd.s32 $0x18798, s7;
	s23 =	sadd.s32 $0x30, s10  }
0x384: {  	[hbm4b:s23+s3] =	stream.linear.scatter [tilespmem:s20], [sflag:$0xA], $0x80, $0x38;
	[tilespmem:$0x1EC00] =	vst v63  }
0x385: {  	s20 =	sadd.s32 $0x18820, s7;
	s23 =	sadd.s32 $0x40, s10  }
0x386: {  	[hbm4b:s23+s3] =	stream.linear.scatter [tilespmem:s20], [sflag:$0xA], $0x80, $0x38;
	[tilespmem:$0x1EC00] =	vst v63  }
0x387: {  	s20 =	sadd.s32 $0x188A8, s7;
	s23 =	sadd.s32 $0x50, s10  }
0x388: {  	[hbm4b:s23+s3] =	stream.linear.scatter [tilespmem:s20], [sflag:$0xA], $0x80, $0x38;
	[tilespmem:$0x1EC00] =	vst v63  }
.Ltmp13:
0x389: {  	_ = 	snop;
	(pc) =	sbr.rel @p1 .LBB2_29-.Ltmp13, $4  }
0x38a: {  	s20 =	sadd.s32 $0x18930, s7;
	s23 =	sadd.s32 $0x60, s10  }
0x38b: {  	[hbm4b:s23+s3] =	stream.linear.scatter [tilespmem:s20], [sflag:$0xA], $0x80, $0x38;
	[tilespmem:$0x1EC00] =	vst v63  }
0x38c: {  	s23 =	sadd.s32 $0x189B8, s7  }
0x38d: {  	s7 =	sadd.s32 $0x70, s10;
	s10 =	sadd.s32 $0x1000, s10;
	s20 =	smov.u32 s18  }
0x38e: {  	[hbm4b:s7+s3] =	stream.linear.scatter [tilespmem:s23], [sflag:$0xA], $0x80, $0x38;
	[tilespmem:$0x1EC00] =	vst v63  }
0x38f: {  	s20 =	sadd.s32 $0x18600, s6  }
0x390: {  	[hbm4b:s10+s3] =	stream.linear.scatter [tilespmem:s20], [sflag:$0xA], $0x80, $0x38;
	[tilespmem:$0x1EC00] =	vst v63  }
0x391: {  	s23 =	sadd.s32 $0x18688, s6;
	s18 =	sadd.s32 $0x10, s10  }
0x392: {  	[hbm4b:s18+s3] =	stream.linear.scatter [tilespmem:s23], [sflag:$0xA], $0x80, $0x38;
	[tilespmem:$0x1EC00] =	vst v63  }
0x393: {  	s26 =	sadd.s32 $0x18710, s6;
	s30 =	sadd.s32 $0x20, s10  }
0x394: {  	[hbm4b:s30+s3] =	stream.linear.scatter [tilespmem:s26], [sflag:$0xA], $0x80, $0x38;
	[tilespmem:$0x1EC00] =	vst v63  }
0x395: {  	s20 =	sadd.s32 $0x18798, s6;
	s23 =	sadd.s32 $0x30, s10  }
0x396: {  	[hbm4b:s23+s3] =	stream.linear.scatter [tilespmem:s20], [sflag:$0xA], $0x80, $0x38;
	[tilespmem:$0x1EC00] =	vst v63  }
0x397: {  	s26 =	sadd.s32 $0x18820, s6;
	s30 =	sadd.s32 $0x40, s10  }
0x398: {  	[hbm4b:s30+s3] =	stream.linear.scatter [tilespmem:s26], [sflag:$0xA], $0x80, $0x38;
	[tilespmem:$0x1EC00] =	vst v63  }
0x399: {  	s20 =	sadd.s32 $0x188A8, s6;
	s23 =	sadd.s32 $0x50, s10  }
0x39a: {  	[hbm4b:s23+s3] =	stream.linear.scatter [tilespmem:s20], [sflag:$0xA], $0x80, $0x38;
	[tilespmem:$0x1EC00] =	vst v63  }
0x39b: {  	s26 =	sadd.s32 $0x18930, s6;
	s30 =	sadd.s32 $0x60, s10  }
0x39c: {  	[hbm4b:s30+s3] =	stream.linear.scatter [tilespmem:s26], [sflag:$0xA], $0x80, $0x38;
	[tilespmem:$0x1EC00] =	vst v63  }
0x39d: {  	s7 =	sadd.s32 $0x189B8, s6;
	s10 =	sadd.s32 $0x70, s10  }
0x39e: {  	[hbm4b:s10+s3] =	stream.linear.scatter [tilespmem:s7], [sflag:$0xA], $0x80, $0x38;
	[tilespmem:$0x1EC00] =	vst v63  }
0x39f: {  	_ =	swait.ge [sflag:s14], $0x2000  }
0x3a0: {  	[sflag:s14] =	ssyncset.done $0x0  }
0x3a1: {  	s18 =	simm.s32 $0x3;
	s23 =	simm.s32 $0x124F0;
	[sflag:s14] =	ssyncadd.s32 $0xFFFFE000  }
0x3a2: {  	v4 =	vmov s18;
	v5 =	vld [tilespmem:s23+$0xFFFFFFD0]  }
0x3a3: {  	v9 =	vand.u32 $0x7F, v4  }
0x3a4: {  	v4 =	vadd.s32 v0, v9;
	s20 =	simm.s32 $0x0  }
0x3a5: {  	v6 =	vmov s20;
	s26 =	simm.s32 $0x1;
	s30 =	simm.s32 $0x2;
	v7 =	vld [tilespmem:s23+$0xFFFFFF10]  }
0x3a6: {  	v8 =	vand.u32 $0x7C, v6;
	v6 =	vmov s26;
	v11 =	vmov s30;
	v10 =	vld [tilespmem:s23+$0xFFFFFF50]  }
0x3a7: {  	v12 =	vadd.s32 v0, v8;
	v15 =	vand.u32 $0x7D, v6;
	v6 =	vld [tilespmem:s23+$0xFFFFFF90];
	v5 =	vmul.f32 $8.000000000e+00, v5  }
0x3a8: {  	v17 =	vand.u32 $0x7E, v11;
	v13 =	vadd.s32 v0, v15  }
0x3a9: {  	v11 =	vadd.s32 v0, v17;
	[tilespmem:v4+s25+$0x0] =	vst.idx.msk $0xffff, v5  }
0x3aa: {  	v4 =	vmul.f32 $8.000000000e+00, v7;
	v5 =	vld [tilespmem:s23+$0xFFFFFFE0]  }
0x3ab: {  	v7 =	vmul.f32 $8.000000000e+00, v10  }
0x3ac: {  	[tilespmem:v12+s25+$0x0] =	vst.idx.msk $0xffff, v4;
	v4 =	vmul.f32 $8.000000000e+00, v6;
	v6 =	vadd.s32 v1, v9  }
0x3ad: {  	[tilespmem:v13+s25+$0x0] =	vst.idx.msk $0xffff, v7;
	v10 =	vld [tilespmem:s23+$0xFFFFFF20]  }
0x3ae: {  	v7 =	vld [tilespmem:s23+$0xFFFFFF60];
	[tilespmem:v11+s25+$0x0] =	vst.idx.msk $0xffff, v4  }
0x3af: {  	v11 =	vld [tilespmem:s23+$0xFFFFFFA0];
	v4 =	vmul.f32 $8.000000000e+00, v5  }
0x3b0: {  	s18 =	simm.s32 $0x7;
	s6 =	simm.s32 $0x125F0;
	s10 =	simm.s32 $0x4;
	v12 =	vadd.s32 v1, v15  }
0x3b1: {  	v14 =	vld [tilespmem:s6+$0xFFFFFFD0];
	v13 =	vadd.s32 v1, v17;
	v5 =	vmov s10;
	[tilespmem:v6+s25+$0x0] =	vst.idx.msk $0xffff, v4;
	v6 =	vmov s18  }
0x3b2: {  	v16 =	vadd.s32 v1, v8;
	v4 =	vand.u32 $0x7C, v5;
	v5 =	vand.u32 $0x7F, v6;
	v18 =	vld [tilespmem:s23+$0xFFFFFFF0]  }
0x3b3: {  	v22 =	vadd.s32 v2, v9;
	s20 =	simm.s32 $0x5;
	v19 =	vld [tilespmem:s6+$0xFFFFFF10];
	v6 =	vmul.f32 $8.000000000e+00, v7;
	v20 =	vadd.s32 v0, v5  }
0x3b4: {  	s26 =	simm.s32 $0x6;
	v21 =	vld [tilespmem:s6+$0xFFFFFF50];
	v10 =	vmul.f32 $8.000000000e+00, v10;
	v7 =	vmul.f32 $8.000000000e+00, v11;
	v11 =	vmov s20  }
0x3b5: {  	v23 =	vadd.s32 v0, v4;
	[tilespmem:v12+s25+$0x0] =	vst.idx.msk $0xffff, v6;
	v12 =	vmov s26;
	v6 =	vand.u32 $0x7D, v11;
	v11 =	vld [tilespmem:s6+$0xFFFFFF90]  }
0x3b6: {  	[tilespmem:v13+s25+$0x0] =	vst.idx.msk $0xffff, v7;
	v13 =	vadd.s32 v0, v6;
	v7 =	vand.u32 $0x7E, v12;
	v12 =	vmul.f32 $8.000000000e+00, v14;
	v14 =	vld [tilespmem:s23+$0xFFFFFF70]  }
0x3b7: {  	[tilespmem:v16+s25+$0x0] =	vst.idx.msk $0xffff, v10;
	v10 =	vadd.s32 v0, v7;
	v16 =	vld [tilespmem:s23+$0xFFFFFFB0];
	v18 =	vmul.f32 $8.000000000e+00, v18  }
0x3b8: {  	v19 =	vmul.f32 $8.000000000e+00, v19;
	[tilespmem:v20+s25+$0x0] =	vst.idx.msk $0xffff, v12;
	v12 =	vld [tilespmem:s23+$0xFFFFFF30];
	v20 =	vadd.s32 v2, v15  }
0x3b9: {  	v25 =	vadd.s32 v2, v17;
	v21 =	vmul.f32 $8.000000000e+00, v21;
	v24 =	vld [tilespmem:s6+$0xFFFFFFE0];
	[tilespmem:v22+s25+$0x0] =	vst.idx.msk $0xffff, v18  }
0x3ba: {  	[tilespmem:v23+s25+$0x0] =	vst.idx.msk $0xffff, v19;
	v19 =	vadd.s32 v2, v8;
	v11 =	vmul.f32 $8.000000000e+00, v11;
	v22 =	vld [tilespmem:s23+$0x0]  }
0x3bb: {  	v23 =	vld [tilespmem:s6+$0xFFFFFF20];
	[tilespmem:v13+s25+$0x0] =	vst.idx.msk $0xffff, v21;
	v21 =	vadd.s32 v1, v5;
	v14 =	vmul.f32 $8.000000000e+00, v14  }
0x3bc: {  	v27 =	vadd.s32 v3, v9;
	v26 =	vld [tilespmem:s6+$0xFFFFFF60];
	[tilespmem:v10+s25+$0x0] =	vst.idx.msk $0xffff, v11;
	v10 =	vmul.f32 $8.000000000e+00, v16  }
0x3bd: {  	v18 =	vadd.s32 v1, v4;
	v13 =	vld [tilespmem:s6+$0xFFFFFFA0];
	v9 =	vmul.f32 $8.000000000e+00, v12;
	[tilespmem:v20+s25+$0x0] =	vst.idx.msk $0xffff, v14  }
0x3be: {  	s20 =	simm.s32 $0x8;
	v16 =	vadd.s32 v1, v6;
	[tilespmem:v25+s25+$0x0] =	vst.idx.msk $0xffff, v10;
	v14 =	vmul.f32 $8.000000000e+00, v24;
	v12 =	vld [tilespmem:s23+$0xFFFFFF80]  }
0x3bf: {  	v20 =	vmov s20;
	v10 =	vadd.s32 v1, v7;
	v11 =	vld [tilespmem:s23+$0xFFFFFFC0];
	[tilespmem:v19+s25+$0x0] =	vst.idx.msk $0xffff, v9;
	v63 =	vmul.f32 $8.000000000e+00, v22  }
0x3c0: {  	s30 =	simm.s32 $0xB;
	s10 =	simm.s32 $0x126F0;
	v15 =	vadd.s32 v3, v15;
	v9 =	vand.u32 $0x7C, v20;
	v20 =	vmul.f32 $8.000000000e+00, v23;
	[tilespmem:v21+s25+$0x0] =	vst.idx.msk $0xffff, v14;
	v14 =	vld [tilespmem:s23+$0xFFFFFF40]  }
0x3c1: {  	v17 =	vadd.s32 v3, v17;
	v22 =	vmov s30;
	v19 =	vld [tilespmem:s10+$0xFFFFFFD0];
	s23 =	simm.s32 $0xC;
	v21 =	vmul.f32 $8.000000000e+00, v26;
	[tilespmem:v27+s25+$0x0] =	vst.idx.msk $0xffff, v63  }
.LBB2_31:
0x3c2: {  	p1 =	slt.u32 s23, $0x7C;
	s7 =	sadd.s32 $0x1, s20;
	v22 =	vand.u32 $0x7F, v22;
	[tilespmem:v18+s25+$0x0] =	vst.idx.msk $0xffff, v20;
	v13 =	vmul.f32 $8.000000000e+00, v13;
	v18 =	vld [tilespmem:s6+$0xFFFFFFF0];
	v20 =	vadd.s32 v3, v8;
	v8 =	vmovc v4  }
0x3c3: {  	v4 =	vmovc v9;
	v23 =	vld [tilespmem:s10+$0xFFFFFF10];
	v24 =	vmov s7;
	s7 =	sadd.s32 $0x2, s20;
	v25 =	vadd.s32 v0, v22;
	[tilespmem:v16+s25+$0x0] =	vst.idx.msk $0xffff, v21;
	v12 =	vmul.f32 $8.000000000e+00, v12;
	s20 =	smov.u32 s23  }
0x3c4: {  	v9 =	vld [tilespmem:s10+$0xFFFFFF50];
	v16 =	vmov s7;
	[tilespmem:v10+s25+$0x0] =	vst.idx.msk $0xffff, v13;
	v10 =	vadd.s32 v2, v5;
	v11 =	vmul.f32 $8.000000000e+00, v11  }
0x3c5: {  	v13 =	vadd.s32 v0, v4;
	v21 =	vand.u32 $0x7D, v24;
	v24 =	vld [tilespmem:s10+$0xFFFFFF90];
	v14 =	vmul.f32 $8.000000000e+00, v14;
	[tilespmem:v15+s25+$0x0] =	vst.idx.msk $0xffff, v12  }
0x3c6: {  	v12 =	vadd.s32 v0, v21;
	v26 =	vand.u32 $0x7E, v16;
	v15 =	vmul.f32 $8.000000000e+00, v19;
	v16 =	vld [tilespmem:s6+$0xFFFFFF70];
	[tilespmem:v17+s25+$0x0] =	vst.idx.msk $0xffff, v11  }
0x3c7: {  	v11 =	vadd.s32 v0, v26;
	v17 =	vld [tilespmem:s6+$0xFFFFFFB0];
	v18 =	vmul.f32 $8.000000000e+00, v18;
	[tilespmem:v20+s25+$0x0] =	vst.idx.msk $0xffff, v14  }
0x3c8: {  	v19 =	vadd.s32 v2, v6;
	v14 =	vmul.f32 $8.000000000e+00, v23;
	[tilespmem:v25+s25+$0x0] =	vst.idx.msk $0xffff, v15;
	v15 =	vld [tilespmem:s6+$0xFFFFFF30]  }
0x3c9: {  	v23 =	vadd.s32 v2, v7;
	v9 =	vmul.f32 $8.000000000e+00, v9;
	v20 =	vld [tilespmem:s10+$0xFFFFFFE0];
	[tilespmem:v10+s25+$0x0] =	vst.idx.msk $0xffff, v18  }
0x3ca: {  	[tilespmem:v13+s25+$0x0] =	vst.idx.msk $0xffff, v14;
	v10 =	vmul.f32 $8.000000000e+00, v24;
	v14 =	vadd.s32 v2, v8;
	v24 =	vld [tilespmem:s6+$0x0]  }
0x3cb: {  	v27 =	vadd.s32 v1, v22;
	v25 =	vld [tilespmem:s10+$0xFFFFFF20];
	[tilespmem:v12+s25+$0x0] =	vst.idx.msk $0xffff, v9;
	v9 =	vmul.f32 $8.000000000e+00, v16  }
0x3cc: {  	v29 =	vadd.s32 v3, v5;
	v5 =	vmov v22;
	v28 =	vld [tilespmem:s10+$0xFFFFFF60];
	[tilespmem:v11+s25+$0x0] =	vst.idx.msk $0xffff, v10;
	v10 =	vmul.f32 $8.000000000e+00, v17  }
.Ltmp14:
0x3cd: {  	v18 =	vadd.s32 v1, v4;
	v13 =	vld [tilespmem:s10+$0xFFFFFFA0];
	v11 =	vmul.f32 $8.000000000e+00, v15;
	[tilespmem:v19+s25+$0x0] =	vst.idx.msk $0xffff, v9;
	(pc) =	sbr.rel @p1 .LBB2_31-.Ltmp14, $4  }
0x3ce: {  	v16 =	vadd.s32 v1, v21;
	v15 =	vmul.f32 $8.000000000e+00, v20;
	v12 =	vld [tilespmem:s6+$0xFFFFFF80];
	[tilespmem:v23+s25+$0x0] =	vst.idx.msk $0xffff, v10  }
0x3cf: {  	v9 =	vmov s23;
	v10 =	vadd.s32 v1, v26;
	[tilespmem:v14+s25+$0x0] =	vst.idx.msk $0xffff, v11;
	v11 =	vld [tilespmem:s6+$0xFFFFFFC0];
	v23 =	vmul.f32 $8.000000000e+00, v24  }
0x3d0: {  	s7 =	sadd.s32 $0x3, s23;
	v9 =	vand.u32 $0x7C, v9;
	v20 =	vmul.f32 $8.000000000e+00, v25;
	[tilespmem:v27+s25+$0x0] =	vst.idx.msk $0xffff, v15;
	v14 =	vld [tilespmem:s6+$0xFFFFFF40];
	v15 =	vadd.s32 v3, v6;
	v6 =	vmovc v21;
	s6 =	smov.u32 s10;
	s10 =	sadd.s32 $0x100, s10  }
0x3d1: {  	v22 =	vmov s7;
	v17 =	vadd.s32 v3, v7;
	v7 =	vmovc v26;
	s23 =	sadd.s32 $0x4, s23;
	v19 =	vld [tilespmem:s10+$0xFFFFFFD0];
	v21 =	vmul.f32 $8.000000000e+00, v28;
	[tilespmem:v29+s25+$0x0] =	vst.idx.msk $0xffff, v23  }
0x3d2: {  	s7 =	sadd.s32 $0x1, s20;
	v22 =	vand.u32 $0x7F, v22;
	v28 =	vld [tilespmem:s10+$0xFFFFFF10]  }
0x3d3: {  	s30 =	sadd.s32 $0x2, s20;
	v24 =	vld [tilespmem:s10+$0xFFFFFF50];
	v23 =	vmov s7;
	v25 =	vadd.s32 v0, v22  }
0x3d4: {  	v27 =	vld [tilespmem:s10+$0xFFFFFF90];
	v51 =	vadd.s32 v0, v9;
	v26 =	vmov s30;
	v23 =	vand.u32 $0x7D, v23  }
0x3d5: {  	v26 =	vand.u32 $0x7E, v26;
	v29 =	vadd.s32 v0, v23  }
0x3d6: {  	[tilespmem:v18+s25+$0x0] =	vst.idx.msk $0xffff, v20;
	v30 =	vadd.s32 v0, v26;
	v19 =	vmul.f32 $8.000000000e+00, v19  }
0x3d7: {  	[tilespmem:v16+s25+$0x0] =	vst.idx.msk $0xffff, v21;
	v54 =	vmul.f32 $8.000000000e+00, v28  }
0x3d8: {  	v52 =	vmul.f32 $8.000000000e+00, v24;
	[tilespmem:v25+s25+$0x0] =	vst.idx.msk $0xffff, v19  }
0x3d9: {  	v53 =	vmul.f32 $8.000000000e+00, v27;
	v55 =	vld [tilespmem:s10+$0xFFFFFFE0];
	[tilespmem:v51+s25+$0x0] =	vst.idx.msk $0xffff, v54  }
0x3da: {  	v13 =	vmul.f32 $8.000000000e+00, v13;
	v8 =	vadd.s32 v3, v8;
	[tilespmem:v29+s25+$0x0] =	vst.idx.msk $0xffff, v52;
	v59 =	vld [tilespmem:s10+$0xFFFFFF20]  }
0x3db: {  	v12 =	vmul.f32 $8.000000000e+00, v12;
	v57 =	vadd.s32 v1, v22;
	[tilespmem:v30+s25+$0x0] =	vst.idx.msk $0xffff, v53;
	v56 =	vld [tilespmem:s10+$0xFFFFFF60]  }
0x3dc: {  	[tilespmem:v10+s25+$0x0] =	vst.idx.msk $0xffff, v13;
	v58 =	vmul.f32 $8.000000000e+00, v11;
	v28 =	vadd.s32 v1, v9;
	v19 =	vld [tilespmem:s10+$0xFFFFFFA0]  }
0x3dd: {  	v61 =	vld [tilespmem:s6+$0xFFFFFFF0];
	v60 =	vadd.s32 v1, v23;
	v14 =	vmul.f32 $8.000000000e+00, v14;
	[tilespmem:v15+s25+$0x0] =	vst.idx.msk $0xffff, v12  }
0x3de: {  	v32 =	vld [tilespmem:s6+$0xFFFFFF30];
	v62 =	vadd.s32 v1, v26;
	[tilespmem:v17+s25+$0x0] =	vst.idx.msk $0xffff, v58;
	v16 =	vmul.f32 $8.000000000e+00, v55  }
0x3df: {  	[tilespmem:v8+s25+$0x0] =	vst.idx.msk $0xffff, v14;
	v29 =	vadd.s32 v2, v5;
	v30 =	vld [tilespmem:s6+$0xFFFFFFB0];
	v11 =	vmul.f32 $8.000000000e+00, v59  }
0x3e0: {  	v38 =	vadd.s32 v2, v4;
	v63 =	vld [tilespmem:s6+$0xFFFFFF70];
	v31 =	vmul.f32 $8.000000000e+00, v56;
	[tilespmem:v57+s25+$0x0] =	vst.idx.msk $0xffff, v16  }
0x3e1: {  	v35 =	vadd.s32 v2, v7;
	v34 =	vmul.f32 $8.000000000e+00, v19;
	v36 =	vld [tilespmem:s10+$0xFFFFFFF0];
	[tilespmem:v28+s25+$0x0] =	vst.idx.msk $0xffff, v11  }
0x3e2: {  	v33 =	vadd.s32 v2, v6;
	v37 =	vmul.f32 $8.000000000e+00, v61;
	[tilespmem:v60+s25+$0x0] =	vst.idx.msk $0xffff, v31;
	v43 =	vld [tilespmem:s10+$0xFFFFFF30]  }
0x3e3: {  	v40 =	vadd.s32 v2, v22;
	v14 =	vmul.f32 $8.000000000e+00, v32;
	[tilespmem:v62+s25+$0x0] =	vst.idx.msk $0xffff, v34;
	v39 =	vld [tilespmem:s10+$0xFFFFFF70]  }
0x3e4: {  	v48 =	vadd.s32 v2, v9;
	[tilespmem:v29+s25+$0x0] =	vst.idx.msk $0xffff, v37;
	v42 =	vmul.f32 $8.000000000e+00, v30;
	v41 =	vld [tilespmem:s10+$0xFFFFFFB0]  }
0x3e5: {  	v44 =	vadd.s32 v2, v23;
	v15 =	vmul.f32 $8.000000000e+00, v63;
	[tilespmem:v38+s25+$0x0] =	vst.idx.msk $0xffff, v14;
	v45 =	vld [tilespmem:s6+$0x0]  }
0x3e6: {  	v46 =	vadd.s32 v2, v26;
	v14 =	vld [tilespmem:s6+$0xFFFFFF40];
	[tilespmem:v35+s25+$0x0] =	vst.idx.msk $0xffff, v42;
	v47 =	vmul.f32 $8.000000000e+00, v36  }
0x3e7: {  	v5 =	vadd.s32 v3, v5;
	[tilespmem:v33+s25+$0x0] =	vst.idx.msk $0xffff, v15;
	v49 =	vld [tilespmem:s6+$0xFFFFFFC0];
	v53 =	vmul.f32 $8.000000000e+00, v43  }
0x3e8: {  	v4 =	vadd.s32 v3, v4;
	v21 =	vld [tilespmem:s6+$0xFFFFFF80];
	v12 =	vmul.f32 $8.000000000e+00, v39;
	[tilespmem:v40+s25+$0x0] =	vst.idx.msk $0xffff, v47  }
0x3e9: {  	v52 =	vadd.s32 v3, v7;
	v51 =	vmul.f32 $8.000000000e+00, v41;
	v10 =	vld [tilespmem:s10+$0x0];
	[tilespmem:v48+s25+$0x0] =	vst.idx.msk $0xffff, v53  }
0x3ea: {  	v50 =	vadd.s32 v3, v6;
	v54 =	vmul.f32 $8.000000000e+00, v45;
	[tilespmem:v44+s25+$0x0] =	vst.idx.msk $0xffff, v12;
	v59 =	vld [tilespmem:s10+$0xFFFFFF40]  }
0x3eb: {  	v57 =	vadd.s32 v3, v22;
	v14 =	vmul.f32 $8.000000000e+00, v14;
	[tilespmem:v46+s25+$0x0] =	vst.idx.msk $0xffff, v51;
	v55 =	vld [tilespmem:s10+$0xFFFFFF80]  }
0x3ec: {  	v62 =	vadd.s32 v3, v9;
	[tilespmem:v5+s25+$0x0] =	vst.idx.msk $0xffff, v54;
	v5 =	vmul.f32 $8.000000000e+00, v49;
	v58 =	vld [tilespmem:s10+$0xFFFFFFC0]  }
0x3ed: {  	v56 =	vmul.f32 $8.000000000e+00, v21;
	v60 =	vadd.s32 v3, v23;
	[tilespmem:v4+s25+$0x0] =	vst.idx.msk $0xffff, v14  }
0x3ee: {  	v61 =	vadd.s32 v3, v26;
	[tilespmem:v52+s25+$0x0] =	vst.idx.msk $0xffff, v5;
	v5 =	vmul.f32 $8.000000000e+00, v10  }
0x3ef: {  	[tilespmem:v50+s25+$0x0] =	vst.idx.msk $0xffff, v56;
	v63 =	vmul.f32 $8.000000000e+00, v59  }
0x3f0: {  	v4 =	vmul.f32 $8.000000000e+00, v55;
	[tilespmem:v57+s25+$0x0] =	vst.idx.msk $0xffff, v5  }
0x3f1: {  	v5 =	vmul.f32 $8.000000000e+00, v58;
	[tilespmem:v62+s25+$0x0] =	vst.idx.msk $0xffff, v63  }
0x3f2: {  	[tilespmem:v60+s25+$0x0] =	vst.idx.msk $0xffff, v4  }
0x3f3: {  	s7 =	simm.s32 @!p0 $0x80;
	s6 =	sadd.s32 @!p0 $0x500, s17;
	s10 =	simm.s32 @!p0 $0xA400;
	[tilespmem:v61+s25+$0x0] =	vst.idx.msk $0xffff, v5  }
0x3f4: {  	[tilespmem:s10], [sflag:$0x3] =	stream.indirect.gather @!p0 [hbm4b:s5+s7], $0x40, s6, s7, $0xb8;
	[tilespmem:$0x1EC00] =	vst v63  }
0x3f5: {  	s7 =	sadd.s32 s4, s8  }
0x3f6: {  	s8 =	sshll.u32 s7, $0x7  }
0x3f7: {  	_ =	swait.ge [sflag:s15], $0x2000;
	s6 =	sshll.u32 s7, $0xA;
	s7 =	sand.u32 $0xF00, s8  }
0x3f8: {  	[sflag:s15] =	ssyncset.done $0x0;
	s6 =	sand.u32 $0xFFF8000, s6;
	s7 =	sadd.s32 s2, s7  }
0x3f9: {  	s10 =	simm.s32 $0x1A800;
	[sflag:s15] =	ssyncadd.s32 $0xFFFFE000;
	s8 =	sadd.s32 s6, s7  }
0x3fa: {  	[hbm4b:s8+s3] =	stream.linear.scatter [tilespmem:s10], [sflag:$0xB], $0x80, $0x38;
	[tilespmem:$0x1EC00] =	vst v63  }
0x3fb: {  	s18 =	simm.s32 $0x1A888;
	s7 =	sadd.s32 $0x10, s8  }
0x3fc: {  	[hbm4b:s7+s3] =	stream.linear.scatter [tilespmem:s18], [sflag:$0xB], $0x80, $0x38;
	[tilespmem:$0x1EC00] =	vst v63  }
0x3fd: {  	s20 =	simm.s32 $0x1A910;
	s26 =	simm.s32 $0x1A998;
	s23 =	sadd.s32 $0x20, s8  }
0x3fe: {  	[hbm4b:s23+s3] =	stream.linear.scatter [tilespmem:s20], [sflag:$0xB], $0x80, $0x38;
	[tilespmem:$0x1EC00] =	vst v63  }
0x3ff: {  	s6 =	simm.s32 $0x440;
	s30 =	sadd.s32 $0x30, s8;
	s10 =	simm.s32 $0x1AA20  }
0x400: {  	[hbm4b:s30+s3] =	stream.linear.scatter [tilespmem:s26], [sflag:$0xB], $0x80, $0x38;
	[tilespmem:$0x1EC00] =	vst v63  }
0x401: {  	s18 =	sadd.s32 $0x40, s8;
	s7 =	sadd.s32 $0x70, s8;
	s20 =	simm.s32 $0x1AAA8  }
0x402: {  	[hbm4b:s18+s3] =	stream.linear.scatter [tilespmem:s10], [sflag:$0xB], $0x80, $0x38;
	[tilespmem:$0x1EC00] =	vst v63  }
0x403: {  	s23 =	sadd.s32 $0x50, s8;
	s26 =	simm.s32 $0x1AB30;
	s30 =	sadd.s32 $0x60, s8  }
0x404: {  	[hbm4b:s23+s3] =	stream.linear.scatter [tilespmem:s20], [sflag:$0xB], $0x80, $0x38;
	[tilespmem:$0x1EC00] =	vst v63  }
0x405: {  	s8 =	sadd.s32 $0x1000, s8;
	s10 =	simm.s32 $0x2200;
	s20 =	simm.s32 $0x1ABB8  }
0x406: {  	[hbm4b:s30+s3] =	stream.linear.scatter [tilespmem:s26], [sflag:$0xB], $0x80, $0x38;
	[tilespmem:$0x1EC00] =	vst v63  }
.LBB2_33:
0x407: {  	[hbm4b:s7+s3] =	stream.linear.scatter [tilespmem:s20], [sflag:$0xB], $0x80, $0x38;
	[tilespmem:$0x1EC00] =	vst v63  }
0x408: {  	s7 =	smov.u32 s6;
	s6 =	smov.u32 s10  }
0x409: {  	s18 =	sadd.s32 $0x1100, s10;
	s6 =	sshra.s32 s6, $0x2;
	s20 =	sadd.s32 $0x1A800, s7  }
0x40a: {  	[hbm4b:s8+s3] =	stream.linear.scatter [tilespmem:s20], [sflag:$0xB], $0x80, $0x38;
	[tilespmem:$0x1EC00] =	vst v63  }
0x40b: {  	p1 =	sne.s32 s10, $0x7700;
	s10 =	sadd.s32 $0x1A888, s7;
	s20 =	sadd.s32 $0x10, s8  }
0x40c: {  	[hbm4b:s20+s3] =	stream.linear.scatter [tilespmem:s10], [sflag:$0xB], $0x80, $0x38;
	[tilespmem:$0x1EC00] =	vst v63  }
0x40d: {  	s10 =	sadd.s32 $0x1A910, s7;
	s20 =	sadd.s32 $0x20, s8  }
0x40e: {  	[hbm4b:s20+s3] =	stream.linear.scatter [tilespmem:s10], [sflag:$0xB], $0x80, $0x38;
	[tilespmem:$0x1EC00] =	vst v63  }
0x40f: {  	s10 =	sadd.s32 $0x1A998, s7;
	s20 =	sadd.s32 $0x30, s8  }
0x410: {  	[hbm4b:s20+s3] =	stream.linear.scatter [tilespmem:s10], [sflag:$0xB], $0x80, $0x38;
	[tilespmem:$0x1EC00] =	vst v63  }
0x411: {  	s10 =	sadd.s32 $0x1AA20, s7;
	s20 =	sadd.s32 $0x40, s8  }
0x412: {  	[hbm4b:s20+s3] =	stream.linear.scatter [tilespmem:s10], [sflag:$0xB], $0x80, $0x38;
	[tilespmem:$0x1EC00] =	vst v63  }
0x413: {  	s10 =	sadd.s32 $0x1AAA8, s7;
	s20 =	sadd.s32 $0x50, s8  }
0x414: {  	[hbm4b:s20+s3] =	stream.linear.scatter [tilespmem:s10], [sflag:$0xB], $0x80, $0x38;
	[tilespmem:$0x1EC00] =	vst v63  }
.Ltmp15:
0x415: {  	_ = 	snop;
	(pc) =	sbr.rel @p1 .LBB2_33-.Ltmp15, $4  }
0x416: {  	s10 =	sadd.s32 $0x1AB30, s7;
	s20 =	sadd.s32 $0x60, s8  }
0x417: {  	[hbm4b:s20+s3] =	stream.linear.scatter [tilespmem:s10], [sflag:$0xB], $0x80, $0x38;
	[tilespmem:$0x1EC00] =	vst v63  }
0x418: {  	s20 =	sadd.s32 $0x1ABB8, s7  }
0x419: {  	s7 =	sadd.s32 $0x70, s8;
	s8 =	sadd.s32 $0x1000, s8;
	s10 =	smov.u32 s18  }
0x41a: {  	[hbm4b:s7+s3] =	stream.linear.scatter [tilespmem:s20], [sflag:$0xB], $0x80, $0x38;
	[tilespmem:$0x1EC00] =	vst v63  }
0x41b: {  	s20 =	sadd.s32 $0x1A800, s6  }
0x41c: {  	[hbm4b:s8+s3] =	stream.linear.scatter [tilespmem:s20], [sflag:$0xB], $0x80, $0x38;
	[tilespmem:$0x1EC00] =	vst v63  }
0x41d: {  	s23 =	sadd.s32 $0x1A888, s6;
	s10 =	sadd.s32 $0x10, s8  }
0x41e: {  	[hbm4b:s10+s3] =	stream.linear.scatter [tilespmem:s23], [sflag:$0xB], $0x80, $0x38;
	[tilespmem:$0x1EC00] =	vst v63  }
0x41f: {  	s26 =	sadd.s32 $0x1A910, s6;
	s30 =	sadd.s32 $0x20, s8  }
0x420: {  	[hbm4b:s30+s3] =	stream.linear.scatter [tilespmem:s26], [sflag:$0xB], $0x80, $0x38;
	[tilespmem:$0x1EC00] =	vst v63  }
0x421: {  	s18 =	sadd.s32 $0x30, s8;
	s10 =	sadd.s32 $0x1A998, s6  }
0x422: {  	[hbm4b:s18+s3] =	stream.linear.scatter [tilespmem:s10], [sflag:$0xB], $0x80, $0x38;
	[tilespmem:$0x1EC00] =	vst v63  }
0x423: {  	s20 =	sadd.s32 $0x1AA20, s6;
	s23 =	sadd.s32 $0x40, s8  }
0x424: {  	[hbm4b:s23+s3] =	stream.linear.scatter [tilespmem:s20], [sflag:$0xB], $0x80, $0x38;
	[tilespmem:$0x1EC00] =	vst v63  }
0x425: {  	s26 =	sadd.s32 $0x1AAA8, s6;
	s30 =	sadd.s32 $0x50, s8  }
0x426: {  	[hbm4b:s30+s3] =	stream.linear.scatter [tilespmem:s26], [sflag:$0xB], $0x80, $0x38;
	[tilespmem:$0x1EC00] =	vst v63  }
0x427: {  	s10 =	sadd.s32 $0x1AB30, s6;
	s18 =	sadd.s32 $0x60, s8  }
0x428: {  	[hbm4b:s18+s3] =	stream.linear.scatter [tilespmem:s10], [sflag:$0xB], $0x80, $0x38;
	[tilespmem:$0x1EC00] =	vst v63  }
0x429: {  	s20 =	sadd.s32 $0x1ABB8, s6;
	s23 =	sadd.s32 $0x70, s8  }
0x42a: {  	[hbm4b:s23+s3] =	stream.linear.scatter [tilespmem:s20], [sflag:$0xB], $0x80, $0x38;
	[tilespmem:$0x1EC00] =	vst v63  }
0x42b: {  	_ =	swait.ge [sflag:s16], $0x2000  }
0x42c: {  	[sflag:s16] =	ssyncset.done $0x0  }
0x42d: {  	s26 =	simm.s32 $0x3;
	s20 =	simm.s32 $0x144F0;
	[sflag:s16] =	ssyncadd.s32 $0xFFFFE000  }
0x42e: {  	v4 =	vmov s26;
	v5 =	vld [tilespmem:s20+$0xFFFFFFD0]  }
0x42f: {  	v9 =	vand.u32 $0x7F, v4  }
0x430: {  	s30 =	simm.s32 $0x0;
	v4 =	vadd.s32 v0, v9  }
0x431: {  	s7 =	simm.s32 $0x1;
	s8 =	simm.s32 $0x2;
	v6 =	vmov s30;
	v7 =	vld [tilespmem:s20+$0xFFFFFF10]  }
0x432: {  	v11 =	vmov s8;
	v8 =	vand.u32 $0x7C, v6;
	v6 =	vmov s7;
	v10 =	vld [tilespmem:s20+$0xFFFFFF50]  }
0x433: {  	v12 =	vadd.s32 v0, v8;
	v15 =	vand.u32 $0x7D, v6;
	v6 =	vld [tilespmem:s20+$0xFFFFFF90];
	v5 =	vmul.f32 $8.000000000e+00, v5  }
0x434: {  	v17 =	vand.u32 $0x7E, v11;
	v13 =	vadd.s32 v0, v15  }
0x435: {  	v11 =	vadd.s32 v0, v17;
	[tilespmem:v4+s29+$0x0] =	vst.idx.msk $0xffff, v5  }
0x436: {  	v4 =	vmul.f32 $8.000000000e+00, v7;
	v5 =	vld [tilespmem:s20+$0xFFFFFFE0]  }
0x437: {  	v7 =	vmul.f32 $8.000000000e+00, v10  }
0x438: {  	[tilespmem:v12+s29+$0x0] =	vst.idx.msk $0xffff, v4;
	v4 =	vmul.f32 $8.000000000e+00, v6;
	v6 =	vadd.s32 v1, v9  }
0x439: {  	[tilespmem:v13+s29+$0x0] =	vst.idx.msk $0xffff, v7;
	v10 =	vld [tilespmem:s20+$0xFFFFFF20]  }
0x43a: {  	v7 =	vld [tilespmem:s20+$0xFFFFFF60];
	[tilespmem:v11+s29+$0x0] =	vst.idx.msk $0xffff, v4  }
0x43b: {  	v11 =	vld [tilespmem:s20+$0xFFFFFFA0];
	v4 =	vmul.f32 $8.000000000e+00, v5  }
0x43c: {  	s6 =	simm.s32 $0x145F0;
	s10 =	simm.s32 $0x4;
	s18 =	simm.s32 $0x7;
	v12 =	vadd.s32 v1, v15  }
0x43d: {  	v14 =	vld [tilespmem:s6+$0xFFFFFFD0];
	v13 =	vadd.s32 v1, v17;
	v5 =	vmov s10;
	[tilespmem:v6+s29+$0x0] =	vst.idx.msk $0xffff, v4;
	v6 =	vmov s18  }
0x43e: {  	v16 =	vadd.s32 v1, v8;
	v4 =	vand.u32 $0x7C, v5;
	v5 =	vand.u32 $0x7F, v6;
	v18 =	vld [tilespmem:s20+$0xFFFFFFF0]  }
0x43f: {  	v22 =	vadd.s32 v2, v9;
	s23 =	simm.s32 $0x5;
	v19 =	vld [tilespmem:s6+$0xFFFFFF10];
	v6 =	vmul.f32 $8.000000000e+00, v7;
	v20 =	vadd.s32 v0, v5  }
0x440: {  	s26 =	simm.s32 $0x6;
	v21 =	vld [tilespmem:s6+$0xFFFFFF50];
	v10 =	vmul.f32 $8.000000000e+00, v10;
	v7 =	vmul.f32 $8.000000000e+00, v11;
	v11 =	vmov s23  }
0x441: {  	v23 =	vadd.s32 v0, v4;
	[tilespmem:v12+s29+$0x0] =	vst.idx.msk $0xffff, v6;
	v12 =	vmov s26;
	v6 =	vand.u32 $0x7D, v11;
	v11 =	vld [tilespmem:s6+$0xFFFFFF90]  }
0x442: {  	[tilespmem:v13+s29+$0x0] =	vst.idx.msk $0xffff, v7;
	v13 =	vadd.s32 v0, v6;
	v7 =	vand.u32 $0x7E, v12;
	v12 =	vmul.f32 $8.000000000e+00, v14;
	v14 =	vld [tilespmem:s20+$0xFFFFFF70]  }
0x443: {  	[tilespmem:v16+s29+$0x0] =	vst.idx.msk $0xffff, v10;
	v10 =	vadd.s32 v0, v7;
	v16 =	vld [tilespmem:s20+$0xFFFFFFB0];
	v18 =	vmul.f32 $8.000000000e+00, v18  }
0x444: {  	v19 =	vmul.f32 $8.000000000e+00, v19;
	[tilespmem:v20+s29+$0x0] =	vst.idx.msk $0xffff, v12;
	v12 =	vld [tilespmem:s20+$0xFFFFFF30];
	v20 =	vadd.s32 v2, v15  }
0x445: {  	v25 =	vadd.s32 v2, v17;
	v21 =	vmul.f32 $8.000000000e+00, v21;
	v24 =	vld [tilespmem:s6+$0xFFFFFFE0];
	[tilespmem:v22+s29+$0x0] =	vst.idx.msk $0xffff, v18  }
0x446: {  	[tilespmem:v23+s29+$0x0] =	vst.idx.msk $0xffff, v19;
	v19 =	vadd.s32 v2, v8;
	v11 =	vmul.f32 $8.000000000e+00, v11;
	v22 =	vld [tilespmem:s20+$0x0]  }
0x447: {  	v23 =	vld [tilespmem:s6+$0xFFFFFF20];
	[tilespmem:v13+s29+$0x0] =	vst.idx.msk $0xffff, v21;
	v21 =	vadd.s32 v1, v5;
	v14 =	vmul.f32 $8.000000000e+00, v14  }
0x448: {  	v27 =	vadd.s32 v3, v9;
	v26 =	vld [tilespmem:s6+$0xFFFFFF60];
	[tilespmem:v10+s29+$0x0] =	vst.idx.msk $0xffff, v11;
	v10 =	vmul.f32 $8.000000000e+00, v16  }
0x449: {  	v18 =	vadd.s32 v1, v4;
	v13 =	vld [tilespmem:s6+$0xFFFFFFA0];
	v9 =	vmul.f32 $8.000000000e+00, v12;
	[tilespmem:v20+s29+$0x0] =	vst.idx.msk $0xffff, v14  }
0x44a: {  	s10 =	simm.s32 $0x8;
	v16 =	vadd.s32 v1, v6;
	[tilespmem:v25+s29+$0x0] =	vst.idx.msk $0xffff, v10;
	v14 =	vmul.f32 $8.000000000e+00, v24;
	v12 =	vld [tilespmem:s20+$0xFFFFFF80]  }
0x44b: {  	v20 =	vmov s10;
	v10 =	vadd.s32 v1, v7;
	v11 =	vld [tilespmem:s20+$0xFFFFFFC0];
	[tilespmem:v19+s29+$0x0] =	vst.idx.msk $0xffff, v9;
	v63 =	vmul.f32 $8.000000000e+00, v22  }
0x44c: {  	s8 =	simm.s32 $0x146F0;
	s30 =	simm.s32 $0xB;
	v15 =	vadd.s32 v3, v15;
	v9 =	vand.u32 $0x7C, v20;
	v20 =	vmul.f32 $8.000000000e+00, v23;
	[tilespmem:v21+s29+$0x0] =	vst.idx.msk $0xffff, v14;
	v14 =	vld [tilespmem:s20+$0xFFFFFF40]  }
0x44d: {  	v17 =	vadd.s32 v3, v17;
	v22 =	vmov s30;
	v19 =	vld [tilespmem:s8+$0xFFFFFFD0];
	s20 =	simm.s32 $0xC;
	v21 =	vmul.f32 $8.000000000e+00, v26;
	[tilespmem:v27+s29+$0x0] =	vst.idx.msk $0xffff, v63  }
.LBB2_35:
0x44e: {  	p1 =	slt.u32 s20, $0x7C;
	s7 =	sadd.s32 $0x1, s10;
	v22 =	vand.u32 $0x7F, v22;
	[tilespmem:v18+s29+$0x0] =	vst.idx.msk $0xffff, v20;
	v13 =	vmul.f32 $8.000000000e+00, v13;
	v18 =	vld [tilespmem:s6+$0xFFFFFFF0];
	v20 =	vadd.s32 v3, v8;
	v8 =	vmovc v4  }
0x44f: {  	v4 =	vmovc v9;
	v23 =	vld [tilespmem:s8+$0xFFFFFF10];
	v24 =	vmov s7;
	s7 =	sadd.s32 $0x2, s10;
	v25 =	vadd.s32 v0, v22;
	[tilespmem:v16+s29+$0x0] =	vst.idx.msk $0xffff, v21;
	v12 =	vmul.f32 $8.000000000e+00, v12;
	s10 =	smov.u32 s20  }
0x450: {  	v9 =	vld [tilespmem:s8+$0xFFFFFF50];
	v16 =	vmov s7;
	[tilespmem:v10+s29+$0x0] =	vst.idx.msk $0xffff, v13;
	v10 =	vadd.s32 v2, v5;
	v11 =	vmul.f32 $8.000000000e+00, v11  }
0x451: {  	v13 =	vadd.s32 v0, v4;
	v21 =	vand.u32 $0x7D, v24;
	v24 =	vld [tilespmem:s8+$0xFFFFFF90];
	v14 =	vmul.f32 $8.000000000e+00, v14;
	[tilespmem:v15+s29+$0x0] =	vst.idx.msk $0xffff, v12  }
0x452: {  	v12 =	vadd.s32 v0, v21;
	v26 =	vand.u32 $0x7E, v16;
	v15 =	vmul.f32 $8.000000000e+00, v19;
	v16 =	vld [tilespmem:s6+$0xFFFFFF70];
	[tilespmem:v17+s29+$0x0] =	vst.idx.msk $0xffff, v11  }
0x453: {  	v11 =	vadd.s32 v0, v26;
	v17 =	vld [tilespmem:s6+$0xFFFFFFB0];
	v18 =	vmul.f32 $8.000000000e+00, v18;
	[tilespmem:v20+s29+$0x0] =	vst.idx.msk $0xffff, v14  }
0x454: {  	v19 =	vadd.s32 v2, v6;
	v14 =	vmul.f32 $8.000000000e+00, v23;
	[tilespmem:v25+s29+$0x0] =	vst.idx.msk $0xffff, v15;
	v15 =	vld [tilespmem:s6+$0xFFFFFF30]  }
0x455: {  	v23 =	vadd.s32 v2, v7;
	v9 =	vmul.f32 $8.000000000e+00, v9;
	v20 =	vld [tilespmem:s8+$0xFFFFFFE0];
	[tilespmem:v10+s29+$0x0] =	vst.idx.msk $0xffff, v18  }
0x456: {  	[tilespmem:v13+s29+$0x0] =	vst.idx.msk $0xffff, v14;
	v10 =	vmul.f32 $8.000000000e+00, v24;
	v14 =	vadd.s32 v2, v8;
	v24 =	vld [tilespmem:s6+$0x0]  }
0x457: {  	v27 =	vadd.s32 v1, v22;
	v25 =	vld [tilespmem:s8+$0xFFFFFF20];
	[tilespmem:v12+s29+$0x0] =	vst.idx.msk $0xffff, v9;
	v9 =	vmul.f32 $8.000000000e+00, v16  }
0x458: {  	v29 =	vadd.s32 v3, v5;
	v5 =	vmov v22;
	v28 =	vld [tilespmem:s8+$0xFFFFFF60];
	[tilespmem:v11+s29+$0x0] =	vst.idx.msk $0xffff, v10;
	v10 =	vmul.f32 $8.000000000e+00, v17  }
.Ltmp16:
0x459: {  	v18 =	vadd.s32 v1, v4;
	v13 =	vld [tilespmem:s8+$0xFFFFFFA0];
	v11 =	vmul.f32 $8.000000000e+00, v15;
	[tilespmem:v19+s29+$0x0] =	vst.idx.msk $0xffff, v9;
	(pc) =	sbr.rel @p1 .LBB2_35-.Ltmp16, $4  }
0x45a: {  	v16 =	vadd.s32 v1, v21;
	v15 =	vmul.f32 $8.000000000e+00, v20;
	v12 =	vld [tilespmem:s6+$0xFFFFFF80];
	[tilespmem:v23+s29+$0x0] =	vst.idx.msk $0xffff, v10  }
0x45b: {  	v9 =	vmov s20;
	v10 =	vadd.s32 v1, v26;
	[tilespmem:v14+s29+$0x0] =	vst.idx.msk $0xffff, v11;
	v11 =	vld [tilespmem:s6+$0xFFFFFFC0];
	v23 =	vmul.f32 $8.000000000e+00, v24  }
0x45c: {  	s7 =	sadd.s32 $0x3, s20;
	v9 =	vand.u32 $0x7C, v9;
	v20 =	vmul.f32 $8.000000000e+00, v25;
	[tilespmem:v27+s29+$0x0] =	vst.idx.msk $0xffff, v15;
	v14 =	vld [tilespmem:s6+$0xFFFFFF40];
	v15 =	vadd.s32 v3, v6;
	v6 =	vmovc v21;
	s6 =	smov.u32 s8;
	s8 =	sadd.s32 $0x100, s8  }
0x45d: {  	v22 =	vmov s7;
	v17 =	vadd.s32 v3, v7;
	v7 =	vmovc v26;
	s20 =	sadd.s32 $0x4, s20;
	v19 =	vld [tilespmem:s8+$0xFFFFFFD0];
	v21 =	vmul.f32 $8.000000000e+00, v28;
	[tilespmem:v29+s29+$0x0] =	vst.idx.msk $0xffff, v23  }
0x45e: {  	s7 =	sadd.s32 $0x1, s10;
	v22 =	vand.u32 $0x7F, v22;
	v28 =	vld [tilespmem:s8+$0xFFFFFF10]  }
0x45f: {  	s30 =	sadd.s32 $0x2, s10;
	v24 =	vld [tilespmem:s8+$0xFFFFFF50];
	v23 =	vmov s7;
	v25 =	vadd.s32 v0, v22  }
0x460: {  	v27 =	vld [tilespmem:s8+$0xFFFFFF90];
	v51 =	vadd.s32 v0, v9;
	v26 =	vmov s30;
	v23 =	vand.u32 $0x7D, v23  }
0x461: {  	v26 =	vand.u32 $0x7E, v26;
	v29 =	vadd.s32 v0, v23  }
0x462: {  	[tilespmem:v18+s29+$0x0] =	vst.idx.msk $0xffff, v20;
	v30 =	vadd.s32 v0, v26;
	v19 =	vmul.f32 $8.000000000e+00, v19  }
0x463: {  	[tilespmem:v16+s29+$0x0] =	vst.idx.msk $0xffff, v21;
	v54 =	vmul.f32 $8.000000000e+00, v28  }
0x464: {  	v52 =	vmul.f32 $8.000000000e+00, v24;
	[tilespmem:v25+s29+$0x0] =	vst.idx.msk $0xffff, v19  }
0x465: {  	v53 =	vmul.f32 $8.000000000e+00, v27;
	v55 =	vld [tilespmem:s8+$0xFFFFFFE0];
	[tilespmem:v51+s29+$0x0] =	vst.idx.msk $0xffff, v54  }
0x466: {  	v13 =	vmul.f32 $8.000000000e+00, v13;
	v8 =	vadd.s32 v3, v8;
	[tilespmem:v29+s29+$0x0] =	vst.idx.msk $0xffff, v52;
	v59 =	vld [tilespmem:s8+$0xFFFFFF20]  }
0x467: {  	v12 =	vmul.f32 $8.000000000e+00, v12;
	v57 =	vadd.s32 v1, v22;
	[tilespmem:v30+s29+$0x0] =	vst.idx.msk $0xffff, v53;
	v56 =	vld [tilespmem:s8+$0xFFFFFF60]  }
0x468: {  	[tilespmem:v10+s29+$0x0] =	vst.idx.msk $0xffff, v13;
	v58 =	vmul.f32 $8.000000000e+00, v11;
	v28 =	vadd.s32 v1, v9;
	v19 =	vld [tilespmem:s8+$0xFFFFFFA0]  }
0x469: {  	v61 =	vld [tilespmem:s6+$0xFFFFFFF0];
	v60 =	vadd.s32 v1, v23;
	v14 =	vmul.f32 $8.000000000e+00, v14;
	[tilespmem:v15+s29+$0x0] =	vst.idx.msk $0xffff, v12  }
0x46a: {  	v32 =	vld [tilespmem:s6+$0xFFFFFF30];
	v62 =	vadd.s32 v1, v26;
	[tilespmem:v17+s29+$0x0] =	vst.idx.msk $0xffff, v58;
	v16 =	vmul.f32 $8.000000000e+00, v55  }
0x46b: {  	[tilespmem:v8+s29+$0x0] =	vst.idx.msk $0xffff, v14;
	v29 =	vadd.s32 v2, v5;
	v30 =	vld [tilespmem:s6+$0xFFFFFFB0];
	v11 =	vmul.f32 $8.000000000e+00, v59  }
0x46c: {  	v38 =	vadd.s32 v2, v4;
	v63 =	vld [tilespmem:s6+$0xFFFFFF70];
	v31 =	vmul.f32 $8.000000000e+00, v56;
	[tilespmem:v57+s29+$0x0] =	vst.idx.msk $0xffff, v16  }
0x46d: {  	v35 =	vadd.s32 v2, v7;
	v34 =	vmul.f32 $8.000000000e+00, v19;
	v36 =	vld [tilespmem:s8+$0xFFFFFFF0];
	[tilespmem:v28+s29+$0x0] =	vst.idx.msk $0xffff, v11  }
0x46e: {  	v33 =	vadd.s32 v2, v6;
	v37 =	vmul.f32 $8.000000000e+00, v61;
	[tilespmem:v60+s29+$0x0] =	vst.idx.msk $0xffff, v31;
	v43 =	vld [tilespmem:s8+$0xFFFFFF30]  }
0x46f: {  	v40 =	vadd.s32 v2, v22;
	v14 =	vmul.f32 $8.000000000e+00, v32;
	[tilespmem:v62+s29+$0x0] =	vst.idx.msk $0xffff, v34;
	v39 =	vld [tilespmem:s8+$0xFFFFFF70]  }
0x470: {  	v48 =	vadd.s32 v2, v9;
	[tilespmem:v29+s29+$0x0] =	vst.idx.msk $0xffff, v37;
	v42 =	vmul.f32 $8.000000000e+00, v30;
	v41 =	vld [tilespmem:s8+$0xFFFFFFB0]  }
0x471: {  	v44 =	vadd.s32 v2, v23;
	v15 =	vmul.f32 $8.000000000e+00, v63;
	[tilespmem:v38+s29+$0x0] =	vst.idx.msk $0xffff, v14;
	v45 =	vld [tilespmem:s6+$0x0]  }
0x472: {  	v46 =	vadd.s32 v2, v26;
	v14 =	vld [tilespmem:s6+$0xFFFFFF40];
	[tilespmem:v35+s29+$0x0] =	vst.idx.msk $0xffff, v42;
	v47 =	vmul.f32 $8.000000000e+00, v36  }
0x473: {  	v5 =	vadd.s32 v3, v5;
	[tilespmem:v33+s29+$0x0] =	vst.idx.msk $0xffff, v15;
	v49 =	vld [tilespmem:s6+$0xFFFFFFC0];
	v53 =	vmul.f32 $8.000000000e+00, v43  }
0x474: {  	v4 =	vadd.s32 v3, v4;
	v21 =	vld [tilespmem:s6+$0xFFFFFF80];
	v12 =	vmul.f32 $8.000000000e+00, v39;
	[tilespmem:v40+s29+$0x0] =	vst.idx.msk $0xffff, v47  }
0x475: {  	v52 =	vadd.s32 v3, v7;
	v51 =	vmul.f32 $8.000000000e+00, v41;
	v10 =	vld [tilespmem:s8+$0x0];
	[tilespmem:v48+s29+$0x0] =	vst.idx.msk $0xffff, v53  }
0x476: {  	v50 =	vadd.s32 v3, v6;
	v54 =	vmul.f32 $8.000000000e+00, v45;
	[tilespmem:v44+s29+$0x0] =	vst.idx.msk $0xffff, v12;
	v59 =	vld [tilespmem:s8+$0xFFFFFF40]  }
0x477: {  	v57 =	vadd.s32 v3, v22;
	v14 =	vmul.f32 $8.000000000e+00, v14;
	[tilespmem:v46+s29+$0x0] =	vst.idx.msk $0xffff, v51;
	v55 =	vld [tilespmem:s8+$0xFFFFFF80]  }
0x478: {  	v62 =	vadd.s32 v3, v9;
	[tilespmem:v5+s29+$0x0] =	vst.idx.msk $0xffff, v54;
	v5 =	vmul.f32 $8.000000000e+00, v49;
	v58 =	vld [tilespmem:s8+$0xFFFFFFC0]  }
0x479: {  	v56 =	vmul.f32 $8.000000000e+00, v21;
	v60 =	vadd.s32 v3, v23;
	[tilespmem:v4+s29+$0x0] =	vst.idx.msk $0xffff, v14  }
0x47a: {  	v61 =	vadd.s32 v3, v26;
	[tilespmem:v52+s29+$0x0] =	vst.idx.msk $0xffff, v5;
	v5 =	vmul.f32 $8.000000000e+00, v10  }
.Ltmp17:
0x47b: {  	[tilespmem:v50+s29+$0x0] =	vst.idx.msk $0xffff, v56;
	v63 =	vmul.f32 $8.000000000e+00, v59;
	(pc) =	sbr.rel @p0 .LBB2_38-.Ltmp17, $4  }
0x47c: {  	v4 =	vmul.f32 $8.000000000e+00, v55;
	[tilespmem:v57+s29+$0x0] =	vst.idx.msk $0xffff, v5  }
0x47d: {  	v5 =	vmul.f32 $8.000000000e+00, v58;
	[tilespmem:v62+s29+$0x0] =	vst.idx.msk $0xffff, v63  }
0x47e: {  	[tilespmem:v60+s29+$0x0] =	vst.idx.msk $0xffff, v4  }
0x47f: {  	[tilespmem:v61+s29+$0x0] =	vst.idx.msk $0xffff, v5  }
.Ltmp18:
0x480: {  	(pc) =	sbr.rel .LBB2_2-.Ltmp18, $3  }
0x481: {  	_ =	sdelay $0x1  }
0x482: {  	s6 =	sadd.s32 $0x580, s17;
	s7 =	simm.s32 $0xC400;
	s9 =	sadd.s32 $0x1, s9  }
0x483: {  	[tilespmem:s7], [sflag:$0x4] =	stream.indirect.gather [hbm4b:s5+s11], $0x40, s6, s11, $0xb8;
	[tilespmem:$0x1EC00] =	vst v63  }
.LBB2_38:
0x484: {  	s6 =	simm.s32 $0x1CA00;
	s8 =	rddreg [dreg:$0x5]  }
0x485: {  	[hbm4b:s8+s3] =	stream.linear.scatter [tilespmem:s6], [sflag:$0xC], $0x80, $0x38;
	[tilespmem:$0x1EC00] =	vst v63  }
0x486: {  	s23 =	simm.s32 $0x1CA88;
	s7 =	sadd.s32 $0x10, s8  }
0x487: {  	[hbm4b:s7+s3] =	stream.linear.scatter [tilespmem:s23], [sflag:$0xC], $0x80, $0x38;
	[tilespmem:$0x1EC00] =	vst v63  }
0x488: {  	s26 =	simm.s32 $0x1CB10;
	s9 =	simm.s32 $0x1CB98;
	s30 =	sadd.s32 $0x20, s8  }
0x489: {  	[hbm4b:s30+s3] =	stream.linear.scatter [tilespmem:s26], [sflag:$0xC], $0x80, $0x38;
	[tilespmem:$0x1EC00] =	vst v63  }
0x48a: {  	s17 =	simm.s32 $0x1CC20;
	s20 =	simm.s32 $0x1CCA8;
	s10 =	sadd.s32 $0x30, s8  }
0x48b: {  	[hbm4b:s10+s3] =	stream.linear.scatter [tilespmem:s9], [sflag:$0xC], $0x80, $0x38;
	[tilespmem:$0x1EC00] =	vst v63  }
0x48c: {  	s18 =	sadd.s32 $0x40, s8;
	s6 =	simm.s32 $0x440;
	s23 =	sadd.s32 $0x50, s8  }
0x48d: {  	[hbm4b:s18+s3] =	stream.linear.scatter [tilespmem:s17], [sflag:$0xC], $0x80, $0x38;
	[tilespmem:$0x1EC00] =	vst v63  }
0x48e: {  	s7 =	sadd.s32 $0x70, s8;
	s26 =	simm.s32 $0x1CD30;
	s30 =	sadd.s32 $0x60, s8  }
0x48f: {  	[hbm4b:s23+s3] =	stream.linear.scatter [tilespmem:s20], [sflag:$0xC], $0x80, $0x38;
	[tilespmem:$0x1EC00] =	vst v63  }
0x490: {  	s8 =	sadd.s32 $0x1000, s8;
	s9 =	simm.s32 $0x2200;
	s10 =	simm.s32 $0x1CDB8  }
0x491: {  	[hbm4b:s30+s3] =	stream.linear.scatter [tilespmem:s26], [sflag:$0xC], $0x80, $0x38;
	[tilespmem:$0x1EC00] =	vst v63  }
.LBB2_39:
0x492: {  	[hbm4b:s7+s3] =	stream.linear.scatter [tilespmem:s10], [sflag:$0xC], $0x80, $0x38;
	[tilespmem:$0x1EC00] =	vst v63  }
0x493: {  	s7 =	smov.u32 s6;
	s6 =	smov.u32 s9  }
0x494: {  	s17 =	sadd.s32 $0x1100, s9;
	s6 =	sshra.s32 s6, $0x2;
	s10 =	sadd.s32 $0x1CA00, s7  }
0x495: {  	[hbm4b:s8+s3] =	stream.linear.scatter [tilespmem:s10], [sflag:$0xC], $0x80, $0x38;
	[tilespmem:$0x1EC00] =	vst v63  }
0x496: {  	p0 =	sne.s32 s9, $0x7700;
	s9 =	sadd.s32 $0x1CA88, s7;
	s10 =	sadd.s32 $0x10, s8  }
0x497: {  	[hbm4b:s10+s3] =	stream.linear.scatter [tilespmem:s9], [sflag:$0xC], $0x80, $0x38;
	[tilespmem:$0x1EC00] =	vst v63  }
0x498: {  	s9 =	sadd.s32 $0x1CB10, s7;
	s10 =	sadd.s32 $0x20, s8  }
0x499: {  	[hbm4b:s10+s3] =	stream.linear.scatter [tilespmem:s9], [sflag:$0xC], $0x80, $0x38;
	[tilespmem:$0x1EC00] =	vst v63  }
0x49a: {  	s9 =	sadd.s32 $0x1CB98, s7;
	s10 =	sadd.s32 $0x30, s8  }
0x49b: {  	[hbm4b:s10+s3] =	stream.linear.scatter [tilespmem:s9], [sflag:$0xC], $0x80, $0x38;
	[tilespmem:$0x1EC00] =	vst v63  }
0x49c: {  	s9 =	sadd.s32 $0x1CC20, s7;
	s10 =	sadd.s32 $0x40, s8  }
0x49d: {  	[hbm4b:s10+s3] =	stream.linear.scatter [tilespmem:s9], [sflag:$0xC], $0x80, $0x38;
	[tilespmem:$0x1EC00] =	vst v63  }
0x49e: {  	s9 =	sadd.s32 $0x1CCA8, s7;
	s10 =	sadd.s32 $0x50, s8  }
0x49f: {  	[hbm4b:s10+s3] =	stream.linear.scatter [tilespmem:s9], [sflag:$0xC], $0x80, $0x38;
	[tilespmem:$0x1EC00] =	vst v63  }
.Ltmp19:
0x4a0: {  	_ = 	snop;
	(pc) =	sbr.rel @p0 .LBB2_39-.Ltmp19, $4  }
0x4a1: {  	s9 =	sadd.s32 $0x1CD30, s7;
	s10 =	sadd.s32 $0x60, s8  }
0x4a2: {  	[hbm4b:s10+s3] =	stream.linear.scatter [tilespmem:s9], [sflag:$0xC], $0x80, $0x38;
	[tilespmem:$0x1EC00] =	vst v63  }
0x4a3: {  	s10 =	sadd.s32 $0x1CDB8, s7  }
0x4a4: {  	s7 =	sadd.s32 $0x70, s8;
	s8 =	sadd.s32 $0x1000, s8;
	s9 =	smov.u32 s17  }
0x4a5: {  	[hbm4b:s7+s3] =	stream.linear.scatter [tilespmem:s10], [sflag:$0xC], $0x80, $0x38;
	[tilespmem:$0x1EC00] =	vst v63  }
0x4a6: {  	s9 =	sadd.s32 $0x1CA00, s6  }
0x4a7: {  	[hbm4b:s8+s3] =	stream.linear.scatter [tilespmem:s9], [sflag:$0xC], $0x80, $0x38;
	[tilespmem:$0x1EC00] =	vst v63  }
0x4a8: {  	s10 =	sadd.s32 $0x1CA88, s6;
	s9 =	sadd.s32 $0x10, s8  }
0x4a9: {  	[hbm4b:s9+s3] =	stream.linear.scatter [tilespmem:s10], [sflag:$0xC], $0x80, $0x38;
	[tilespmem:$0x1EC00] =	vst v63  }
0x4aa: {  	s17 =	sadd.s32 $0x1CB10, s6;
	s18 =	sadd.s32 $0x20, s8  }
0x4ab: {  	[hbm4b:s18+s3] =	stream.linear.scatter [tilespmem:s17], [sflag:$0xC], $0x80, $0x38;
	[tilespmem:$0x1EC00] =	vst v63  }
0x4ac: {  	s20 =	sadd.s32 $0x1CB98, s6;
	s23 =	sadd.s32 $0x30, s8  }
0x4ad: {  	[hbm4b:s23+s3] =	stream.linear.scatter [tilespmem:s20], [sflag:$0xC], $0x80, $0x38;
	[tilespmem:$0x1EC00] =	vst v63  }
0x4ae: {  	s26 =	sadd.s32 $0x1CC20, s6;
	s30 =	sadd.s32 $0x40, s8  }
0x4af: {  	[hbm4b:s30+s3] =	stream.linear.scatter [tilespmem:s26], [sflag:$0xC], $0x80, $0x38;
	[tilespmem:$0x1EC00] =	vst v63  }
0x4b0: {  	s9 =	sadd.s32 $0x1CCA8, s6;
	s10 =	sadd.s32 $0x50, s8  }
0x4b1: {  	[hbm4b:s10+s3] =	stream.linear.scatter [tilespmem:s9], [sflag:$0xC], $0x80, $0x38;
	[tilespmem:$0x1EC00] =	vst v63  }
0x4b2: {  	s17 =	sadd.s32 $0x1CD30, s6;
	s18 =	sadd.s32 $0x60, s8  }
0x4b3: {  	[hbm4b:s18+s3] =	stream.linear.scatter [tilespmem:s17], [sflag:$0xC], $0x80, $0x38;
	[tilespmem:$0x1EC00] =	vst v63  }
0x4b4: {  	s20 =	sadd.s32 $0x1CDB8, s6;
	s23 =	sadd.s32 $0x70, s8  }
0x4b5: {  	[hbm4b:s23+s3] =	stream.linear.scatter [tilespmem:s20], [sflag:$0xC], $0x80, $0x38;
	[tilespmem:$0x1EC00] =	vst v63  }
0x4b6: {  	_ =	swait.ge [sflag:s1], $0x2000  }
0x4b7: {  	[sflag:s1] =	ssyncset.done $0x0  }
0x4b8: {  	[sflag:s1] =	ssyncadd.s32 $0xFFFFE000  }
0x4b9: {  	_ =	swait.ge [sflag:s12], $0x2000  }
0x4ba: {  	[sflag:s12] =	ssyncset.done $0x0  }
0x4bb: {  	[sflag:s12] =	ssyncadd.s32 $0xFFFFE000  }
0x4bc: {  	_ =	swait.ge [sflag:s14], $0x2000  }
0x4bd: {  	[sflag:s14] =	ssyncset.done $0x0  }
0x4be: {  	[sflag:s14] =	ssyncadd.s32 $0xFFFFE000  }
0x4bf: {  	_ =	swait.ge [sflag:s16], $0x2000  }
0x4c0: {  	s26 =	rddreg [dreg:$0x7]  }
0x4c1: {  	s30 =	rddreg [dreg:$0x6];
	s7 =	sadd.s32 $0x1, s26  }
0x4c2: {  	p0 =	sne.s32 s7, s30  }
.Ltmp20:
0x4c3: {  	_ = 	snop;
	(pc) =	sbr.rel @p0 .LBB2_1-.Ltmp20, $3  }
0x4c4: {  	_ =	sdelay $0x1  }
0x4c5: {  	[sflag:s16] =	ssyncset.done $0x0  }
0x4c6: {  	[sflag:s16] =	ssyncadd.s32 $0xFFFFE000  }
0x4c7: {  	_ =	sfence.sel $0x180000  }
0x4c8: {  	[bflag:$0x0] =	sbarrier.arrive $0xFFFF  }
0x4c9: {  	_ =	strace $0x90000047  }
0x4ca: {  	s0 =	stileid.u32;
	[bflag:$0x2] =	sbarrier.arrive $0xFFFF  }
0x4cb: {  	p0 =	sne.s32 s0, $0x0;
	s0 =	rddreg [dreg:$0x2]  }
0x4cc: {  	s0 =	sadd.s32 @!p0 $0x100000, s0  }
0x4cd: {  	[sflag:s0] =	ssyncadd.tile.s32 @!p0 $0x1;
	_ =	shalt  }
.Lfunc_end2:
_tile_overlayer_lowered:
.L_overlay_start_2:
0x4ce: {  	(tag) =	ssettag $0x2  }
0x4cf: {  	s0 =	rddreg [dreg:$0x0];
	s2 =	stileid.u32  }
0x4d0: {  	s1 =	rddreg [dreg:$0x1];
	p0 =	sne.s32 s2, $0x0  }
0x4d1: {  	s3 =	rddreg [dreg:$0x2];
	[bflag:$0x3] =	sbarrier.arrive $0xFFFF;
	s2 =	simm.s32 @!p0 $0x1C0D  }
0x4d2: {  	[timem:s3], [sflag:s2] =	dma.local @!p0 [hbm:s0], s1  }
0x4d3: {  	s0 =	simm.s32 @!p0 $0xD  }
0x4d4: {  	_ =	swait.ge @!p0 [sflag:s0], s1  }
0x4d5: {  	s1 =	ssub.s32 @!p0 $0x0, s1;
	[sflag:s0] =	ssyncset.done @!p0 $0x0  }
0x4d6: {  	[sflag:s0] =	ssyncadd.s32 @!p0 s1  }
0x4d7: {  	[bflag:$0x3] =	sbarrier.arrive $0xFFFF  }
0x4d8: {  	_ =	shalt  }

</sc_bundles>
